<compile_context>
chip_gen: v7x
topology: tpu7x:2x2x1
jax: 0.10.2.dev20260603
libtpu: 0.0.44.dev20260713+nightly
codegen_flags: <defaults>
</compile_context>

<pallas_src>
import functools

import jax
import jax.numpy as jnp
from jax import lax
from jax.experimental import pallas as pl
from jax.experimental.pallas import tpu as pltpu
from jax.experimental.pallas import tpu_sc as plsc

B, N, C = 8, 2048, 64
S = 16
RADIUS2 = 100.0
EPS = 1e-5
M = B * N * S
R = B * N * S

TQ = 512
TR = 4096

_F32 = jnp.float32


def _pre_body(p1t, p2t, f1t, f2t, wpt, wf2t, wf1t, g2_ref, q_ref):
    g2_ref[0] = (
        jnp.dot(p2t[0], wpt[...], preferred_element_type=_F32)
        + jnp.dot(f2t[0], wf2t[...], preferred_element_type=_F32)
    )
    q_ref[0] = (
        jnp.dot(f1t[0], wf1t[...], preferred_element_type=_F32)
        - jnp.dot(p1t[0], wpt[...], preferred_element_type=_F32)
    )


def _pre(p1t, p2t, f1t, f2t, wpt, wf2t, wf1t):
    bs_pt = pl.BlockSpec((1, N, 3), lambda b: (b, 0, 0))
    bs_ft = pl.BlockSpec((1, N, C), lambda b: (b, 0, 0))
    bs_w3 = pl.BlockSpec((3, C), lambda b: (0, 0))
    bs_wc = pl.BlockSpec((C, C), lambda b: (0, 0))
    return pl.pallas_call(
        _pre_body,
        grid=(B,),
        in_specs=[bs_pt, bs_pt, bs_ft, bs_ft, bs_w3, bs_wc, bs_wc],
        out_specs=[
            pl.BlockSpec((1, N, C), lambda b: (b, 0, 0)),
            pl.BlockSpec((1, N, C), lambda b: (b, 0, 0)),
        ],
        out_shape=[
            jax.ShapeDtypeStruct((B, N, C), _F32),
            jax.ShapeDtypeStruct((B, N, C), _F32),
        ],
    )(p1t, p2t, f1t, f2t, wpt, wf2t, wf1t)


def _knn_body(p1t_ref, p2_ref, idx_ref):
    b = pl.program_id(0)
    x1 = p1t_ref[0][:, 0:1]
    y1 = p1t_ref[0][:, 1:2]
    z1 = p1t_ref[0][:, 2:3]
    x2 = p2_ref[0][0:1, :]
    y2 = p2_ref[0][1:2, :]
    z2 = p2_ref[0][2:3, :]
    dx = x1 - x2
    dy = y1 - y2
    dz = z1 - z2
    d2 = dx * dx + dy * dy + dz * dz

    iota = lax.broadcasted_iota(jnp.int32, (TQ, N), 1)
    packed = (lax.bitcast_convert_type(d2, jnp.int32) & jnp.int32(~0x7FF)) | iota
    big = jnp.int32(0x7F800000)
    cols = []
    m0 = None
    for k in range(S):
        m = jnp.min(packed, axis=1, keepdims=True)
        if k == 0:
            m0 = m
        cols.append(m)
        packed = jnp.where(packed == m, big, packed)
    mk = jnp.concatenate(cols, axis=1)
    m0 = jnp.broadcast_to(m0, (TQ, S))
    d2k = lax.bitcast_convert_type(mk & jnp.int32(~0x7FF), _F32)
    sel = jnp.where(d2k > RADIUS2, m0, mk)
    idx_ref[0] = (sel & jnp.int32(0x7FF)) + b * N


def _knn(p1t, pos2):
    return pl.pallas_call(
        _knn_body,
        grid=(B, N // TQ),
        in_specs=[
            pl.BlockSpec((1, TQ, 3), lambda b, j: (b, j, 0)),
            pl.BlockSpec((1, 3, N), lambda b, j: (b, 0, 0)),
        ],
        out_specs=pl.BlockSpec((1, TQ, S), lambda b, j: (b, j, 0)),
        out_shape=jax.ShapeDtypeStruct((B, N, S), jnp.int32),
    )(p1t, pos2)


_NW = 32
_PER_W = R // _NW
_CH = 128
_GRP = 8
_NGRP = _PER_W // (_CH * _GRP)


def _sc_gather(g2flat, idx2d):
    mesh = plsc.VectorSubcoreMesh(core_axis_name="c", subcore_axis_name="s")

    @functools.partial(
        pl.kernel,
        mesh=mesh,
        compiler_params=pltpu.CompilerParams(use_tc_tiling_on_sc=False),
        out_type=jax.ShapeDtypeStruct((R, C), _F32),
        scratch_types=[
            pltpu.VMEM((_PER_W // _CH, _CH), jnp.int32),
            pltpu.VMEM((_GRP * _CH, C), _F32),
            pltpu.SemaphoreType.DMA,
        ],
    )
    def k(tab_hbm, idx_hbm, out_hbm, idx_v, rows_v, sem):
        wid = lax.axis_index("s") * 2 + lax.axis_index("c")
        base = wid * _PER_W
        pltpu.sync_copy(idx_hbm.at[pl.ds(wid * (_PER_W // _CH), _PER_W // _CH)], idx_v)
        for g in range(_NGRP):
            copies = []
            for j in range(_GRP):
                copies.append(
                    pltpu.async_copy(
                        tab_hbm.at[idx_v.at[g * _GRP + j]],
                        rows_v.at[pl.ds(j * _CH, _CH)],
                        sem,
                    )
                )
            for cp in copies:
                cp.wait()
            pltpu.sync_copy(
                rows_v, out_hbm.at[pl.ds(base + g * _GRP * _CH, _GRP * _CH)]
            )

    return k(g2flat, idx2d)


def _pack_stats(y, ch):
    s1 = jnp.sum(y, axis=0).reshape(1, ch)
    s2 = jnp.sum(y * y, axis=0).reshape(1, ch)
    return jnp.concatenate([s1, s2, jnp.zeros((6, ch), _F32)], axis=0)


def _bn_coeffs(stats, gb):
    mean = stats[0:1, :] * (1.0 / M)
    var = stats[1:2, :] * (1.0 / M) - mean * mean
    inv = lax.rsqrt(var + EPS)
    scale = inv * gb[0:1, :]
    shift = gb[1:2, :] - mean * scale
    return scale, shift


def _layer1_body(g_ref, q_ref, gb_ref, w1t_ref, y2_ref, st2_ref, st1_s):
    ph = pl.program_id(0)
    i = pl.program_id(1)
    y1 = g_ref[...].reshape(TR // S, S, C) + q_ref[...][:, None, :]
    y1 = y1.reshape(TR, C)

    @pl.when(ph == 0)
    def _():
        @pl.when(i == 0)
        def _():
            st1_s[...] = jnp.zeros_like(st1_s)

        st1_s[...] += _pack_stats(y1, C)

    @pl.when(ph == 1)
    def _():
        scale, shift = _bn_coeffs(st1_s[...], gb_ref[...])
        h = jnp.maximum(y1 * scale + shift, 0.0)
        y2 = jnp.dot(h, w1t_ref[...], preferred_element_type=_F32)
        y2_ref[...] = y2

        @pl.when(i == 0)
        def _():
            st2_ref[...] = jnp.zeros_like(st2_ref)

        st2_ref[...] += _pack_stats(y2, C)


def _layer1(G, qflat, gb0, w1t):
    nb = R // TR
    return pl.pallas_call(
        _layer1_body,
        grid=(2, nb),
        in_specs=[
            pl.BlockSpec((TR, C), lambda p, i: (i, 0)),
            pl.BlockSpec((TR // S, C), lambda p, i: (i, 0)),
            pl.BlockSpec((8, C), lambda p, i: (0, 0)),
            pl.BlockSpec((C, C), lambda p, i: (0, 0)),
        ],
        out_specs=[
            pl.BlockSpec((TR, C), lambda p, i: (jnp.where(p == 1, i, 0), 0)),
            pl.BlockSpec((8, C), lambda p, i: (0, 0)),
        ],
        out_shape=[
            jax.ShapeDtypeStruct((R, C), _F32),
            jax.ShapeDtypeStruct((8, C), _F32),
        ],
        scratch_shapes=[pltpu.VMEM((8, C), _F32)],
    )(G, qflat, gb0, w1t)


C3 = 128
_NP = (B * N) // (R // TR)


def _layer2_body(y2_ref, st2_ref, gb1_ref, w2t_ref, gb2_ref, out_ref,
                 ym_s, st3_s):
    ph = pl.program_id(0)
    i = pl.program_id(1)

    @pl.when(ph == 0)
    def _():
        scale, shift = _bn_coeffs(st2_ref[...], gb1_ref[...])
        h = jnp.maximum(y2_ref[...] * scale + shift, 0.0)
        y3 = jnp.dot(h, w2t_ref[...], preferred_element_type=_F32)

        @pl.when(i == 0)
        def _():
            st3_s[...] = jnp.zeros_like(st3_s)

        st3_s[...] += _pack_stats(y3, C3)
        ym_s[pl.ds(i * (TR // S), TR // S), :] = jnp.max(
            y3.reshape(TR // S, S, C3), axis=1
        )

    @pl.when(ph == 1)
    def _():
        scale, shift = _bn_coeffs(st3_s[...], gb2_ref[...])
        rows = ym_s[pl.ds(i * _NP, _NP), :]
        t = jnp.maximum(rows * scale + shift, 0.0)
        out_ref[0] = t.T


def _layer2(y2, st2, gb1, w2t, gb2):
    nb = R // TR
    npb = N // _NP

    def out_map(p, i):
        sel = p == 1
        return (jnp.where(sel, i // npb, 0), 0, jnp.where(sel, i % npb, 0))

    return pl.pallas_call(
        _layer2_body,
        grid=(2, nb),
        in_specs=[
            pl.BlockSpec((TR, C), lambda p, i: (jnp.where(p == 0, i, 0), 0)),
            pl.BlockSpec((8, C), lambda p, i: (0, 0)),
            pl.BlockSpec((8, C), lambda p, i: (0, 0)),
            pl.BlockSpec((C, C3), lambda p, i: (0, 0)),
            pl.BlockSpec((8, C3), lambda p, i: (0, 0)),
        ],
        out_specs=pl.BlockSpec((1, C3, _NP), out_map),
        out_shape=jax.ShapeDtypeStruct((B, C3, N), _F32),
        scratch_shapes=[
            pltpu.VMEM((B * N, C3), _F32),
            pltpu.VMEM((8, C3), _F32),
        ],
    )(y2, st2, gb1, w2t, gb2)


def kernel(pos1, pos2, feature1, feature2, W0, gamma0, beta0, W1, gamma1,
           beta1, W2, gamma2, beta2):
    p1t = jnp.transpose(pos1, (0, 2, 1))
    p2t = jnp.transpose(pos2, (0, 2, 1))
    f1t = jnp.transpose(feature1, (0, 2, 1))
    f2t = jnp.transpose(feature2, (0, 2, 1))

    wpt = jnp.transpose(W0[:, :3])
    wf2t = jnp.transpose(W0[:, 3:3 + C])
    wf1t = jnp.transpose(W0[:, 3 + C:])
    w1t = jnp.transpose(W1)
    w2t = jnp.transpose(W2)

    def gb(g, b, ch):
        z = jnp.zeros((8, ch), _F32)
        return z.at[0, :].set(g).at[1, :].set(b)

    gb0 = gb(gamma0, beta0, C)
    gb1 = gb(gamma1, beta1, C)
    gb2 = gb(gamma2, beta2, C3)

    g2, q = _pre(p1t, p2t, f1t, f2t, wpt, wf2t, wf1t)
    idx = _knn(p1t, pos2)
    G = _sc_gather(g2.reshape(B * N, C), idx.reshape(R // _CH, _CH))
    qflat = q.reshape(B * N, C)
    y2, st2 = _layer1(G, qflat, gb0, w1t)
    feat1_new = _layer2(y2, st2, gb1, w2t, gb2)
    return (pos1, feat1_new)

# --- scband reference (transcript-rebuilt; emitter-appended) ---
"""Pipeline reference for scband-flow-embedding-12008728560017 (READ-ONLY COPY).

The authoritative reference and input builder live on the scoring server;
editing this copy changes nothing except your own understanding.
"""

import jax, jax.numpy as jnp
import numpy as np

RADIUS = 10.0
NSAMPLE = 16
B, N, C = 8, 2048, 64
MLP = [64, 64, 128]
EPS = 1e-5


def setup_inputs(seed: int = 0) -> dict:
    key = jax.random.key(seed)
    ks = jax.random.split(key, 16)
    inp = {
        "pos1": jax.random.normal(ks[0], (B, 3, N), dtype=jnp.float32),
        "pos2": jax.random.normal(ks[1], (B, 3, N), dtype=jnp.float32),
        "feature1": jax.random.normal(ks[2], (B, C, N), dtype=jnp.float32),
        "feature2": jax.random.normal(ks[3], (B, C, N), dtype=jnp.float32),
    }
    last = 2 * C + 3
    for i, out in enumerate(MLP):
        inp[f"W{i}"] = jax.random.normal(ks[4 + 3 * i], (out, last), dtype=jnp.float32) * (1.0 / np.sqrt(last))
        inp[f"gamma{i}"] = jnp.ones((out,), dtype=jnp.float32)
        inp[f"beta{i}"] = jnp.zeros((out,), dtype=jnp.float32)
        last = out
    return inp


def reference(pos1, pos2, feature1, feature2, W0, gamma0, beta0, W1, gamma1, beta1, W2, gamma2, beta2):
    # pos*: (B, 3, N); feature*: (B, C, N)
    pos1_t = jnp.transpose(pos1, (0, 2, 1))  # (B, N, 3)
    pos2_t = jnp.transpose(pos2, (0, 2, 1))  # (B, N2, 3)

    # kNN of each pos1 point among pos2 points (squared L2 -> top_k smallest)
    d2 = jnp.sum((pos1_t[:, :, None, :] - pos2_t[:, None, :, :]) ** 2, axis=-1)  # (B, N, N2)
    neg_vals, idx = jax.lax.top_k(-d2, NSAMPLE)  # idx: (B, N, S)
    dist = jnp.sqrt(jnp.maximum(-neg_vals, 0.0))
    # idx[dist > radius] = idx[:, :, 0] (nearest neighbor fallback)
    idx = jnp.where(dist > RADIUS, idx[:, :, 0:1], idx)

    gather = jax.vmap(lambda src, i: src[i])  # (N2, D), (N, S) -> (N, S, D)

    pos2_grouped = jnp.transpose(gather(pos2_t, idx), (0, 3, 1, 2))  # (B, 3, N, S)
    pos_diff = pos2_grouped - pos1[:, :, :, None]

    feat2_t = jnp.transpose(feature2, (0, 2, 1))  # (B, N2, C)
    feat2_grouped = jnp.transpose(gather(feat2_t, idx), (0, 3, 1, 2))  # (B, C, N, S)
    feat1_rep = jnp.broadcast_to(feature1[:, :, :, None], (B, C, N, NSAMPLE))

    # corr_func == 'concat'
    feat = jnp.concatenate([pos_diff, feat2_grouped, feat1_rep], axis=1)  # (B, 2C+3, N, S)

    for W, g, b in ((W0, gamma0, beta0), (W1, gamma1, beta1), (W2, gamma2, beta2)):
        feat = jnp.einsum('oc,bcns->bons', W, feat)  # 1x1 Conv2d, no bias
        mean = jnp.mean(feat, axis=(0, 2, 3), keepdims=True)  # BatchNorm2d (training stats)
        var = jnp.mean((feat - mean) ** 2, axis=(0, 2, 3), keepdims=True)
        feat = (feat - mean) / jnp.sqrt(var + EPS)
        feat = feat * g[None, :, None, None] + b[None, :, None, None]
        feat = jax.nn.relu(feat)

    feat1_new = jnp.max(feat, axis=-1)  # (B, mlp[-1], N)
    return (pos1, feat1_new)

if __name__ == "__main__":
    import jax
    _d = setup_inputs()
    print(jax.jit(kernel)(*tuple(_d.values())))

</pallas_src>

<mosaic_0001>
#map = affine_map<(d0, d1) -> (0, 0)>
module attributes {stable_mosaic.version = 14 : i64} {
  func.func @k(%arg0: i32, %arg1: i32, %arg2: memref<16384x64xf32, #tpu.memory_space<hbm>>, %arg3: memref<2048x128xi32, #tpu.memory_space<hbm>>, %arg4: memref<262144x64xf32, #tpu.memory_space<hbm>>, %arg5: memref<64x128xi32, #tpu.memory_space<vmem>>, %arg6: memref<1024x64xf32, #tpu.memory_space<vmem>>, %arg7: memref<!tpu.dma_semaphore, #tpu.memory_space<semaphore_mem>>) attributes {dimension_semantics = [#tpu.dimension_semantics<core_parallel>, #tpu.dimension_semantics<subcore_parallel>], iteration_bounds = array<i64: 2, 16>, scalar_prefetch = 0 : i64, scratch_operands = 3 : i64, tpu.core_type = #tpu.core_type<sc_vector_subcore>, window_params = [{transform_indices = #map}, {transform_indices = #map}, {transform_indices = #map}]} {
    %mul3A = arith.constant 2 : i32
    %mul3A_0 = arith.muli %arg1, %mul3A : i32
    %add3A = arith.addi %mul3A_0, %arg0 : i32
    %mul3A_1 = arith.constant 8192 : i32
    %mul3A_2 = arith.muli %add3A, %mul3A_1 : i32
    %mul3A_3 = arith.constant 64 : i32
    %mul3A_4 = arith.muli %add3A, %mul3A_3 : i32
    "tpu.region"() ({
      %run_scoped3A = tpu.sem_alloc : memref<!tpu.dma_semaphore, #tpu.memory_space<semaphore_mem>>
      %dma_start3A_1299 = arith.constant 0 : i32
      %dma_start3A_1300 = tpu.memref_slice %arg3[%mul3A_4, %dma_start3A_1299] : memref<2048x128xi32, #tpu.memory_space<hbm>> -> memref<64x128xi32, #tpu.memory_space<hbm>>
      %dma_start3A_1301 = arith.constant 0 : i32
      %dma_start3A_1302 = tpu.memref_slice %arg3[%mul3A_4, %dma_start3A_1301] : memref<2048x128xi32, #tpu.memory_space<hbm>> -> memref<64x128xi32, #tpu.memory_space<hbm>>
      tpu.enqueue_dma source(%dma_start3A_1302 : memref<64x128xi32, #tpu.memory_space<hbm>>) target(%arg5 : memref<64x128xi32, #tpu.memory_space<vmem>>) target_semaphore(%run_scoped3A : memref<!tpu.dma_semaphore, #tpu.memory_space<semaphore_mem>>)
      %dma_wait3A_1303 = arith.constant 0 : i32
      %dma_wait3A_1304 = tpu.memref_slice %arg3[%mul3A_4, %dma_wait3A_1303] : memref<2048x128xi32, #tpu.memory_space<hbm>> -> memref<64x128xi32, #tpu.memory_space<hbm>>
      %dma_wait3A_1305 = arith.constant 0 : i32
      %dma_wait3A_1306 = tpu.memref_slice %arg3[%mul3A_4, %dma_wait3A_1305] : memref<2048x128xi32, #tpu.memory_space<hbm>> -> memref<64x128xi32, #tpu.memory_space<hbm>>
      tpu.wait_dma2 semaphore(%run_scoped3A : memref<!tpu.dma_semaphore, #tpu.memory_space<semaphore_mem>>) src(%dma_wait3A_1306 : memref<64x128xi32, #tpu.memory_space<hbm>>) dst(%arg5 : memref<64x128xi32, #tpu.memory_space<vmem>>)
      tpu.yield
    }) : () -> ()
    %dma_start3A = arith.constant 0 : i32
    %dma_start3A_5 = arith.constant 0 : i32
    %dma_start3A_6 = arith.constant 0 : i32
    %dma_start3A_7 = tpu.memref_slice %arg6[%dma_start3A_5, %dma_start3A_6] : memref<1024x64xf32, #tpu.memory_space<vmem>> -> memref<128x64xf32, #tpu.memory_space<vmem>>
    %dma_start3A_8 = arith.constant 0 : i32
    %dma_start3A_9 = tpu.memref_slice %arg5[%dma_start3A, %dma_start3A_8] : memref<64x128xi32, #tpu.memory_space<vmem>> -> memref<1x128xi32, #tpu.memory_space<vmem>>
    %dma_start3A_10 = tpu.memref_squeeze %dma_start3A_9 : memref<1x128xi32, #tpu.memory_space<vmem>> -> memref<128xi32, #tpu.memory_space<vmem>>
    %dma_start3A_11 = arith.constant 0 : i32
    %dma_start3A_12 = arith.constant 0 : i32
    %dma_start3A_13 = tpu.memref_slice %arg2[%dma_start3A_11, %dma_start3A_12] : memref<16384x64xf32, #tpu.memory_space<hbm>> -> memref<16384x64xf32, #tpu.memory_space<hbm>>
    tpu.enqueue_indirect_dma source(%dma_start3A_13 : memref<16384x64xf32, #tpu.memory_space<hbm>>) target(%dma_start3A_7 : memref<128x64xf32, #tpu.memory_space<vmem>>) offsets(%dma_start3A_10 : memref<128xi32, #tpu.memory_space<vmem>>) semaphore(%arg7 : memref<!tpu.dma_semaphore, #tpu.memory_space<semaphore_mem>>)
    %dma_start3A_14 = arith.constant 1 : i32
    %dma_start3A_15 = arith.constant 128 : i32
    %dma_start3A_16 = arith.constant 0 : i32
    %dma_start3A_17 = tpu.memref_slice %arg6[%dma_start3A_15, %dma_start3A_16] : memref<1024x64xf32, #tpu.memory_space<vmem>> -> memref<128x64xf32, #tpu.memory_space<vmem>>
    %dma_start3A_18 = arith.constant 0 : i32
    %dma_start3A_19 = tpu.memref_slice %arg5[%dma_start3A_14, %dma_start3A_18] : memref<64x128xi32, #tpu.memory_space<vmem>> -> memref<1x128xi32, #tpu.memory_space<vmem>>
    %dma_start3A_20 = tpu.memref_squeeze %dma_start3A_19 : memref<1x128xi32, #tpu.memory_space<vmem>> -> memref<128xi32, #tpu.memory_space<vmem>>
    %dma_start3A_21 = arith.constant 0 : i32
    %dma_start3A_22 = arith.constant 0 : i32
    %dma_start3A_23 = tpu.memref_slice %arg2[%dma_start3A_21, %dma_start3A_22] : memref<16384x64xf32, #tpu.memory_space<hbm>> -> memref<16384x64xf32, #tpu.memory_space<hbm>>
    tpu.enqueue_indirect_dma source(%dma_start3A_23 : memref<16384x64xf32, #tpu.memory_space<hbm>>) target(%dma_start3A_17 : memref<128x64xf32, #tpu.memory_space<vmem>>) offsets(%dma_start3A_20 : memref<128xi32, #tpu.memory_space<vmem>>) semaphore(%arg7 : memref<!tpu.dma_semaphore, #tpu.memory_space<semaphore_mem>>)
    %dma_start3A_24 = arith.constant 2 : i32
    %dma_start3A_25 = arith.constant 256 : i32
    %dma_start3A_26 = arith.constant 0 : i32
    %dma_start3A_27 = tpu.memref_slice %arg6[%dma_start3A_25, %dma_start3A_26] : memref<1024x64xf32, #tpu.memory_space<vmem>> -> memref<128x64xf32, #tpu.memory_space<vmem>>
    %dma_start3A_28 = arith.constant 0 : i32
    %dma_start3A_29 = tpu.memref_slice %arg5[%dma_start3A_24, %dma_start3A_28] : memref<64x128xi32, #tpu.memory_space<vmem>> -> memref<1x128xi32, #tpu.memory_space<vmem>>
    %dma_start3A_30 = tpu.memref_squeeze %dma_start3A_29 : memref<1x128xi32, #tpu.memory_space<vmem>> -> memref<128xi32, #tpu.memory_space<vmem>>
    %dma_start3A_31 = arith.constant 0 : i32
    %dma_start3A_32 = arith.constant 0 : i32
    %dma_start3A_33 = tpu.memref_slice %arg2[%dma_start3A_31, %dma_start3A_32] : memref<16384x64xf32, #tpu.memory_space<hbm>> -> memref<16384x64xf32, #tpu.memory_space<hbm>>
    tpu.enqueue_indirect_dma source(%dma_start3A_33 : memref<16384x64xf32, #tpu.memory_space<hbm>>) target(%dma_start3A_27 : memref<128x64xf32, #tpu.memory_space<vmem>>) offsets(%dma_start3A_30 : memref<128xi32, #tpu.memory_space<vmem>>) semaphore(%arg7 : memref<!tpu.dma_semaphore, #tpu.memory_space<semaphore_mem>>)
    %dma_start3A_34 = arith.constant 3 : i32
    %dma_start3A_35 = arith.constant 384 : i32
    %dma_start3A_36 = arith.constant 0 : i32
    %dma_start3A_37 = tpu.memref_slice %arg6[%dma_start3A_35, %dma_start3A_36] : memref<1024x64xf32, #tpu.memory_space<vmem>> -> memref<128x64xf32, #tpu.memory_space<vmem>>
    %dma_start3A_38 = arith.constant 0 : i32
    %dma_start3A_39 = tpu.memref_slice %arg5[%dma_start3A_34, %dma_start3A_38] : memref<64x128xi32, #tpu.memory_space<vmem>> -> memref<1x128xi32, #tpu.memory_space<vmem>>
    %dma_start3A_40 = tpu.memref_squeeze %dma_start3A_39 : memref<1x128xi32, #tpu.memory_space<vmem>> -> memref<128xi32, #tpu.memory_space<vmem>>
    %dma_start3A_41 = arith.constant 0 : i32
    %dma_start3A_42 = arith.constant 0 : i32
    %dma_start3A_43 = tpu.memref_slice %arg2[%dma_start3A_41, %dma_start3A_42] : memref<16384x64xf32, #tpu.memory_space<hbm>> -> memref<16384x64xf32, #tpu.memory_space<hbm>>
    tpu.enqueue_indirect_dma source(%dma_start3A_43 : memref<16384x64xf32, #tpu.memory_space<hbm>>) target(%dma_start3A_37 : memref<128x64xf32, #tpu.memory_space<vmem>>) offsets(%dma_start3A_40 : memref<128xi32, #tpu.memory_space<vmem>>) semaphore(%arg7 : memref<!tpu.dma_semaphore, #tpu.memory_space<semaphore_mem>>)
    %dma_start3A_44 = arith.constant 4 : i32
    %dma_start3A_45 = arith.constant 512 : i32
    %dma_start3A_46 = arith.constant 0 : i32
    %dma_start3A_47 = tpu.memref_slice %arg6[%dma_start3A_45, %dma_start3A_46] : memref<1024x64xf32, #tpu.memory_space<vmem>> -> memref<128x64xf32, #tpu.memory_space<vmem>>
    %dma_start3A_48 = arith.constant 0 : i32
    %dma_start3A_49 = tpu.memref_slice %arg5[%dma_start3A_44, %dma_start3A_48] : memref<64x128xi32, #tpu.memory_space<vmem>> -> memref<1x128xi32, #tpu.memory_space<vmem>>
    %dma_start3A_50 = tpu.memref_squeeze %dma_start3A_49 : memref<1x128xi32, #tpu.memory_space<vmem>> -> memref<128xi32, #tpu.memory_space<vmem>>
    %dma_start3A_51 = arith.constant 0 : i32
    %dma_start3A_52 = arith.constant 0 : i32
    %dma_start3A_53 = tpu.memref_slice %arg2[%dma_start3A_51, %dma_start3A_52] : memref<16384x64xf32, #tpu.memory_space<hbm>> -> memref<16384x64xf32, #tpu.memory_space<hbm>>
    tpu.enqueue_indirect_dma source(%dma_start3A_53 : memref<16384x64xf32, #tpu.memory_space<hbm>>) target(%dma_start3A_47 : memref<128x64xf32, #tpu.memory_space<vmem>>) offsets(%dma_start3A_50 : memref<128xi32, #tpu.memory_space<vmem>>) semaphore(%arg7 : memref<!tpu.dma_semaphore, #tpu.memory_space<semaphore_mem>>)
    %dma_start3A_54 = arith.constant 5 : i32
    %dma_start3A_55 = arith.constant 640 : i32
    %dma_start3A_56 = arith.constant 0 : i32
    %dma_start3A_57 = tpu.memref_slice %arg6[%dma_start3A_55, %dma_start3A_56] : memref<1024x64xf32, #tpu.memory_space<vmem>> -> memref<128x64xf32, #tpu.memory_space<vmem>>
    %dma_start3A_58 = arith.constant 0 : i32
    %dma_start3A_59 = tpu.memref_slice %arg5[%dma_start3A_54, %dma_start3A_58] : memref<64x128xi32, #tpu.memory_space<vmem>> -> memref<1x128xi32, #tpu.memory_space<vmem>>
    %dma_start3A_60 = tpu.memref_squeeze %dma_start3A_59 : memref<1x128xi32, #tpu.memory_space<vmem>> -> memref<128xi32, #tpu.memory_space<vmem>>
    %dma_start3A_61 = arith.constant 0 : i32
    %dma_start3A_62 = arith.constant 0 : i32
    %dma_start3A_63 = tpu.memref_slice %arg2[%dma_start3A_61, %dma_start3A_62] : memref<16384x64xf32, #tpu.memory_space<hbm>> -> memref<16384x64xf32, #tpu.memory_space<hbm>>
    tpu.enqueue_indirect_dma source(%dma_start3A_63 : memref<16384x64xf32, #tpu.memory_space<hbm>>) target(%dma_start3A_57 : memref<128x64xf32, #tpu.memory_space<vmem>>) offsets(%dma_start3A_60 : memref<128xi32, #tpu.memory_space<vmem>>) semaphore(%arg7 : memref<!tpu.dma_semaphore, #tpu.memory_space<semaphore_mem>>)
    %dma_start3A_64 = arith.constant 6 : i32
    %dma_start3A_65 = arith.constant 768 : i32
    %dma_start3A_66 = arith.constant 0 : i32
    %dma_start3A_67 = tpu.memref_slice %arg6[%dma_start3A_65, %dma_start3A_66] : memref<1024x64xf32, #tpu.memory_space<vmem>> -> memref<128x64xf32, #tpu.memory_space<vmem>>
    %dma_start3A_68 = arith.constant 0 : i32
    %dma_start3A_69 = tpu.memref_slice %arg5[%dma_start3A_64, %dma_start3A_68] : memref<64x128xi32, #tpu.memory_space<vmem>> -> memref<1x128xi32, #tpu.memory_space<vmem>>
    %dma_start3A_70 = tpu.memref_squeeze %dma_start3A_69 : memref<1x128xi32, #tpu.memory_space<vmem>> -> memref<128xi32, #tpu.memory_space<vmem>>
    %dma_start3A_71 = arith.constant 0 : i32
    %dma_start3A_72 = arith.constant 0 : i32
    %dma_start3A_73 = tpu.memref_slice %arg2[%dma_start3A_71, %dma_start3A_72] : memref<16384x64xf32, #tpu.memory_space<hbm>> -> memref<16384x64xf32, #tpu.memory_space<hbm>>
    tpu.enqueue_indirect_dma source(%dma_start3A_73 : memref<16384x64xf32, #tpu.memory_space<hbm>>) target(%dma_start3A_67 : memref<128x64xf32, #tpu.memory_space<vmem>>) offsets(%dma_start3A_70 : memref<128xi32, #tpu.memory_space<vmem>>) semaphore(%arg7 : memref<!tpu.dma_semaphore, #tpu.memory_space<semaphore_mem>>)
    %dma_start3A_74 = arith.constant 7 : i32
    %dma_start3A_75 = arith.constant 896 : i32
    %dma_start3A_76 = arith.constant 0 : i32
    %dma_start3A_77 = tpu.memref_slice %arg6[%dma_start3A_75, %dma_start3A_76] : memref<1024x64xf32, #tpu.memory_space<vmem>> -> memref<128x64xf32, #tpu.memory_space<vmem>>
    %dma_start3A_78 = arith.constant 0 : i32
    %dma_start3A_79 = tpu.memref_slice %arg5[%dma_start3A_74, %dma_start3A_78] : memref<64x128xi32, #tpu.memory_space<vmem>> -> memref<1x128xi32, #tpu.memory_space<vmem>>
    %dma_start3A_80 = tpu.memref_squeeze %dma_start3A_79 : memref<1x128xi32, #tpu.memory_space<vmem>> -> memref<128xi32, #tpu.memory_space<vmem>>
    %dma_start3A_81 = arith.constant 0 : i32
    %dma_start3A_82 = arith.constant 0 : i32
    %dma_start3A_83 = tpu.memref_slice %arg2[%dma_start3A_81, %dma_start3A_82] : memref<16384x64xf32, #tpu.memory_space<hbm>> -> memref<16384x64xf32, #tpu.memory_space<hbm>>
    tpu.enqueue_indirect_dma source(%dma_start3A_83 : memref<16384x64xf32, #tpu.memory_space<hbm>>) target(%dma_start3A_77 : memref<128x64xf32, #tpu.memory_space<vmem>>) offsets(%dma_start3A_80 : memref<128xi32, #tpu.memory_space<vmem>>) semaphore(%arg7 : memref<!tpu.dma_semaphore, #tpu.memory_space<semaphore_mem>>)
    %dma_wait3A = arith.constant 0 : i32
    %dma_wait3A_84 = arith.constant 0 : i32
    %dma_wait3A_85 = arith.constant 0 : i32
    %dma_wait3A_86 = tpu.memref_slice %arg6[%dma_wait3A_84, %dma_wait3A_85] : memref<1024x64xf32, #tpu.memory_space<vmem>> -> memref<128x64xf32, #tpu.memory_space<vmem>>
    %dma_wait3A_87 = arith.constant 0 : i32
    %dma_wait3A_88 = tpu.memref_slice %arg5[%dma_wait3A, %dma_wait3A_87] : memref<64x128xi32, #tpu.memory_space<vmem>> -> memref<1x128xi32, #tpu.memory_space<vmem>>
    %dma_wait3A_89 = tpu.memref_squeeze %dma_wait3A_88 : memref<1x128xi32, #tpu.memory_space<vmem>> -> memref<128xi32, #tpu.memory_space<vmem>>
    %dma_wait3A_90 = arith.constant 0 : i32
    %dma_wait3A_91 = arith.constant 0 : i32
    %dma_wait3A_92 = tpu.memref_slice %arg2[%dma_wait3A_90, %dma_wait3A_91] : memref<16384x64xf32, #tpu.memory_space<hbm>> -> memref<16384x64xf32, #tpu.memory_space<hbm>>
    tpu.wait_indirect_dma semaphore(%arg7 : memref<!tpu.dma_semaphore, #tpu.memory_space<semaphore_mem>>) src(%dma_wait3A_92 : memref<16384x64xf32, #tpu.memory_space<hbm>>) dst(%dma_wait3A_86 : memref<128x64xf32, #tpu.memory_space<vmem>>)
    %dma_wait3A_93 = arith.constant 1 : i32
    %dma_wait3A_94 = arith.constant 128 : i32
    %dma_wait3A_95 = arith.constant 0 : i32
    %dma_wait3A_96 = tpu.memref_slice %arg6[%dma_wait3A_94, %dma_wait3A_95] : memref<1024x64xf32, #tpu.memory_space<vmem>> -> memref<128x64xf32, #tpu.memory_space<vmem>>
    %dma_wait3A_97 = arith.constant 0 : i32
    %dma_wait3A_98 = tpu.memref_slice %arg5[%dma_wait3A_93, %dma_wait3A_97] : memref<64x128xi32, #tpu.memory_space<vmem>> -> memref<1x128xi32, #tpu.memory_space<vmem>>
    %dma_wait3A_99 = tpu.memref_squeeze %dma_wait3A_98 : memref<1x128xi32, #tpu.memory_space<vmem>> -> memref<128xi32, #tpu.memory_space<vmem>>
    %dma_wait3A_100 = arith.constant 0 : i32
    %dma_wait3A_101 = arith.constant 0 : i32
    %dma_wait3A_102 = tpu.memref_slice %arg2[%dma_wait3A_100, %dma_wait3A_101] : memref<16384x64xf32, #tpu.memory_space<hbm>> -> memref<16384x64xf32, #tpu.memory_space<hbm>>
    tpu.wait_indirect_dma semaphore(%arg7 : memref<!tpu.dma_semaphore, #tpu.memory_space<semaphore_mem>>) src(%dma_wait3A_102 : memref<16384x64xf32, #tpu.memory_space<hbm>>) dst(%dma_wait3A_96 : memref<128x64xf32, #tpu.memory_space<vmem>>)
    %dma_wait3A_103 = arith.constant 2 : i32
    %dma_wait3A_104 = arith.constant 256 : i32
    %dma_wait3A_105 = arith.constant 0 : i32
    %dma_wait3A_106 = tpu.memref_slice %arg6[%dma_wait3A_104, %dma_wait3A_105] : memref<1024x64xf32, #tpu.memory_space<vmem>> -> memref<128x64xf32, #tpu.memory_space<vmem>>
    %dma_wait3A_107 = arith.constant 0 : i32
    %dma_wait3A_108 = tpu.memref_slice %arg5[%dma_wait3A_103, %dma_wait3A_107] : memref<64x128xi32, #tpu.memory_space<vmem>> -> memref<1x128xi32, #tpu.memory_space<vmem>>
    %dma_wait3A_109 = tpu.memref_squeeze %dma_wait3A_108 : memref<1x128xi32, #tpu.memory_space<vmem>> -> memref<128xi32, #tpu.memory_space<vmem>>
    %dma_wait3A_110 = arith.constant 0 : i32
    %dma_wait3A_111 = arith.constant 0 : i32
    %dma_wait3A_112 = tpu.memref_slice %arg2[%dma_wait3A_110, %dma_wait3A_111] : memref<16384x64xf32, #tpu.memory_space<hbm>> -> memref<16384x64xf32, #tpu.memory_space<hbm>>
    tpu.wait_indirect_dma semaphore(%arg7 : memref<!tpu.dma_semaphore, #tpu.memory_space<semaphore_mem>>) src(%dma_wait3A_112 : memref<16384x64xf32, #tpu.memory_space<hbm>>) dst(%dma_wait3A_106 : memref<128x64xf32, #tpu.memory_space<vmem>>)
    %dma_wait3A_113 = arith.constant 3 : i32
    %dma_wait3A_114 = arith.constant 384 : i32
    %dma_wait3A_115 = arith.constant 0 : i32
    %dma_wait3A_116 = tpu.memref_slice %arg6[%dma_wait3A_114, %dma_wait3A_115] : memref<1024x64xf32, #tpu.memory_space<vmem>> -> memref<128x64xf32, #tpu.memory_space<vmem>>
    %dma_wait3A_117 = arith.constant 0 : i32
    %dma_wait3A_118 = tpu.memref_slice %arg5[%dma_wait3A_113, %dma_wait3A_117] : memref<64x128xi32, #tpu.memory_space<vmem>> -> memref<1x128xi32, #tpu.memory_space<vmem>>
    %dma_wait3A_119 = tpu.memref_squeeze %dma_wait3A_118 : memref<1x128xi32, #tpu.memory_space<vmem>> -> memref<128xi32, #tpu.memory_space<vmem>>
    %dma_wait3A_120 = arith.constant 0 : i32
    %dma_wait3A_121 = arith.constant 0 : i32
    %dma_wait3A_122 = tpu.memref_slice %arg2[%dma_wait3A_120, %dma_wait3A_121] : memref<16384x64xf32, #tpu.memory_space<hbm>> -> memref<16384x64xf32, #tpu.memory_space<hbm>>
    tpu.wait_indirect_dma semaphore(%arg7 : memref<!tpu.dma_semaphore, #tpu.memory_space<semaphore_mem>>) src(%dma_wait3A_122 : memref<16384x64xf32, #tpu.memory_space<hbm>>) dst(%dma_wait3A_116 : memref<128x64xf32, #tpu.memory_space<vmem>>)
    %dma_wait3A_123 = arith.constant 4 : i32
    %dma_wait3A_124 = arith.constant 512 : i32
    %dma_wait3A_125 = arith.constant 0 : i32
    %dma_wait3A_126 = tpu.memref_slice %arg6[%dma_wait3A_124, %dma_wait3A_125] : memref<1024x64xf32, #tpu.memory_space<vmem>> -> memref<128x64xf32, #tpu.memory_space<vmem>>
    %dma_wait3A_127 = arith.constant 0 : i32
    %dma_wait3A_128 = tpu.memref_slice %arg5[%dma_wait3A_123, %dma_wait3A_127] : memref<64x128xi32, #tpu.memory_space<vmem>> -> memref<1x128xi32, #tpu.memory_space<vmem>>
    %dma_wait3A_129 = tpu.memref_squeeze %dma_wait3A_128 : memref<1x128xi32, #tpu.memory_space<vmem>> -> memref<128xi32, #tpu.memory_space<vmem>>
    %dma_wait3A_130 = arith.constant 0 : i32
    %dma_wait3A_131 = arith.constant 0 : i32
    %dma_wait3A_132 = tpu.memref_slice %arg2[%dma_wait3A_130, %dma_wait3A_131] : memref<16384x64xf32, #tpu.memory_space<hbm>> -> memref<16384x64xf32, #tpu.memory_space<hbm>>
    tpu.wait_indirect_dma semaphore(%arg7 : memref<!tpu.dma_semaphore, #tpu.memory_space<semaphore_mem>>) src(%dma_wait3A_132 : memref<16384x64xf32, #tpu.memory_space<hbm>>) dst(%dma_wait3A_126 : memref<128x64xf32, #tpu.memory_space<vmem>>)
    %dma_wait3A_133 = arith.constant 5 : i32
    %dma_wait3A_134 = arith.constant 640 : i32
    %dma_wait3A_135 = arith.constant 0 : i32
    %dma_wait3A_136 = tpu.memref_slice %arg6[%dma_wait3A_134, %dma_wait3A_135] : memref<1024x64xf32, #tpu.memory_space<vmem>> -> memref<128x64xf32, #tpu.memory_space<vmem>>
    %dma_wait3A_137 = arith.constant 0 : i32
    %dma_wait3A_138 = tpu.memref_slice %arg5[%dma_wait3A_133, %dma_wait3A_137] : memref<64x128xi32, #tpu.memory_space<vmem>> -> memref<1x128xi32, #tpu.memory_space<vmem>>
    %dma_wait3A_139 = tpu.memref_squeeze %dma_wait3A_138 : memref<1x128xi32, #tpu.memory_space<vmem>> -> memref<128xi32, #tpu.memory_space<vmem>>
    %dma_wait3A_140 = arith.constant 0 : i32
    %dma_wait3A_141 = arith.constant 0 : i32
    %dma_wait3A_142 = tpu.memref_slice %arg2[%dma_wait3A_140, %dma_wait3A_141] : memref<16384x64xf32, #tpu.memory_space<hbm>> -> memref<16384x64xf32, #tpu.memory_space<hbm>>
    tpu.wait_indirect_dma semaphore(%arg7 : memref<!tpu.dma_semaphore, #tpu.memory_space<semaphore_mem>>) src(%dma_wait3A_142 : memref<16384x64xf32, #tpu.memory_space<hbm>>) dst(%dma_wait3A_136 : memref<128x64xf32, #tpu.memory_space<vmem>>)
    %dma_wait3A_143 = arith.constant 6 : i32
    %dma_wait3A_144 = arith.constant 768 : i32
    %dma_wait3A_145 = arith.constant 0 : i32
    %dma_wait3A_146 = tpu.memref_slice %arg6[%dma_wait3A_144, %dma_wait3A_145] : memref<1024x64xf32, #tpu.memory_space<vmem>> -> memref<128x64xf32, #tpu.memory_space<vmem>>
    %dma_wait3A_147 = arith.constant 0 : i32
    %dma_wait3A_148 = tpu.memref_slice %arg5[%dma_wait3A_143, %dma_wait3A_147] : memref<64x128xi32, #tpu.memory_space<vmem>> -> memref<1x128xi32, #tpu.memory_space<vmem>>
    %dma_wait3A_149 = tpu.memref_squeeze %dma_wait3A_148 : memref<1x128xi32, #tpu.memory_space<vmem>> -> memref<128xi32, #tpu.memory_space<vmem>>
    %dma_wait3A_150 = arith.constant 0 : i32
    %dma_wait3A_151 = arith.constant 0 : i32
    %dma_wait3A_152 = tpu.memref_slice %arg2[%dma_wait3A_150, %dma_wait3A_151] : memref<16384x64xf32, #tpu.memory_space<hbm>> -> memref<16384x64xf32, #tpu.memory_space<hbm>>
    tpu.wait_indirect_dma semaphore(%arg7 : memref<!tpu.dma_semaphore, #tpu.memory_space<semaphore_mem>>) src(%dma_wait3A_152 : memref<16384x64xf32, #tpu.memory_space<hbm>>) dst(%dma_wait3A_146 : memref<128x64xf32, #tpu.memory_space<vmem>>)
    %dma_wait3A_153 = arith.constant 7 : i32
    %dma_wait3A_154 = arith.constant 896 : i32
    %dma_wait3A_155 = arith.constant 0 : i32
    %dma_wait3A_156 = tpu.memref_slice %arg6[%dma_wait3A_154, %dma_wait3A_155] : memref<1024x64xf32, #tpu.memory_space<vmem>> -> memref<128x64xf32, #tpu.memory_space<vmem>>
    %dma_wait3A_157 = arith.constant 0 : i32
    %dma_wait3A_158 = tpu.memref_slice %arg5[%dma_wait3A_153, %dma_wait3A_157] : memref<64x128xi32, #tpu.memory_space<vmem>> -> memref<1x128xi32, #tpu.memory_space<vmem>>
    %dma_wait3A_159 = tpu.memref_squeeze %dma_wait3A_158 : memref<1x128xi32, #tpu.memory_space<vmem>> -> memref<128xi32, #tpu.memory_space<vmem>>
    %dma_wait3A_160 = arith.constant 0 : i32
    %dma_wait3A_161 = arith.constant 0 : i32
    %dma_wait3A_162 = tpu.memref_slice %arg2[%dma_wait3A_160, %dma_wait3A_161] : memref<16384x64xf32, #tpu.memory_space<hbm>> -> memref<16384x64xf32, #tpu.memory_space<hbm>>
    tpu.wait_indirect_dma semaphore(%arg7 : memref<!tpu.dma_semaphore, #tpu.memory_space<semaphore_mem>>) src(%dma_wait3A_162 : memref<16384x64xf32, #tpu.memory_space<hbm>>) dst(%dma_wait3A_156 : memref<128x64xf32, #tpu.memory_space<vmem>>)
    %add3A_163 = arith.constant 0 : i32
    %add3A_164 = arith.addi %mul3A_2, %add3A_163 : i32
    "tpu.region"() ({
      %run_scoped3A = tpu.sem_alloc : memref<!tpu.dma_semaphore, #tpu.memory_space<semaphore_mem>>
      %dma_start3A_1299 = arith.constant 0 : i32
      %dma_start3A_1300 = tpu.memref_slice %arg4[%add3A_164, %dma_start3A_1299] : memref<262144x64xf32, #tpu.memory_space<hbm>> -> memref<1024x64xf32, #tpu.memory_space<hbm>>
      %dma_start3A_1301 = arith.constant 0 : i32
      %dma_start3A_1302 = tpu.memref_slice %arg4[%add3A_164, %dma_start3A_1301] : memref<262144x64xf32, #tpu.memory_space<hbm>> -> memref<1024x64xf32, #tpu.memory_space<hbm>>
      tpu.enqueue_dma source(%arg6 : memref<1024x64xf32, #tpu.memory_space<vmem>>) target(%dma_start3A_1302 : memref<1024x64xf32, #tpu.memory_space<hbm>>) target_semaphore(%run_scoped3A : memref<!tpu.dma_semaphore, #tpu.memory_space<semaphore_mem>>)
      %dma_wait3A_1303 = arith.constant 0 : i32
      %dma_wait3A_1304 = tpu.memref_slice %arg4[%add3A_164, %dma_wait3A_1303] : memref<262144x64xf32, #tpu.memory_space<hbm>> -> memref<1024x64xf32, #tpu.memory_space<hbm>>
      %dma_wait3A_1305 = arith.constant 0 : i32
      %dma_wait3A_1306 = tpu.memref_slice %arg4[%add3A_164, %dma_wait3A_1305] : memref<262144x64xf32, #tpu.memory_space<hbm>> -> memref<1024x64xf32, #tpu.memory_space<hbm>>
      tpu.wait_dma2 semaphore(%run_scoped3A : memref<!tpu.dma_semaphore, #tpu.memory_space<semaphore_mem>>) src(%arg6 : memref<1024x64xf32, #tpu.memory_space<vmem>>) dst(%dma_wait3A_1306 : memref<1024x64xf32, #tpu.memory_space<hbm>>)
      tpu.yield
    }) : () -> ()
    %dma_start3A_165 = arith.constant 8 : i32
    %dma_start3A_166 = arith.constant 0 : i32
    %dma_start3A_167 = arith.constant 0 : i32
    %dma_start3A_168 = tpu.memref_slice %arg6[%dma_start3A_166, %dma_start3A_167] : memref<1024x64xf32, #tpu.memory_space<vmem>> -> memref<128x64xf32, #tpu.memory_space<vmem>>
    %dma_start3A_169 = arith.constant 0 : i32
    %dma_start3A_170 = tpu.memref_slice %arg5[%dma_start3A_165, %dma_start3A_169] : memref<64x128xi32, #tpu.memory_space<vmem>> -> memref<1x128xi32, #tpu.memory_space<vmem>>
    %dma_start3A_171 = tpu.memref_squeeze %dma_start3A_170 : memref<1x128xi32, #tpu.memory_space<vmem>> -> memref<128xi32, #tpu.memory_space<vmem>>
    %dma_start3A_172 = arith.constant 0 : i32
    %dma_start3A_173 = arith.constant 0 : i32
    %dma_start3A_174 = tpu.memref_slice %arg2[%dma_start3A_172, %dma_start3A_173] : memref<16384x64xf32, #tpu.memory_space<hbm>> -> memref<16384x64xf32, #tpu.memory_space<hbm>>
    tpu.enqueue_indirect_dma source(%dma_start3A_174 : memref<16384x64xf32, #tpu.memory_space<hbm>>) target(%dma_start3A_168 : memref<128x64xf32, #tpu.memory_space<vmem>>) offsets(%dma_start3A_171 : memref<128xi32, #tpu.memory_space<vmem>>) semaphore(%arg7 : memref<!tpu.dma_semaphore, #tpu.memory_space<semaphore_mem>>)
    %dma_start3A_175 = arith.constant 9 : i32
    %dma_start3A_176 = arith.constant 128 : i32
    %dma_start3A_177 = arith.constant 0 : i32
    %dma_start3A_178 = tpu.memref_slice %arg6[%dma_start3A_176, %dma_start3A_177] : memref<1024x64xf32, #tpu.memory_space<vmem>> -> memref<128x64xf32, #tpu.memory_space<vmem>>
    %dma_start3A_179 = arith.constant 0 : i32
    %dma_start3A_180 = tpu.memref_slice %arg5[%dma_start3A_175, %dma_start3A_179] : memref<64x128xi32, #tpu.memory_space<vmem>> -> memref<1x128xi32, #tpu.memory_space<vmem>>
    %dma_start3A_181 = tpu.memref_squeeze %dma_start3A_180 : memref<1x128xi32, #tpu.memory_space<vmem>> -> memref<128xi32, #tpu.memory_space<vmem>>
    %dma_start3A_182 = arith.constant 0 : i32
    %dma_start3A_183 = arith.constant 0 : i32
    %dma_start3A_184 = tpu.memref_slice %arg2[%dma_start3A_182, %dma_start3A_183] : memref<16384x64xf32, #tpu.memory_space<hbm>> -> memref<16384x64xf32, #tpu.memory_space<hbm>>
    tpu.enqueue_indirect_dma source(%dma_start3A_184 : memref<16384x64xf32, #tpu.memory_space<hbm>>) target(%dma_start3A_178 : memref<128x64xf32, #tpu.memory_space<vmem>>) offsets(%dma_start3A_181 : memref<128xi32, #tpu.memory_space<vmem>>) semaphore(%arg7 : memref<!tpu.dma_semaphore, #tpu.memory_space<semaphore_mem>>)
    %dma_start3A_185 = arith.constant 10 : i32
    %dma_start3A_186 = arith.constant 256 : i32
    %dma_start3A_187 = arith.constant 0 : i32
    %dma_start3A_188 = tpu.memref_slice %arg6[%dma_start3A_186, %dma_start3A_187] : memref<1024x64xf32, #tpu.memory_space<vmem>> -> memref<128x64xf32, #tpu.memory_space<vmem>>
    %dma_start3A_189 = arith.constant 0 : i32
    %dma_start3A_190 = tpu.memref_slice %arg5[%dma_start3A_185, %dma_start3A_189] : memref<64x128xi32, #tpu.memory_space<vmem>> -> memref<1x128xi32, #tpu.memory_space<vmem>>
    %dma_start3A_191 = tpu.memref_squeeze %dma_start3A_190 : memref<1x128xi32, #tpu.memory_space<vmem>> -> memref<128xi32, #tpu.memory_space<vmem>>
    %dma_start3A_192 = arith.constant 0 : i32
    %dma_start3A_193 = arith.constant 0 : i32
    %dma_start3A_194 = tpu.memref_slice %arg2[%dma_start3A_192, %dma_start3A_193] : memref<16384x64xf32, #tpu.memory_space<hbm>> -> memref<16384x64xf32, #tpu.memory_space<hbm>>
    tpu.enqueue_indirect_dma source(%dma_start3A_194 : memref<16384x64xf32, #tpu.memory_space<hbm>>) target(%dma_start3A_188 : memref<128x64xf32, #tpu.memory_space<vmem>>) offsets(%dma_start3A_191 : memref<128xi32, #tpu.memory_space<vmem>>) semaphore(%arg7 : memref<!tpu.dma_semaphore, #tpu.memory_space<semaphore_mem>>)
    %dma_start3A_195 = arith.constant 11 : i32
    %dma_start3A_196 = arith.constant 384 : i32
    %dma_start3A_197 = arith.constant 0 : i32
    %dma_start3A_198 = tpu.memref_slice %arg6[%dma_start3A_196, %dma_start3A_197] : memref<1024x64xf32, #tpu.memory_space<vmem>> -> memref<128x64xf32, #tpu.memory_space<vmem>>
    %dma_start3A_199 = arith.constant 0 : i32
    %dma_start3A_200 = tpu.memref_slice %arg5[%dma_start3A_195, %dma_start3A_199] : memref<64x128xi32, #tpu.memory_space<vmem>> -> memref<1x128xi32, #tpu.memory_space<vmem>>
    %dma_start3A_201 = tpu.memref_squeeze %dma_start3A_200 : memref<1x128xi32, #tpu.memory_space<vmem>> -> memref<128xi32, #tpu.memory_space<vmem>>
    %dma_start3A_202 = arith.constant 0 : i32
    %dma_start3A_203 = arith.constant 0 : i32
    %dma_start3A_204 = tpu.memref_slice %arg2[%dma_start3A_202, %dma_start3A_203] : memref<16384x64xf32, #tpu.memory_space<hbm>> -> memref<16384x64xf32, #tpu.memory_space<hbm>>
    tpu.enqueue_indirect_dma source(%dma_start3A_204 : memref<16384x64xf32, #tpu.memory_space<hbm>>) target(%dma_start3A_198 : memref<128x64xf32, #tpu.memory_space<vmem>>) offsets(%dma_start3A_201 : memref<128xi32, #tpu.memory_space<vmem>>) semaphore(%arg7 : memref<!tpu.dma_semaphore, #tpu.memory_space<semaphore_mem>>)
    %dma_start3A_205 = arith.constant 12 : i32
    %dma_start3A_206 = arith.constant 512 : i32
    %dma_start3A_207 = arith.constant 0 : i32
    %dma_start3A_208 = tpu.memref_slice %arg6[%dma_start3A_206, %dma_start3A_207] : memref<1024x64xf32, #tpu.memory_space<vmem>> -> memref<128x64xf32, #tpu.memory_space<vmem>>
    %dma_start3A_209 = arith.constant 0 : i32
    %dma_start3A_210 = tpu.memref_slice %arg5[%dma_start3A_205, %dma_start3A_209] : memref<64x128xi32, #tpu.memory_space<vmem>> -> memref<1x128xi32, #tpu.memory_space<vmem>>
    %dma_start3A_211 = tpu.memref_squeeze %dma_start3A_210 : memref<1x128xi32, #tpu.memory_space<vmem>> -> memref<128xi32, #tpu.memory_space<vmem>>
    %dma_start3A_212 = arith.constant 0 : i32
    %dma_start3A_213 = arith.constant 0 : i32
    %dma_start3A_214 = tpu.memref_slice %arg2[%dma_start3A_212, %dma_start3A_213] : memref<16384x64xf32, #tpu.memory_space<hbm>> -> memref<16384x64xf32, #tpu.memory_space<hbm>>
    tpu.enqueue_indirect_dma source(%dma_start3A_214 : memref<16384x64xf32, #tpu.memory_space<hbm>>) target(%dma_start3A_208 : memref<128x64xf32, #tpu.memory_space<vmem>>) offsets(%dma_start3A_211 : memref<128xi32, #tpu.memory_space<vmem>>) semaphore(%arg7 : memref<!tpu.dma_semaphore, #tpu.memory_space<semaphore_mem>>)
    %dma_start3A_215 = arith.constant 13 : i32
    %dma_start3A_216 = arith.constant 640 : i32
    %dma_start3A_217 = arith.constant 0 : i32
    %dma_start3A_218 = tpu.memref_slice %arg6[%dma_start3A_216, %dma_start3A_217] : memref<1024x64xf32, #tpu.memory_space<vmem>> -> memref<128x64xf32, #tpu.memory_space<vmem>>
    %dma_start3A_219 = arith.constant 0 : i32
    %dma_start3A_220 = tpu.memref_slice %arg5[%dma_start3A_215, %dma_start3A_219] : memref<64x128xi32, #tpu.memory_space<vmem>> -> memref<1x128xi32, #tpu.memory_space<vmem>>
    %dma_start3A_221 = tpu.memref_squeeze %dma_start3A_220 : memref<1x128xi32, #tpu.memory_space<vmem>> -> memref<128xi32, #tpu.memory_space<vmem>>
    %dma_start3A_222 = arith.constant 0 : i32
    %dma_start3A_223 = arith.constant 0 : i32
    %dma_start3A_224 = tpu.memref_slice %arg2[%dma_start3A_222, %dma_start3A_223] : memref<16384x64xf32, #tpu.memory_space<hbm>> -> memref<16384x64xf32, #tpu.memory_space<hbm>>
    tpu.enqueue_indirect_dma source(%dma_start3A_224 : memref<16384x64xf32, #tpu.memory_space<hbm>>) target(%dma_start3A_218 : memref<128x64xf32, #tpu.memory_space<vmem>>) offsets(%dma_start3A_221 : memref<128xi32, #tpu.memory_space<vmem>>) semaphore(%arg7 : memref<!tpu.dma_semaphore, #tpu.memory_space<semaphore_mem>>)
    %dma_start3A_225 = arith.constant 14 : i32
    %dma_start3A_226 = arith.constant 768 : i32
    %dma_start3A_227 = arith.constant 0 : i32
    %dma_start3A_228 = tpu.memref_slice %arg6[%dma_start3A_226, %dma_start3A_227] : memref<1024x64xf32, #tpu.memory_space<vmem>> -> memref<128x64xf32, #tpu.memory_space<vmem>>
    %dma_start3A_229 = arith.constant 0 : i32
    %dma_start3A_230 = tpu.memref_slice %arg5[%dma_start3A_225, %dma_start3A_229] : memref<64x128xi32, #tpu.memory_space<vmem>> -> memref<1x128xi32, #tpu.memory_space<vmem>>
    %dma_start3A_231 = tpu.memref_squeeze %dma_start3A_230 : memref<1x128xi32, #tpu.memory_space<vmem>> -> memref<128xi32, #tpu.memory_space<vmem>>
    %dma_start3A_232 = arith.constant 0 : i32
    %dma_start3A_233 = arith.constant 0 : i32
    %dma_start3A_234 = tpu.memref_slice %arg2[%dma_start3A_232, %dma_start3A_233] : memref<16384x64xf32, #tpu.memory_space<hbm>> -> memref<16384x64xf32, #tpu.memory_space<hbm>>
    tpu.enqueue_indirect_dma source(%dma_start3A_234 : memref<16384x64xf32, #tpu.memory_space<hbm>>) target(%dma_start3A_228 : memref<128x64xf32, #tpu.memory_space<vmem>>) offsets(%dma_start3A_231 : memref<128xi32, #tpu.memory_space<vmem>>) semaphore(%arg7 : memref<!tpu.dma_semaphore, #tpu.memory_space<semaphore_mem>>)
    %dma_start3A_235 = arith.constant 15 : i32
    %dma_start3A_236 = arith.constant 896 : i32
    %dma_start3A_237 = arith.constant 0 : i32
    %dma_start3A_238 = tpu.memref_slice %arg6[%dma_start3A_236, %dma_start3A_237] : memref<1024x64xf32, #tpu.memory_space<vmem>> -> memref<128x64xf32, #tpu.memory_space<vmem>>
    %dma_start3A_239 = arith.constant 0 : i32
    %dma_start3A_240 = tpu.memref_slice %arg5[%dma_start3A_235, %dma_start3A_239] : memref<64x128xi32, #tpu.memory_space<vmem>> -> memref<1x128xi32, #tpu.memory_space<vmem>>
    %dma_start3A_241 = tpu.memref_squeeze %dma_start3A_240 : memref<1x128xi32, #tpu.memory_space<vmem>> -> memref<128xi32, #tpu.memory_space<vmem>>
    %dma_start3A_242 = arith.constant 0 : i32
    %dma_start3A_243 = arith.constant 0 : i32
    %dma_start3A_244 = tpu.memref_slice %arg2[%dma_start3A_242, %dma_start3A_243] : memref<16384x64xf32, #tpu.memory_space<hbm>> -> memref<16384x64xf32, #tpu.memory_space<hbm>>
    tpu.enqueue_indirect_dma source(%dma_start3A_244 : memref<16384x64xf32, #tpu.memory_space<hbm>>) target(%dma_start3A_238 : memref<128x64xf32, #tpu.memory_space<vmem>>) offsets(%dma_start3A_241 : memref<128xi32, #tpu.memory_space<vmem>>) semaphore(%arg7 : memref<!tpu.dma_semaphore, #tpu.memory_space<semaphore_mem>>)
    %dma_wait3A_245 = arith.constant 8 : i32
    %dma_wait3A_246 = arith.constant 0 : i32
    %dma_wait3A_247 = arith.constant 0 : i32
    %dma_wait3A_248 = tpu.memref_slice %arg6[%dma_wait3A_246, %dma_wait3A_247] : memref<1024x64xf32, #tpu.memory_space<vmem>> -> memref<128x64xf32, #tpu.memory_space<vmem>>
    %dma_wait3A_249 = arith.constant 0 : i32
    %dma_wait3A_250 = tpu.memref_slice %arg5[%dma_wait3A_245, %dma_wait3A_249] : memref<64x128xi32, #tpu.memory_space<vmem>> -> memref<1x128xi32, #tpu.memory_space<vmem>>
    %dma_wait3A_251 = tpu.memref_squeeze %dma_wait3A_250 : memref<1x128xi32, #tpu.memory_space<vmem>> -> memref<128xi32, #tpu.memory_space<vmem>>
    %dma_wait3A_252 = arith.constant 0 : i32
    %dma_wait3A_253 = arith.constant 0 : i32
    %dma_wait3A_254 = tpu.memref_slice %arg2[%dma_wait3A_252, %dma_wait3A_253] : memref<16384x64xf32, #tpu.memory_space<hbm>> -> memref<16384x64xf32, #tpu.memory_space<hbm>>
    tpu.wait_indirect_dma semaphore(%arg7 : memref<!tpu.dma_semaphore, #tpu.memory_space<semaphore_mem>>) src(%dma_wait3A_254 : memref<16384x64xf32, #tpu.memory_space<hbm>>) dst(%dma_wait3A_248 : memref<128x64xf32, #tpu.memory_space<vmem>>)
    %dma_wait3A_255 = arith.constant 9 : i32
    %dma_wait3A_256 = arith.constant 128 : i32
    %dma_wait3A_257 = arith.constant 0 : i32
    %dma_wait3A_258 = tpu.memref_slice %arg6[%dma_wait3A_256, %dma_wait3A_257] : memref<1024x64xf32, #tpu.memory_space<vmem>> -> memref<128x64xf32, #tpu.memory_space<vmem>>
    %dma_wait3A_259 = arith.constant 0 : i32
    %dma_wait3A_260 = tpu.memref_slice %arg5[%dma_wait3A_255, %dma_wait3A_259] : memref<64x128xi32, #tpu.memory_space<vmem>> -> memref<1x128xi32, #tpu.memory_space<vmem>>
    %dma_wait3A_261 = tpu.memref_squeeze %dma_wait3A_260 : memref<1x128xi32, #tpu.memory_space<vmem>> -> memref<128xi32, #tpu.memory_space<vmem>>
    %dma_wait3A_262 = arith.constant 0 : i32
    %dma_wait3A_263 = arith.constant 0 : i32
    %dma_wait3A_264 = tpu.memref_slice %arg2[%dma_wait3A_262, %dma_wait3A_263] : memref<16384x64xf32, #tpu.memory_space<hbm>> -> memref<16384x64xf32, #tpu.memory_space<hbm>>
    tpu.wait_indirect_dma semaphore(%arg7 : memref<!tpu.dma_semaphore, #tpu.memory_space<semaphore_mem>>) src(%dma_wait3A_264 : memref<16384x64xf32, #tpu.memory_space<hbm>>) dst(%dma_wait3A_258 : memref<128x64xf32, #tpu.memory_space<vmem>>)
    %dma_wait3A_265 = arith.constant 10 : i32
    %dma_wait3A_266 = arith.constant 256 : i32
    %dma_wait3A_267 = arith.constant 0 : i32
    %dma_wait3A_268 = tpu.memref_slice %arg6[%dma_wait3A_266, %dma_wait3A_267] : memref<1024x64xf32, #tpu.memory_space<vmem>> -> memref<128x64xf32, #tpu.memory_space<vmem>>
    %dma_wait3A_269 = arith.constant 0 : i32
    %dma_wait3A_270 = tpu.memref_slice %arg5[%dma_wait3A_265, %dma_wait3A_269] : memref<64x128xi32, #tpu.memory_space<vmem>> -> memref<1x128xi32, #tpu.memory_space<vmem>>
    %dma_wait3A_271 = tpu.memref_squeeze %dma_wait3A_270 : memref<1x128xi32, #tpu.memory_space<vmem>> -> memref<128xi32, #tpu.memory_space<vmem>>
    %dma_wait3A_272 = arith.constant 0 : i32
    %dma_wait3A_273 = arith.constant 0 : i32
    %dma_wait3A_274 = tpu.memref_slice %arg2[%dma_wait3A_272, %dma_wait3A_273] : memref<16384x64xf32, #tpu.memory_space<hbm>> -> memref<16384x64xf32, #tpu.memory_space<hbm>>
    tpu.wait_indirect_dma semaphore(%arg7 : memref<!tpu.dma_semaphore, #tpu.memory_space<semaphore_mem>>) src(%dma_wait3A_274 : memref<16384x64xf32, #tpu.memory_space<hbm>>) dst(%dma_wait3A_268 : memref<128x64xf32, #tpu.memory_space<vmem>>)
    %dma_wait3A_275 = arith.constant 11 : i32
    %dma_wait3A_276 = arith.constant 384 : i32
    %dma_wait3A_277 = arith.constant 0 : i32
    %dma_wait3A_278 = tpu.memref_slice %arg6[%dma_wait3A_276, %dma_wait3A_277] : memref<1024x64xf32, #tpu.memory_space<vmem>> -> memref<128x64xf32, #tpu.memory_space<vmem>>
    %dma_wait3A_279 = arith.constant 0 : i32
    %dma_wait3A_280 = tpu.memref_slice %arg5[%dma_wait3A_275, %dma_wait3A_279] : memref<64x128xi32, #tpu.memory_space<vmem>> -> memref<1x128xi32, #tpu.memory_space<vmem>>
    %dma_wait3A_281 = tpu.memref_squeeze %dma_wait3A_280 : memref<1x128xi32, #tpu.memory_space<vmem>> -> memref<128xi32, #tpu.memory_space<vmem>>
    %dma_wait3A_282 = arith.constant 0 : i32
    %dma_wait3A_283 = arith.constant 0 : i32
    %dma_wait3A_284 = tpu.memref_slice %arg2[%dma_wait3A_282, %dma_wait3A_283] : memref<16384x64xf32, #tpu.memory_space<hbm>> -> memref<16384x64xf32, #tpu.memory_space<hbm>>
    tpu.wait_indirect_dma semaphore(%arg7 : memref<!tpu.dma_semaphore, #tpu.memory_space<semaphore_mem>>) src(%dma_wait3A_284 : memref<16384x64xf32, #tpu.memory_space<hbm>>) dst(%dma_wait3A_278 : memref<128x64xf32, #tpu.memory_space<vmem>>)
    %dma_wait3A_285 = arith.constant 12 : i32
    %dma_wait3A_286 = arith.constant 512 : i32
    %dma_wait3A_287 = arith.constant 0 : i32
    %dma_wait3A_288 = tpu.memref_slice %arg6[%dma_wait3A_286, %dma_wait3A_287] : memref<1024x64xf32, #tpu.memory_space<vmem>> -> memref<128x64xf32, #tpu.memory_space<vmem>>
    %dma_wait3A_289 = arith.constant 0 : i32
    %dma_wait3A_290 = tpu.memref_slice %arg5[%dma_wait3A_285, %dma_wait3A_289] : memref<64x128xi32, #tpu.memory_space<vmem>> -> memref<1x128xi32, #tpu.memory_space<vmem>>
    %dma_wait3A_291 = tpu.memref_squeeze %dma_wait3A_290 : memref<1x128xi32, #tpu.memory_space<vmem>> -> memref<128xi32, #tpu.memory_space<vmem>>
    %dma_wait3A_292 = arith.constant 0 : i32
    %dma_wait3A_293 = arith.constant 0 : i32
    %dma_wait3A_294 = tpu.memref_slice %arg2[%dma_wait3A_292, %dma_wait3A_293] : memref<16384x64xf32, #tpu.memory_space<hbm>> -> memref<16384x64xf32, #tpu.memory_space<hbm>>
    tpu.wait_indirect_dma semaphore(%arg7 : memref<!tpu.dma_semaphore, #tpu.memory_space<semaphore_mem>>) src(%dma_wait3A_294 : memref<16384x64xf32, #tpu.memory_space<hbm>>) dst(%dma_wait3A_288 : memref<128x64xf32, #tpu.memory_space<vmem>>)
    %dma_wait3A_295 = arith.constant 13 : i32
    %dma_wait3A_296 = arith.constant 640 : i32
    %dma_wait3A_297 = arith.constant 0 : i32
    %dma_wait3A_298 = tpu.memref_slice %arg6[%dma_wait3A_296, %dma_wait3A_297] : memref<1024x64xf32, #tpu.memory_space<vmem>> -> memref<128x64xf32, #tpu.memory_space<vmem>>
    %dma_wait3A_299 = arith.constant 0 : i32
    %dma_wait3A_300 = tpu.memref_slice %arg5[%dma_wait3A_295, %dma_wait3A_299] : memref<64x128xi32, #tpu.memory_space<vmem>> -> memref<1x128xi32, #tpu.memory_space<vmem>>
    %dma_wait3A_301 = tpu.memref_squeeze %dma_wait3A_300 : memref<1x128xi32, #tpu.memory_space<vmem>> -> memref<128xi32, #tpu.memory_space<vmem>>
    %dma_wait3A_302 = arith.constant 0 : i32
    %dma_wait3A_303 = arith.constant 0 : i32
    %dma_wait3A_304 = tpu.memref_slice %arg2[%dma_wait3A_302, %dma_wait3A_303] : memref<16384x64xf32, #tpu.memory_space<hbm>> -> memref<16384x64xf32, #tpu.memory_space<hbm>>
    tpu.wait_indirect_dma semaphore(%arg7 : memref<!tpu.dma_semaphore, #tpu.memory_space<semaphore_mem>>) src(%dma_wait3A_304 : memref<16384x64xf32, #tpu.memory_space<hbm>>) dst(%dma_wait3A_298 : memref<128x64xf32, #tpu.memory_space<vmem>>)
    %dma_wait3A_305 = arith.constant 14 : i32
    %dma_wait3A_306 = arith.constant 768 : i32
    %dma_wait3A_307 = arith.constant 0 : i32
    %dma_wait3A_308 = tpu.memref_slice %arg6[%dma_wait3A_306, %dma_wait3A_307] : memref<1024x64xf32, #tpu.memory_space<vmem>> -> memref<128x64xf32, #tpu.memory_space<vmem>>
    %dma_wait3A_309 = arith.constant 0 : i32
    %dma_wait3A_310 = tpu.memref_slice %arg5[%dma_wait3A_305, %dma_wait3A_309] : memref<64x128xi32, #tpu.memory_space<vmem>> -> memref<1x128xi32, #tpu.memory_space<vmem>>
    %dma_wait3A_311 = tpu.memref_squeeze %dma_wait3A_310 : memref<1x128xi32, #tpu.memory_space<vmem>> -> memref<128xi32, #tpu.memory_space<vmem>>
    %dma_wait3A_312 = arith.constant 0 : i32
    %dma_wait3A_313 = arith.constant 0 : i32
    %dma_wait3A_314 = tpu.memref_slice %arg2[%dma_wait3A_312, %dma_wait3A_313] : memref<16384x64xf32, #tpu.memory_space<hbm>> -> memref<16384x64xf32, #tpu.memory_space<hbm>>
    tpu.wait_indirect_dma semaphore(%arg7 : memref<!tpu.dma_semaphore, #tpu.memory_space<semaphore_mem>>) src(%dma_wait3A_314 : memref<16384x64xf32, #tpu.memory_space<hbm>>) dst(%dma_wait3A_308 : memref<128x64xf32, #tpu.memory_space<vmem>>)
    %dma_wait3A_315 = arith.constant 15 : i32
    %dma_wait3A_316 = arith.constant 896 : i32
    %dma_wait3A_317 = arith.constant 0 : i32
    %dma_wait3A_318 = tpu.memref_slice %arg6[%dma_wait3A_316, %dma_wait3A_317] : memref<1024x64xf32, #tpu.memory_space<vmem>> -> memref<128x64xf32, #tpu.memory_space<vmem>>
    %dma_wait3A_319 = arith.constant 0 : i32
    %dma_wait3A_320 = tpu.memref_slice %arg5[%dma_wait3A_315, %dma_wait3A_319] : memref<64x128xi32, #tpu.memory_space<vmem>> -> memref<1x128xi32, #tpu.memory_space<vmem>>
    %dma_wait3A_321 = tpu.memref_squeeze %dma_wait3A_320 : memref<1x128xi32, #tpu.memory_space<vmem>> -> memref<128xi32, #tpu.memory_space<vmem>>
    %dma_wait3A_322 = arith.constant 0 : i32
    %dma_wait3A_323 = arith.constant 0 : i32
    %dma_wait3A_324 = tpu.memref_slice %arg2[%dma_wait3A_322, %dma_wait3A_323] : memref<16384x64xf32, #tpu.memory_space<hbm>> -> memref<16384x64xf32, #tpu.memory_space<hbm>>
    tpu.wait_indirect_dma semaphore(%arg7 : memref<!tpu.dma_semaphore, #tpu.memory_space<semaphore_mem>>) src(%dma_wait3A_324 : memref<16384x64xf32, #tpu.memory_space<hbm>>) dst(%dma_wait3A_318 : memref<128x64xf32, #tpu.memory_space<vmem>>)
    %add3A_325 = arith.constant 1024 : i32
    %add3A_326 = arith.addi %mul3A_2, %add3A_325 : i32
    "tpu.region"() ({
      %run_scoped3A = tpu.sem_alloc : memref<!tpu.dma_semaphore, #tpu.memory_space<semaphore_mem>>
      %dma_start3A_1299 = arith.constant 0 : i32
      %dma_start3A_1300 = tpu.memref_slice %arg4[%add3A_326, %dma_start3A_1299] : memref<262144x64xf32, #tpu.memory_space<hbm>> -> memref<1024x64xf32, #tpu.memory_space<hbm>>
      %dma_start3A_1301 = arith.constant 0 : i32
      %dma_start3A_1302 = tpu.memref_slice %arg4[%add3A_326, %dma_start3A_1301] : memref<262144x64xf32, #tpu.memory_space<hbm>> -> memref<1024x64xf32, #tpu.memory_space<hbm>>
      tpu.enqueue_dma source(%arg6 : memref<1024x64xf32, #tpu.memory_space<vmem>>) target(%dma_start3A_1302 : memref<1024x64xf32, #tpu.memory_space<hbm>>) target_semaphore(%run_scoped3A : memref<!tpu.dma_semaphore, #tpu.memory_space<semaphore_mem>>)
      %dma_wait3A_1303 = arith.constant 0 : i32
      %dma_wait3A_1304 = tpu.memref_slice %arg4[%add3A_326, %dma_wait3A_1303] : memref<262144x64xf32, #tpu.memory_space<hbm>> -> memref<1024x64xf32, #tpu.memory_space<hbm>>
      %dma_wait3A_1305 = arith.constant 0 : i32
      %dma_wait3A_1306 = tpu.memref_slice %arg4[%add3A_326, %dma_wait3A_1305] : memref<262144x64xf32, #tpu.memory_space<hbm>> -> memref<1024x64xf32, #tpu.memory_space<hbm>>
      tpu.wait_dma2 semaphore(%run_scoped3A : memref<!tpu.dma_semaphore, #tpu.memory_space<semaphore_mem>>) src(%arg6 : memref<1024x64xf32, #tpu.memory_space<vmem>>) dst(%dma_wait3A_1306 : memref<1024x64xf32, #tpu.memory_space<hbm>>)
      tpu.yield
    }) : () -> ()
    %dma_start3A_327 = arith.constant 16 : i32
    %dma_start3A_328 = arith.constant 0 : i32
    %dma_start3A_329 = arith.constant 0 : i32
    %dma_start3A_330 = tpu.memref_slice %arg6[%dma_start3A_328, %dma_start3A_329] : memref<1024x64xf32, #tpu.memory_space<vmem>> -> memref<128x64xf32, #tpu.memory_space<vmem>>
    %dma_start3A_331 = arith.constant 0 : i32
    %dma_start3A_332 = tpu.memref_slice %arg5[%dma_start3A_327, %dma_start3A_331] : memref<64x128xi32, #tpu.memory_space<vmem>> -> memref<1x128xi32, #tpu.memory_space<vmem>>
    %dma_start3A_333 = tpu.memref_squeeze %dma_start3A_332 : memref<1x128xi32, #tpu.memory_space<vmem>> -> memref<128xi32, #tpu.memory_space<vmem>>
    %dma_start3A_334 = arith.constant 0 : i32
    %dma_start3A_335 = arith.constant 0 : i32
    %dma_start3A_336 = tpu.memref_slice %arg2[%dma_start3A_334, %dma_start3A_335] : memref<16384x64xf32, #tpu.memory_space<hbm>> -> memref<16384x64xf32, #tpu.memory_space<hbm>>
    tpu.enqueue_indirect_dma source(%dma_start3A_336 : memref<16384x64xf32, #tpu.memory_space<hbm>>) target(%dma_start3A_330 : memref<128x64xf32, #tpu.memory_space<vmem>>) offsets(%dma_start3A_333 : memref<128xi32, #tpu.memory_space<vmem>>) semaphore(%arg7 : memref<!tpu.dma_semaphore, #tpu.memory_space<semaphore_mem>>)
    %dma_start3A_337 = arith.constant 17 : i32
    %dma_start3A_338 = arith.constant 128 : i32
    %dma_start3A_339 = arith.constant 0 : i32
    %dma_start3A_340 = tpu.memref_slice %arg6[%dma_start3A_338, %dma_start3A_339] : memref<1024x64xf32, #tpu.memory_space<vmem>> -> memref<128x64xf32, #tpu.memory_space<vmem>>
    %dma_start3A_341 = arith.constant 0 : i32
    %dma_start3A_342 = tpu.memref_slice %arg5[%dma_start3A_337, %dma_start3A_341] : memref<64x128xi32, #tpu.memory_space<vmem>> -> memref<1x128xi32, #tpu.memory_space<vmem>>
    %dma_start3A_343 = tpu.memref_squeeze %dma_start3A_342 : memref<1x128xi32, #tpu.memory_space<vmem>> -> memref<128xi32, #tpu.memory_space<vmem>>
    %dma_start3A_344 = arith.constant 0 : i32
    %dma_start3A_345 = arith.constant 0 : i32
    %dma_start3A_346 = tpu.memref_slice %arg2[%dma_start3A_344, %dma_start3A_345] : memref<16384x64xf32, #tpu.memory_space<hbm>> -> memref<16384x64xf32, #tpu.memory_space<hbm>>
    tpu.enqueue_indirect_dma source(%dma_start3A_346 : memref<16384x64xf32, #tpu.memory_space<hbm>>) target(%dma_start3A_340 : memref<128x64xf32, #tpu.memory_space<vmem>>) offsets(%dma_start3A_343 : memref<128xi32, #tpu.memory_space<vmem>>) semaphore(%arg7 : memref<!tpu.dma_semaphore, #tpu.memory_space<semaphore_mem>>)
    %dma_start3A_347 = arith.constant 18 : i32
    %dma_start3A_348 = arith.constant 256 : i32
    %dma_start3A_349 = arith.constant 0 : i32
    %dma_start3A_350 = tpu.memref_slice %arg6[%dma_start3A_348, %dma_start3A_349] : memref<1024x64xf32, #tpu.memory_space<vmem>> -> memref<128x64xf32, #tpu.memory_space<vmem>>
    %dma_start3A_351 = arith.constant 0 : i32
    %dma_start3A_352 = tpu.memref_slice %arg5[%dma_start3A_347, %dma_start3A_351] : memref<64x128xi32, #tpu.memory_space<vmem>> -> memref<1x128xi32, #tpu.memory_space<vmem>>
    %dma_start3A_353 = tpu.memref_squeeze %dma_start3A_352 : memref<1x128xi32, #tpu.memory_space<vmem>> -> memref<128xi32, #tpu.memory_space<vmem>>
    %dma_start3A_354 = arith.constant 0 : i32
    %dma_start3A_355 = arith.constant 0 : i32
    %dma_start3A_356 = tpu.memref_slice %arg2[%dma_start3A_354, %dma_start3A_355] : memref<16384x64xf32, #tpu.memory_space<hbm>> -> memref<16384x64xf32, #tpu.memory_space<hbm>>
    tpu.enqueue_indirect_dma source(%dma_start3A_356 : memref<16384x64xf32, #tpu.memory_space<hbm>>) target(%dma_start3A_350 : memref<128x64xf32, #tpu.memory_space<vmem>>) offsets(%dma_start3A_353 : memref<128xi32, #tpu.memory_space<vmem>>) semaphore(%arg7 : memref<!tpu.dma_semaphore, #tpu.memory_space<semaphore_mem>>)
    %dma_start3A_357 = arith.constant 19 : i32
    %dma_start3A_358 = arith.constant 384 : i32
    %dma_start3A_359 = arith.constant 0 : i32
    %dma_start3A_360 = tpu.memref_slice %arg6[%dma_start3A_358, %dma_start3A_359] : memref<1024x64xf32, #tpu.memory_space<vmem>> -> memref<128x64xf32, #tpu.memory_space<vmem>>
    %dma_start3A_361 = arith.constant 0 : i32
    %dma_start3A_362 = tpu.memref_slice %arg5[%dma_start3A_357, %dma_start3A_361] : memref<64x128xi32, #tpu.memory_space<vmem>> -> memref<1x128xi32, #tpu.memory_space<vmem>>
    %dma_start3A_363 = tpu.memref_squeeze %dma_start3A_362 : memref<1x128xi32, #tpu.memory_space<vmem>> -> memref<128xi32, #tpu.memory_space<vmem>>
    %dma_start3A_364 = arith.constant 0 : i32
    %dma_start3A_365 = arith.constant 0 : i32
    %dma_start3A_366 = tpu.memref_slice %arg2[%dma_start3A_364, %dma_start3A_365] : memref<16384x64xf32, #tpu.memory_space<hbm>> -> memref<16384x64xf32, #tpu.memory_space<hbm>>
    tpu.enqueue_indirect_dma source(%dma_start3A_366 : memref<16384x64xf32, #tpu.memory_space<hbm>>) target(%dma_start3A_360 : memref<128x64xf32, #tpu.memory_space<vmem>>) offsets(%dma_start3A_363 : memref<128xi32, #tpu.memory_space<vmem>>) semaphore(%arg7 : memref<!tpu.dma_semaphore, #tpu.memory_space<semaphore_mem>>)
    %dma_start3A_367 = arith.constant 20 : i32
    %dma_start3A_368 = arith.constant 512 : i32
    %dma_start3A_369 = arith.constant 0 : i32
    %dma_start3A_370 = tpu.memref_slice %arg6[%dma_start3A_368, %dma_start3A_369] : memref<1024x64xf32, #tpu.memory_space<vmem>> -> memref<128x64xf32, #tpu.memory_space<vmem>>
    %dma_start3A_371 = arith.constant 0 : i32
    %dma_start3A_372 = tpu.memref_slice %arg5[%dma_start3A_367, %dma_start3A_371] : memref<64x128xi32, #tpu.memory_space<vmem>> -> memref<1x128xi32, #tpu.memory_space<vmem>>
    %dma_start3A_373 = tpu.memref_squeeze %dma_start3A_372 : memref<1x128xi32, #tpu.memory_space<vmem>> -> memref<128xi32, #tpu.memory_space<vmem>>
    %dma_start3A_374 = arith.constant 0 : i32
    %dma_start3A_375 = arith.constant 0 : i32
    %dma_start3A_376 = tpu.memref_slice %arg2[%dma_start3A_374, %dma_start3A_375] : memref<16384x64xf32, #tpu.memory_space<hbm>> -> memref<16384x64xf32, #tpu.memory_space<hbm>>
    tpu.enqueue_indirect_dma source(%dma_start3A_376 : memref<16384x64xf32, #tpu.memory_space<hbm>>) target(%dma_start3A_370 : memref<128x64xf32, #tpu.memory_space<vmem>>) offsets(%dma_start3A_373 : memref<128xi32, #tpu.memory_space<vmem>>) semaphore(%arg7 : memref<!tpu.dma_semaphore, #tpu.memory_space<semaphore_mem>>)
    %dma_start3A_377 = arith.constant 21 : i32
    %dma_start3A_378 = arith.constant 640 : i32
    %dma_start3A_379 = arith.constant 0 : i32
    %dma_start3A_380 = tpu.memref_slice %arg6[%dma_start3A_378, %dma_start3A_379] : memref<1024x64xf32, #tpu.memory_space<vmem>> -> memref<128x64xf32, #tpu.memory_space<vmem>>
    %dma_start3A_381 = arith.constant 0 : i32
    %dma_start3A_382 = tpu.memref_slice %arg5[%dma_start3A_377, %dma_start3A_381] : memref<64x128xi32, #tpu.memory_space<vmem>> -> memref<1x128xi32, #tpu.memory_space<vmem>>
    %dma_start3A_383 = tpu.memref_squeeze %dma_start3A_382 : memref<1x128xi32, #tpu.memory_space<vmem>> -> memref<128xi32, #tpu.memory_space<vmem>>
    %dma_start3A_384 = arith.constant 0 : i32
    %dma_start3A_385 = arith.constant 0 : i32
    %dma_start3A_386 = tpu.memref_slice %arg2[%dma_start3A_384, %dma_start3A_385] : memref<16384x64xf32, #tpu.memory_space<hbm>> -> memref<16384x64xf32, #tpu.memory_space<hbm>>
    tpu.enqueue_indirect_dma source(%dma_start3A_386 : memref<16384x64xf32, #tpu.memory_space<hbm>>) target(%dma_start3A_380 : memref<128x64xf32, #tpu.memory_space<vmem>>) offsets(%dma_start3A_383 : memref<128xi32, #tpu.memory_space<vmem>>) semaphore(%arg7 : memref<!tpu.dma_semaphore, #tpu.memory_space<semaphore_mem>>)
    %dma_start3A_387 = arith.constant 22 : i32
    %dma_start3A_388 = arith.constant 768 : i32
    %dma_start3A_389 = arith.constant 0 : i32
    %dma_start3A_390 = tpu.memref_slice %arg6[%dma_start3A_388, %dma_start3A_389] : memref<1024x64xf32, #tpu.memory_space<vmem>> -> memref<128x64xf32, #tpu.memory_space<vmem>>
    %dma_start3A_391 = arith.constant 0 : i32
    %dma_start3A_392 = tpu.memref_slice %arg5[%dma_start3A_387, %dma_start3A_391] : memref<64x128xi32, #tpu.memory_space<vmem>> -> memref<1x128xi32, #tpu.memory_space<vmem>>
    %dma_start3A_393 = tpu.memref_squeeze %dma_start3A_392 : memref<1x128xi32, #tpu.memory_space<vmem>> -> memref<128xi32, #tpu.memory_space<vmem>>
    %dma_start3A_394 = arith.constant 0 : i32
    %dma_start3A_395 = arith.constant 0 : i32
    %dma_start3A_396 = tpu.memref_slice %arg2[%dma_start3A_394, %dma_start3A_395] : memref<16384x64xf32, #tpu.memory_space<hbm>> -> memref<16384x64xf32, #tpu.memory_space<hbm>>
    tpu.enqueue_indirect_dma source(%dma_start3A_396 : memref<16384x64xf32, #tpu.memory_space<hbm>>) target(%dma_start3A_390 : memref<128x64xf32, #tpu.memory_space<vmem>>) offsets(%dma_start3A_393 : memref<128xi32, #tpu.memory_space<vmem>>) semaphore(%arg7 : memref<!tpu.dma_semaphore, #tpu.memory_space<semaphore_mem>>)
    %dma_start3A_397 = arith.constant 23 : i32
    %dma_start3A_398 = arith.constant 896 : i32
    %dma_start3A_399 = arith.constant 0 : i32
    %dma_start3A_400 = tpu.memref_slice %arg6[%dma_start3A_398, %dma_start3A_399] : memref<1024x64xf32, #tpu.memory_space<vmem>> -> memref<128x64xf32, #tpu.memory_space<vmem>>
    %dma_start3A_401 = arith.constant 0 : i32
    %dma_start3A_402 = tpu.memref_slice %arg5[%dma_start3A_397, %dma_start3A_401] : memref<64x128xi32, #tpu.memory_space<vmem>> -> memref<1x128xi32, #tpu.memory_space<vmem>>
    %dma_start3A_403 = tpu.memref_squeeze %dma_start3A_402 : memref<1x128xi32, #tpu.memory_space<vmem>> -> memref<128xi32, #tpu.memory_space<vmem>>
    %dma_start3A_404 = arith.constant 0 : i32
    %dma_start3A_405 = arith.constant 0 : i32
    %dma_start3A_406 = tpu.memref_slice %arg2[%dma_start3A_404, %dma_start3A_405] : memref<16384x64xf32, #tpu.memory_space<hbm>> -> memref<16384x64xf32, #tpu.memory_space<hbm>>
    tpu.enqueue_indirect_dma source(%dma_start3A_406 : memref<16384x64xf32, #tpu.memory_space<hbm>>) target(%dma_start3A_400 : memref<128x64xf32, #tpu.memory_space<vmem>>) offsets(%dma_start3A_403 : memref<128xi32, #tpu.memory_space<vmem>>) semaphore(%arg7 : memref<!tpu.dma_semaphore, #tpu.memory_space<semaphore_mem>>)
    %dma_wait3A_407 = arith.constant 16 : i32
    %dma_wait3A_408 = arith.constant 0 : i32
    %dma_wait3A_409 = arith.constant 0 : i32
    %dma_wait3A_410 = tpu.memref_slice %arg6[%dma_wait3A_408, %dma_wait3A_409] : memref<1024x64xf32, #tpu.memory_space<vmem>> -> memref<128x64xf32, #tpu.memory_space<vmem>>
    %dma_wait3A_411 = arith.constant 0 : i32
    %dma_wait3A_412 = tpu.memref_slice %arg5[%dma_wait3A_407, %dma_wait3A_411] : memref<64x128xi32, #tpu.memory_space<vmem>> -> memref<1x128xi32, #tpu.memory_space<vmem>>
    %dma_wait3A_413 = tpu.memref_squeeze %dma_wait3A_412 : memref<1x128xi32, #tpu.memory_space<vmem>> -> memref<128xi32, #tpu.memory_space<vmem>>
    %dma_wait3A_414 = arith.constant 0 : i32
    %dma_wait3A_415 = arith.constant 0 : i32
    %dma_wait3A_416 = tpu.memref_slice %arg2[%dma_wait3A_414, %dma_wait3A_415] : memref<16384x64xf32, #tpu.memory_space<hbm>> -> memref<16384x64xf32, #tpu.memory_space<hbm>>
    tpu.wait_indirect_dma semaphore(%arg7 : memref<!tpu.dma_semaphore, #tpu.memory_space<semaphore_mem>>) src(%dma_wait3A_416 : memref<16384x64xf32, #tpu.memory_space<hbm>>) dst(%dma_wait3A_410 : memref<128x64xf32, #tpu.memory_space<vmem>>)
    %dma_wait3A_417 = arith.constant 17 : i32
    %dma_wait3A_418 = arith.constant 128 : i32
    %dma_wait3A_419 = arith.constant 0 : i32
    %dma_wait3A_420 = tpu.memref_slice %arg6[%dma_wait3A_418, %dma_wait3A_419] : memref<1024x64xf32, #tpu.memory_space<vmem>> -> memref<128x64xf32, #tpu.memory_space<vmem>>
    %dma_wait3A_421 = arith.constant 0 : i32
    %dma_wait3A_422 = tpu.memref_slice %arg5[%dma_wait3A_417, %dma_wait3A_421] : memref<64x128xi32, #tpu.memory_space<vmem>> -> memref<1x128xi32, #tpu.memory_space<vmem>>
    %dma_wait3A_423 = tpu.memref_squeeze %dma_wait3A_422 : memref<1x128xi32, #tpu.memory_space<vmem>> -> memref<128xi32, #tpu.memory_space<vmem>>
    %dma_wait3A_424 = arith.constant 0 : i32
    %dma_wait3A_425 = arith.constant 0 : i32
    %dma_wait3A_426 = tpu.memref_slice %arg2[%dma_wait3A_424, %dma_wait3A_425] : memref<16384x64xf32, #tpu.memory_space<hbm>> -> memref<16384x64xf32, #tpu.memory_space<hbm>>
    tpu.wait_indirect_dma semaphore(%arg7 : memref<!tpu.dma_semaphore, #tpu.memory_space<semaphore_mem>>) src(%dma_wait3A_426 : memref<16384x64xf32, #tpu.memory_space<hbm>>) dst(%dma_wait3A_420 : memref<128x64xf32, #tpu.memory_space<vmem>>)
    %dma_wait3A_427 = arith.constant 18 : i32
    %dma_wait3A_428 = arith.constant 256 : i32
    %dma_wait3A_429 = arith.constant 0 : i32
    %dma_wait3A_430 = tpu.memref_slice %arg6[%dma_wait3A_428, %dma_wait3A_429] : memref<1024x64xf32, #tpu.memory_space<vmem>> -> memref<128x64xf32, #tpu.memory_space<vmem>>
    %dma_wait3A_431 = arith.constant 0 : i32
    %dma_wait3A_432 = tpu.memref_slice %arg5[%dma_wait3A_427, %dma_wait3A_431] : memref<64x128xi32, #tpu.memory_space<vmem>> -> memref<1x128xi32, #tpu.memory_space<vmem>>
    %dma_wait3A_433 = tpu.memref_squeeze %dma_wait3A_432 : memref<1x128xi32, #tpu.memory_space<vmem>> -> memref<128xi32, #tpu.memory_space<vmem>>
    %dma_wait3A_434 = arith.constant 0 : i32
    %dma_wait3A_435 = arith.constant 0 : i32
    %dma_wait3A_436 = tpu.memref_slice %arg2[%dma_wait3A_434, %dma_wait3A_435] : memref<16384x64xf32, #tpu.memory_space<hbm>> -> memref<16384x64xf32, #tpu.memory_space<hbm>>
    tpu.wait_indirect_dma semaphore(%arg7 : memref<!tpu.dma_semaphore, #tpu.memory_space<semaphore_mem>>) src(%dma_wait3A_436 : memref<16384x64xf32, #tpu.memory_space<hbm>>) dst(%dma_wait3A_430 : memref<128x64xf32, #tpu.memory_space<vmem>>)
    %dma_wait3A_437 = arith.constant 19 : i32
    %dma_wait3A_438 = arith.constant 384 : i32
    %dma_wait3A_439 = arith.constant 0 : i32
    %dma_wait3A_440 = tpu.memref_slice %arg6[%dma_wait3A_438, %dma_wait3A_439] : memref<1024x64xf32, #tpu.memory_space<vmem>> -> memref<128x64xf32, #tpu.memory_space<vmem>>
    %dma_wait3A_441 = arith.constant 0 : i32
    %dma_wait3A_442 = tpu.memref_slice %arg5[%dma_wait3A_437, %dma_wait3A_441] : memref<64x128xi32, #tpu.memory_space<vmem>> -> memref<1x128xi32, #tpu.memory_space<vmem>>
    %dma_wait3A_443 = tpu.memref_squeeze %dma_wait3A_442 : memref<1x128xi32, #tpu.memory_space<vmem>> -> memref<128xi32, #tpu.memory_space<vmem>>
    %dma_wait3A_444 = arith.constant 0 : i32
    %dma_wait3A_445 = arith.constant 0 : i32
    %dma_wait3A_446 = tpu.memref_slice %arg2[%dma_wait3A_444, %dma_wait3A_445] : memref<16384x64xf32, #tpu.memory_space<hbm>> -> memref<16384x64xf32, #tpu.memory_space<hbm>>
    tpu.wait_indirect_dma semaphore(%arg7 : memref<!tpu.dma_semaphore, #tpu.memory_space<semaphore_mem>>) src(%dma_wait3A_446 : memref<16384x64xf32, #tpu.memory_space<hbm>>) dst(%dma_wait3A_440 : memref<128x64xf32, #tpu.memory_space<vmem>>)
    %dma_wait3A_447 = arith.constant 20 : i32
    %dma_wait3A_448 = arith.constant 512 : i32
    %dma_wait3A_449 = arith.constant 0 : i32
    %dma_wait3A_450 = tpu.memref_slice %arg6[%dma_wait3A_448, %dma_wait3A_449] : memref<1024x64xf32, #tpu.memory_space<vmem>> -> memref<128x64xf32, #tpu.memory_space<vmem>>
    %dma_wait3A_451 = arith.constant 0 : i32
    %dma_wait3A_452 = tpu.memref_slice %arg5[%dma_wait3A_447, %dma_wait3A_451] : memref<64x128xi32, #tpu.memory_space<vmem>> -> memref<1x128xi32, #tpu.memory_space<vmem>>
    %dma_wait3A_453 = tpu.memref_squeeze %dma_wait3A_452 : memref<1x128xi32, #tpu.memory_space<vmem>> -> memref<128xi32, #tpu.memory_space<vmem>>
    %dma_wait3A_454 = arith.constant 0 : i32
    %dma_wait3A_455 = arith.constant 0 : i32
    %dma_wait3A_456 = tpu.memref_slice %arg2[%dma_wait3A_454, %dma_wait3A_455] : memref<16384x64xf32, #tpu.memory_space<hbm>> -> memref<16384x64xf32, #tpu.memory_space<hbm>>
    tpu.wait_indirect_dma semaphore(%arg7 : memref<!tpu.dma_semaphore, #tpu.memory_space<semaphore_mem>>) src(%dma_wait3A_456 : memref<16384x64xf32, #tpu.memory_space<hbm>>) dst(%dma_wait3A_450 : memref<128x64xf32, #tpu.memory_space<vmem>>)
    %dma_wait3A_457 = arith.constant 21 : i32
    %dma_wait3A_458 = arith.constant 640 : i32
    %dma_wait3A_459 = arith.constant 0 : i32
    %dma_wait3A_460 = tpu.memref_slice %arg6[%dma_wait3A_458, %dma_wait3A_459] : memref<1024x64xf32, #tpu.memory_space<vmem>> -> memref<128x64xf32, #tpu.memory_space<vmem>>
    %dma_wait3A_461 = arith.constant 0 : i32
    %dma_wait3A_462 = tpu.memref_slice %arg5[%dma_wait3A_457, %dma_wait3A_461] : memref<64x128xi32, #tpu.memory_space<vmem>> -> memref<1x128xi32, #tpu.memory_space<vmem>>
    %dma_wait3A_463 = tpu.memref_squeeze %dma_wait3A_462 : memref<1x128xi32, #tpu.memory_space<vmem>> -> memref<128xi32, #tpu.memory_space<vmem>>
    %dma_wait3A_464 = arith.constant 0 : i32
    %dma_wait3A_465 = arith.constant 0 : i32
    %dma_wait3A_466 = tpu.memref_slice %arg2[%dma_wait3A_464, %dma_wait3A_465] : memref<16384x64xf32, #tpu.memory_space<hbm>> -> memref<16384x64xf32, #tpu.memory_space<hbm>>
    tpu.wait_indirect_dma semaphore(%arg7 : memref<!tpu.dma_semaphore, #tpu.memory_space<semaphore_mem>>) src(%dma_wait3A_466 : memref<16384x64xf32, #tpu.memory_space<hbm>>) dst(%dma_wait3A_460 : memref<128x64xf32, #tpu.memory_space<vmem>>)
    %dma_wait3A_467 = arith.constant 22 : i32
    %dma_wait3A_468 = arith.constant 768 : i32
    %dma_wait3A_469 = arith.constant 0 : i32
    %dma_wait3A_470 = tpu.memref_slice %arg6[%dma_wait3A_468, %dma_wait3A_469] : memref<1024x64xf32, #tpu.memory_space<vmem>> -> memref<128x64xf32, #tpu.memory_space<vmem>>
    %dma_wait3A_471 = arith.constant 0 : i32
    %dma_wait3A_472 = tpu.memref_slice %arg5[%dma_wait3A_467, %dma_wait3A_471] : memref<64x128xi32, #tpu.memory_space<vmem>> -> memref<1x128xi32, #tpu.memory_space<vmem>>
    %dma_wait3A_473 = tpu.memref_squeeze %dma_wait3A_472 : memref<1x128xi32, #tpu.memory_space<vmem>> -> memref<128xi32, #tpu.memory_space<vmem>>
    %dma_wait3A_474 = arith.constant 0 : i32
    %dma_wait3A_475 = arith.constant 0 : i32
    %dma_wait3A_476 = tpu.memref_slice %arg2[%dma_wait3A_474, %dma_wait3A_475] : memref<16384x64xf32, #tpu.memory_space<hbm>> -> memref<16384x64xf32, #tpu.memory_space<hbm>>
    tpu.wait_indirect_dma semaphore(%arg7 : memref<!tpu.dma_semaphore, #tpu.memory_space<semaphore_mem>>) src(%dma_wait3A_476 : memref<16384x64xf32, #tpu.memory_space<hbm>>) dst(%dma_wait3A_470 : memref<128x64xf32, #tpu.memory_space<vmem>>)
    %dma_wait3A_477 = arith.constant 23 : i32
    %dma_wait3A_478 = arith.constant 896 : i32
    %dma_wait3A_479 = arith.constant 0 : i32
    %dma_wait3A_480 = tpu.memref_slice %arg6[%dma_wait3A_478, %dma_wait3A_479] : memref<1024x64xf32, #tpu.memory_space<vmem>> -> memref<128x64xf32, #tpu.memory_space<vmem>>
    %dma_wait3A_481 = arith.constant 0 : i32
    %dma_wait3A_482 = tpu.memref_slice %arg5[%dma_wait3A_477, %dma_wait3A_481] : memref<64x128xi32, #tpu.memory_space<vmem>> -> memref<1x128xi32, #tpu.memory_space<vmem>>
    %dma_wait3A_483 = tpu.memref_squeeze %dma_wait3A_482 : memref<1x128xi32, #tpu.memory_space<vmem>> -> memref<128xi32, #tpu.memory_space<vmem>>
    %dma_wait3A_484 = arith.constant 0 : i32
    %dma_wait3A_485 = arith.constant 0 : i32
    %dma_wait3A_486 = tpu.memref_slice %arg2[%dma_wait3A_484, %dma_wait3A_485] : memref<16384x64xf32, #tpu.memory_space<hbm>> -> memref<16384x64xf32, #tpu.memory_space<hbm>>
    tpu.wait_indirect_dma semaphore(%arg7 : memref<!tpu.dma_semaphore, #tpu.memory_space<semaphore_mem>>) src(%dma_wait3A_486 : memref<16384x64xf32, #tpu.memory_space<hbm>>) dst(%dma_wait3A_480 : memref<128x64xf32, #tpu.memory_space<vmem>>)
    %add3A_487 = arith.constant 2048 : i32
    %add3A_488 = arith.addi %mul3A_2, %add3A_487 : i32
    "tpu.region"() ({
      %run_scoped3A = tpu.sem_alloc : memref<!tpu.dma_semaphore, #tpu.memory_space<semaphore_mem>>
      %dma_start3A_1299 = arith.constant 0 : i32
      %dma_start3A_1300 = tpu.memref_slice %arg4[%add3A_488, %dma_start3A_1299] : memref<262144x64xf32, #tpu.memory_space<hbm>> -> memref<1024x64xf32, #tpu.memory_space<hbm>>
      %dma_start3A_1301 = arith.constant 0 : i32
      %dma_start3A_1302 = tpu.memref_slice %arg4[%add3A_488, %dma_start3A_1301] : memref<262144x64xf32, #tpu.memory_space<hbm>> -> memref<1024x64xf32, #tpu.memory_space<hbm>>
      tpu.enqueue_dma source(%arg6 : memref<1024x64xf32, #tpu.memory_space<vmem>>) target(%dma_start3A_1302 : memref<1024x64xf32, #tpu.memory_space<hbm>>) target_semaphore(%run_scoped3A : memref<!tpu.dma_semaphore, #tpu.memory_space<semaphore_mem>>)
      %dma_wait3A_1303 = arith.constant 0 : i32
      %dma_wait3A_1304 = tpu.memref_slice %arg4[%add3A_488, %dma_wait3A_1303] : memref<262144x64xf32, #tpu.memory_space<hbm>> -> memref<1024x64xf32, #tpu.memory_space<hbm>>
      %dma_wait3A_1305 = arith.constant 0 : i32
      %dma_wait3A_1306 = tpu.memref_slice %arg4[%add3A_488, %dma_wait3A_1305] : memref<262144x64xf32, #tpu.memory_space<hbm>> -> memref<1024x64xf32, #tpu.memory_space<hbm>>
      tpu.wait_dma2 semaphore(%run_scoped3A : memref<!tpu.dma_semaphore, #tpu.memory_space<semaphore_mem>>) src(%arg6 : memref<1024x64xf32, #tpu.memory_space<vmem>>) dst(%dma_wait3A_1306 : memref<1024x64xf32, #tpu.memory_space<hbm>>)
      tpu.yield
    }) : () -> ()
    %dma_start3A_489 = arith.constant 24 : i32
    %dma_start3A_490 = arith.constant 0 : i32
    %dma_start3A_491 = arith.constant 0 : i32
    %dma_start3A_492 = tpu.memref_slice %arg6[%dma_start3A_490, %dma_start3A_491] : memref<1024x64xf32, #tpu.memory_space<vmem>> -> memref<128x64xf32, #tpu.memory_space<vmem>>
    %dma_start3A_493 = arith.constant 0 : i32
    %dma_start3A_494 = tpu.memref_slice %arg5[%dma_start3A_489, %dma_start3A_493] : memref<64x128xi32, #tpu.memory_space<vmem>> -> memref<1x128xi32, #tpu.memory_space<vmem>>
    %dma_start3A_495 = tpu.memref_squeeze %dma_start3A_494 : memref<1x128xi32, #tpu.memory_space<vmem>> -> memref<128xi32, #tpu.memory_space<vmem>>
    %dma_start3A_496 = arith.constant 0 : i32
    %dma_start3A_497 = arith.constant 0 : i32
    %dma_start3A_498 = tpu.memref_slice %arg2[%dma_start3A_496, %dma_start3A_497] : memref<16384x64xf32, #tpu.memory_space<hbm>> -> memref<16384x64xf32, #tpu.memory_space<hbm>>
    tpu.enqueue_indirect_dma source(%dma_start3A_498 : memref<16384x64xf32, #tpu.memory_space<hbm>>) target(%dma_start3A_492 : memref<128x64xf32, #tpu.memory_space<vmem>>) offsets(%dma_start3A_495 : memref<128xi32, #tpu.memory_space<vmem>>) semaphore(%arg7 : memref<!tpu.dma_semaphore, #tpu.memory_space<semaphore_mem>>)
    %dma_start3A_499 = arith.constant 25 : i32
    %dma_start3A_500 = arith.constant 128 : i32
    %dma_start3A_501 = arith.constant 0 : i32
    %dma_start3A_502 = tpu.memref_slice %arg6[%dma_start3A_500, %dma_start3A_501] : memref<1024x64xf32, #tpu.memory_space<vmem>> -> memref<128x64xf32, #tpu.memory_space<vmem>>
    %dma_start3A_503 = arith.constant 0 : i32
    %dma_start3A_504 = tpu.memref_slice %arg5[%dma_start3A_499, %dma_start3A_503] : memref<64x128xi32, #tpu.memory_space<vmem>> -> memref<1x128xi32, #tpu.memory_space<vmem>>
    %dma_start3A_505 = tpu.memref_squeeze %dma_start3A_504 : memref<1x128xi32, #tpu.memory_space<vmem>> -> memref<128xi32, #tpu.memory_space<vmem>>
    %dma_start3A_506 = arith.constant 0 : i32
    %dma_start3A_507 = arith.constant 0 : i32
    %dma_start3A_508 = tpu.memref_slice %arg2[%dma_start3A_506, %dma_start3A_507] : memref<16384x64xf32, #tpu.memory_space<hbm>> -> memref<16384x64xf32, #tpu.memory_space<hbm>>
    tpu.enqueue_indirect_dma source(%dma_start3A_508 : memref<16384x64xf32, #tpu.memory_space<hbm>>) target(%dma_start3A_502 : memref<128x64xf32, #tpu.memory_space<vmem>>) offsets(%dma_start3A_505 : memref<128xi32, #tpu.memory_space<vmem>>) semaphore(%arg7 : memref<!tpu.dma_semaphore, #tpu.memory_space<semaphore_mem>>)
    %dma_start3A_509 = arith.constant 26 : i32
    %dma_start3A_510 = arith.constant 256 : i32
    %dma_start3A_511 = arith.constant 0 : i32
    %dma_start3A_512 = tpu.memref_slice %arg6[%dma_start3A_510, %dma_start3A_511] : memref<1024x64xf32, #tpu.memory_space<vmem>> -> memref<128x64xf32, #tpu.memory_space<vmem>>
    %dma_start3A_513 = arith.constant 0 : i32
    %dma_start3A_514 = tpu.memref_slice %arg5[%dma_start3A_509, %dma_start3A_513] : memref<64x128xi32, #tpu.memory_space<vmem>> -> memref<1x128xi32, #tpu.memory_space<vmem>>
    %dma_start3A_515 = tpu.memref_squeeze %dma_start3A_514 : memref<1x128xi32, #tpu.memory_space<vmem>> -> memref<128xi32, #tpu.memory_space<vmem>>
    %dma_start3A_516 = arith.constant 0 : i32
    %dma_start3A_517 = arith.constant 0 : i32
    %dma_start3A_518 = tpu.memref_slice %arg2[%dma_start3A_516, %dma_start3A_517] : memref<16384x64xf32, #tpu.memory_space<hbm>> -> memref<16384x64xf32, #tpu.memory_space<hbm>>
    tpu.enqueue_indirect_dma source(%dma_start3A_518 : memref<16384x64xf32, #tpu.memory_space<hbm>>) target(%dma_start3A_512 : memref<128x64xf32, #tpu.memory_space<vmem>>) offsets(%dma_start3A_515 : memref<128xi32, #tpu.memory_space<vmem>>) semaphore(%arg7 : memref<!tpu.dma_semaphore, #tpu.memory_space<semaphore_mem>>)
    %dma_start3A_519 = arith.constant 27 : i32
    %dma_start3A_520 = arith.constant 384 : i32
    %dma_start3A_521 = arith.constant 0 : i32
    %dma_start3A_522 = tpu.memref_slice %arg6[%dma_start3A_520, %dma_start3A_521] : memref<1024x64xf32, #tpu.memory_space<vmem>> -> memref<128x64xf32, #tpu.memory_space<vmem>>
    %dma_start3A_523 = arith.constant 0 : i32
    %dma_start3A_524 = tpu.memref_slice %arg5[%dma_start3A_519, %dma_start3A_523] : memref<64x128xi32, #tpu.memory_space<vmem>> -> memref<1x128xi32, #tpu.memory_space<vmem>>
    %dma_start3A_525 = tpu.memref_squeeze %dma_start3A_524 : memref<1x128xi32, #tpu.memory_space<vmem>> -> memref<128xi32, #tpu.memory_space<vmem>>
    %dma_start3A_526 = arith.constant 0 : i32
    %dma_start3A_527 = arith.constant 0 : i32
    %dma_start3A_528 = tpu.memref_slice %arg2[%dma_start3A_526, %dma_start3A_527] : memref<16384x64xf32, #tpu.memory_space<hbm>> -> memref<16384x64xf32, #tpu.memory_space<hbm>>
    tpu.enqueue_indirect_dma source(%dma_start3A_528 : memref<16384x64xf32, #tpu.memory_space<hbm>>) target(%dma_start3A_522 : memref<128x64xf32, #tpu.memory_space<vmem>>) offsets(%dma_start3A_525 : memref<128xi32, #tpu.memory_space<vmem>>) semaphore(%arg7 : memref<!tpu.dma_semaphore, #tpu.memory_space<semaphore_mem>>)
    %dma_start3A_529 = arith.constant 28 : i32
    %dma_start3A_530 = arith.constant 512 : i32
    %dma_start3A_531 = arith.constant 0 : i32
    %dma_start3A_532 = tpu.memref_slice %arg6[%dma_start3A_530, %dma_start3A_531] : memref<1024x64xf32, #tpu.memory_space<vmem>> -> memref<128x64xf32, #tpu.memory_space<vmem>>
    %dma_start3A_533 = arith.constant 0 : i32
    %dma_start3A_534 = tpu.memref_slice %arg5[%dma_start3A_529, %dma_start3A_533] : memref<64x128xi32, #tpu.memory_space<vmem>> -> memref<1x128xi32, #tpu.memory_space<vmem>>
    %dma_start3A_535 = tpu.memref_squeeze %dma_start3A_534 : memref<1x128xi32, #tpu.memory_space<vmem>> -> memref<128xi32, #tpu.memory_space<vmem>>
    %dma_start3A_536 = arith.constant 0 : i32
    %dma_start3A_537 = arith.constant 0 : i32
    %dma_start3A_538 = tpu.memref_slice %arg2[%dma_start3A_536, %dma_start3A_537] : memref<16384x64xf32, #tpu.memory_space<hbm>> -> memref<16384x64xf32, #tpu.memory_space<hbm>>
    tpu.enqueue_indirect_dma source(%dma_start3A_538 : memref<16384x64xf32, #tpu.memory_space<hbm>>) target(%dma_start3A_532 : memref<128x64xf32, #tpu.memory_space<vmem>>) offsets(%dma_start3A_535 : memref<128xi32, #tpu.memory_space<vmem>>) semaphore(%arg7 : memref<!tpu.dma_semaphore, #tpu.memory_space<semaphore_mem>>)
    %dma_start3A_539 = arith.constant 29 : i32
    %dma_start3A_540 = arith.constant 640 : i32
    %dma_start3A_541 = arith.constant 0 : i32
    %dma_start3A_542 = tpu.memref_slice %arg6[%dma_start3A_540, %dma_start3A_541] : memref<1024x64xf32, #tpu.memory_space<vmem>> -> memref<128x64xf32, #tpu.memory_space<vmem>>
    %dma_start3A_543 = arith.constant 0 : i32
    %dma_start3A_544 = tpu.memref_slice %arg5[%dma_start3A_539, %dma_start3A_543] : memref<64x128xi32, #tpu.memory_space<vmem>> -> memref<1x128xi32, #tpu.memory_space<vmem>>
    %dma_start3A_545 = tpu.memref_squeeze %dma_start3A_544 : memref<1x128xi32, #tpu.memory_space<vmem>> -> memref<128xi32, #tpu.memory_space<vmem>>
    %dma_start3A_546 = arith.constant 0 : i32
    %dma_start3A_547 = arith.constant 0 : i32
    %dma_start3A_548 = tpu.memref_slice %arg2[%dma_start3A_546, %dma_start3A_547] : memref<16384x64xf32, #tpu.memory_space<hbm>> -> memref<16384x64xf32, #tpu.memory_space<hbm>>
    tpu.enqueue_indirect_dma source(%dma_start3A_548 : memref<16384x64xf32, #tpu.memory_space<hbm>>) target(%dma_start3A_542 : memref<128x64xf32, #tpu.memory_space<vmem>>) offsets(%dma_start3A_545 : memref<128xi32, #tpu.memory_space<vmem>>) semaphore(%arg7 : memref<!tpu.dma_semaphore, #tpu.memory_space<semaphore_mem>>)
    %dma_start3A_549 = arith.constant 30 : i32
    %dma_start3A_550 = arith.constant 768 : i32
    %dma_start3A_551 = arith.constant 0 : i32
    %dma_start3A_552 = tpu.memref_slice %arg6[%dma_start3A_550, %dma_start3A_551] : memref<1024x64xf32, #tpu.memory_space<vmem>> -> memref<128x64xf32, #tpu.memory_space<vmem>>
    %dma_start3A_553 = arith.constant 0 : i32
    %dma_start3A_554 = tpu.memref_slice %arg5[%dma_start3A_549, %dma_start3A_553] : memref<64x128xi32, #tpu.memory_space<vmem>> -> memref<1x128xi32, #tpu.memory_space<vmem>>
    %dma_start3A_555 = tpu.memref_squeeze %dma_start3A_554 : memref<1x128xi32, #tpu.memory_space<vmem>> -> memref<128xi32, #tpu.memory_space<vmem>>
    %dma_start3A_556 = arith.constant 0 : i32
    %dma_start3A_557 = arith.constant 0 : i32
    %dma_start3A_558 = tpu.memref_slice %arg2[%dma_start3A_556, %dma_start3A_557] : memref<16384x64xf32, #tpu.memory_space<hbm>> -> memref<16384x64xf32, #tpu.memory_space<hbm>>
    tpu.enqueue_indirect_dma source(%dma_start3A_558 : memref<16384x64xf32, #tpu.memory_space<hbm>>) target(%dma_start3A_552 : memref<128x64xf32, #tpu.memory_space<vmem>>) offsets(%dma_start3A_555 : memref<128xi32, #tpu.memory_space<vmem>>) semaphore(%arg7 : memref<!tpu.dma_semaphore, #tpu.memory_space<semaphore_mem>>)
    %dma_start3A_559 = arith.constant 31 : i32
    %dma_start3A_560 = arith.constant 896 : i32
    %dma_start3A_561 = arith.constant 0 : i32
    %dma_start3A_562 = tpu.memref_slice %arg6[%dma_start3A_560, %dma_start3A_561] : memref<1024x64xf32, #tpu.memory_space<vmem>> -> memref<128x64xf32, #tpu.memory_space<vmem>>
    %dma_start3A_563 = arith.constant 0 : i32
    %dma_start3A_564 = tpu.memref_slice %arg5[%dma_start3A_559, %dma_start3A_563] : memref<64x128xi32, #tpu.memory_space<vmem>> -> memref<1x128xi32, #tpu.memory_space<vmem>>
    %dma_start3A_565 = tpu.memref_squeeze %dma_start3A_564 : memref<1x128xi32, #tpu.memory_space<vmem>> -> memref<128xi32, #tpu.memory_space<vmem>>
    %dma_start3A_566 = arith.constant 0 : i32
    %dma_start3A_567 = arith.constant 0 : i32
    %dma_start3A_568 = tpu.memref_slice %arg2[%dma_start3A_566, %dma_start3A_567] : memref<16384x64xf32, #tpu.memory_space<hbm>> -> memref<16384x64xf32, #tpu.memory_space<hbm>>
    tpu.enqueue_indirect_dma source(%dma_start3A_568 : memref<16384x64xf32, #tpu.memory_space<hbm>>) target(%dma_start3A_562 : memref<128x64xf32, #tpu.memory_space<vmem>>) offsets(%dma_start3A_565 : memref<128xi32, #tpu.memory_space<vmem>>) semaphore(%arg7 : memref<!tpu.dma_semaphore, #tpu.memory_space<semaphore_mem>>)
    %dma_wait3A_569 = arith.constant 24 : i32
    %dma_wait3A_570 = arith.constant 0 : i32
    %dma_wait3A_571 = arith.constant 0 : i32
    %dma_wait3A_572 = tpu.memref_slice %arg6[%dma_wait3A_570, %dma_wait3A_571] : memref<1024x64xf32, #tpu.memory_space<vmem>> -> memref<128x64xf32, #tpu.memory_space<vmem>>
    %dma_wait3A_573 = arith.constant 0 : i32
    %dma_wait3A_574 = tpu.memref_slice %arg5[%dma_wait3A_569, %dma_wait3A_573] : memref<64x128xi32, #tpu.memory_space<vmem>> -> memref<1x128xi32, #tpu.memory_space<vmem>>
    %dma_wait3A_575 = tpu.memref_squeeze %dma_wait3A_574 : memref<1x128xi32, #tpu.memory_space<vmem>> -> memref<128xi32, #tpu.memory_space<vmem>>
    %dma_wait3A_576 = arith.constant 0 : i32
    %dma_wait3A_577 = arith.constant 0 : i32
    %dma_wait3A_578 = tpu.memref_slice %arg2[%dma_wait3A_576, %dma_wait3A_577] : memref<16384x64xf32, #tpu.memory_space<hbm>> -> memref<16384x64xf32, #tpu.memory_space<hbm>>
    tpu.wait_indirect_dma semaphore(%arg7 : memref<!tpu.dma_semaphore, #tpu.memory_space<semaphore_mem>>) src(%dma_wait3A_578 : memref<16384x64xf32, #tpu.memory_space<hbm>>) dst(%dma_wait3A_572 : memref<128x64xf32, #tpu.memory_space<vmem>>)
    %dma_wait3A_579 = arith.constant 25 : i32
    %dma_wait3A_580 = arith.constant 128 : i32
    %dma_wait3A_581 = arith.constant 0 : i32
    %dma_wait3A_582 = tpu.memref_slice %arg6[%dma_wait3A_580, %dma_wait3A_581] : memref<1024x64xf32, #tpu.memory_space<vmem>> -> memref<128x64xf32, #tpu.memory_space<vmem>>
    %dma_wait3A_583 = arith.constant 0 : i32
    %dma_wait3A_584 = tpu.memref_slice %arg5[%dma_wait3A_579, %dma_wait3A_583] : memref<64x128xi32, #tpu.memory_space<vmem>> -> memref<1x128xi32, #tpu.memory_space<vmem>>
    %dma_wait3A_585 = tpu.memref_squeeze %dma_wait3A_584 : memref<1x128xi32, #tpu.memory_space<vmem>> -> memref<128xi32, #tpu.memory_space<vmem>>
    %dma_wait3A_586 = arith.constant 0 : i32
    %dma_wait3A_587 = arith.constant 0 : i32
    %dma_wait3A_588 = tpu.memref_slice %arg2[%dma_wait3A_586, %dma_wait3A_587] : memref<16384x64xf32, #tpu.memory_space<hbm>> -> memref<16384x64xf32, #tpu.memory_space<hbm>>
    tpu.wait_indirect_dma semaphore(%arg7 : memref<!tpu.dma_semaphore, #tpu.memory_space<semaphore_mem>>) src(%dma_wait3A_588 : memref<16384x64xf32, #tpu.memory_space<hbm>>) dst(%dma_wait3A_582 : memref<128x64xf32, #tpu.memory_space<vmem>>)
    %dma_wait3A_589 = arith.constant 26 : i32
    %dma_wait3A_590 = arith.constant 256 : i32
    %dma_wait3A_591 = arith.constant 0 : i32
    %dma_wait3A_592 = tpu.memref_slice %arg6[%dma_wait3A_590, %dma_wait3A_591] : memref<1024x64xf32, #tpu.memory_space<vmem>> -> memref<128x64xf32, #tpu.memory_space<vmem>>
    %dma_wait3A_593 = arith.constant 0 : i32
    %dma_wait3A_594 = tpu.memref_slice %arg5[%dma_wait3A_589, %dma_wait3A_593] : memref<64x128xi32, #tpu.memory_space<vmem>> -> memref<1x128xi32, #tpu.memory_space<vmem>>
    %dma_wait3A_595 = tpu.memref_squeeze %dma_wait3A_594 : memref<1x128xi32, #tpu.memory_space<vmem>> -> memref<128xi32, #tpu.memory_space<vmem>>
    %dma_wait3A_596 = arith.constant 0 : i32
    %dma_wait3A_597 = arith.constant 0 : i32
    %dma_wait3A_598 = tpu.memref_slice %arg2[%dma_wait3A_596, %dma_wait3A_597] : memref<16384x64xf32, #tpu.memory_space<hbm>> -> memref<16384x64xf32, #tpu.memory_space<hbm>>
    tpu.wait_indirect_dma semaphore(%arg7 : memref<!tpu.dma_semaphore, #tpu.memory_space<semaphore_mem>>) src(%dma_wait3A_598 : memref<16384x64xf32, #tpu.memory_space<hbm>>) dst(%dma_wait3A_592 : memref<128x64xf32, #tpu.memory_space<vmem>>)
    %dma_wait3A_599 = arith.constant 27 : i32
    %dma_wait3A_600 = arith.constant 384 : i32
    %dma_wait3A_601 = arith.constant 0 : i32
    %dma_wait3A_602 = tpu.memref_slice %arg6[%dma_wait3A_600, %dma_wait3A_601] : memref<1024x64xf32, #tpu.memory_space<vmem>> -> memref<128x64xf32, #tpu.memory_space<vmem>>
    %dma_wait3A_603 = arith.constant 0 : i32
    %dma_wait3A_604 = tpu.memref_slice %arg5[%dma_wait3A_599, %dma_wait3A_603] : memref<64x128xi32, #tpu.memory_space<vmem>> -> memref<1x128xi32, #tpu.memory_space<vmem>>
    %dma_wait3A_605 = tpu.memref_squeeze %dma_wait3A_604 : memref<1x128xi32, #tpu.memory_space<vmem>> -> memref<128xi32, #tpu.memory_space<vmem>>
    %dma_wait3A_606 = arith.constant 0 : i32
    %dma_wait3A_607 = arith.constant 0 : i32
    %dma_wait3A_608 = tpu.memref_slice %arg2[%dma_wait3A_606, %dma_wait3A_607] : memref<16384x64xf32, #tpu.memory_space<hbm>> -> memref<16384x64xf32, #tpu.memory_space<hbm>>
    tpu.wait_indirect_dma semaphore(%arg7 : memref<!tpu.dma_semaphore, #tpu.memory_space<semaphore_mem>>) src(%dma_wait3A_608 : memref<16384x64xf32, #tpu.memory_space<hbm>>) dst(%dma_wait3A_602 : memref<128x64xf32, #tpu.memory_space<vmem>>)
    %dma_wait3A_609 = arith.constant 28 : i32
    %dma_wait3A_610 = arith.constant 512 : i32
    %dma_wait3A_611 = arith.constant 0 : i32
    %dma_wait3A_612 = tpu.memref_slice %arg6[%dma_wait3A_610, %dma_wait3A_611] : memref<1024x64xf32, #tpu.memory_space<vmem>> -> memref<128x64xf32, #tpu.memory_space<vmem>>
    %dma_wait3A_613 = arith.constant 0 : i32
    %dma_wait3A_614 = tpu.memref_slice %arg5[%dma_wait3A_609, %dma_wait3A_613] : memref<64x128xi32, #tpu.memory_space<vmem>> -> memref<1x128xi32, #tpu.memory_space<vmem>>
    %dma_wait3A_615 = tpu.memref_squeeze %dma_wait3A_614 : memref<1x128xi32, #tpu.memory_space<vmem>> -> memref<128xi32, #tpu.memory_space<vmem>>
    %dma_wait3A_616 = arith.constant 0 : i32
    %dma_wait3A_617 = arith.constant 0 : i32
    %dma_wait3A_618 = tpu.memref_slice %arg2[%dma_wait3A_616, %dma_wait3A_617] : memref<16384x64xf32, #tpu.memory_space<hbm>> -> memref<16384x64xf32, #tpu.memory_space<hbm>>
    tpu.wait_indirect_dma semaphore(%arg7 : memref<!tpu.dma_semaphore, #tpu.memory_space<semaphore_mem>>) src(%dma_wait3A_618 : memref<16384x64xf32, #tpu.memory_space<hbm>>) dst(%dma_wait3A_612 : memref<128x64xf32, #tpu.memory_space<vmem>>)
    %dma_wait3A_619 = arith.constant 29 : i32
    %dma_wait3A_620 = arith.constant 640 : i32
    %dma_wait3A_621 = arith.constant 0 : i32
    %dma_wait3A_622 = tpu.memref_slice %arg6[%dma_wait3A_620, %dma_wait3A_621] : memref<1024x64xf32, #tpu.memory_space<vmem>> -> memref<128x64xf32, #tpu.memory_space<vmem>>
    %dma_wait3A_623 = arith.constant 0 : i32
    %dma_wait3A_624 = tpu.memref_slice %arg5[%dma_wait3A_619, %dma_wait3A_623] : memref<64x128xi32, #tpu.memory_space<vmem>> -> memref<1x128xi32, #tpu.memory_space<vmem>>
    %dma_wait3A_625 = tpu.memref_squeeze %dma_wait3A_624 : memref<1x128xi32, #tpu.memory_space<vmem>> -> memref<128xi32, #tpu.memory_space<vmem>>
    %dma_wait3A_626 = arith.constant 0 : i32
    %dma_wait3A_627 = arith.constant 0 : i32
    %dma_wait3A_628 = tpu.memref_slice %arg2[%dma_wait3A_626, %dma_wait3A_627] : memref<16384x64xf32, #tpu.memory_space<hbm>> -> memref<16384x64xf32, #tpu.memory_space<hbm>>
    tpu.wait_indirect_dma semaphore(%arg7 : memref<!tpu.dma_semaphore, #tpu.memory_space<semaphore_mem>>) src(%dma_wait3A_628 : memref<16384x64xf32, #tpu.memory_space<hbm>>) dst(%dma_wait3A_622 : memref<128x64xf32, #tpu.memory_space<vmem>>)
    %dma_wait3A_629 = arith.constant 30 : i32
    %dma_wait3A_630 = arith.constant 768 : i32
    %dma_wait3A_631 = arith.constant 0 : i32
    %dma_wait3A_632 = tpu.memref_slice %arg6[%dma_wait3A_630, %dma_wait3A_631] : memref<1024x64xf32, #tpu.memory_space<vmem>> -> memref<128x64xf32, #tpu.memory_space<vmem>>
    %dma_wait3A_633 = arith.constant 0 : i32
    %dma_wait3A_634 = tpu.memref_slice %arg5[%dma_wait3A_629, %dma_wait3A_633] : memref<64x128xi32, #tpu.memory_space<vmem>> -> memref<1x128xi32, #tpu.memory_space<vmem>>
    %dma_wait3A_635 = tpu.memref_squeeze %dma_wait3A_634 : memref<1x128xi32, #tpu.memory_space<vmem>> -> memref<128xi32, #tpu.memory_space<vmem>>
    %dma_wait3A_636 = arith.constant 0 : i32
    %dma_wait3A_637 = arith.constant 0 : i32
    %dma_wait3A_638 = tpu.memref_slice %arg2[%dma_wait3A_636, %dma_wait3A_637] : memref<16384x64xf32, #tpu.memory_space<hbm>> -> memref<16384x64xf32, #tpu.memory_space<hbm>>
    tpu.wait_indirect_dma semaphore(%arg7 : memref<!tpu.dma_semaphore, #tpu.memory_space<semaphore_mem>>) src(%dma_wait3A_638 : memref<16384x64xf32, #tpu.memory_space<hbm>>) dst(%dma_wait3A_632 : memref<128x64xf32, #tpu.memory_space<vmem>>)
    %dma_wait3A_639 = arith.constant 31 : i32
    %dma_wait3A_640 = arith.constant 896 : i32
    %dma_wait3A_641 = arith.constant 0 : i32
    %dma_wait3A_642 = tpu.memref_slice %arg6[%dma_wait3A_640, %dma_wait3A_641] : memref<1024x64xf32, #tpu.memory_space<vmem>> -> memref<128x64xf32, #tpu.memory_space<vmem>>
    %dma_wait3A_643 = arith.constant 0 : i32
    %dma_wait3A_644 = tpu.memref_slice %arg5[%dma_wait3A_639, %dma_wait3A_643] : memref<64x128xi32, #tpu.memory_space<vmem>> -> memref<1x128xi32, #tpu.memory_space<vmem>>
    %dma_wait3A_645 = tpu.memref_squeeze %dma_wait3A_644 : memref<1x128xi32, #tpu.memory_space<vmem>> -> memref<128xi32, #tpu.memory_space<vmem>>
    %dma_wait3A_646 = arith.constant 0 : i32
    %dma_wait3A_647 = arith.constant 0 : i32
    %dma_wait3A_648 = tpu.memref_slice %arg2[%dma_wait3A_646, %dma_wait3A_647] : memref<16384x64xf32, #tpu.memory_space<hbm>> -> memref<16384x64xf32, #tpu.memory_space<hbm>>
    tpu.wait_indirect_dma semaphore(%arg7 : memref<!tpu.dma_semaphore, #tpu.memory_space<semaphore_mem>>) src(%dma_wait3A_648 : memref<16384x64xf32, #tpu.memory_space<hbm>>) dst(%dma_wait3A_642 : memref<128x64xf32, #tpu.memory_space<vmem>>)
    %add3A_649 = arith.constant 3072 : i32
    %add3A_650 = arith.addi %mul3A_2, %add3A_649 : i32
    "tpu.region"() ({
      %run_scoped3A = tpu.sem_alloc : memref<!tpu.dma_semaphore, #tpu.memory_space<semaphore_mem>>
      %dma_start3A_1299 = arith.constant 0 : i32
      %dma_start3A_1300 = tpu.memref_slice %arg4[%add3A_650, %dma_start3A_1299] : memref<262144x64xf32, #tpu.memory_space<hbm>> -> memref<1024x64xf32, #tpu.memory_space<hbm>>
      %dma_start3A_1301 = arith.constant 0 : i32
      %dma_start3A_1302 = tpu.memref_slice %arg4[%add3A_650, %dma_start3A_1301] : memref<262144x64xf32, #tpu.memory_space<hbm>> -> memref<1024x64xf32, #tpu.memory_space<hbm>>
      tpu.enqueue_dma source(%arg6 : memref<1024x64xf32, #tpu.memory_space<vmem>>) target(%dma_start3A_1302 : memref<1024x64xf32, #tpu.memory_space<hbm>>) target_semaphore(%run_scoped3A : memref<!tpu.dma_semaphore, #tpu.memory_space<semaphore_mem>>)
      %dma_wait3A_1303 = arith.constant 0 : i32
      %dma_wait3A_1304 = tpu.memref_slice %arg4[%add3A_650, %dma_wait3A_1303] : memref<262144x64xf32, #tpu.memory_space<hbm>> -> memref<1024x64xf32, #tpu.memory_space<hbm>>
      %dma_wait3A_1305 = arith.constant 0 : i32
      %dma_wait3A_1306 = tpu.memref_slice %arg4[%add3A_650, %dma_wait3A_1305] : memref<262144x64xf32, #tpu.memory_space<hbm>> -> memref<1024x64xf32, #tpu.memory_space<hbm>>
      tpu.wait_dma2 semaphore(%run_scoped3A : memref<!tpu.dma_semaphore, #tpu.memory_space<semaphore_mem>>) src(%arg6 : memref<1024x64xf32, #tpu.memory_space<vmem>>) dst(%dma_wait3A_1306 : memref<1024x64xf32, #tpu.memory_space<hbm>>)
      tpu.yield
    }) : () -> ()
    %dma_start3A_651 = arith.constant 32 : i32
    %dma_start3A_652 = arith.constant 0 : i32
    %dma_start3A_653 = arith.constant 0 : i32
    %dma_start3A_654 = tpu.memref_slice %arg6[%dma_start3A_652, %dma_start3A_653] : memref<1024x64xf32, #tpu.memory_space<vmem>> -> memref<128x64xf32, #tpu.memory_space<vmem>>
    %dma_start3A_655 = arith.constant 0 : i32
    %dma_start3A_656 = tpu.memref_slice %arg5[%dma_start3A_651, %dma_start3A_655] : memref<64x128xi32, #tpu.memory_space<vmem>> -> memref<1x128xi32, #tpu.memory_space<vmem>>
    %dma_start3A_657 = tpu.memref_squeeze %dma_start3A_656 : memref<1x128xi32, #tpu.memory_space<vmem>> -> memref<128xi32, #tpu.memory_space<vmem>>
    %dma_start3A_658 = arith.constant 0 : i32
    %dma_start3A_659 = arith.constant 0 : i32
    %dma_start3A_660 = tpu.memref_slice %arg2[%dma_start3A_658, %dma_start3A_659] : memref<16384x64xf32, #tpu.memory_space<hbm>> -> memref<16384x64xf32, #tpu.memory_space<hbm>>
    tpu.enqueue_indirect_dma source(%dma_start3A_660 : memref<16384x64xf32, #tpu.memory_space<hbm>>) target(%dma_start3A_654 : memref<128x64xf32, #tpu.memory_space<vmem>>) offsets(%dma_start3A_657 : memref<128xi32, #tpu.memory_space<vmem>>) semaphore(%arg7 : memref<!tpu.dma_semaphore, #tpu.memory_space<semaphore_mem>>)
    %dma_start3A_661 = arith.constant 33 : i32
    %dma_start3A_662 = arith.constant 128 : i32
    %dma_start3A_663 = arith.constant 0 : i32
    %dma_start3A_664 = tpu.memref_slice %arg6[%dma_start3A_662, %dma_start3A_663] : memref<1024x64xf32, #tpu.memory_space<vmem>> -> memref<128x64xf32, #tpu.memory_space<vmem>>
    %dma_start3A_665 = arith.constant 0 : i32
    %dma_start3A_666 = tpu.memref_slice %arg5[%dma_start3A_661, %dma_start3A_665] : memref<64x128xi32, #tpu.memory_space<vmem>> -> memref<1x128xi32, #tpu.memory_space<vmem>>
    %dma_start3A_667 = tpu.memref_squeeze %dma_start3A_666 : memref<1x128xi32, #tpu.memory_space<vmem>> -> memref<128xi32, #tpu.memory_space<vmem>>
    %dma_start3A_668 = arith.constant 0 : i32
    %dma_start3A_669 = arith.constant 0 : i32
    %dma_start3A_670 = tpu.memref_slice %arg2[%dma_start3A_668, %dma_start3A_669] : memref<16384x64xf32, #tpu.memory_space<hbm>> -> memref<16384x64xf32, #tpu.memory_space<hbm>>
    tpu.enqueue_indirect_dma source(%dma_start3A_670 : memref<16384x64xf32, #tpu.memory_space<hbm>>) target(%dma_start3A_664 : memref<128x64xf32, #tpu.memory_space<vmem>>) offsets(%dma_start3A_667 : memref<128xi32, #tpu.memory_space<vmem>>) semaphore(%arg7 : memref<!tpu.dma_semaphore, #tpu.memory_space<semaphore_mem>>)
    %dma_start3A_671 = arith.constant 34 : i32
    %dma_start3A_672 = arith.constant 256 : i32
    %dma_start3A_673 = arith.constant 0 : i32
    %dma_start3A_674 = tpu.memref_slice %arg6[%dma_start3A_672, %dma_start3A_673] : memref<1024x64xf32, #tpu.memory_space<vmem>> -> memref<128x64xf32, #tpu.memory_space<vmem>>
    %dma_start3A_675 = arith.constant 0 : i32
    %dma_start3A_676 = tpu.memref_slice %arg5[%dma_start3A_671, %dma_start3A_675] : memref<64x128xi32, #tpu.memory_space<vmem>> -> memref<1x128xi32, #tpu.memory_space<vmem>>
    %dma_start3A_677 = tpu.memref_squeeze %dma_start3A_676 : memref<1x128xi32, #tpu.memory_space<vmem>> -> memref<128xi32, #tpu.memory_space<vmem>>
    %dma_start3A_678 = arith.constant 0 : i32
    %dma_start3A_679 = arith.constant 0 : i32
    %dma_start3A_680 = tpu.memref_slice %arg2[%dma_start3A_678, %dma_start3A_679] : memref<16384x64xf32, #tpu.memory_space<hbm>> -> memref<16384x64xf32, #tpu.memory_space<hbm>>
    tpu.enqueue_indirect_dma source(%dma_start3A_680 : memref<16384x64xf32, #tpu.memory_space<hbm>>) target(%dma_start3A_674 : memref<128x64xf32, #tpu.memory_space<vmem>>) offsets(%dma_start3A_677 : memref<128xi32, #tpu.memory_space<vmem>>) semaphore(%arg7 : memref<!tpu.dma_semaphore, #tpu.memory_space<semaphore_mem>>)
    %dma_start3A_681 = arith.constant 35 : i32
    %dma_start3A_682 = arith.constant 384 : i32
    %dma_start3A_683 = arith.constant 0 : i32
    %dma_start3A_684 = tpu.memref_slice %arg6[%dma_start3A_682, %dma_start3A_683] : memref<1024x64xf32, #tpu.memory_space<vmem>> -> memref<128x64xf32, #tpu.memory_space<vmem>>
    %dma_start3A_685 = arith.constant 0 : i32
    %dma_start3A_686 = tpu.memref_slice %arg5[%dma_start3A_681, %dma_start3A_685] : memref<64x128xi32, #tpu.memory_space<vmem>> -> memref<1x128xi32, #tpu.memory_space<vmem>>
    %dma_start3A_687 = tpu.memref_squeeze %dma_start3A_686 : memref<1x128xi32, #tpu.memory_space<vmem>> -> memref<128xi32, #tpu.memory_space<vmem>>
    %dma_start3A_688 = arith.constant 0 : i32
    %dma_start3A_689 = arith.constant 0 : i32
    %dma_start3A_690 = tpu.memref_slice %arg2[%dma_start3A_688, %dma_start3A_689] : memref<16384x64xf32, #tpu.memory_space<hbm>> -> memref<16384x64xf32, #tpu.memory_space<hbm>>
    tpu.enqueue_indirect_dma source(%dma_start3A_690 : memref<16384x64xf32, #tpu.memory_space<hbm>>) target(%dma_start3A_684 : memref<128x64xf32, #tpu.memory_space<vmem>>) offsets(%dma_start3A_687 : memref<128xi32, #tpu.memory_space<vmem>>) semaphore(%arg7 : memref<!tpu.dma_semaphore, #tpu.memory_space<semaphore_mem>>)
    %dma_start3A_691 = arith.constant 36 : i32
    %dma_start3A_692 = arith.constant 512 : i32
    %dma_start3A_693 = arith.constant 0 : i32
    %dma_start3A_694 = tpu.memref_slice %arg6[%dma_start3A_692, %dma_start3A_693] : memref<1024x64xf32, #tpu.memory_space<vmem>> -> memref<128x64xf32, #tpu.memory_space<vmem>>
    %dma_start3A_695 = arith.constant 0 : i32
    %dma_start3A_696 = tpu.memref_slice %arg5[%dma_start3A_691, %dma_start3A_695] : memref<64x128xi32, #tpu.memory_space<vmem>> -> memref<1x128xi32, #tpu.memory_space<vmem>>
    %dma_start3A_697 = tpu.memref_squeeze %dma_start3A_696 : memref<1x128xi32, #tpu.memory_space<vmem>> -> memref<128xi32, #tpu.memory_space<vmem>>
    %dma_start3A_698 = arith.constant 0 : i32
    %dma_start3A_699 = arith.constant 0 : i32
    %dma_start3A_700 = tpu.memref_slice %arg2[%dma_start3A_698, %dma_start3A_699] : memref<16384x64xf32, #tpu.memory_space<hbm>> -> memref<16384x64xf32, #tpu.memory_space<hbm>>
    tpu.enqueue_indirect_dma source(%dma_start3A_700 : memref<16384x64xf32, #tpu.memory_space<hbm>>) target(%dma_start3A_694 : memref<128x64xf32, #tpu.memory_space<vmem>>) offsets(%dma_start3A_697 : memref<128xi32, #tpu.memory_space<vmem>>) semaphore(%arg7 : memref<!tpu.dma_semaphore, #tpu.memory_space<semaphore_mem>>)
    %dma_start3A_701 = arith.constant 37 : i32
    %dma_start3A_702 = arith.constant 640 : i32
    %dma_start3A_703 = arith.constant 0 : i32
    %dma_start3A_704 = tpu.memref_slice %arg6[%dma_start3A_702, %dma_start3A_703] : memref<1024x64xf32, #tpu.memory_space<vmem>> -> memref<128x64xf32, #tpu.memory_space<vmem>>
    %dma_start3A_705 = arith.constant 0 : i32
    %dma_start3A_706 = tpu.memref_slice %arg5[%dma_start3A_701, %dma_start3A_705] : memref<64x128xi32, #tpu.memory_space<vmem>> -> memref<1x128xi32, #tpu.memory_space<vmem>>
    %dma_start3A_707 = tpu.memref_squeeze %dma_start3A_706 : memref<1x128xi32, #tpu.memory_space<vmem>> -> memref<128xi32, #tpu.memory_space<vmem>>
    %dma_start3A_708 = arith.constant 0 : i32
    %dma_start3A_709 = arith.constant 0 : i32
    %dma_start3A_710 = tpu.memref_slice %arg2[%dma_start3A_708, %dma_start3A_709] : memref<16384x64xf32, #tpu.memory_space<hbm>> -> memref<16384x64xf32, #tpu.memory_space<hbm>>
    tpu.enqueue_indirect_dma source(%dma_start3A_710 : memref<16384x64xf32, #tpu.memory_space<hbm>>) target(%dma_start3A_704 : memref<128x64xf32, #tpu.memory_space<vmem>>) offsets(%dma_start3A_707 : memref<128xi32, #tpu.memory_space<vmem>>) semaphore(%arg7 : memref<!tpu.dma_semaphore, #tpu.memory_space<semaphore_mem>>)
    %dma_start3A_711 = arith.constant 38 : i32
    %dma_start3A_712 = arith.constant 768 : i32
    %dma_start3A_713 = arith.constant 0 : i32
    %dma_start3A_714 = tpu.memref_slice %arg6[%dma_start3A_712, %dma_start3A_713] : memref<1024x64xf32, #tpu.memory_space<vmem>> -> memref<128x64xf32, #tpu.memory_space<vmem>>
    %dma_start3A_715 = arith.constant 0 : i32
    %dma_start3A_716 = tpu.memref_slice %arg5[%dma_start3A_711, %dma_start3A_715] : memref<64x128xi32, #tpu.memory_space<vmem>> -> memref<1x128xi32, #tpu.memory_space<vmem>>
    %dma_start3A_717 = tpu.memref_squeeze %dma_start3A_716 : memref<1x128xi32, #tpu.memory_space<vmem>> -> memref<128xi32, #tpu.memory_space<vmem>>
    %dma_start3A_718 = arith.constant 0 : i32
    %dma_start3A_719 = arith.constant 0 : i32
    %dma_start3A_720 = tpu.memref_slice %arg2[%dma_start3A_718, %dma_start3A_719] : memref<16384x64xf32, #tpu.memory_space<hbm>> -> memref<16384x64xf32, #tpu.memory_space<hbm>>
    tpu.enqueue_indirect_dma source(%dma_start3A_720 : memref<16384x64xf32, #tpu.memory_space<hbm>>) target(%dma_start3A_714 : memref<128x64xf32, #tpu.memory_space<vmem>>) offsets(%dma_start3A_717 : memref<128xi32, #tpu.memory_space<vmem>>) semaphore(%arg7 : memref<!tpu.dma_semaphore, #tpu.memory_space<semaphore_mem>>)
    %dma_start3A_721 = arith.constant 39 : i32
    %dma_start3A_722 = arith.constant 896 : i32
    %dma_start3A_723 = arith.constant 0 : i32
    %dma_start3A_724 = tpu.memref_slice %arg6[%dma_start3A_722, %dma_start3A_723] : memref<1024x64xf32, #tpu.memory_space<vmem>> -> memref<128x64xf32, #tpu.memory_space<vmem>>
    %dma_start3A_725 = arith.constant 0 : i32
    %dma_start3A_726 = tpu.memref_slice %arg5[%dma_start3A_721, %dma_start3A_725] : memref<64x128xi32, #tpu.memory_space<vmem>> -> memref<1x128xi32, #tpu.memory_space<vmem>>
    %dma_start3A_727 = tpu.memref_squeeze %dma_start3A_726 : memref<1x128xi32, #tpu.memory_space<vmem>> -> memref<128xi32, #tpu.memory_space<vmem>>
    %dma_start3A_728 = arith.constant 0 : i32
    %dma_start3A_729 = arith.constant 0 : i32
    %dma_start3A_730 = tpu.memref_slice %arg2[%dma_start3A_728, %dma_start3A_729] : memref<16384x64xf32, #tpu.memory_space<hbm>> -> memref<16384x64xf32, #tpu.memory_space<hbm>>
    tpu.enqueue_indirect_dma source(%dma_start3A_730 : memref<16384x64xf32, #tpu.memory_space<hbm>>) target(%dma_start3A_724 : memref<128x64xf32, #tpu.memory_space<vmem>>) offsets(%dma_start3A_727 : memref<128xi32, #tpu.memory_space<vmem>>) semaphore(%arg7 : memref<!tpu.dma_semaphore, #tpu.memory_space<semaphore_mem>>)
    %dma_wait3A_731 = arith.constant 32 : i32
    %dma_wait3A_732 = arith.constant 0 : i32
    %dma_wait3A_733 = arith.constant 0 : i32
    %dma_wait3A_734 = tpu.memref_slice %arg6[%dma_wait3A_732, %dma_wait3A_733] : memref<1024x64xf32, #tpu.memory_space<vmem>> -> memref<128x64xf32, #tpu.memory_space<vmem>>
    %dma_wait3A_735 = arith.constant 0 : i32
    %dma_wait3A_736 = tpu.memref_slice %arg5[%dma_wait3A_731, %dma_wait3A_735] : memref<64x128xi32, #tpu.memory_space<vmem>> -> memref<1x128xi32, #tpu.memory_space<vmem>>
    %dma_wait3A_737 = tpu.memref_squeeze %dma_wait3A_736 : memref<1x128xi32, #tpu.memory_space<vmem>> -> memref<128xi32, #tpu.memory_space<vmem>>
    %dma_wait3A_738 = arith.constant 0 : i32
    %dma_wait3A_739 = arith.constant 0 : i32
    %dma_wait3A_740 = tpu.memref_slice %arg2[%dma_wait3A_738, %dma_wait3A_739] : memref<16384x64xf32, #tpu.memory_space<hbm>> -> memref<16384x64xf32, #tpu.memory_space<hbm>>
    tpu.wait_indirect_dma semaphore(%arg7 : memref<!tpu.dma_semaphore, #tpu.memory_space<semaphore_mem>>) src(%dma_wait3A_740 : memref<16384x64xf32, #tpu.memory_space<hbm>>) dst(%dma_wait3A_734 : memref<128x64xf32, #tpu.memory_space<vmem>>)
    %dma_wait3A_741 = arith.constant 33 : i32
    %dma_wait3A_742 = arith.constant 128 : i32
    %dma_wait3A_743 = arith.constant 0 : i32
    %dma_wait3A_744 = tpu.memref_slice %arg6[%dma_wait3A_742, %dma_wait3A_743] : memref<1024x64xf32, #tpu.memory_space<vmem>> -> memref<128x64xf32, #tpu.memory_space<vmem>>
    %dma_wait3A_745 = arith.constant 0 : i32
    %dma_wait3A_746 = tpu.memref_slice %arg5[%dma_wait3A_741, %dma_wait3A_745] : memref<64x128xi32, #tpu.memory_space<vmem>> -> memref<1x128xi32, #tpu.memory_space<vmem>>
    %dma_wait3A_747 = tpu.memref_squeeze %dma_wait3A_746 : memref<1x128xi32, #tpu.memory_space<vmem>> -> memref<128xi32, #tpu.memory_space<vmem>>
    %dma_wait3A_748 = arith.constant 0 : i32
    %dma_wait3A_749 = arith.constant 0 : i32
    %dma_wait3A_750 = tpu.memref_slice %arg2[%dma_wait3A_748, %dma_wait3A_749] : memref<16384x64xf32, #tpu.memory_space<hbm>> -> memref<16384x64xf32, #tpu.memory_space<hbm>>
    tpu.wait_indirect_dma semaphore(%arg7 : memref<!tpu.dma_semaphore, #tpu.memory_space<semaphore_mem>>) src(%dma_wait3A_750 : memref<16384x64xf32, #tpu.memory_space<hbm>>) dst(%dma_wait3A_744 : memref<128x64xf32, #tpu.memory_space<vmem>>)
    %dma_wait3A_751 = arith.constant 34 : i32
    %dma_wait3A_752 = arith.constant 256 : i32
    %dma_wait3A_753 = arith.constant 0 : i32
    %dma_wait3A_754 = tpu.memref_slice %arg6[%dma_wait3A_752, %dma_wait3A_753] : memref<1024x64xf32, #tpu.memory_space<vmem>> -> memref<128x64xf32, #tpu.memory_space<vmem>>
    %dma_wait3A_755 = arith.constant 0 : i32
    %dma_wait3A_756 = tpu.memref_slice %arg5[%dma_wait3A_751, %dma_wait3A_755] : memref<64x128xi32, #tpu.memory_space<vmem>> -> memref<1x128xi32, #tpu.memory_space<vmem>>
    %dma_wait3A_757 = tpu.memref_squeeze %dma_wait3A_756 : memref<1x128xi32, #tpu.memory_space<vmem>> -> memref<128xi32, #tpu.memory_space<vmem>>
    %dma_wait3A_758 = arith.constant 0 : i32
    %dma_wait3A_759 = arith.constant 0 : i32
    %dma_wait3A_760 = tpu.memref_slice %arg2[%dma_wait3A_758, %dma_wait3A_759] : memref<16384x64xf32, #tpu.memory_space<hbm>> -> memref<16384x64xf32, #tpu.memory_space<hbm>>
    tpu.wait_indirect_dma semaphore(%arg7 : memref<!tpu.dma_semaphore, #tpu.memory_space<semaphore_mem>>) src(%dma_wait3A_760 : memref<16384x64xf32, #tpu.memory_space<hbm>>) dst(%dma_wait3A_754 : memref<128x64xf32, #tpu.memory_space<vmem>>)
    %dma_wait3A_761 = arith.constant 35 : i32
    %dma_wait3A_762 = arith.constant 384 : i32
    %dma_wait3A_763 = arith.constant 0 : i32
    %dma_wait3A_764 = tpu.memref_slice %arg6[%dma_wait3A_762, %dma_wait3A_763] : memref<1024x64xf32, #tpu.memory_space<vmem>> -> memref<128x64xf32, #tpu.memory_space<vmem>>
    %dma_wait3A_765 = arith.constant 0 : i32
    %dma_wait3A_766 = tpu.memref_slice %arg5[%dma_wait3A_761, %dma_wait3A_765] : memref<64x128xi32, #tpu.memory_space<vmem>> -> memref<1x128xi32, #tpu.memory_space<vmem>>
    %dma_wait3A_767 = tpu.memref_squeeze %dma_wait3A_766 : memref<1x128xi32, #tpu.memory_space<vmem>> -> memref<128xi32, #tpu.memory_space<vmem>>
    %dma_wait3A_768 = arith.constant 0 : i32
    %dma_wait3A_769 = arith.constant 0 : i32
    %dma_wait3A_770 = tpu.memref_slice %arg2[%dma_wait3A_768, %dma_wait3A_769] : memref<16384x64xf32, #tpu.memory_space<hbm>> -> memref<16384x64xf32, #tpu.memory_space<hbm>>
    tpu.wait_indirect_dma semaphore(%arg7 : memref<!tpu.dma_semaphore, #tpu.memory_space<semaphore_mem>>) src(%dma_wait3A_770 : memref<16384x64xf32, #tpu.memory_space<hbm>>) dst(%dma_wait3A_764 : memref<128x64xf32, #tpu.memory_space<vmem>>)
    %dma_wait3A_771 = arith.constant 36 : i32
    %dma_wait3A_772 = arith.constant 512 : i32
    %dma_wait3A_773 = arith.constant 0 : i32
    %dma_wait3A_774 = tpu.memref_slice %arg6[%dma_wait3A_772, %dma_wait3A_773] : memref<1024x64xf32, #tpu.memory_space<vmem>> -> memref<128x64xf32, #tpu.memory_space<vmem>>
    %dma_wait3A_775 = arith.constant 0 : i32
    %dma_wait3A_776 = tpu.memref_slice %arg5[%dma_wait3A_771, %dma_wait3A_775] : memref<64x128xi32, #tpu.memory_space<vmem>> -> memref<1x128xi32, #tpu.memory_space<vmem>>
    %dma_wait3A_777 = tpu.memref_squeeze %dma_wait3A_776 : memref<1x128xi32, #tpu.memory_space<vmem>> -> memref<128xi32, #tpu.memory_space<vmem>>
    %dma_wait3A_778 = arith.constant 0 : i32
    %dma_wait3A_779 = arith.constant 0 : i32
    %dma_wait3A_780 = tpu.memref_slice %arg2[%dma_wait3A_778, %dma_wait3A_779] : memref<16384x64xf32, #tpu.memory_space<hbm>> -> memref<16384x64xf32, #tpu.memory_space<hbm>>
    tpu.wait_indirect_dma semaphore(%arg7 : memref<!tpu.dma_semaphore, #tpu.memory_space<semaphore_mem>>) src(%dma_wait3A_780 : memref<16384x64xf32, #tpu.memory_space<hbm>>) dst(%dma_wait3A_774 : memref<128x64xf32, #tpu.memory_space<vmem>>)
    %dma_wait3A_781 = arith.constant 37 : i32
    %dma_wait3A_782 = arith.constant 640 : i32
    %dma_wait3A_783 = arith.constant 0 : i32
    %dma_wait3A_784 = tpu.memref_slice %arg6[%dma_wait3A_782, %dma_wait3A_783] : memref<1024x64xf32, #tpu.memory_space<vmem>> -> memref<128x64xf32, #tpu.memory_space<vmem>>
    %dma_wait3A_785 = arith.constant 0 : i32
    %dma_wait3A_786 = tpu.memref_slice %arg5[%dma_wait3A_781, %dma_wait3A_785] : memref<64x128xi32, #tpu.memory_space<vmem>> -> memref<1x128xi32, #tpu.memory_space<vmem>>
    %dma_wait3A_787 = tpu.memref_squeeze %dma_wait3A_786 : memref<1x128xi32, #tpu.memory_space<vmem>> -> memref<128xi32, #tpu.memory_space<vmem>>
    %dma_wait3A_788 = arith.constant 0 : i32
    %dma_wait3A_789 = arith.constant 0 : i32
    %dma_wait3A_790 = tpu.memref_slice %arg2[%dma_wait3A_788, %dma_wait3A_789] : memref<16384x64xf32, #tpu.memory_space<hbm>> -> memref<16384x64xf32, #tpu.memory_space<hbm>>
    tpu.wait_indirect_dma semaphore(%arg7 : memref<!tpu.dma_semaphore, #tpu.memory_space<semaphore_mem>>) src(%dma_wait3A_790 : memref<16384x64xf32, #tpu.memory_space<hbm>>) dst(%dma_wait3A_784 : memref<128x64xf32, #tpu.memory_space<vmem>>)
    %dma_wait3A_791 = arith.constant 38 : i32
    %dma_wait3A_792 = arith.constant 768 : i32
    %dma_wait3A_793 = arith.constant 0 : i32
    %dma_wait3A_794 = tpu.memref_slice %arg6[%dma_wait3A_792, %dma_wait3A_793] : memref<1024x64xf32, #tpu.memory_space<vmem>> -> memref<128x64xf32, #tpu.memory_space<vmem>>
    %dma_wait3A_795 = arith.constant 0 : i32
    %dma_wait3A_796 = tpu.memref_slice %arg5[%dma_wait3A_791, %dma_wait3A_795] : memref<64x128xi32, #tpu.memory_space<vmem>> -> memref<1x128xi32, #tpu.memory_space<vmem>>
    %dma_wait3A_797 = tpu.memref_squeeze %dma_wait3A_796 : memref<1x128xi32, #tpu.memory_space<vmem>> -> memref<128xi32, #tpu.memory_space<vmem>>
    %dma_wait3A_798 = arith.constant 0 : i32
    %dma_wait3A_799 = arith.constant 0 : i32
    %dma_wait3A_800 = tpu.memref_slice %arg2[%dma_wait3A_798, %dma_wait3A_799] : memref<16384x64xf32, #tpu.memory_space<hbm>> -> memref<16384x64xf32, #tpu.memory_space<hbm>>
    tpu.wait_indirect_dma semaphore(%arg7 : memref<!tpu.dma_semaphore, #tpu.memory_space<semaphore_mem>>) src(%dma_wait3A_800 : memref<16384x64xf32, #tpu.memory_space<hbm>>) dst(%dma_wait3A_794 : memref<128x64xf32, #tpu.memory_space<vmem>>)
    %dma_wait3A_801 = arith.constant 39 : i32
    %dma_wait3A_802 = arith.constant 896 : i32
    %dma_wait3A_803 = arith.constant 0 : i32
    %dma_wait3A_804 = tpu.memref_slice %arg6[%dma_wait3A_802, %dma_wait3A_803] : memref<1024x64xf32, #tpu.memory_space<vmem>> -> memref<128x64xf32, #tpu.memory_space<vmem>>
    %dma_wait3A_805 = arith.constant 0 : i32
    %dma_wait3A_806 = tpu.memref_slice %arg5[%dma_wait3A_801, %dma_wait3A_805] : memref<64x128xi32, #tpu.memory_space<vmem>> -> memref<1x128xi32, #tpu.memory_space<vmem>>
    %dma_wait3A_807 = tpu.memref_squeeze %dma_wait3A_806 : memref<1x128xi32, #tpu.memory_space<vmem>> -> memref<128xi32, #tpu.memory_space<vmem>>
    %dma_wait3A_808 = arith.constant 0 : i32
    %dma_wait3A_809 = arith.constant 0 : i32
    %dma_wait3A_810 = tpu.memref_slice %arg2[%dma_wait3A_808, %dma_wait3A_809] : memref<16384x64xf32, #tpu.memory_space<hbm>> -> memref<16384x64xf32, #tpu.memory_space<hbm>>
    tpu.wait_indirect_dma semaphore(%arg7 : memref<!tpu.dma_semaphore, #tpu.memory_space<semaphore_mem>>) src(%dma_wait3A_810 : memref<16384x64xf32, #tpu.memory_space<hbm>>) dst(%dma_wait3A_804 : memref<128x64xf32, #tpu.memory_space<vmem>>)
    %add3A_811 = arith.constant 4096 : i32
    %add3A_812 = arith.addi %mul3A_2, %add3A_811 : i32
    "tpu.region"() ({
      %run_scoped3A = tpu.sem_alloc : memref<!tpu.dma_semaphore, #tpu.memory_space<semaphore_mem>>
      %dma_start3A_1299 = arith.constant 0 : i32
      %dma_start3A_1300 = tpu.memref_slice %arg4[%add3A_812, %dma_start3A_1299] : memref<262144x64xf32, #tpu.memory_space<hbm>> -> memref<1024x64xf32, #tpu.memory_space<hbm>>
      %dma_start3A_1301 = arith.constant 0 : i32
      %dma_start3A_1302 = tpu.memref_slice %arg4[%add3A_812, %dma_start3A_1301] : memref<262144x64xf32, #tpu.memory_space<hbm>> -> memref<1024x64xf32, #tpu.memory_space<hbm>>
      tpu.enqueue_dma source(%arg6 : memref<1024x64xf32, #tpu.memory_space<vmem>>) target(%dma_start3A_1302 : memref<1024x64xf32, #tpu.memory_space<hbm>>) target_semaphore(%run_scoped3A : memref<!tpu.dma_semaphore, #tpu.memory_space<semaphore_mem>>)
      %dma_wait3A_1303 = arith.constant 0 : i32
      %dma_wait3A_1304 = tpu.memref_slice %arg4[%add3A_812, %dma_wait3A_1303] : memref<262144x64xf32, #tpu.memory_space<hbm>> -> memref<1024x64xf32, #tpu.memory_space<hbm>>
      %dma_wait3A_1305 = arith.constant 0 : i32
      %dma_wait3A_1306 = tpu.memref_slice %arg4[%add3A_812, %dma_wait3A_1305] : memref<262144x64xf32, #tpu.memory_space<hbm>> -> memref<1024x64xf32, #tpu.memory_space<hbm>>
      tpu.wait_dma2 semaphore(%run_scoped3A : memref<!tpu.dma_semaphore, #tpu.memory_space<semaphore_mem>>) src(%arg6 : memref<1024x64xf32, #tpu.memory_space<vmem>>) dst(%dma_wait3A_1306 : memref<1024x64xf32, #tpu.memory_space<hbm>>)
      tpu.yield
    }) : () -> ()
    %dma_start3A_813 = arith.constant 40 : i32
    %dma_start3A_814 = arith.constant 0 : i32
    %dma_start3A_815 = arith.constant 0 : i32
    %dma_start3A_816 = tpu.memref_slice %arg6[%dma_start3A_814, %dma_start3A_815] : memref<1024x64xf32, #tpu.memory_space<vmem>> -> memref<128x64xf32, #tpu.memory_space<vmem>>
    %dma_start3A_817 = arith.constant 0 : i32
    %dma_start3A_818 = tpu.memref_slice %arg5[%dma_start3A_813, %dma_start3A_817] : memref<64x128xi32, #tpu.memory_space<vmem>> -> memref<1x128xi32, #tpu.memory_space<vmem>>
    %dma_start3A_819 = tpu.memref_squeeze %dma_start3A_818 : memref<1x128xi32, #tpu.memory_space<vmem>> -> memref<128xi32, #tpu.memory_space<vmem>>
    %dma_start3A_820 = arith.constant 0 : i32
    %dma_start3A_821 = arith.constant 0 : i32
    %dma_start3A_822 = tpu.memref_slice %arg2[%dma_start3A_820, %dma_start3A_821] : memref<16384x64xf32, #tpu.memory_space<hbm>> -> memref<16384x64xf32, #tpu.memory_space<hbm>>
    tpu.enqueue_indirect_dma source(%dma_start3A_822 : memref<16384x64xf32, #tpu.memory_space<hbm>>) target(%dma_start3A_816 : memref<128x64xf32, #tpu.memory_space<vmem>>) offsets(%dma_start3A_819 : memref<128xi32, #tpu.memory_space<vmem>>) semaphore(%arg7 : memref<!tpu.dma_semaphore, #tpu.memory_space<semaphore_mem>>)
    %dma_start3A_823 = arith.constant 41 : i32
    %dma_start3A_824 = arith.constant 128 : i32
    %dma_start3A_825 = arith.constant 0 : i32
    %dma_start3A_826 = tpu.memref_slice %arg6[%dma_start3A_824, %dma_start3A_825] : memref<1024x64xf32, #tpu.memory_space<vmem>> -> memref<128x64xf32, #tpu.memory_space<vmem>>
    %dma_start3A_827 = arith.constant 0 : i32
    %dma_start3A_828 = tpu.memref_slice %arg5[%dma_start3A_823, %dma_start3A_827] : memref<64x128xi32, #tpu.memory_space<vmem>> -> memref<1x128xi32, #tpu.memory_space<vmem>>
    %dma_start3A_829 = tpu.memref_squeeze %dma_start3A_828 : memref<1x128xi32, #tpu.memory_space<vmem>> -> memref<128xi32, #tpu.memory_space<vmem>>
    %dma_start3A_830 = arith.constant 0 : i32
    %dma_start3A_831 = arith.constant 0 : i32
    %dma_start3A_832 = tpu.memref_slice %arg2[%dma_start3A_830, %dma_start3A_831] : memref<16384x64xf32, #tpu.memory_space<hbm>> -> memref<16384x64xf32, #tpu.memory_space<hbm>>
    tpu.enqueue_indirect_dma source(%dma_start3A_832 : memref<16384x64xf32, #tpu.memory_space<hbm>>) target(%dma_start3A_826 : memref<128x64xf32, #tpu.memory_space<vmem>>) offsets(%dma_start3A_829 : memref<128xi32, #tpu.memory_space<vmem>>) semaphore(%arg7 : memref<!tpu.dma_semaphore, #tpu.memory_space<semaphore_mem>>)
    %dma_start3A_833 = arith.constant 42 : i32
    %dma_start3A_834 = arith.constant 256 : i32
    %dma_start3A_835 = arith.constant 0 : i32
    %dma_start3A_836 = tpu.memref_slice %arg6[%dma_start3A_834, %dma_start3A_835] : memref<1024x64xf32, #tpu.memory_space<vmem>> -> memref<128x64xf32, #tpu.memory_space<vmem>>
    %dma_start3A_837 = arith.constant 0 : i32
    %dma_start3A_838 = tpu.memref_slice %arg5[%dma_start3A_833, %dma_start3A_837] : memref<64x128xi32, #tpu.memory_space<vmem>> -> memref<1x128xi32, #tpu.memory_space<vmem>>
    %dma_start3A_839 = tpu.memref_squeeze %dma_start3A_838 : memref<1x128xi32, #tpu.memory_space<vmem>> -> memref<128xi32, #tpu.memory_space<vmem>>
    %dma_start3A_840 = arith.constant 0 : i32
    %dma_start3A_841 = arith.constant 0 : i32
    %dma_start3A_842 = tpu.memref_slice %arg2[%dma_start3A_840, %dma_start3A_841] : memref<16384x64xf32, #tpu.memory_space<hbm>> -> memref<16384x64xf32, #tpu.memory_space<hbm>>
    tpu.enqueue_indirect_dma source(%dma_start3A_842 : memref<16384x64xf32, #tpu.memory_space<hbm>>) target(%dma_start3A_836 : memref<128x64xf32, #tpu.memory_space<vmem>>) offsets(%dma_start3A_839 : memref<128xi32, #tpu.memory_space<vmem>>) semaphore(%arg7 : memref<!tpu.dma_semaphore, #tpu.memory_space<semaphore_mem>>)
    %dma_start3A_843 = arith.constant 43 : i32
    %dma_start3A_844 = arith.constant 384 : i32
    %dma_start3A_845 = arith.constant 0 : i32
    %dma_start3A_846 = tpu.memref_slice %arg6[%dma_start3A_844, %dma_start3A_845] : memref<1024x64xf32, #tpu.memory_space<vmem>> -> memref<128x64xf32, #tpu.memory_space<vmem>>
    %dma_start3A_847 = arith.constant 0 : i32
    %dma_start3A_848 = tpu.memref_slice %arg5[%dma_start3A_843, %dma_start3A_847] : memref<64x128xi32, #tpu.memory_space<vmem>> -> memref<1x128xi32, #tpu.memory_space<vmem>>
    %dma_start3A_849 = tpu.memref_squeeze %dma_start3A_848 : memref<1x128xi32, #tpu.memory_space<vmem>> -> memref<128xi32, #tpu.memory_space<vmem>>
    %dma_start3A_850 = arith.constant 0 : i32
    %dma_start3A_851 = arith.constant 0 : i32
    %dma_start3A_852 = tpu.memref_slice %arg2[%dma_start3A_850, %dma_start3A_851] : memref<16384x64xf32, #tpu.memory_space<hbm>> -> memref<16384x64xf32, #tpu.memory_space<hbm>>
    tpu.enqueue_indirect_dma source(%dma_start3A_852 : memref<16384x64xf32, #tpu.memory_space<hbm>>) target(%dma_start3A_846 : memref<128x64xf32, #tpu.memory_space<vmem>>) offsets(%dma_start3A_849 : memref<128xi32, #tpu.memory_space<vmem>>) semaphore(%arg7 : memref<!tpu.dma_semaphore, #tpu.memory_space<semaphore_mem>>)
    %dma_start3A_853 = arith.constant 44 : i32
    %dma_start3A_854 = arith.constant 512 : i32
    %dma_start3A_855 = arith.constant 0 : i32
    %dma_start3A_856 = tpu.memref_slice %arg6[%dma_start3A_854, %dma_start3A_855] : memref<1024x64xf32, #tpu.memory_space<vmem>> -> memref<128x64xf32, #tpu.memory_space<vmem>>
    %dma_start3A_857 = arith.constant 0 : i32
    %dma_start3A_858 = tpu.memref_slice %arg5[%dma_start3A_853, %dma_start3A_857] : memref<64x128xi32, #tpu.memory_space<vmem>> -> memref<1x128xi32, #tpu.memory_space<vmem>>
    %dma_start3A_859 = tpu.memref_squeeze %dma_start3A_858 : memref<1x128xi32, #tpu.memory_space<vmem>> -> memref<128xi32, #tpu.memory_space<vmem>>
    %dma_start3A_860 = arith.constant 0 : i32
    %dma_start3A_861 = arith.constant 0 : i32
    %dma_start3A_862 = tpu.memref_slice %arg2[%dma_start3A_860, %dma_start3A_861] : memref<16384x64xf32, #tpu.memory_space<hbm>> -> memref<16384x64xf32, #tpu.memory_space<hbm>>
    tpu.enqueue_indirect_dma source(%dma_start3A_862 : memref<16384x64xf32, #tpu.memory_space<hbm>>) target(%dma_start3A_856 : memref<128x64xf32, #tpu.memory_space<vmem>>) offsets(%dma_start3A_859 : memref<128xi32, #tpu.memory_space<vmem>>) semaphore(%arg7 : memref<!tpu.dma_semaphore, #tpu.memory_space<semaphore_mem>>)
    %dma_start3A_863 = arith.constant 45 : i32
    %dma_start3A_864 = arith.constant 640 : i32
    %dma_start3A_865 = arith.constant 0 : i32
    %dma_start3A_866 = tpu.memref_slice %arg6[%dma_start3A_864, %dma_start3A_865] : memref<1024x64xf32, #tpu.memory_space<vmem>> -> memref<128x64xf32, #tpu.memory_space<vmem>>
    %dma_start3A_867 = arith.constant 0 : i32
    %dma_start3A_868 = tpu.memref_slice %arg5[%dma_start3A_863, %dma_start3A_867] : memref<64x128xi32, #tpu.memory_space<vmem>> -> memref<1x128xi32, #tpu.memory_space<vmem>>
    %dma_start3A_869 = tpu.memref_squeeze %dma_start3A_868 : memref<1x128xi32, #tpu.memory_space<vmem>> -> memref<128xi32, #tpu.memory_space<vmem>>
    %dma_start3A_870 = arith.constant 0 : i32
    %dma_start3A_871 = arith.constant 0 : i32
    %dma_start3A_872 = tpu.memref_slice %arg2[%dma_start3A_870, %dma_start3A_871] : memref<16384x64xf32, #tpu.memory_space<hbm>> -> memref<16384x64xf32, #tpu.memory_space<hbm>>
    tpu.enqueue_indirect_dma source(%dma_start3A_872 : memref<16384x64xf32, #tpu.memory_space<hbm>>) target(%dma_start3A_866 : memref<128x64xf32, #tpu.memory_space<vmem>>) offsets(%dma_start3A_869 : memref<128xi32, #tpu.memory_space<vmem>>) semaphore(%arg7 : memref<!tpu.dma_semaphore, #tpu.memory_space<semaphore_mem>>)
    %dma_start3A_873 = arith.constant 46 : i32
    %dma_start3A_874 = arith.constant 768 : i32
    %dma_start3A_875 = arith.constant 0 : i32
    %dma_start3A_876 = tpu.memref_slice %arg6[%dma_start3A_874, %dma_start3A_875] : memref<1024x64xf32, #tpu.memory_space<vmem>> -> memref<128x64xf32, #tpu.memory_space<vmem>>
    %dma_start3A_877 = arith.constant 0 : i32
    %dma_start3A_878 = tpu.memref_slice %arg5[%dma_start3A_873, %dma_start3A_877] : memref<64x128xi32, #tpu.memory_space<vmem>> -> memref<1x128xi32, #tpu.memory_space<vmem>>
    %dma_start3A_879 = tpu.memref_squeeze %dma_start3A_878 : memref<1x128xi32, #tpu.memory_space<vmem>> -> memref<128xi32, #tpu.memory_space<vmem>>
    %dma_start3A_880 = arith.constant 0 : i32
    %dma_start3A_881 = arith.constant 0 : i32
    %dma_start3A_882 = tpu.memref_slice %arg2[%dma_start3A_880, %dma_start3A_881] : memref<16384x64xf32, #tpu.memory_space<hbm>> -> memref<16384x64xf32, #tpu.memory_space<hbm>>
    tpu.enqueue_indirect_dma source(%dma_start3A_882 : memref<16384x64xf32, #tpu.memory_space<hbm>>) target(%dma_start3A_876 : memref<128x64xf32, #tpu.memory_space<vmem>>) offsets(%dma_start3A_879 : memref<128xi32, #tpu.memory_space<vmem>>) semaphore(%arg7 : memref<!tpu.dma_semaphore, #tpu.memory_space<semaphore_mem>>)
    %dma_start3A_883 = arith.constant 47 : i32
    %dma_start3A_884 = arith.constant 896 : i32
    %dma_start3A_885 = arith.constant 0 : i32
    %dma_start3A_886 = tpu.memref_slice %arg6[%dma_start3A_884, %dma_start3A_885] : memref<1024x64xf32, #tpu.memory_space<vmem>> -> memref<128x64xf32, #tpu.memory_space<vmem>>
    %dma_start3A_887 = arith.constant 0 : i32
    %dma_start3A_888 = tpu.memref_slice %arg5[%dma_start3A_883, %dma_start3A_887] : memref<64x128xi32, #tpu.memory_space<vmem>> -> memref<1x128xi32, #tpu.memory_space<vmem>>
    %dma_start3A_889 = tpu.memref_squeeze %dma_start3A_888 : memref<1x128xi32, #tpu.memory_space<vmem>> -> memref<128xi32, #tpu.memory_space<vmem>>
    %dma_start3A_890 = arith.constant 0 : i32
    %dma_start3A_891 = arith.constant 0 : i32
    %dma_start3A_892 = tpu.memref_slice %arg2[%dma_start3A_890, %dma_start3A_891] : memref<16384x64xf32, #tpu.memory_space<hbm>> -> memref<16384x64xf32, #tpu.memory_space<hbm>>
    tpu.enqueue_indirect_dma source(%dma_start3A_892 : memref<16384x64xf32, #tpu.memory_space<hbm>>) target(%dma_start3A_886 : memref<128x64xf32, #tpu.memory_space<vmem>>) offsets(%dma_start3A_889 : memref<128xi32, #tpu.memory_space<vmem>>) semaphore(%arg7 : memref<!tpu.dma_semaphore, #tpu.memory_space<semaphore_mem>>)
    %dma_wait3A_893 = arith.constant 40 : i32
    %dma_wait3A_894 = arith.constant 0 : i32
    %dma_wait3A_895 = arith.constant 0 : i32
    %dma_wait3A_896 = tpu.memref_slice %arg6[%dma_wait3A_894, %dma_wait3A_895] : memref<1024x64xf32, #tpu.memory_space<vmem>> -> memref<128x64xf32, #tpu.memory_space<vmem>>
    %dma_wait3A_897 = arith.constant 0 : i32
    %dma_wait3A_898 = tpu.memref_slice %arg5[%dma_wait3A_893, %dma_wait3A_897] : memref<64x128xi32, #tpu.memory_space<vmem>> -> memref<1x128xi32, #tpu.memory_space<vmem>>
    %dma_wait3A_899 = tpu.memref_squeeze %dma_wait3A_898 : memref<1x128xi32, #tpu.memory_space<vmem>> -> memref<128xi32, #tpu.memory_space<vmem>>
    %dma_wait3A_900 = arith.constant 0 : i32
    %dma_wait3A_901 = arith.constant 0 : i32
    %dma_wait3A_902 = tpu.memref_slice %arg2[%dma_wait3A_900, %dma_wait3A_901] : memref<16384x64xf32, #tpu.memory_space<hbm>> -> memref<16384x64xf32, #tpu.memory_space<hbm>>
    tpu.wait_indirect_dma semaphore(%arg7 : memref<!tpu.dma_semaphore, #tpu.memory_space<semaphore_mem>>) src(%dma_wait3A_902 : memref<16384x64xf32, #tpu.memory_space<hbm>>) dst(%dma_wait3A_896 : memref<128x64xf32, #tpu.memory_space<vmem>>)
    %dma_wait3A_903 = arith.constant 41 : i32
    %dma_wait3A_904 = arith.constant 128 : i32
    %dma_wait3A_905 = arith.constant 0 : i32
    %dma_wait3A_906 = tpu.memref_slice %arg6[%dma_wait3A_904, %dma_wait3A_905] : memref<1024x64xf32, #tpu.memory_space<vmem>> -> memref<128x64xf32, #tpu.memory_space<vmem>>
    %dma_wait3A_907 = arith.constant 0 : i32
    %dma_wait3A_908 = tpu.memref_slice %arg5[%dma_wait3A_903, %dma_wait3A_907] : memref<64x128xi32, #tpu.memory_space<vmem>> -> memref<1x128xi32, #tpu.memory_space<vmem>>
    %dma_wait3A_909 = tpu.memref_squeeze %dma_wait3A_908 : memref<1x128xi32, #tpu.memory_space<vmem>> -> memref<128xi32, #tpu.memory_space<vmem>>
    %dma_wait3A_910 = arith.constant 0 : i32
    %dma_wait3A_911 = arith.constant 0 : i32
    %dma_wait3A_912 = tpu.memref_slice %arg2[%dma_wait3A_910, %dma_wait3A_911] : memref<16384x64xf32, #tpu.memory_space<hbm>> -> memref<16384x64xf32, #tpu.memory_space<hbm>>
    tpu.wait_indirect_dma semaphore(%arg7 : memref<!tpu.dma_semaphore, #tpu.memory_space<semaphore_mem>>) src(%dma_wait3A_912 : memref<16384x64xf32, #tpu.memory_space<hbm>>) dst(%dma_wait3A_906 : memref<128x64xf32, #tpu.memory_space<vmem>>)
    %dma_wait3A_913 = arith.constant 42 : i32
    %dma_wait3A_914 = arith.constant 256 : i32
    %dma_wait3A_915 = arith.constant 0 : i32
    %dma_wait3A_916 = tpu.memref_slice %arg6[%dma_wait3A_914, %dma_wait3A_915] : memref<1024x64xf32, #tpu.memory_space<vmem>> -> memref<128x64xf32, #tpu.memory_space<vmem>>
    %dma_wait3A_917 = arith.constant 0 : i32
    %dma_wait3A_918 = tpu.memref_slice %arg5[%dma_wait3A_913, %dma_wait3A_917] : memref<64x128xi32, #tpu.memory_space<vmem>> -> memref<1x128xi32, #tpu.memory_space<vmem>>
    %dma_wait3A_919 = tpu.memref_squeeze %dma_wait3A_918 : memref<1x128xi32, #tpu.memory_space<vmem>> -> memref<128xi32, #tpu.memory_space<vmem>>
    %dma_wait3A_920 = arith.constant 0 : i32
    %dma_wait3A_921 = arith.constant 0 : i32
    %dma_wait3A_922 = tpu.memref_slice %arg2[%dma_wait3A_920, %dma_wait3A_921] : memref<16384x64xf32, #tpu.memory_space<hbm>> -> memref<16384x64xf32, #tpu.memory_space<hbm>>
    tpu.wait_indirect_dma semaphore(%arg7 : memref<!tpu.dma_semaphore, #tpu.memory_space<semaphore_mem>>) src(%dma_wait3A_922 : memref<16384x64xf32, #tpu.memory_space<hbm>>) dst(%dma_wait3A_916 : memref<128x64xf32, #tpu.memory_space<vmem>>)
    %dma_wait3A_923 = arith.constant 43 : i32
    %dma_wait3A_924 = arith.constant 384 : i32
    %dma_wait3A_925 = arith.constant 0 : i32
    %dma_wait3A_926 = tpu.memref_slice %arg6[%dma_wait3A_924, %dma_wait3A_925] : memref<1024x64xf32, #tpu.memory_space<vmem>> -> memref<128x64xf32, #tpu.memory_space<vmem>>
    %dma_wait3A_927 = arith.constant 0 : i32
    %dma_wait3A_928 = tpu.memref_slice %arg5[%dma_wait3A_923, %dma_wait3A_927] : memref<64x128xi32, #tpu.memory_space<vmem>> -> memref<1x128xi32, #tpu.memory_space<vmem>>
    %dma_wait3A_929 = tpu.memref_squeeze %dma_wait3A_928 : memref<1x128xi32, #tpu.memory_space<vmem>> -> memref<128xi32, #tpu.memory_space<vmem>>
    %dma_wait3A_930 = arith.constant 0 : i32
    %dma_wait3A_931 = arith.constant 0 : i32
    %dma_wait3A_932 = tpu.memref_slice %arg2[%dma_wait3A_930, %dma_wait3A_931] : memref<16384x64xf32, #tpu.memory_space<hbm>> -> memref<16384x64xf32, #tpu.memory_space<hbm>>
    tpu.wait_indirect_dma semaphore(%arg7 : memref<!tpu.dma_semaphore, #tpu.memory_space<semaphore_mem>>) src(%dma_wait3A_932 : memref<16384x64xf32, #tpu.memory_space<hbm>>) dst(%dma_wait3A_926 : memref<128x64xf32, #tpu.memory_space<vmem>>)
    %dma_wait3A_933 = arith.constant 44 : i32
    %dma_wait3A_934 = arith.constant 512 : i32
    %dma_wait3A_935 = arith.constant 0 : i32
    %dma_wait3A_936 = tpu.memref_slice %arg6[%dma_wait3A_934, %dma_wait3A_935] : memref<1024x64xf32, #tpu.memory_space<vmem>> -> memref<128x64xf32, #tpu.memory_space<vmem>>
    %dma_wait3A_937 = arith.constant 0 : i32
    %dma_wait3A_938 = tpu.memref_slice %arg5[%dma_wait3A_933, %dma_wait3A_937] : memref<64x128xi32, #tpu.memory_space<vmem>> -> memref<1x128xi32, #tpu.memory_space<vmem>>
    %dma_wait3A_939 = tpu.memref_squeeze %dma_wait3A_938 : memref<1x128xi32, #tpu.memory_space<vmem>> -> memref<128xi32, #tpu.memory_space<vmem>>
    %dma_wait3A_940 = arith.constant 0 : i32
    %dma_wait3A_941 = arith.constant 0 : i32
    %dma_wait3A_942 = tpu.memref_slice %arg2[%dma_wait3A_940, %dma_wait3A_941] : memref<16384x64xf32, #tpu.memory_space<hbm>> -> memref<16384x64xf32, #tpu.memory_space<hbm>>
    tpu.wait_indirect_dma semaphore(%arg7 : memref<!tpu.dma_semaphore, #tpu.memory_space<semaphore_mem>>) src(%dma_wait3A_942 : memref<16384x64xf32, #tpu.memory_space<hbm>>) dst(%dma_wait3A_936 : memref<128x64xf32, #tpu.memory_space<vmem>>)
    %dma_wait3A_943 = arith.constant 45 : i32
    %dma_wait3A_944 = arith.constant 640 : i32
    %dma_wait3A_945 = arith.constant 0 : i32
    %dma_wait3A_946 = tpu.memref_slice %arg6[%dma_wait3A_944, %dma_wait3A_945] : memref<1024x64xf32, #tpu.memory_space<vmem>> -> memref<128x64xf32, #tpu.memory_space<vmem>>
    %dma_wait3A_947 = arith.constant 0 : i32
    %dma_wait3A_948 = tpu.memref_slice %arg5[%dma_wait3A_943, %dma_wait3A_947] : memref<64x128xi32, #tpu.memory_space<vmem>> -> memref<1x128xi32, #tpu.memory_space<vmem>>
    %dma_wait3A_949 = tpu.memref_squeeze %dma_wait3A_948 : memref<1x128xi32, #tpu.memory_space<vmem>> -> memref<128xi32, #tpu.memory_space<vmem>>
    %dma_wait3A_950 = arith.constant 0 : i32
    %dma_wait3A_951 = arith.constant 0 : i32
    %dma_wait3A_952 = tpu.memref_slice %arg2[%dma_wait3A_950, %dma_wait3A_951] : memref<16384x64xf32, #tpu.memory_space<hbm>> -> memref<16384x64xf32, #tpu.memory_space<hbm>>
    tpu.wait_indirect_dma semaphore(%arg7 : memref<!tpu.dma_semaphore, #tpu.memory_space<semaphore_mem>>) src(%dma_wait3A_952 : memref<16384x64xf32, #tpu.memory_space<hbm>>) dst(%dma_wait3A_946 : memref<128x64xf32, #tpu.memory_space<vmem>>)
    %dma_wait3A_953 = arith.constant 46 : i32
    %dma_wait3A_954 = arith.constant 768 : i32
    %dma_wait3A_955 = arith.constant 0 : i32
    %dma_wait3A_956 = tpu.memref_slice %arg6[%dma_wait3A_954, %dma_wait3A_955] : memref<1024x64xf32, #tpu.memory_space<vmem>> -> memref<128x64xf32, #tpu.memory_space<vmem>>
    %dma_wait3A_957 = arith.constant 0 : i32
    %dma_wait3A_958 = tpu.memref_slice %arg5[%dma_wait3A_953, %dma_wait3A_957] : memref<64x128xi32, #tpu.memory_space<vmem>> -> memref<1x128xi32, #tpu.memory_space<vmem>>
    %dma_wait3A_959 = tpu.memref_squeeze %dma_wait3A_958 : memref<1x128xi32, #tpu.memory_space<vmem>> -> memref<128xi32, #tpu.memory_space<vmem>>
    %dma_wait3A_960 = arith.constant 0 : i32
    %dma_wait3A_961 = arith.constant 0 : i32
    %dma_wait3A_962 = tpu.memref_slice %arg2[%dma_wait3A_960, %dma_wait3A_961] : memref<16384x64xf32, #tpu.memory_space<hbm>> -> memref<16384x64xf32, #tpu.memory_space<hbm>>
    tpu.wait_indirect_dma semaphore(%arg7 : memref<!tpu.dma_semaphore, #tpu.memory_space<semaphore_mem>>) src(%dma_wait3A_962 : memref<16384x64xf32, #tpu.memory_space<hbm>>) dst(%dma_wait3A_956 : memref<128x64xf32, #tpu.memory_space<vmem>>)
    %dma_wait3A_963 = arith.constant 47 : i32
    %dma_wait3A_964 = arith.constant 896 : i32
    %dma_wait3A_965 = arith.constant 0 : i32
    %dma_wait3A_966 = tpu.memref_slice %arg6[%dma_wait3A_964, %dma_wait3A_965] : memref<1024x64xf32, #tpu.memory_space<vmem>> -> memref<128x64xf32, #tpu.memory_space<vmem>>
    %dma_wait3A_967 = arith.constant 0 : i32
    %dma_wait3A_968 = tpu.memref_slice %arg5[%dma_wait3A_963, %dma_wait3A_967] : memref<64x128xi32, #tpu.memory_space<vmem>> -> memref<1x128xi32, #tpu.memory_space<vmem>>
    %dma_wait3A_969 = tpu.memref_squeeze %dma_wait3A_968 : memref<1x128xi32, #tpu.memory_space<vmem>> -> memref<128xi32, #tpu.memory_space<vmem>>
    %dma_wait3A_970 = arith.constant 0 : i32
    %dma_wait3A_971 = arith.constant 0 : i32
    %dma_wait3A_972 = tpu.memref_slice %arg2[%dma_wait3A_970, %dma_wait3A_971] : memref<16384x64xf32, #tpu.memory_space<hbm>> -> memref<16384x64xf32, #tpu.memory_space<hbm>>
    tpu.wait_indirect_dma semaphore(%arg7 : memref<!tpu.dma_semaphore, #tpu.memory_space<semaphore_mem>>) src(%dma_wait3A_972 : memref<16384x64xf32, #tpu.memory_space<hbm>>) dst(%dma_wait3A_966 : memref<128x64xf32, #tpu.memory_space<vmem>>)
    %add3A_973 = arith.constant 5120 : i32
    %add3A_974 = arith.addi %mul3A_2, %add3A_973 : i32
    "tpu.region"() ({
      %run_scoped3A = tpu.sem_alloc : memref<!tpu.dma_semaphore, #tpu.memory_space<semaphore_mem>>
      %dma_start3A_1299 = arith.constant 0 : i32
      %dma_start3A_1300 = tpu.memref_slice %arg4[%add3A_974, %dma_start3A_1299] : memref<262144x64xf32, #tpu.memory_space<hbm>> -> memref<1024x64xf32, #tpu.memory_space<hbm>>
      %dma_start3A_1301 = arith.constant 0 : i32
      %dma_start3A_1302 = tpu.memref_slice %arg4[%add3A_974, %dma_start3A_1301] : memref<262144x64xf32, #tpu.memory_space<hbm>> -> memref<1024x64xf32, #tpu.memory_space<hbm>>
      tpu.enqueue_dma source(%arg6 : memref<1024x64xf32, #tpu.memory_space<vmem>>) target(%dma_start3A_1302 : memref<1024x64xf32, #tpu.memory_space<hbm>>) target_semaphore(%run_scoped3A : memref<!tpu.dma_semaphore, #tpu.memory_space<semaphore_mem>>)
      %dma_wait3A_1303 = arith.constant 0 : i32
      %dma_wait3A_1304 = tpu.memref_slice %arg4[%add3A_974, %dma_wait3A_1303] : memref<262144x64xf32, #tpu.memory_space<hbm>> -> memref<1024x64xf32, #tpu.memory_space<hbm>>
      %dma_wait3A_1305 = arith.constant 0 : i32
      %dma_wait3A_1306 = tpu.memref_slice %arg4[%add3A_974, %dma_wait3A_1305] : memref<262144x64xf32, #tpu.memory_space<hbm>> -> memref<1024x64xf32, #tpu.memory_space<hbm>>
      tpu.wait_dma2 semaphore(%run_scoped3A : memref<!tpu.dma_semaphore, #tpu.memory_space<semaphore_mem>>) src(%arg6 : memref<1024x64xf32, #tpu.memory_space<vmem>>) dst(%dma_wait3A_1306 : memref<1024x64xf32, #tpu.memory_space<hbm>>)
      tpu.yield
    }) : () -> ()
    %dma_start3A_975 = arith.constant 48 : i32
    %dma_start3A_976 = arith.constant 0 : i32
    %dma_start3A_977 = arith.constant 0 : i32
    %dma_start3A_978 = tpu.memref_slice %arg6[%dma_start3A_976, %dma_start3A_977] : memref<1024x64xf32, #tpu.memory_space<vmem>> -> memref<128x64xf32, #tpu.memory_space<vmem>>
    %dma_start3A_979 = arith.constant 0 : i32
    %dma_start3A_980 = tpu.memref_slice %arg5[%dma_start3A_975, %dma_start3A_979] : memref<64x128xi32, #tpu.memory_space<vmem>> -> memref<1x128xi32, #tpu.memory_space<vmem>>
    %dma_start3A_981 = tpu.memref_squeeze %dma_start3A_980 : memref<1x128xi32, #tpu.memory_space<vmem>> -> memref<128xi32, #tpu.memory_space<vmem>>
    %dma_start3A_982 = arith.constant 0 : i32
    %dma_start3A_983 = arith.constant 0 : i32
    %dma_start3A_984 = tpu.memref_slice %arg2[%dma_start3A_982, %dma_start3A_983] : memref<16384x64xf32, #tpu.memory_space<hbm>> -> memref<16384x64xf32, #tpu.memory_space<hbm>>
    tpu.enqueue_indirect_dma source(%dma_start3A_984 : memref<16384x64xf32, #tpu.memory_space<hbm>>) target(%dma_start3A_978 : memref<128x64xf32, #tpu.memory_space<vmem>>) offsets(%dma_start3A_981 : memref<128xi32, #tpu.memory_space<vmem>>) semaphore(%arg7 : memref<!tpu.dma_semaphore, #tpu.memory_space<semaphore_mem>>)
    %dma_start3A_985 = arith.constant 49 : i32
    %dma_start3A_986 = arith.constant 128 : i32
    %dma_start3A_987 = arith.constant 0 : i32
    %dma_start3A_988 = tpu.memref_slice %arg6[%dma_start3A_986, %dma_start3A_987] : memref<1024x64xf32, #tpu.memory_space<vmem>> -> memref<128x64xf32, #tpu.memory_space<vmem>>
    %dma_start3A_989 = arith.constant 0 : i32
    %dma_start3A_990 = tpu.memref_slice %arg5[%dma_start3A_985, %dma_start3A_989] : memref<64x128xi32, #tpu.memory_space<vmem>> -> memref<1x128xi32, #tpu.memory_space<vmem>>
    %dma_start3A_991 = tpu.memref_squeeze %dma_start3A_990 : memref<1x128xi32, #tpu.memory_space<vmem>> -> memref<128xi32, #tpu.memory_space<vmem>>
    %dma_start3A_992 = arith.constant 0 : i32
    %dma_start3A_993 = arith.constant 0 : i32
    %dma_start3A_994 = tpu.memref_slice %arg2[%dma_start3A_992, %dma_start3A_993] : memref<16384x64xf32, #tpu.memory_space<hbm>> -> memref<16384x64xf32, #tpu.memory_space<hbm>>
    tpu.enqueue_indirect_dma source(%dma_start3A_994 : memref<16384x64xf32, #tpu.memory_space<hbm>>) target(%dma_start3A_988 : memref<128x64xf32, #tpu.memory_space<vmem>>) offsets(%dma_start3A_991 : memref<128xi32, #tpu.memory_space<vmem>>) semaphore(%arg7 : memref<!tpu.dma_semaphore, #tpu.memory_space<semaphore_mem>>)
    %dma_start3A_995 = arith.constant 50 : i32
    %dma_start3A_996 = arith.constant 256 : i32
    %dma_start3A_997 = arith.constant 0 : i32
    %dma_start3A_998 = tpu.memref_slice %arg6[%dma_start3A_996, %dma_start3A_997] : memref<1024x64xf32, #tpu.memory_space<vmem>> -> memref<128x64xf32, #tpu.memory_space<vmem>>
    %dma_start3A_999 = arith.constant 0 : i32
    %dma_start3A_1000 = tpu.memref_slice %arg5[%dma_start3A_995, %dma_start3A_999] : memref<64x128xi32, #tpu.memory_space<vmem>> -> memref<1x128xi32, #tpu.memory_space<vmem>>
    %dma_start3A_1001 = tpu.memref_squeeze %dma_start3A_1000 : memref<1x128xi32, #tpu.memory_space<vmem>> -> memref<128xi32, #tpu.memory_space<vmem>>
    %dma_start3A_1002 = arith.constant 0 : i32
    %dma_start3A_1003 = arith.constant 0 : i32
    %dma_start3A_1004 = tpu.memref_slice %arg2[%dma_start3A_1002, %dma_start3A_1003] : memref<16384x64xf32, #tpu.memory_space<hbm>> -> memref<16384x64xf32, #tpu.memory_space<hbm>>
    tpu.enqueue_indirect_dma source(%dma_start3A_1004 : memref<16384x64xf32, #tpu.memory_space<hbm>>) target(%dma_start3A_998 : memref<128x64xf32, #tpu.memory_space<vmem>>) offsets(%dma_start3A_1001 : memref<128xi32, #tpu.memory_space<vmem>>) semaphore(%arg7 : memref<!tpu.dma_semaphore, #tpu.memory_space<semaphore_mem>>)
    %dma_start3A_1005 = arith.constant 51 : i32
    %dma_start3A_1006 = arith.constant 384 : i32
    %dma_start3A_1007 = arith.constant 0 : i32
    %dma_start3A_1008 = tpu.memref_slice %arg6[%dma_start3A_1006, %dma_start3A_1007] : memref<1024x64xf32, #tpu.memory_space<vmem>> -> memref<128x64xf32, #tpu.memory_space<vmem>>
    %dma_start3A_1009 = arith.constant 0 : i32
    %dma_start3A_1010 = tpu.memref_slice %arg5[%dma_start3A_1005, %dma_start3A_1009] : memref<64x128xi32, #tpu.memory_space<vmem>> -> memref<1x128xi32, #tpu.memory_space<vmem>>
    %dma_start3A_1011 = tpu.memref_squeeze %dma_start3A_1010 : memref<1x128xi32, #tpu.memory_space<vmem>> -> memref<128xi32, #tpu.memory_space<vmem>>
    %dma_start3A_1012 = arith.constant 0 : i32
    %dma_start3A_1013 = arith.constant 0 : i32
    %dma_start3A_1014 = tpu.memref_slice %arg2[%dma_start3A_1012, %dma_start3A_1013] : memref<16384x64xf32, #tpu.memory_space<hbm>> -> memref<16384x64xf32, #tpu.memory_space<hbm>>
    tpu.enqueue_indirect_dma source(%dma_start3A_1014 : memref<16384x64xf32, #tpu.memory_space<hbm>>) target(%dma_start3A_1008 : memref<128x64xf32, #tpu.memory_space<vmem>>) offsets(%dma_start3A_1011 : memref<128xi32, #tpu.memory_space<vmem>>) semaphore(%arg7 : memref<!tpu.dma_semaphore, #tpu.memory_space<semaphore_mem>>)
    %dma_start3A_1015 = arith.constant 52 : i32
    %dma_start3A_1016 = arith.constant 512 : i32
    %dma_start3A_1017 = arith.constant 0 : i32
    %dma_start3A_1018 = tpu.memref_slice %arg6[%dma_start3A_1016, %dma_start3A_1017] : memref<1024x64xf32, #tpu.memory_space<vmem>> -> memref<128x64xf32, #tpu.memory_space<vmem>>
    %dma_start3A_1019 = arith.constant 0 : i32
    %dma_start3A_1020 = tpu.memref_slice %arg5[%dma_start3A_1015, %dma_start3A_1019] : memref<64x128xi32, #tpu.memory_space<vmem>> -> memref<1x128xi32, #tpu.memory_space<vmem>>
    %dma_start3A_1021 = tpu.memref_squeeze %dma_start3A_1020 : memref<1x128xi32, #tpu.memory_space<vmem>> -> memref<128xi32, #tpu.memory_space<vmem>>
    %dma_start3A_1022 = arith.constant 0 : i32
    %dma_start3A_1023 = arith.constant 0 : i32
    %dma_start3A_1024 = tpu.memref_slice %arg2[%dma_start3A_1022, %dma_start3A_1023] : memref<16384x64xf32, #tpu.memory_space<hbm>> -> memref<16384x64xf32, #tpu.memory_space<hbm>>
    tpu.enqueue_indirect_dma source(%dma_start3A_1024 : memref<16384x64xf32, #tpu.memory_space<hbm>>) target(%dma_start3A_1018 : memref<128x64xf32, #tpu.memory_space<vmem>>) offsets(%dma_start3A_1021 : memref<128xi32, #tpu.memory_space<vmem>>) semaphore(%arg7 : memref<!tpu.dma_semaphore, #tpu.memory_space<semaphore_mem>>)
    %dma_start3A_1025 = arith.constant 53 : i32
    %dma_start3A_1026 = arith.constant 640 : i32
    %dma_start3A_1027 = arith.constant 0 : i32
    %dma_start3A_1028 = tpu.memref_slice %arg6[%dma_start3A_1026, %dma_start3A_1027] : memref<1024x64xf32, #tpu.memory_space<vmem>> -> memref<128x64xf32, #tpu.memory_space<vmem>>
    %dma_start3A_1029 = arith.constant 0 : i32
    %dma_start3A_1030 = tpu.memref_slice %arg5[%dma_start3A_1025, %dma_start3A_1029] : memref<64x128xi32, #tpu.memory_space<vmem>> -> memref<1x128xi32, #tpu.memory_space<vmem>>
    %dma_start3A_1031 = tpu.memref_squeeze %dma_start3A_1030 : memref<1x128xi32, #tpu.memory_space<vmem>> -> memref<128xi32, #tpu.memory_space<vmem>>
    %dma_start3A_1032 = arith.constant 0 : i32
    %dma_start3A_1033 = arith.constant 0 : i32
    %dma_start3A_1034 = tpu.memref_slice %arg2[%dma_start3A_1032, %dma_start3A_1033] : memref<16384x64xf32, #tpu.memory_space<hbm>> -> memref<16384x64xf32, #tpu.memory_space<hbm>>
    tpu.enqueue_indirect_dma source(%dma_start3A_1034 : memref<16384x64xf32, #tpu.memory_space<hbm>>) target(%dma_start3A_1028 : memref<128x64xf32, #tpu.memory_space<vmem>>) offsets(%dma_start3A_1031 : memref<128xi32, #tpu.memory_space<vmem>>) semaphore(%arg7 : memref<!tpu.dma_semaphore, #tpu.memory_space<semaphore_mem>>)
    %dma_start3A_1035 = arith.constant 54 : i32
    %dma_start3A_1036 = arith.constant 768 : i32
    %dma_start3A_1037 = arith.constant 0 : i32
    %dma_start3A_1038 = tpu.memref_slice %arg6[%dma_start3A_1036, %dma_start3A_1037] : memref<1024x64xf32, #tpu.memory_space<vmem>> -> memref<128x64xf32, #tpu.memory_space<vmem>>
    %dma_start3A_1039 = arith.constant 0 : i32
    %dma_start3A_1040 = tpu.memref_slice %arg5[%dma_start3A_1035, %dma_start3A_1039] : memref<64x128xi32, #tpu.memory_space<vmem>> -> memref<1x128xi32, #tpu.memory_space<vmem>>
    %dma_start3A_1041 = tpu.memref_squeeze %dma_start3A_1040 : memref<1x128xi32, #tpu.memory_space<vmem>> -> memref<128xi32, #tpu.memory_space<vmem>>
    %dma_start3A_1042 = arith.constant 0 : i32
    %dma_start3A_1043 = arith.constant 0 : i32
    %dma_start3A_1044 = tpu.memref_slice %arg2[%dma_start3A_1042, %dma_start3A_1043] : memref<16384x64xf32, #tpu.memory_space<hbm>> -> memref<16384x64xf32, #tpu.memory_space<hbm>>
    tpu.enqueue_indirect_dma source(%dma_start3A_1044 : memref<16384x64xf32, #tpu.memory_space<hbm>>) target(%dma_start3A_1038 : memref<128x64xf32, #tpu.memory_space<vmem>>) offsets(%dma_start3A_1041 : memref<128xi32, #tpu.memory_space<vmem>>) semaphore(%arg7 : memref<!tpu.dma_semaphore, #tpu.memory_space<semaphore_mem>>)
    %dma_start3A_1045 = arith.constant 55 : i32
    %dma_start3A_1046 = arith.constant 896 : i32
    %dma_start3A_1047 = arith.constant 0 : i32
    %dma_start3A_1048 = tpu.memref_slice %arg6[%dma_start3A_1046, %dma_start3A_1047] : memref<1024x64xf32, #tpu.memory_space<vmem>> -> memref<128x64xf32, #tpu.memory_space<vmem>>
    %dma_start3A_1049 = arith.constant 0 : i32
    %dma_start3A_1050 = tpu.memref_slice %arg5[%dma_start3A_1045, %dma_start3A_1049] : memref<64x128xi32, #tpu.memory_space<vmem>> -> memref<1x128xi32, #tpu.memory_space<vmem>>
    %dma_start3A_1051 = tpu.memref_squeeze %dma_start3A_1050 : memref<1x128xi32, #tpu.memory_space<vmem>> -> memref<128xi32, #tpu.memory_space<vmem>>
    %dma_start3A_1052 = arith.constant 0 : i32
    %dma_start3A_1053 = arith.constant 0 : i32
    %dma_start3A_1054 = tpu.memref_slice %arg2[%dma_start3A_1052, %dma_start3A_1053] : memref<16384x64xf32, #tpu.memory_space<hbm>> -> memref<16384x64xf32, #tpu.memory_space<hbm>>
    tpu.enqueue_indirect_dma source(%dma_start3A_1054 : memref<16384x64xf32, #tpu.memory_space<hbm>>) target(%dma_start3A_1048 : memref<128x64xf32, #tpu.memory_space<vmem>>) offsets(%dma_start3A_1051 : memref<128xi32, #tpu.memory_space<vmem>>) semaphore(%arg7 : memref<!tpu.dma_semaphore, #tpu.memory_space<semaphore_mem>>)
    %dma_wait3A_1055 = arith.constant 48 : i32
    %dma_wait3A_1056 = arith.constant 0 : i32
    %dma_wait3A_1057 = arith.constant 0 : i32
    %dma_wait3A_1058 = tpu.memref_slice %arg6[%dma_wait3A_1056, %dma_wait3A_1057] : memref<1024x64xf32, #tpu.memory_space<vmem>> -> memref<128x64xf32, #tpu.memory_space<vmem>>
    %dma_wait3A_1059 = arith.constant 0 : i32
    %dma_wait3A_1060 = tpu.memref_slice %arg5[%dma_wait3A_1055, %dma_wait3A_1059] : memref<64x128xi32, #tpu.memory_space<vmem>> -> memref<1x128xi32, #tpu.memory_space<vmem>>
    %dma_wait3A_1061 = tpu.memref_squeeze %dma_wait3A_1060 : memref<1x128xi32, #tpu.memory_space<vmem>> -> memref<128xi32, #tpu.memory_space<vmem>>
    %dma_wait3A_1062 = arith.constant 0 : i32
    %dma_wait3A_1063 = arith.constant 0 : i32
    %dma_wait3A_1064 = tpu.memref_slice %arg2[%dma_wait3A_1062, %dma_wait3A_1063] : memref<16384x64xf32, #tpu.memory_space<hbm>> -> memref<16384x64xf32, #tpu.memory_space<hbm>>
    tpu.wait_indirect_dma semaphore(%arg7 : memref<!tpu.dma_semaphore, #tpu.memory_space<semaphore_mem>>) src(%dma_wait3A_1064 : memref<16384x64xf32, #tpu.memory_space<hbm>>) dst(%dma_wait3A_1058 : memref<128x64xf32, #tpu.memory_space<vmem>>)
    %dma_wait3A_1065 = arith.constant 49 : i32
    %dma_wait3A_1066 = arith.constant 128 : i32
    %dma_wait3A_1067 = arith.constant 0 : i32
    %dma_wait3A_1068 = tpu.memref_slice %arg6[%dma_wait3A_1066, %dma_wait3A_1067] : memref<1024x64xf32, #tpu.memory_space<vmem>> -> memref<128x64xf32, #tpu.memory_space<vmem>>
    %dma_wait3A_1069 = arith.constant 0 : i32
    %dma_wait3A_1070 = tpu.memref_slice %arg5[%dma_wait3A_1065, %dma_wait3A_1069] : memref<64x128xi32, #tpu.memory_space<vmem>> -> memref<1x128xi32, #tpu.memory_space<vmem>>
    %dma_wait3A_1071 = tpu.memref_squeeze %dma_wait3A_1070 : memref<1x128xi32, #tpu.memory_space<vmem>> -> memref<128xi32, #tpu.memory_space<vmem>>
    %dma_wait3A_1072 = arith.constant 0 : i32
    %dma_wait3A_1073 = arith.constant 0 : i32
    %dma_wait3A_1074 = tpu.memref_slice %arg2[%dma_wait3A_1072, %dma_wait3A_1073] : memref<16384x64xf32, #tpu.memory_space<hbm>> -> memref<16384x64xf32, #tpu.memory_space<hbm>>
    tpu.wait_indirect_dma semaphore(%arg7 : memref<!tpu.dma_semaphore, #tpu.memory_space<semaphore_mem>>) src(%dma_wait3A_1074 : memref<16384x64xf32, #tpu.memory_space<hbm>>) dst(%dma_wait3A_1068 : memref<128x64xf32, #tpu.memory_space<vmem>>)
    %dma_wait3A_1075 = arith.constant 50 : i32
    %dma_wait3A_1076 = arith.constant 256 : i32
    %dma_wait3A_1077 = arith.constant 0 : i32
    %dma_wait3A_1078 = tpu.memref_slice %arg6[%dma_wait3A_1076, %dma_wait3A_1077] : memref<1024x64xf32, #tpu.memory_space<vmem>> -> memref<128x64xf32, #tpu.memory_space<vmem>>
    %dma_wait3A_1079 = arith.constant 0 : i32
    %dma_wait3A_1080 = tpu.memref_slice %arg5[%dma_wait3A_1075, %dma_wait3A_1079] : memref<64x128xi32, #tpu.memory_space<vmem>> -> memref<1x128xi32, #tpu.memory_space<vmem>>
    %dma_wait3A_1081 = tpu.memref_squeeze %dma_wait3A_1080 : memref<1x128xi32, #tpu.memory_space<vmem>> -> memref<128xi32, #tpu.memory_space<vmem>>
    %dma_wait3A_1082 = arith.constant 0 : i32
    %dma_wait3A_1083 = arith.constant 0 : i32
    %dma_wait3A_1084 = tpu.memref_slice %arg2[%dma_wait3A_1082, %dma_wait3A_1083] : memref<16384x64xf32, #tpu.memory_space<hbm>> -> memref<16384x64xf32, #tpu.memory_space<hbm>>
    tpu.wait_indirect_dma semaphore(%arg7 : memref<!tpu.dma_semaphore, #tpu.memory_space<semaphore_mem>>) src(%dma_wait3A_1084 : memref<16384x64xf32, #tpu.memory_space<hbm>>) dst(%dma_wait3A_1078 : memref<128x64xf32, #tpu.memory_space<vmem>>)
    %dma_wait3A_1085 = arith.constant 51 : i32
    %dma_wait3A_1086 = arith.constant 384 : i32
    %dma_wait3A_1087 = arith.constant 0 : i32
    %dma_wait3A_1088 = tpu.memref_slice %arg6[%dma_wait3A_1086, %dma_wait3A_1087] : memref<1024x64xf32, #tpu.memory_space<vmem>> -> memref<128x64xf32, #tpu.memory_space<vmem>>
    %dma_wait3A_1089 = arith.constant 0 : i32
    %dma_wait3A_1090 = tpu.memref_slice %arg5[%dma_wait3A_1085, %dma_wait3A_1089] : memref<64x128xi32, #tpu.memory_space<vmem>> -> memref<1x128xi32, #tpu.memory_space<vmem>>
    %dma_wait3A_1091 = tpu.memref_squeeze %dma_wait3A_1090 : memref<1x128xi32, #tpu.memory_space<vmem>> -> memref<128xi32, #tpu.memory_space<vmem>>
    %dma_wait3A_1092 = arith.constant 0 : i32
    %dma_wait3A_1093 = arith.constant 0 : i32
    %dma_wait3A_1094 = tpu.memref_slice %arg2[%dma_wait3A_1092, %dma_wait3A_1093] : memref<16384x64xf32, #tpu.memory_space<hbm>> -> memref<16384x64xf32, #tpu.memory_space<hbm>>
    tpu.wait_indirect_dma semaphore(%arg7 : memref<!tpu.dma_semaphore, #tpu.memory_space<semaphore_mem>>) src(%dma_wait3A_1094 : memref<16384x64xf32, #tpu.memory_space<hbm>>) dst(%dma_wait3A_1088 : memref<128x64xf32, #tpu.memory_space<vmem>>)
    %dma_wait3A_1095 = arith.constant 52 : i32
    %dma_wait3A_1096 = arith.constant 512 : i32
    %dma_wait3A_1097 = arith.constant 0 : i32
    %dma_wait3A_1098 = tpu.memref_slice %arg6[%dma_wait3A_1096, %dma_wait3A_1097] : memref<1024x64xf32, #tpu.memory_space<vmem>> -> memref<128x64xf32, #tpu.memory_space<vmem>>
    %dma_wait3A_1099 = arith.constant 0 : i32
    %dma_wait3A_1100 = tpu.memref_slice %arg5[%dma_wait3A_1095, %dma_wait3A_1099] : memref<64x128xi32, #tpu.memory_space<vmem>> -> memref<1x128xi32, #tpu.memory_space<vmem>>
    %dma_wait3A_1101 = tpu.memref_squeeze %dma_wait3A_1100 : memref<1x128xi32, #tpu.memory_space<vmem>> -> memref<128xi32, #tpu.memory_space<vmem>>
    %dma_wait3A_1102 = arith.constant 0 : i32
    %dma_wait3A_1103 = arith.constant 0 : i32
    %dma_wait3A_1104 = tpu.memref_slice %arg2[%dma_wait3A_1102, %dma_wait3A_1103] : memref<16384x64xf32, #tpu.memory_space<hbm>> -> memref<16384x64xf32, #tpu.memory_space<hbm>>
    tpu.wait_indirect_dma semaphore(%arg7 : memref<!tpu.dma_semaphore, #tpu.memory_space<semaphore_mem>>) src(%dma_wait3A_1104 : memref<16384x64xf32, #tpu.memory_space<hbm>>) dst(%dma_wait3A_1098 : memref<128x64xf32, #tpu.memory_space<vmem>>)
    %dma_wait3A_1105 = arith.constant 53 : i32
    %dma_wait3A_1106 = arith.constant 640 : i32
    %dma_wait3A_1107 = arith.constant 0 : i32
    %dma_wait3A_1108 = tpu.memref_slice %arg6[%dma_wait3A_1106, %dma_wait3A_1107] : memref<1024x64xf32, #tpu.memory_space<vmem>> -> memref<128x64xf32, #tpu.memory_space<vmem>>
    %dma_wait3A_1109 = arith.constant 0 : i32
    %dma_wait3A_1110 = tpu.memref_slice %arg5[%dma_wait3A_1105, %dma_wait3A_1109] : memref<64x128xi32, #tpu.memory_space<vmem>> -> memref<1x128xi32, #tpu.memory_space<vmem>>
    %dma_wait3A_1111 = tpu.memref_squeeze %dma_wait3A_1110 : memref<1x128xi32, #tpu.memory_space<vmem>> -> memref<128xi32, #tpu.memory_space<vmem>>
    %dma_wait3A_1112 = arith.constant 0 : i32
    %dma_wait3A_1113 = arith.constant 0 : i32
    %dma_wait3A_1114 = tpu.memref_slice %arg2[%dma_wait3A_1112, %dma_wait3A_1113] : memref<16384x64xf32, #tpu.memory_space<hbm>> -> memref<16384x64xf32, #tpu.memory_space<hbm>>
    tpu.wait_indirect_dma semaphore(%arg7 : memref<!tpu.dma_semaphore, #tpu.memory_space<semaphore_mem>>) src(%dma_wait3A_1114 : memref<16384x64xf32, #tpu.memory_space<hbm>>) dst(%dma_wait3A_1108 : memref<128x64xf32, #tpu.memory_space<vmem>>)
    %dma_wait3A_1115 = arith.constant 54 : i32
    %dma_wait3A_1116 = arith.constant 768 : i32
    %dma_wait3A_1117 = arith.constant 0 : i32
    %dma_wait3A_1118 = tpu.memref_slice %arg6[%dma_wait3A_1116, %dma_wait3A_1117] : memref<1024x64xf32, #tpu.memory_space<vmem>> -> memref<128x64xf32, #tpu.memory_space<vmem>>
    %dma_wait3A_1119 = arith.constant 0 : i32
    %dma_wait3A_1120 = tpu.memref_slice %arg5[%dma_wait3A_1115, %dma_wait3A_1119] : memref<64x128xi32, #tpu.memory_space<vmem>> -> memref<1x128xi32, #tpu.memory_space<vmem>>
    %dma_wait3A_1121 = tpu.memref_squeeze %dma_wait3A_1120 : memref<1x128xi32, #tpu.memory_space<vmem>> -> memref<128xi32, #tpu.memory_space<vmem>>
    %dma_wait3A_1122 = arith.constant 0 : i32
    %dma_wait3A_1123 = arith.constant 0 : i32
    %dma_wait3A_1124 = tpu.memref_slice %arg2[%dma_wait3A_1122, %dma_wait3A_1123] : memref<16384x64xf32, #tpu.memory_space<hbm>> -> memref<16384x64xf32, #tpu.memory_space<hbm>>
    tpu.wait_indirect_dma semaphore(%arg7 : memref<!tpu.dma_semaphore, #tpu.memory_space<semaphore_mem>>) src(%dma_wait3A_1124 : memref<16384x64xf32, #tpu.memory_space<hbm>>) dst(%dma_wait3A_1118 : memref<128x64xf32, #tpu.memory_space<vmem>>)
    %dma_wait3A_1125 = arith.constant 55 : i32
    %dma_wait3A_1126 = arith.constant 896 : i32
    %dma_wait3A_1127 = arith.constant 0 : i32
    %dma_wait3A_1128 = tpu.memref_slice %arg6[%dma_wait3A_1126, %dma_wait3A_1127] : memref<1024x64xf32, #tpu.memory_space<vmem>> -> memref<128x64xf32, #tpu.memory_space<vmem>>
    %dma_wait3A_1129 = arith.constant 0 : i32
    %dma_wait3A_1130 = tpu.memref_slice %arg5[%dma_wait3A_1125, %dma_wait3A_1129] : memref<64x128xi32, #tpu.memory_space<vmem>> -> memref<1x128xi32, #tpu.memory_space<vmem>>
    %dma_wait3A_1131 = tpu.memref_squeeze %dma_wait3A_1130 : memref<1x128xi32, #tpu.memory_space<vmem>> -> memref<128xi32, #tpu.memory_space<vmem>>
    %dma_wait3A_1132 = arith.constant 0 : i32
    %dma_wait3A_1133 = arith.constant 0 : i32
    %dma_wait3A_1134 = tpu.memref_slice %arg2[%dma_wait3A_1132, %dma_wait3A_1133] : memref<16384x64xf32, #tpu.memory_space<hbm>> -> memref<16384x64xf32, #tpu.memory_space<hbm>>
    tpu.wait_indirect_dma semaphore(%arg7 : memref<!tpu.dma_semaphore, #tpu.memory_space<semaphore_mem>>) src(%dma_wait3A_1134 : memref<16384x64xf32, #tpu.memory_space<hbm>>) dst(%dma_wait3A_1128 : memref<128x64xf32, #tpu.memory_space<vmem>>)
    %add3A_1135 = arith.constant 6144 : i32
    %add3A_1136 = arith.addi %mul3A_2, %add3A_1135 : i32
    "tpu.region"() ({
      %run_scoped3A = tpu.sem_alloc : memref<!tpu.dma_semaphore, #tpu.memory_space<semaphore_mem>>
      %dma_start3A_1299 = arith.constant 0 : i32
      %dma_start3A_1300 = tpu.memref_slice %arg4[%add3A_1136, %dma_start3A_1299] : memref<262144x64xf32, #tpu.memory_space<hbm>> -> memref<1024x64xf32, #tpu.memory_space<hbm>>
      %dma_start3A_1301 = arith.constant 0 : i32
      %dma_start3A_1302 = tpu.memref_slice %arg4[%add3A_1136, %dma_start3A_1301] : memref<262144x64xf32, #tpu.memory_space<hbm>> -> memref<1024x64xf32, #tpu.memory_space<hbm>>
      tpu.enqueue_dma source(%arg6 : memref<1024x64xf32, #tpu.memory_space<vmem>>) target(%dma_start3A_1302 : memref<1024x64xf32, #tpu.memory_space<hbm>>) target_semaphore(%run_scoped3A : memref<!tpu.dma_semaphore, #tpu.memory_space<semaphore_mem>>)
      %dma_wait3A_1303 = arith.constant 0 : i32
      %dma_wait3A_1304 = tpu.memref_slice %arg4[%add3A_1136, %dma_wait3A_1303] : memref<262144x64xf32, #tpu.memory_space<hbm>> -> memref<1024x64xf32, #tpu.memory_space<hbm>>
      %dma_wait3A_1305 = arith.constant 0 : i32
      %dma_wait3A_1306 = tpu.memref_slice %arg4[%add3A_1136, %dma_wait3A_1305] : memref<262144x64xf32, #tpu.memory_space<hbm>> -> memref<1024x64xf32, #tpu.memory_space<hbm>>
      tpu.wait_dma2 semaphore(%run_scoped3A : memref<!tpu.dma_semaphore, #tpu.memory_space<semaphore_mem>>) src(%arg6 : memref<1024x64xf32, #tpu.memory_space<vmem>>) dst(%dma_wait3A_1306 : memref<1024x64xf32, #tpu.memory_space<hbm>>)
      tpu.yield
    }) : () -> ()
    %dma_start3A_1137 = arith.constant 56 : i32
    %dma_start3A_1138 = arith.constant 0 : i32
    %dma_start3A_1139 = arith.constant 0 : i32
    %dma_start3A_1140 = tpu.memref_slice %arg6[%dma_start3A_1138, %dma_start3A_1139] : memref<1024x64xf32, #tpu.memory_space<vmem>> -> memref<128x64xf32, #tpu.memory_space<vmem>>
    %dma_start3A_1141 = arith.constant 0 : i32
    %dma_start3A_1142 = tpu.memref_slice %arg5[%dma_start3A_1137, %dma_start3A_1141] : memref<64x128xi32, #tpu.memory_space<vmem>> -> memref<1x128xi32, #tpu.memory_space<vmem>>
    %dma_start3A_1143 = tpu.memref_squeeze %dma_start3A_1142 : memref<1x128xi32, #tpu.memory_space<vmem>> -> memref<128xi32, #tpu.memory_space<vmem>>
    %dma_start3A_1144 = arith.constant 0 : i32
    %dma_start3A_1145 = arith.constant 0 : i32
    %dma_start3A_1146 = tpu.memref_slice %arg2[%dma_start3A_1144, %dma_start3A_1145] : memref<16384x64xf32, #tpu.memory_space<hbm>> -> memref<16384x64xf32, #tpu.memory_space<hbm>>
    tpu.enqueue_indirect_dma source(%dma_start3A_1146 : memref<16384x64xf32, #tpu.memory_space<hbm>>) target(%dma_start3A_1140 : memref<128x64xf32, #tpu.memory_space<vmem>>) offsets(%dma_start3A_1143 : memref<128xi32, #tpu.memory_space<vmem>>) semaphore(%arg7 : memref<!tpu.dma_semaphore, #tpu.memory_space<semaphore_mem>>)
    %dma_start3A_1147 = arith.constant 57 : i32
    %dma_start3A_1148 = arith.constant 128 : i32
    %dma_start3A_1149 = arith.constant 0 : i32
    %dma_start3A_1150 = tpu.memref_slice %arg6[%dma_start3A_1148, %dma_start3A_1149] : memref<1024x64xf32, #tpu.memory_space<vmem>> -> memref<128x64xf32, #tpu.memory_space<vmem>>
    %dma_start3A_1151 = arith.constant 0 : i32
    %dma_start3A_1152 = tpu.memref_slice %arg5[%dma_start3A_1147, %dma_start3A_1151] : memref<64x128xi32, #tpu.memory_space<vmem>> -> memref<1x128xi32, #tpu.memory_space<vmem>>
    %dma_start3A_1153 = tpu.memref_squeeze %dma_start3A_1152 : memref<1x128xi32, #tpu.memory_space<vmem>> -> memref<128xi32, #tpu.memory_space<vmem>>
    %dma_start3A_1154 = arith.constant 0 : i32
    %dma_start3A_1155 = arith.constant 0 : i32
    %dma_start3A_1156 = tpu.memref_slice %arg2[%dma_start3A_1154, %dma_start3A_1155] : memref<16384x64xf32, #tpu.memory_space<hbm>> -> memref<16384x64xf32, #tpu.memory_space<hbm>>
    tpu.enqueue_indirect_dma source(%dma_start3A_1156 : memref<16384x64xf32, #tpu.memory_space<hbm>>) target(%dma_start3A_1150 : memref<128x64xf32, #tpu.memory_space<vmem>>) offsets(%dma_start3A_1153 : memref<128xi32, #tpu.memory_space<vmem>>) semaphore(%arg7 : memref<!tpu.dma_semaphore, #tpu.memory_space<semaphore_mem>>)
    %dma_start3A_1157 = arith.constant 58 : i32
    %dma_start3A_1158 = arith.constant 256 : i32
    %dma_start3A_1159 = arith.constant 0 : i32
    %dma_start3A_1160 = tpu.memref_slice %arg6[%dma_start3A_1158, %dma_start3A_1159] : memref<1024x64xf32, #tpu.memory_space<vmem>> -> memref<128x64xf32, #tpu.memory_space<vmem>>
    %dma_start3A_1161 = arith.constant 0 : i32
    %dma_start3A_1162 = tpu.memref_slice %arg5[%dma_start3A_1157, %dma_start3A_1161] : memref<64x128xi32, #tpu.memory_space<vmem>> -> memref<1x128xi32, #tpu.memory_space<vmem>>
    %dma_start3A_1163 = tpu.memref_squeeze %dma_start3A_1162 : memref<1x128xi32, #tpu.memory_space<vmem>> -> memref<128xi32, #tpu.memory_space<vmem>>
    %dma_start3A_1164 = arith.constant 0 : i32
    %dma_start3A_1165 = arith.constant 0 : i32
    %dma_start3A_1166 = tpu.memref_slice %arg2[%dma_start3A_1164, %dma_start3A_1165] : memref<16384x64xf32, #tpu.memory_space<hbm>> -> memref<16384x64xf32, #tpu.memory_space<hbm>>
    tpu.enqueue_indirect_dma source(%dma_start3A_1166 : memref<16384x64xf32, #tpu.memory_space<hbm>>) target(%dma_start3A_1160 : memref<128x64xf32, #tpu.memory_space<vmem>>) offsets(%dma_start3A_1163 : memref<128xi32, #tpu.memory_space<vmem>>) semaphore(%arg7 : memref<!tpu.dma_semaphore, #tpu.memory_space<semaphore_mem>>)
    %dma_start3A_1167 = arith.constant 59 : i32
    %dma_start3A_1168 = arith.constant 384 : i32
    %dma_start3A_1169 = arith.constant 0 : i32
    %dma_start3A_1170 = tpu.memref_slice %arg6[%dma_start3A_1168, %dma_start3A_1169] : memref<1024x64xf32, #tpu.memory_space<vmem>> -> memref<128x64xf32, #tpu.memory_space<vmem>>
    %dma_start3A_1171 = arith.constant 0 : i32
    %dma_start3A_1172 = tpu.memref_slice %arg5[%dma_start3A_1167, %dma_start3A_1171] : memref<64x128xi32, #tpu.memory_space<vmem>> -> memref<1x128xi32, #tpu.memory_space<vmem>>
    %dma_start3A_1173 = tpu.memref_squeeze %dma_start3A_1172 : memref<1x128xi32, #tpu.memory_space<vmem>> -> memref<128xi32, #tpu.memory_space<vmem>>
    %dma_start3A_1174 = arith.constant 0 : i32
    %dma_start3A_1175 = arith.constant 0 : i32
    %dma_start3A_1176 = tpu.memref_slice %arg2[%dma_start3A_1174, %dma_start3A_1175] : memref<16384x64xf32, #tpu.memory_space<hbm>> -> memref<16384x64xf32, #tpu.memory_space<hbm>>
    tpu.enqueue_indirect_dma source(%dma_start3A_1176 : memref<16384x64xf32, #tpu.memory_space<hbm>>) target(%dma_start3A_1170 : memref<128x64xf32, #tpu.memory_space<vmem>>) offsets(%dma_start3A_1173 : memref<128xi32, #tpu.memory_space<vmem>>) semaphore(%arg7 : memref<!tpu.dma_semaphore, #tpu.memory_space<semaphore_mem>>)
    %dma_start3A_1177 = arith.constant 60 : i32
    %dma_start3A_1178 = arith.constant 512 : i32
    %dma_start3A_1179 = arith.constant 0 : i32
    %dma_start3A_1180 = tpu.memref_slice %arg6[%dma_start3A_1178, %dma_start3A_1179] : memref<1024x64xf32, #tpu.memory_space<vmem>> -> memref<128x64xf32, #tpu.memory_space<vmem>>
    %dma_start3A_1181 = arith.constant 0 : i32
    %dma_start3A_1182 = tpu.memref_slice %arg5[%dma_start3A_1177, %dma_start3A_1181] : memref<64x128xi32, #tpu.memory_space<vmem>> -> memref<1x128xi32, #tpu.memory_space<vmem>>
    %dma_start3A_1183 = tpu.memref_squeeze %dma_start3A_1182 : memref<1x128xi32, #tpu.memory_space<vmem>> -> memref<128xi32, #tpu.memory_space<vmem>>
    %dma_start3A_1184 = arith.constant 0 : i32
    %dma_start3A_1185 = arith.constant 0 : i32
    %dma_start3A_1186 = tpu.memref_slice %arg2[%dma_start3A_1184, %dma_start3A_1185] : memref<16384x64xf32, #tpu.memory_space<hbm>> -> memref<16384x64xf32, #tpu.memory_space<hbm>>
    tpu.enqueue_indirect_dma source(%dma_start3A_1186 : memref<16384x64xf32, #tpu.memory_space<hbm>>) target(%dma_start3A_1180 : memref<128x64xf32, #tpu.memory_space<vmem>>) offsets(%dma_start3A_1183 : memref<128xi32, #tpu.memory_space<vmem>>) semaphore(%arg7 : memref<!tpu.dma_semaphore, #tpu.memory_space<semaphore_mem>>)
    %dma_start3A_1187 = arith.constant 61 : i32
    %dma_start3A_1188 = arith.constant 640 : i32
    %dma_start3A_1189 = arith.constant 0 : i32
    %dma_start3A_1190 = tpu.memref_slice %arg6[%dma_start3A_1188, %dma_start3A_1189] : memref<1024x64xf32, #tpu.memory_space<vmem>> -> memref<128x64xf32, #tpu.memory_space<vmem>>
    %dma_start3A_1191 = arith.constant 0 : i32
    %dma_start3A_1192 = tpu.memref_slice %arg5[%dma_start3A_1187, %dma_start3A_1191] : memref<64x128xi32, #tpu.memory_space<vmem>> -> memref<1x128xi32, #tpu.memory_space<vmem>>
    %dma_start3A_1193 = tpu.memref_squeeze %dma_start3A_1192 : memref<1x128xi32, #tpu.memory_space<vmem>> -> memref<128xi32, #tpu.memory_space<vmem>>
    %dma_start3A_1194 = arith.constant 0 : i32
    %dma_start3A_1195 = arith.constant 0 : i32
    %dma_start3A_1196 = tpu.memref_slice %arg2[%dma_start3A_1194, %dma_start3A_1195] : memref<16384x64xf32, #tpu.memory_space<hbm>> -> memref<16384x64xf32, #tpu.memory_space<hbm>>
    tpu.enqueue_indirect_dma source(%dma_start3A_1196 : memref<16384x64xf32, #tpu.memory_space<hbm>>) target(%dma_start3A_1190 : memref<128x64xf32, #tpu.memory_space<vmem>>) offsets(%dma_start3A_1193 : memref<128xi32, #tpu.memory_space<vmem>>) semaphore(%arg7 : memref<!tpu.dma_semaphore, #tpu.memory_space<semaphore_mem>>)
    %dma_start3A_1197 = arith.constant 62 : i32
    %dma_start3A_1198 = arith.constant 768 : i32
    %dma_start3A_1199 = arith.constant 0 : i32
    %dma_start3A_1200 = tpu.memref_slice %arg6[%dma_start3A_1198, %dma_start3A_1199] : memref<1024x64xf32, #tpu.memory_space<vmem>> -> memref<128x64xf32, #tpu.memory_space<vmem>>
    %dma_start3A_1201 = arith.constant 0 : i32
    %dma_start3A_1202 = tpu.memref_slice %arg5[%dma_start3A_1197, %dma_start3A_1201] : memref<64x128xi32, #tpu.memory_space<vmem>> -> memref<1x128xi32, #tpu.memory_space<vmem>>
    %dma_start3A_1203 = tpu.memref_squeeze %dma_start3A_1202 : memref<1x128xi32, #tpu.memory_space<vmem>> -> memref<128xi32, #tpu.memory_space<vmem>>
    %dma_start3A_1204 = arith.constant 0 : i32
    %dma_start3A_1205 = arith.constant 0 : i32
    %dma_start3A_1206 = tpu.memref_slice %arg2[%dma_start3A_1204, %dma_start3A_1205] : memref<16384x64xf32, #tpu.memory_space<hbm>> -> memref<16384x64xf32, #tpu.memory_space<hbm>>
    tpu.enqueue_indirect_dma source(%dma_start3A_1206 : memref<16384x64xf32, #tpu.memory_space<hbm>>) target(%dma_start3A_1200 : memref<128x64xf32, #tpu.memory_space<vmem>>) offsets(%dma_start3A_1203 : memref<128xi32, #tpu.memory_space<vmem>>) semaphore(%arg7 : memref<!tpu.dma_semaphore, #tpu.memory_space<semaphore_mem>>)
    %dma_start3A_1207 = arith.constant 63 : i32
    %dma_start3A_1208 = arith.constant 896 : i32
    %dma_start3A_1209 = arith.constant 0 : i32
    %dma_start3A_1210 = tpu.memref_slice %arg6[%dma_start3A_1208, %dma_start3A_1209] : memref<1024x64xf32, #tpu.memory_space<vmem>> -> memref<128x64xf32, #tpu.memory_space<vmem>>
    %dma_start3A_1211 = arith.constant 0 : i32
    %dma_start3A_1212 = tpu.memref_slice %arg5[%dma_start3A_1207, %dma_start3A_1211] : memref<64x128xi32, #tpu.memory_space<vmem>> -> memref<1x128xi32, #tpu.memory_space<vmem>>
    %dma_start3A_1213 = tpu.memref_squeeze %dma_start3A_1212 : memref<1x128xi32, #tpu.memory_space<vmem>> -> memref<128xi32, #tpu.memory_space<vmem>>
    %dma_start3A_1214 = arith.constant 0 : i32
    %dma_start3A_1215 = arith.constant 0 : i32
    %dma_start3A_1216 = tpu.memref_slice %arg2[%dma_start3A_1214, %dma_start3A_1215] : memref<16384x64xf32, #tpu.memory_space<hbm>> -> memref<16384x64xf32, #tpu.memory_space<hbm>>
    tpu.enqueue_indirect_dma source(%dma_start3A_1216 : memref<16384x64xf32, #tpu.memory_space<hbm>>) target(%dma_start3A_1210 : memref<128x64xf32, #tpu.memory_space<vmem>>) offsets(%dma_start3A_1213 : memref<128xi32, #tpu.memory_space<vmem>>) semaphore(%arg7 : memref<!tpu.dma_semaphore, #tpu.memory_space<semaphore_mem>>)
    %dma_wait3A_1217 = arith.constant 56 : i32
    %dma_wait3A_1218 = arith.constant 0 : i32
    %dma_wait3A_1219 = arith.constant 0 : i32
    %dma_wait3A_1220 = tpu.memref_slice %arg6[%dma_wait3A_1218, %dma_wait3A_1219] : memref<1024x64xf32, #tpu.memory_space<vmem>> -> memref<128x64xf32, #tpu.memory_space<vmem>>
    %dma_wait3A_1221 = arith.constant 0 : i32
    %dma_wait3A_1222 = tpu.memref_slice %arg5[%dma_wait3A_1217, %dma_wait3A_1221] : memref<64x128xi32, #tpu.memory_space<vmem>> -> memref<1x128xi32, #tpu.memory_space<vmem>>
    %dma_wait3A_1223 = tpu.memref_squeeze %dma_wait3A_1222 : memref<1x128xi32, #tpu.memory_space<vmem>> -> memref<128xi32, #tpu.memory_space<vmem>>
    %dma_wait3A_1224 = arith.constant 0 : i32
    %dma_wait3A_1225 = arith.constant 0 : i32
    %dma_wait3A_1226 = tpu.memref_slice %arg2[%dma_wait3A_1224, %dma_wait3A_1225] : memref<16384x64xf32, #tpu.memory_space<hbm>> -> memref<16384x64xf32, #tpu.memory_space<hbm>>
    tpu.wait_indirect_dma semaphore(%arg7 : memref<!tpu.dma_semaphore, #tpu.memory_space<semaphore_mem>>) src(%dma_wait3A_1226 : memref<16384x64xf32, #tpu.memory_space<hbm>>) dst(%dma_wait3A_1220 : memref<128x64xf32, #tpu.memory_space<vmem>>)
    %dma_wait3A_1227 = arith.constant 57 : i32
    %dma_wait3A_1228 = arith.constant 128 : i32
    %dma_wait3A_1229 = arith.constant 0 : i32
    %dma_wait3A_1230 = tpu.memref_slice %arg6[%dma_wait3A_1228, %dma_wait3A_1229] : memref<1024x64xf32, #tpu.memory_space<vmem>> -> memref<128x64xf32, #tpu.memory_space<vmem>>
    %dma_wait3A_1231 = arith.constant 0 : i32
    %dma_wait3A_1232 = tpu.memref_slice %arg5[%dma_wait3A_1227, %dma_wait3A_1231] : memref<64x128xi32, #tpu.memory_space<vmem>> -> memref<1x128xi32, #tpu.memory_space<vmem>>
    %dma_wait3A_1233 = tpu.memref_squeeze %dma_wait3A_1232 : memref<1x128xi32, #tpu.memory_space<vmem>> -> memref<128xi32, #tpu.memory_space<vmem>>
    %dma_wait3A_1234 = arith.constant 0 : i32
    %dma_wait3A_1235 = arith.constant 0 : i32
    %dma_wait3A_1236 = tpu.memref_slice %arg2[%dma_wait3A_1234, %dma_wait3A_1235] : memref<16384x64xf32, #tpu.memory_space<hbm>> -> memref<16384x64xf32, #tpu.memory_space<hbm>>
    tpu.wait_indirect_dma semaphore(%arg7 : memref<!tpu.dma_semaphore, #tpu.memory_space<semaphore_mem>>) src(%dma_wait3A_1236 : memref<16384x64xf32, #tpu.memory_space<hbm>>) dst(%dma_wait3A_1230 : memref<128x64xf32, #tpu.memory_space<vmem>>)
    %dma_wait3A_1237 = arith.constant 58 : i32
    %dma_wait3A_1238 = arith.constant 256 : i32
    %dma_wait3A_1239 = arith.constant 0 : i32
    %dma_wait3A_1240 = tpu.memref_slice %arg6[%dma_wait3A_1238, %dma_wait3A_1239] : memref<1024x64xf32, #tpu.memory_space<vmem>> -> memref<128x64xf32, #tpu.memory_space<vmem>>
    %dma_wait3A_1241 = arith.constant 0 : i32
    %dma_wait3A_1242 = tpu.memref_slice %arg5[%dma_wait3A_1237, %dma_wait3A_1241] : memref<64x128xi32, #tpu.memory_space<vmem>> -> memref<1x128xi32, #tpu.memory_space<vmem>>
    %dma_wait3A_1243 = tpu.memref_squeeze %dma_wait3A_1242 : memref<1x128xi32, #tpu.memory_space<vmem>> -> memref<128xi32, #tpu.memory_space<vmem>>
    %dma_wait3A_1244 = arith.constant 0 : i32
    %dma_wait3A_1245 = arith.constant 0 : i32
    %dma_wait3A_1246 = tpu.memref_slice %arg2[%dma_wait3A_1244, %dma_wait3A_1245] : memref<16384x64xf32, #tpu.memory_space<hbm>> -> memref<16384x64xf32, #tpu.memory_space<hbm>>
    tpu.wait_indirect_dma semaphore(%arg7 : memref<!tpu.dma_semaphore, #tpu.memory_space<semaphore_mem>>) src(%dma_wait3A_1246 : memref<16384x64xf32, #tpu.memory_space<hbm>>) dst(%dma_wait3A_1240 : memref<128x64xf32, #tpu.memory_space<vmem>>)
    %dma_wait3A_1247 = arith.constant 59 : i32
    %dma_wait3A_1248 = arith.constant 384 : i32
    %dma_wait3A_1249 = arith.constant 0 : i32
    %dma_wait3A_1250 = tpu.memref_slice %arg6[%dma_wait3A_1248, %dma_wait3A_1249] : memref<1024x64xf32, #tpu.memory_space<vmem>> -> memref<128x64xf32, #tpu.memory_space<vmem>>
    %dma_wait3A_1251 = arith.constant 0 : i32
    %dma_wait3A_1252 = tpu.memref_slice %arg5[%dma_wait3A_1247, %dma_wait3A_1251] : memref<64x128xi32, #tpu.memory_space<vmem>> -> memref<1x128xi32, #tpu.memory_space<vmem>>
    %dma_wait3A_1253 = tpu.memref_squeeze %dma_wait3A_1252 : memref<1x128xi32, #tpu.memory_space<vmem>> -> memref<128xi32, #tpu.memory_space<vmem>>
    %dma_wait3A_1254 = arith.constant 0 : i32
    %dma_wait3A_1255 = arith.constant 0 : i32
    %dma_wait3A_1256 = tpu.memref_slice %arg2[%dma_wait3A_1254, %dma_wait3A_1255] : memref<16384x64xf32, #tpu.memory_space<hbm>> -> memref<16384x64xf32, #tpu.memory_space<hbm>>
    tpu.wait_indirect_dma semaphore(%arg7 : memref<!tpu.dma_semaphore, #tpu.memory_space<semaphore_mem>>) src(%dma_wait3A_1256 : memref<16384x64xf32, #tpu.memory_space<hbm>>) dst(%dma_wait3A_1250 : memref<128x64xf32, #tpu.memory_space<vmem>>)
    %dma_wait3A_1257 = arith.constant 60 : i32
    %dma_wait3A_1258 = arith.constant 512 : i32
    %dma_wait3A_1259 = arith.constant 0 : i32
    %dma_wait3A_1260 = tpu.memref_slice %arg6[%dma_wait3A_1258, %dma_wait3A_1259] : memref<1024x64xf32, #tpu.memory_space<vmem>> -> memref<128x64xf32, #tpu.memory_space<vmem>>
    %dma_wait3A_1261 = arith.constant 0 : i32
    %dma_wait3A_1262 = tpu.memref_slice %arg5[%dma_wait3A_1257, %dma_wait3A_1261] : memref<64x128xi32, #tpu.memory_space<vmem>> -> memref<1x128xi32, #tpu.memory_space<vmem>>
    %dma_wait3A_1263 = tpu.memref_squeeze %dma_wait3A_1262 : memref<1x128xi32, #tpu.memory_space<vmem>> -> memref<128xi32, #tpu.memory_space<vmem>>
    %dma_wait3A_1264 = arith.constant 0 : i32
    %dma_wait3A_1265 = arith.constant 0 : i32
    %dma_wait3A_1266 = tpu.memref_slice %arg2[%dma_wait3A_1264, %dma_wait3A_1265] : memref<16384x64xf32, #tpu.memory_space<hbm>> -> memref<16384x64xf32, #tpu.memory_space<hbm>>
    tpu.wait_indirect_dma semaphore(%arg7 : memref<!tpu.dma_semaphore, #tpu.memory_space<semaphore_mem>>) src(%dma_wait3A_1266 : memref<16384x64xf32, #tpu.memory_space<hbm>>) dst(%dma_wait3A_1260 : memref<128x64xf32, #tpu.memory_space<vmem>>)
    %dma_wait3A_1267 = arith.constant 61 : i32
    %dma_wait3A_1268 = arith.constant 640 : i32
    %dma_wait3A_1269 = arith.constant 0 : i32
    %dma_wait3A_1270 = tpu.memref_slice %arg6[%dma_wait3A_1268, %dma_wait3A_1269] : memref<1024x64xf32, #tpu.memory_space<vmem>> -> memref<128x64xf32, #tpu.memory_space<vmem>>
    %dma_wait3A_1271 = arith.constant 0 : i32
    %dma_wait3A_1272 = tpu.memref_slice %arg5[%dma_wait3A_1267, %dma_wait3A_1271] : memref<64x128xi32, #tpu.memory_space<vmem>> -> memref<1x128xi32, #tpu.memory_space<vmem>>
    %dma_wait3A_1273 = tpu.memref_squeeze %dma_wait3A_1272 : memref<1x128xi32, #tpu.memory_space<vmem>> -> memref<128xi32, #tpu.memory_space<vmem>>
    %dma_wait3A_1274 = arith.constant 0 : i32
    %dma_wait3A_1275 = arith.constant 0 : i32
    %dma_wait3A_1276 = tpu.memref_slice %arg2[%dma_wait3A_1274, %dma_wait3A_1275] : memref<16384x64xf32, #tpu.memory_space<hbm>> -> memref<16384x64xf32, #tpu.memory_space<hbm>>
    tpu.wait_indirect_dma semaphore(%arg7 : memref<!tpu.dma_semaphore, #tpu.memory_space<semaphore_mem>>) src(%dma_wait3A_1276 : memref<16384x64xf32, #tpu.memory_space<hbm>>) dst(%dma_wait3A_1270 : memref<128x64xf32, #tpu.memory_space<vmem>>)
    %dma_wait3A_1277 = arith.constant 62 : i32
    %dma_wait3A_1278 = arith.constant 768 : i32
    %dma_wait3A_1279 = arith.constant 0 : i32
    %dma_wait3A_1280 = tpu.memref_slice %arg6[%dma_wait3A_1278, %dma_wait3A_1279] : memref<1024x64xf32, #tpu.memory_space<vmem>> -> memref<128x64xf32, #tpu.memory_space<vmem>>
    %dma_wait3A_1281 = arith.constant 0 : i32
    %dma_wait3A_1282 = tpu.memref_slice %arg5[%dma_wait3A_1277, %dma_wait3A_1281] : memref<64x128xi32, #tpu.memory_space<vmem>> -> memref<1x128xi32, #tpu.memory_space<vmem>>
    %dma_wait3A_1283 = tpu.memref_squeeze %dma_wait3A_1282 : memref<1x128xi32, #tpu.memory_space<vmem>> -> memref<128xi32, #tpu.memory_space<vmem>>
    %dma_wait3A_1284 = arith.constant 0 : i32
    %dma_wait3A_1285 = arith.constant 0 : i32
    %dma_wait3A_1286 = tpu.memref_slice %arg2[%dma_wait3A_1284, %dma_wait3A_1285] : memref<16384x64xf32, #tpu.memory_space<hbm>> -> memref<16384x64xf32, #tpu.memory_space<hbm>>
    tpu.wait_indirect_dma semaphore(%arg7 : memref<!tpu.dma_semaphore, #tpu.memory_space<semaphore_mem>>) src(%dma_wait3A_1286 : memref<16384x64xf32, #tpu.memory_space<hbm>>) dst(%dma_wait3A_1280 : memref<128x64xf32, #tpu.memory_space<vmem>>)
    %dma_wait3A_1287 = arith.constant 63 : i32
    %dma_wait3A_1288 = arith.constant 896 : i32
    %dma_wait3A_1289 = arith.constant 0 : i32
    %dma_wait3A_1290 = tpu.memref_slice %arg6[%dma_wait3A_1288, %dma_wait3A_1289] : memref<1024x64xf32, #tpu.memory_space<vmem>> -> memref<128x64xf32, #tpu.memory_space<vmem>>
    %dma_wait3A_1291 = arith.constant 0 : i32
    %dma_wait3A_1292 = tpu.memref_slice %arg5[%dma_wait3A_1287, %dma_wait3A_1291] : memref<64x128xi32, #tpu.memory_space<vmem>> -> memref<1x128xi32, #tpu.memory_space<vmem>>
    %dma_wait3A_1293 = tpu.memref_squeeze %dma_wait3A_1292 : memref<1x128xi32, #tpu.memory_space<vmem>> -> memref<128xi32, #tpu.memory_space<vmem>>
    %dma_wait3A_1294 = arith.constant 0 : i32
    %dma_wait3A_1295 = arith.constant 0 : i32
    %dma_wait3A_1296 = tpu.memref_slice %arg2[%dma_wait3A_1294, %dma_wait3A_1295] : memref<16384x64xf32, #tpu.memory_space<hbm>> -> memref<16384x64xf32, #tpu.memory_space<hbm>>
    tpu.wait_indirect_dma semaphore(%arg7 : memref<!tpu.dma_semaphore, #tpu.memory_space<semaphore_mem>>) src(%dma_wait3A_1296 : memref<16384x64xf32, #tpu.memory_space<hbm>>) dst(%dma_wait3A_1290 : memref<128x64xf32, #tpu.memory_space<vmem>>)
    %add3A_1297 = arith.constant 7168 : i32
    %add3A_1298 = arith.addi %mul3A_2, %add3A_1297 : i32
    "tpu.region"() ({
      %run_scoped3A = tpu.sem_alloc : memref<!tpu.dma_semaphore, #tpu.memory_space<semaphore_mem>>
      %dma_start3A_1299 = arith.constant 0 : i32
      %dma_start3A_1300 = tpu.memref_slice %arg4[%add3A_1298, %dma_start3A_1299] : memref<262144x64xf32, #tpu.memory_space<hbm>> -> memref<1024x64xf32, #tpu.memory_space<hbm>>
      %dma_start3A_1301 = arith.constant 0 : i32
      %dma_start3A_1302 = tpu.memref_slice %arg4[%add3A_1298, %dma_start3A_1301] : memref<262144x64xf32, #tpu.memory_space<hbm>> -> memref<1024x64xf32, #tpu.memory_space<hbm>>
      tpu.enqueue_dma source(%arg6 : memref<1024x64xf32, #tpu.memory_space<vmem>>) target(%dma_start3A_1302 : memref<1024x64xf32, #tpu.memory_space<hbm>>) target_semaphore(%run_scoped3A : memref<!tpu.dma_semaphore, #tpu.memory_space<semaphore_mem>>)
      %dma_wait3A_1303 = arith.constant 0 : i32
      %dma_wait3A_1304 = tpu.memref_slice %arg4[%add3A_1298, %dma_wait3A_1303] : memref<262144x64xf32, #tpu.memory_space<hbm>> -> memref<1024x64xf32, #tpu.memory_space<hbm>>
      %dma_wait3A_1305 = arith.constant 0 : i32
      %dma_wait3A_1306 = tpu.memref_slice %arg4[%add3A_1298, %dma_wait3A_1305] : memref<262144x64xf32, #tpu.memory_space<hbm>> -> memref<1024x64xf32, #tpu.memory_space<hbm>>
      tpu.wait_dma2 semaphore(%run_scoped3A : memref<!tpu.dma_semaphore, #tpu.memory_space<semaphore_mem>>) src(%arg6 : memref<1024x64xf32, #tpu.memory_space<vmem>>) dst(%dma_wait3A_1306 : memref<1024x64xf32, #tpu.memory_space<hbm>>)
      tpu.yield
    }) : () -> ()
    return
  }
}

module attributes {stable_mosaic.version = 14 : i64} {
  func.func @_pre_body(%arg0: i32, %arg1: memref<1x2048x3xf32, #tpu.memory_space<vmem>>, %arg2: memref<1x2048x3xf32, #tpu.memory_space<vmem>>, %arg3: memref<1x2048x64xf32, #tpu.memory_space<vmem>>, %arg4: memref<1x2048x64xf32, #tpu.memory_space<vmem>>, %arg5: memref<3x64xf32, #tpu.memory_space<vmem>>, %arg6: memref<64x64xf32, #tpu.memory_space<vmem>>, %arg7: memref<64x64xf32, #tpu.memory_space<vmem>>, %arg8: memref<1x2048x64xf32, #tpu.memory_space<vmem>>, %arg9: memref<1x2048x64xf32, #tpu.memory_space<vmem>>) attributes {dimension_semantics = [#tpu.dimension_semantics<arbitrary>], iteration_bounds = array<i64: 8>, scalar_prefetch = 0 : i64, scratch_operands = 0 : i64, tpu.core_type = #tpu.core_type<tc>, window_params = [{transform_indices = @transform_0, window_bounds = array<i64: 1, 2048, 3>}, {transform_indices = @transform_1, window_bounds = array<i64: 1, 2048, 3>}, {transform_indices = @transform_2, window_bounds = array<i64: 1, 2048, 64>}, {transform_indices = @transform_3, window_bounds = array<i64: 1, 2048, 64>}, {pipeline_mode = #tpu.pipeline_mode<synchronous>, transform_indices = @transform_4, window_bounds = array<i64: 3, 64>}, {pipeline_mode = #tpu.pipeline_mode<synchronous>, transform_indices = @transform_5, window_bounds = array<i64: 64, 64>}, {pipeline_mode = #tpu.pipeline_mode<synchronous>, transform_indices = @transform_6, window_bounds = array<i64: 64, 64>}, {transform_indices = @transform_7, window_bounds = array<i64: 1, 2048, 64>}, {transform_indices = @transform_8, window_bounds = array<i64: 1, 2048, 64>}]} {
    %get3A = arith.constant 0 : index
    %get3A_0 = arith.constant 0 : index
    %get3A_1 = arith.constant 0 : index
    %get3A_2 = vector.load %arg2[%get3A, %get3A_0, %get3A_1] : memref<1x2048x3xf32, #tpu.memory_space<vmem>>, vector<1x2048x3xf32>
    %get3A_3 = vector.shape_cast %get3A_2 : vector<1x2048x3xf32> to vector<2048x3xf32>
    %get3A_4 = arith.constant 0 : index
    %get3A_5 = arith.constant 0 : index
    %get3A_6 = vector.load %arg5[%get3A_4, %get3A_5] : memref<3x64xf32, #tpu.memory_space<vmem>>, vector<3x64xf32>
    %dot_general3A = arith.constant dense<0.000000e+00> : vector<2048x64xf32>
    %dot_general3A_7 = tpu.matmul %get3A_3, %get3A_6, %dot_general3A {dimension_numbers = #tpu.dot_dimension_numbers<[1], [0], [0], [1], [0, 0, 1, 1], [], []>, transpose_lhs_hint = false} : vector<2048x3xf32>, vector<3x64xf32>, vector<2048x64xf32> -> vector<2048x64xf32>
    %get3A_8 = arith.constant 0 : index
    %get3A_9 = arith.constant 0 : index
    %get3A_10 = arith.constant 0 : index
    %get3A_11 = vector.load %arg4[%get3A_8, %get3A_9, %get3A_10] : memref<1x2048x64xf32, #tpu.memory_space<vmem>>, vector<1x2048x64xf32>
    %get3A_12 = vector.shape_cast %get3A_11 : vector<1x2048x64xf32> to vector<2048x64xf32>
    %get3A_13 = arith.constant 0 : index
    %get3A_14 = arith.constant 0 : index
    %get3A_15 = vector.load %arg6[%get3A_13, %get3A_14] : memref<64x64xf32, #tpu.memory_space<vmem>>, vector<64x64xf32>
    %dot_general3A_16 = arith.constant dense<0.000000e+00> : vector<2048x64xf32>
    %dot_general3A_17 = tpu.matmul %get3A_12, %get3A_15, %dot_general3A_16 {dimension_numbers = #tpu.dot_dimension_numbers<[1], [0], [0], [1], [0, 0, 1, 1], [], []>, transpose_lhs_hint = false} : vector<2048x64xf32>, vector<64x64xf32>, vector<2048x64xf32> -> vector<2048x64xf32>
    %add3A = arith.addf %dot_general3A_7, %dot_general3A_17 : vector<2048x64xf32>
    %swap3A = arith.constant 0 : index
    %swap3A_18 = arith.constant 0 : index
    %swap3A_19 = arith.constant 0 : index
    %swap3A_20 = vector.load %arg8[%swap3A, %swap3A_18, %swap3A_19] : memref<1x2048x64xf32, #tpu.memory_space<vmem>>, vector<1x2048x64xf32>
    %swap3A_21 = vector.shape_cast %swap3A_20 : vector<1x2048x64xf32> to vector<2048x64xf32>
    %swap3A_22 = vector.shape_cast %add3A : vector<2048x64xf32> to vector<1x2048x64xf32>
    tpu.vector_store %arg8[%swap3A, %swap3A_18, %swap3A_19], %swap3A_22 {strides = array<i32>} : memref<1x2048x64xf32, #tpu.memory_space<vmem>>, vector<1x2048x64xf32>,
    %get3A_23 = arith.constant 0 : index
    %get3A_24 = arith.constant 0 : index
    %get3A_25 = arith.constant 0 : index
    %get3A_26 = vector.load %arg3[%get3A_23, %get3A_24, %get3A_25] : memref<1x2048x64xf32, #tpu.memory_space<vmem>>, vector<1x2048x64xf32>
    %get3A_27 = vector.shape_cast %get3A_26 : vector<1x2048x64xf32> to vector<2048x64xf32>
    %get3A_28 = arith.constant 0 : index
    %get3A_29 = arith.constant 0 : index
    %get3A_30 = vector.load %arg7[%get3A_28, %get3A_29] : memref<64x64xf32, #tpu.memory_space<vmem>>, vector<64x64xf32>
    %dot_general3A_31 = arith.constant dense<0.000000e+00> : vector<2048x64xf32>
    %dot_general3A_32 = tpu.matmul %get3A_27, %get3A_30, %dot_general3A_31 {dimension_numbers = #tpu.dot_dimension_numbers<[1], [0], [0], [1], [0, 0, 1, 1], [], []>, transpose_lhs_hint = false} : vector<2048x64xf32>, vector<64x64xf32>, vector<2048x64xf32> -> vector<2048x64xf32>
    %get3A_33 = arith.constant 0 : index
    %get3A_34 = arith.constant 0 : index
    %get3A_35 = arith.constant 0 : index
    %get3A_36 = vector.load %arg1[%get3A_33, %get3A_34, %get3A_35] : memref<1x2048x3xf32, #tpu.memory_space<vmem>>, vector<1x2048x3xf32>
    %get3A_37 = vector.shape_cast %get3A_36 : vector<1x2048x3xf32> to vector<2048x3xf32>
    %get3A_38 = arith.constant 0 : index
    %get3A_39 = arith.constant 0 : index
    %get3A_40 = vector.load %arg5[%get3A_38, %get3A_39] : memref<3x64xf32, #tpu.memory_space<vmem>>, vector<3x64xf32>
    %dot_general3A_41 = arith.constant dense<0.000000e+00> : vector<2048x64xf32>
    %dot_general3A_42 = tpu.matmul %get3A_37, %get3A_40, %dot_general3A_41 {dimension_numbers = #tpu.dot_dimension_numbers<[1], [0], [0], [1], [0, 0, 1, 1], [], []>, transpose_lhs_hint = false} : vector<2048x3xf32>, vector<3x64xf32>, vector<2048x64xf32> -> vector<2048x64xf32>
    %sub3A = arith.subf %dot_general3A_32, %dot_general3A_42 : vector<2048x64xf32>
    %swap3A_43 = arith.constant 0 : index
    %swap3A_44 = arith.constant 0 : index
    %swap3A_45 = arith.constant 0 : index
    %swap3A_46 = vector.load %arg9[%swap3A_43, %swap3A_44, %swap3A_45] : memref<1x2048x64xf32, #tpu.memory_space<vmem>>, vector<1x2048x64xf32>
    %swap3A_47 = vector.shape_cast %swap3A_46 : vector<1x2048x64xf32> to vector<2048x64xf32>
    %swap3A_48 = vector.shape_cast %sub3A : vector<2048x64xf32> to vector<1x2048x64xf32>
    tpu.vector_store %arg9[%swap3A_43, %swap3A_44, %swap3A_45], %swap3A_48 {strides = array<i32>} : memref<1x2048x64xf32, #tpu.memory_space<vmem>>, vector<1x2048x64xf32>,
    return
  }
  func.func @transform_0(%arg0: i32) -> (i32, i32, i32) {
    %c0_i32 = arith.constant 0 : i32
    %c0_i32_0 = arith.constant 0 : i32
    %c0_i32_1 = arith.constant 0 : i32
    return %arg0, %c0_i32, %c0_i32_0 : i32, i32, i32
  }
  func.func @transform_1(%arg0: i32) -> (i32, i32, i32) {
    %c0_i32 = arith.constant 0 : i32
    %c0_i32_0 = arith.constant 0 : i32
    %c0_i32_1 = arith.constant 0 : i32
    return %arg0, %c0_i32, %c0_i32_0 : i32, i32, i32
  }
  func.func @transform_2(%arg0: i32) -> (i32, i32, i32) {
    %c0_i32 = arith.constant 0 : i32
    %c0_i32_0 = arith.constant 0 : i32
    %c0_i32_1 = arith.constant 0 : i32
    return %arg0, %c0_i32, %c0_i32_0 : i32, i32, i32
  }
  func.func @transform_3(%arg0: i32) -> (i32, i32, i32) {
    %c0_i32 = arith.constant 0 : i32
    %c0_i32_0 = arith.constant 0 : i32
    %c0_i32_1 = arith.constant 0 : i32
    return %arg0, %c0_i32, %c0_i32_0 : i32, i32, i32
  }
  func.func @transform_4(%arg0: i32) -> (i32, i32) {
    %c0_i32 = arith.constant 0 : i32
    %c0_i32_0 = arith.constant 0 : i32
    %c0_i32_1 = arith.constant 0 : i32
    return %c0_i32, %c0_i32_0 : i32, i32
  }
  func.func @transform_5(%arg0: i32) -> (i32, i32) {
    %c0_i32 = arith.constant 0 : i32
    %c0_i32_0 = arith.constant 0 : i32
    %c0_i32_1 = arith.constant 0 : i32
    return %c0_i32, %c0_i32_0 : i32, i32
  }
  func.func @transform_6(%arg0: i32) -> (i32, i32) {
    %c0_i32 = arith.constant 0 : i32
    %c0_i32_0 = arith.constant 0 : i32
    %c0_i32_1 = arith.constant 0 : i32
    return %c0_i32, %c0_i32_0 : i32, i32
  }
  func.func @transform_7(%arg0: i32) -> (i32, i32, i32) {
    %c0_i32 = arith.constant 0 : i32
    %c0_i32_0 = arith.constant 0 : i32
    %c0_i32_1 = arith.constant 0 : i32
    return %arg0, %c0_i32, %c0_i32_0 : i32, i32, i32
  }
  func.func @transform_8(%arg0: i32) -> (i32, i32, i32) {
    %c0_i32 = arith.constant 0 : i32
    %c0_i32_0 = arith.constant 0 : i32
    %c0_i32_1 = arith.constant 0 : i32
    return %arg0, %c0_i32, %c0_i32_0 : i32, i32, i32
  }
}

module attributes {stable_mosaic.version = 14 : i64} {
  func.func @_knn_body(%arg0: i32, %arg1: i32, %arg2: memref<1x512x3xf32, #tpu.memory_space<vmem>>, %arg3: memref<1x3x2048xf32, #tpu.memory_space<vmem>>, %arg4: memref<1x512x16xi32, #tpu.memory_space<vmem>>) attributes {dimension_semantics = [#tpu.dimension_semantics<arbitrary>, #tpu.dimension_semantics<arbitrary>], iteration_bounds = array<i64: 8, 4>, scalar_prefetch = 0 : i64, scratch_operands = 0 : i64, tpu.core_type = #tpu.core_type<tc>, window_params = [{transform_indices = @transform_0, window_bounds = array<i64: 1, 512, 3>}, {transform_indices = @transform_1, window_bounds = array<i64: 1, 3, 2048>}, {transform_indices = @transform_2, window_bounds = array<i64: 1, 512, 16>}]} {
    %get3A = arith.constant 0 : index
    %get3A_0 = arith.constant 0 : index
    %get3A_1 = arith.constant 0 : index
    %get3A_2 = vector.load %arg2[%get3A, %get3A_0, %get3A_1] : memref<1x512x3xf32, #tpu.memory_space<vmem>>, vector<1x512x3xf32>
    %get3A_3 = vector.shape_cast %get3A_2 : vector<1x512x3xf32> to vector<512x3xf32>
    %slice3A = vector.extract_strided_slice %get3A_3 {offsets = [0, 0], sizes = [512, 1], strides = [1, 1]} : vector<512x3xf32> to vector<512x1xf32>
    %get3A_4 = arith.constant 0 : index
    %get3A_5 = arith.constant 0 : index
    %get3A_6 = arith.constant 0 : index
    %get3A_7 = vector.load %arg2[%get3A_4, %get3A_5, %get3A_6] : memref<1x512x3xf32, #tpu.memory_space<vmem>>, vector<1x512x3xf32>
    %get3A_8 = vector.shape_cast %get3A_7 : vector<1x512x3xf32> to vector<512x3xf32>
    %slice3A_9 = vector.extract_strided_slice %get3A_8 {offsets = [0, 1], sizes = [512, 1], strides = [1, 1]} : vector<512x3xf32> to vector<512x1xf32>
    %get3A_10 = arith.constant 0 : index
    %get3A_11 = arith.constant 0 : index
    %get3A_12 = arith.constant 0 : index
    %get3A_13 = vector.load %arg2[%get3A_10, %get3A_11, %get3A_12] : memref<1x512x3xf32, #tpu.memory_space<vmem>>, vector<1x512x3xf32>
    %get3A_14 = vector.shape_cast %get3A_13 : vector<1x512x3xf32> to vector<512x3xf32>
    %slice3A_15 = vector.extract_strided_slice %get3A_14 {offsets = [0, 2], sizes = [512, 1], strides = [1, 1]} : vector<512x3xf32> to vector<512x1xf32>
    %get3A_16 = arith.constant 0 : index
    %get3A_17 = arith.constant 0 : index
    %get3A_18 = arith.constant 0 : index
    %get3A_19 = vector.load %arg3[%get3A_16, %get3A_17, %get3A_18] : memref<1x3x2048xf32, #tpu.memory_space<vmem>>, vector<1x3x2048xf32>
    %get3A_20 = vector.shape_cast %get3A_19 : vector<1x3x2048xf32> to vector<3x2048xf32>
    %slice3A_21 = vector.extract_strided_slice %get3A_20 {offsets = [0, 0], sizes = [1, 2048], strides = [1, 1]} : vector<3x2048xf32> to vector<1x2048xf32>
    %get3A_22 = arith.constant 0 : index
    %get3A_23 = arith.constant 0 : index
    %get3A_24 = arith.constant 0 : index
    %get3A_25 = vector.load %arg3[%get3A_22, %get3A_23, %get3A_24] : memref<1x3x2048xf32, #tpu.memory_space<vmem>>, vector<1x3x2048xf32>
    %get3A_26 = vector.shape_cast %get3A_25 : vector<1x3x2048xf32> to vector<3x2048xf32>
    %slice3A_27 = vector.extract_strided_slice %get3A_26 {offsets = [1, 0], sizes = [1, 2048], strides = [1, 1]} : vector<3x2048xf32> to vector<1x2048xf32>
    %get3A_28 = arith.constant 0 : index
    %get3A_29 = arith.constant 0 : index
    %get3A_30 = arith.constant 0 : index
    %get3A_31 = vector.load %arg3[%get3A_28, %get3A_29, %get3A_30] : memref<1x3x2048xf32, #tpu.memory_space<vmem>>, vector<1x3x2048xf32>
    %get3A_32 = vector.shape_cast %get3A_31 : vector<1x3x2048xf32> to vector<3x2048xf32>
    %slice3A_33 = vector.extract_strided_slice %get3A_32 {offsets = [2, 0], sizes = [1, 2048], strides = [1, 1]} : vector<3x2048xf32> to vector<1x2048xf32>
    %sub3A = vector.broadcast %slice3A : vector<512x1xf32> to vector<512x2048xf32>
    %sub3A_34 = vector.broadcast %slice3A_21 : vector<1x2048xf32> to vector<512x2048xf32>
    %sub3A_35 = arith.subf %sub3A, %sub3A_34 : vector<512x2048xf32>
    %sub3A_36 = vector.broadcast %slice3A_9 : vector<512x1xf32> to vector<512x2048xf32>
    %sub3A_37 = vector.broadcast %slice3A_27 : vector<1x2048xf32> to vector<512x2048xf32>
    %sub3A_38 = arith.subf %sub3A_36, %sub3A_37 : vector<512x2048xf32>
    %sub3A_39 = vector.broadcast %slice3A_15 : vector<512x1xf32> to vector<512x2048xf32>
    %sub3A_40 = vector.broadcast %slice3A_33 : vector<1x2048xf32> to vector<512x2048xf32>
    %sub3A_41 = arith.subf %sub3A_39, %sub3A_40 : vector<512x2048xf32>
    %mul3A = arith.mulf %sub3A_35, %sub3A_35 : vector<512x2048xf32>
    %mul3A_42 = arith.mulf %sub3A_38, %sub3A_38 : vector<512x2048xf32>
    %add3A = arith.addf %mul3A, %mul3A_42 : vector<512x2048xf32>
    %mul3A_43 = arith.mulf %sub3A_41, %sub3A_41 : vector<512x2048xf32>
    %add3A_44 = arith.addf %add3A, %mul3A_43 : vector<512x2048xf32>
    %iota3A = tpu.iota {dimensions = array<i32: 1>} : vector<512x2048xi32>
    %bitcast_convert_type3A = tpu.bitcast %add3A_44 : vector<512x2048xf32> -> vector<512x2048xi32>
    %and3A = arith.constant -2048 : i32
    %and3A_45 = vector.broadcast %and3A : i32 to vector<512x2048xi32>
    %and3A_46 = arith.andi %bitcast_convert_type3A, %and3A_45 : vector<512x2048xi32>
    %or3A = arith.ori %and3A_46, %iota3A : vector<512x2048xi32>
    %reduce_min3A = arith.constant dense<2147483647> : vector<512xi32>
    %reduce_min3A_47 = vector.multi_reduction <minsi>, %or3A, %reduce_min3A [1] : vector<512x2048xi32> to vector<512xi32>
    %broadcast_in_dim3A = vector.shape_cast %reduce_min3A_47 : vector<512xi32> to vector<512x1xi32>
    %eq3A = vector.broadcast %broadcast_in_dim3A : vector<512x1xi32> to vector<512x2048xi32>
    %eq3A_48 = arith.cmpi eq, %or3A, %eq3A : vector<512x2048xi32>
    %jit3A = arith.constant 2139095040 : i32
    %broadcast_in_dim3A_49 = vector.broadcast %jit3A : i32 to vector<512x2048xi32>
    %select_n3A = arith.select %eq3A_48, %broadcast_in_dim3A_49, %or3A : vector<512x2048xi1>, vector<512x2048xi32>
    %reduce_min3A_50 = arith.constant dense<2147483647> : vector<512xi32>
    %reduce_min3A_51 = vector.multi_reduction <minsi>, %select_n3A, %reduce_min3A_50 [1] : vector<512x2048xi32> to vector<512xi32>
    %broadcast_in_dim3A_52 = vector.shape_cast %reduce_min3A_51 : vector<512xi32> to vector<512x1xi32>
    %eq3A_53 = vector.broadcast %broadcast_in_dim3A_52 : vector<512x1xi32> to vector<512x2048xi32>
    %eq3A_54 = arith.cmpi eq, %select_n3A, %eq3A_53 : vector<512x2048xi32>
    %jit3A_55 = arith.constant 2139095040 : i32
    %broadcast_in_dim3A_56 = vector.broadcast %jit3A_55 : i32 to vector<512x2048xi32>
    %select_n3A_57 = arith.select %eq3A_54, %broadcast_in_dim3A_56, %select_n3A : vector<512x2048xi1>, vector<512x2048xi32>
    %reduce_min3A_58 = arith.constant dense<2147483647> : vector<512xi32>
    %reduce_min3A_59 = vector.multi_reduction <minsi>, %select_n3A_57, %reduce_min3A_58 [1] : vector<512x2048xi32> to vector<512xi32>
    %broadcast_in_dim3A_60 = vector.shape_cast %reduce_min3A_59 : vector<512xi32> to vector<512x1xi32>
    %eq3A_61 = vector.broadcast %broadcast_in_dim3A_60 : vector<512x1xi32> to vector<512x2048xi32>
    %eq3A_62 = arith.cmpi eq, %select_n3A_57, %eq3A_61 : vector<512x2048xi32>
    %jit3A_63 = arith.constant 2139095040 : i32
    %broadcast_in_dim3A_64 = vector.broadcast %jit3A_63 : i32 to vector<512x2048xi32>
    %select_n3A_65 = arith.select %eq3A_62, %broadcast_in_dim3A_64, %select_n3A_57 : vector<512x2048xi1>, vector<512x2048xi32>
    %reduce_min3A_66 = arith.constant dense<2147483647> : vector<512xi32>
    %reduce_min3A_67 = vector.multi_reduction <minsi>, %select_n3A_65, %reduce_min3A_66 [1] : vector<512x2048xi32> to vector<512xi32>
    %broadcast_in_dim3A_68 = vector.shape_cast %reduce_min3A_67 : vector<512xi32> to vector<512x1xi32>
    %eq3A_69 = vector.broadcast %broadcast_in_dim3A_68 : vector<512x1xi32> to vector<512x2048xi32>
    %eq3A_70 = arith.cmpi eq, %select_n3A_65, %eq3A_69 : vector<512x2048xi32>
    %jit3A_71 = arith.constant 2139095040 : i32
    %broadcast_in_dim3A_72 = vector.broadcast %jit3A_71 : i32 to vector<512x2048xi32>
    %select_n3A_73 = arith.select %eq3A_70, %broadcast_in_dim3A_72, %select_n3A_65 : vector<512x2048xi1>, vector<512x2048xi32>
    %reduce_min3A_74 = arith.constant dense<2147483647> : vector<512xi32>
    %reduce_min3A_75 = vector.multi_reduction <minsi>, %select_n3A_73, %reduce_min3A_74 [1] : vector<512x2048xi32> to vector<512xi32>
    %broadcast_in_dim3A_76 = vector.shape_cast %reduce_min3A_75 : vector<512xi32> to vector<512x1xi32>
    %eq3A_77 = vector.broadcast %broadcast_in_dim3A_76 : vector<512x1xi32> to vector<512x2048xi32>
    %eq3A_78 = arith.cmpi eq, %select_n3A_73, %eq3A_77 : vector<512x2048xi32>
    %jit3A_79 = arith.constant 2139095040 : i32
    %broadcast_in_dim3A_80 = vector.broadcast %jit3A_79 : i32 to vector<512x2048xi32>
    %select_n3A_81 = arith.select %eq3A_78, %broadcast_in_dim3A_80, %select_n3A_73 : vector<512x2048xi1>, vector<512x2048xi32>
    %reduce_min3A_82 = arith.constant dense<2147483647> : vector<512xi32>
    %reduce_min3A_83 = vector.multi_reduction <minsi>, %select_n3A_81, %reduce_min3A_82 [1] : vector<512x2048xi32> to vector<512xi32>
    %broadcast_in_dim3A_84 = vector.shape_cast %reduce_min3A_83 : vector<512xi32> to vector<512x1xi32>
    %eq3A_85 = vector.broadcast %broadcast_in_dim3A_84 : vector<512x1xi32> to vector<512x2048xi32>
    %eq3A_86 = arith.cmpi eq, %select_n3A_81, %eq3A_85 : vector<512x2048xi32>
    %jit3A_87 = arith.constant 2139095040 : i32
    %broadcast_in_dim3A_88 = vector.broadcast %jit3A_87 : i32 to vector<512x2048xi32>
    %select_n3A_89 = arith.select %eq3A_86, %broadcast_in_dim3A_88, %select_n3A_81 : vector<512x2048xi1>, vector<512x2048xi32>
    %reduce_min3A_90 = arith.constant dense<2147483647> : vector<512xi32>
    %reduce_min3A_91 = vector.multi_reduction <minsi>, %select_n3A_89, %reduce_min3A_90 [1] : vector<512x2048xi32> to vector<512xi32>
    %broadcast_in_dim3A_92 = vector.shape_cast %reduce_min3A_91 : vector<512xi32> to vector<512x1xi32>
    %eq3A_93 = vector.broadcast %broadcast_in_dim3A_92 : vector<512x1xi32> to vector<512x2048xi32>
    %eq3A_94 = arith.cmpi eq, %select_n3A_89, %eq3A_93 : vector<512x2048xi32>
    %jit3A_95 = arith.constant 2139095040 : i32
    %broadcast_in_dim3A_96 = vector.broadcast %jit3A_95 : i32 to vector<512x2048xi32>
    %select_n3A_97 = arith.select %eq3A_94, %broadcast_in_dim3A_96, %select_n3A_89 : vector<512x2048xi1>, vector<512x2048xi32>
    %reduce_min3A_98 = arith.constant dense<2147483647> : vector<512xi32>
    %reduce_min3A_99 = vector.multi_reduction <minsi>, %select_n3A_97, %reduce_min3A_98 [1] : vector<512x2048xi32> to vector<512xi32>
    %broadcast_in_dim3A_100 = vector.shape_cast %reduce_min3A_99 : vector<512xi32> to vector<512x1xi32>
    %eq3A_101 = vector.broadcast %broadcast_in_dim3A_100 : vector<512x1xi32> to vector<512x2048xi32>
    %eq3A_102 = arith.cmpi eq, %select_n3A_97, %eq3A_101 : vector<512x2048xi32>
    %jit3A_103 = arith.constant 2139095040 : i32
    %broadcast_in_dim3A_104 = vector.broadcast %jit3A_103 : i32 to vector<512x2048xi32>
    %select_n3A_105 = arith.select %eq3A_102, %broadcast_in_dim3A_104, %select_n3A_97 : vector<512x2048xi1>, vector<512x2048xi32>
    %reduce_min3A_106 = arith.constant dense<2147483647> : vector<512xi32>
    %reduce_min3A_107 = vector.multi_reduction <minsi>, %select_n3A_105, %reduce_min3A_106 [1] : vector<512x2048xi32> to vector<512xi32>
    %broadcast_in_dim3A_108 = vector.shape_cast %reduce_min3A_107 : vector<512xi32> to vector<512x1xi32>
    %eq3A_109 = vector.broadcast %broadcast_in_dim3A_108 : vector<512x1xi32> to vector<512x2048xi32>
    %eq3A_110 = arith.cmpi eq, %select_n3A_105, %eq3A_109 : vector<512x2048xi32>
    %jit3A_111 = arith.constant 2139095040 : i32
    %broadcast_in_dim3A_112 = vector.broadcast %jit3A_111 : i32 to vector<512x2048xi32>
    %select_n3A_113 = arith.select %eq3A_110, %broadcast_in_dim3A_112, %select_n3A_105 : vector<512x2048xi1>, vector<512x2048xi32>
    %reduce_min3A_114 = arith.constant dense<2147483647> : vector<512xi32>
    %reduce_min3A_115 = vector.multi_reduction <minsi>, %select_n3A_113, %reduce_min3A_114 [1] : vector<512x2048xi32> to vector<512xi32>
    %broadcast_in_dim3A_116 = vector.shape_cast %reduce_min3A_115 : vector<512xi32> to vector<512x1xi32>
    %eq3A_117 = vector.broadcast %broadcast_in_dim3A_116 : vector<512x1xi32> to vector<512x2048xi32>
    %eq3A_118 = arith.cmpi eq, %select_n3A_113, %eq3A_117 : vector<512x2048xi32>
    %jit3A_119 = arith.constant 2139095040 : i32
    %broadcast_in_dim3A_120 = vector.broadcast %jit3A_119 : i32 to vector<512x2048xi32>
    %select_n3A_121 = arith.select %eq3A_118, %broadcast_in_dim3A_120, %select_n3A_113 : vector<512x2048xi1>, vector<512x2048xi32>
    %reduce_min3A_122 = arith.constant dense<2147483647> : vector<512xi32>
    %reduce_min3A_123 = vector.multi_reduction <minsi>, %select_n3A_121, %reduce_min3A_122 [1] : vector<512x2048xi32> to vector<512xi32>
    %broadcast_in_dim3A_124 = vector.shape_cast %reduce_min3A_123 : vector<512xi32> to vector<512x1xi32>
    %eq3A_125 = vector.broadcast %broadcast_in_dim3A_124 : vector<512x1xi32> to vector<512x2048xi32>
    %eq3A_126 = arith.cmpi eq, %select_n3A_121, %eq3A_125 : vector<512x2048xi32>
    %jit3A_127 = arith.constant 2139095040 : i32
    %broadcast_in_dim3A_128 = vector.broadcast %jit3A_127 : i32 to vector<512x2048xi32>
    %select_n3A_129 = arith.select %eq3A_126, %broadcast_in_dim3A_128, %select_n3A_121 : vector<512x2048xi1>, vector<512x2048xi32>
    %reduce_min3A_130 = arith.constant dense<2147483647> : vector<512xi32>
    %reduce_min3A_131 = vector.multi_reduction <minsi>, %select_n3A_129, %reduce_min3A_130 [1] : vector<512x2048xi32> to vector<512xi32>
    %broadcast_in_dim3A_132 = vector.shape_cast %reduce_min3A_131 : vector<512xi32> to vector<512x1xi32>
    %eq3A_133 = vector.broadcast %broadcast_in_dim3A_132 : vector<512x1xi32> to vector<512x2048xi32>
    %eq3A_134 = arith.cmpi eq, %select_n3A_129, %eq3A_133 : vector<512x2048xi32>
    %jit3A_135 = arith.constant 2139095040 : i32
    %broadcast_in_dim3A_136 = vector.broadcast %jit3A_135 : i32 to vector<512x2048xi32>
    %select_n3A_137 = arith.select %eq3A_134, %broadcast_in_dim3A_136, %select_n3A_129 : vector<512x2048xi1>, vector<512x2048xi32>
    %reduce_min3A_138 = arith.constant dense<2147483647> : vector<512xi32>
    %reduce_min3A_139 = vector.multi_reduction <minsi>, %select_n3A_137, %reduce_min3A_138 [1] : vector<512x2048xi32> to vector<512xi32>
    %broadcast_in_dim3A_140 = vector.shape_cast %reduce_min3A_139 : vector<512xi32> to vector<512x1xi32>
    %eq3A_141 = vector.broadcast %broadcast_in_dim3A_140 : vector<512x1xi32> to vector<512x2048xi32>
    %eq3A_142 = arith.cmpi eq, %select_n3A_137, %eq3A_141 : vector<512x2048xi32>
    %jit3A_143 = arith.constant 2139095040 : i32
    %broadcast_in_dim3A_144 = vector.broadcast %jit3A_143 : i32 to vector<512x2048xi32>
    %select_n3A_145 = arith.select %eq3A_142, %broadcast_in_dim3A_144, %select_n3A_137 : vector<512x2048xi1>, vector<512x2048xi32>
    %reduce_min3A_146 = arith.constant dense<2147483647> : vector<512xi32>
    %reduce_min3A_147 = vector.multi_reduction <minsi>, %select_n3A_145, %reduce_min3A_146 [1] : vector<512x2048xi32> to vector<512xi32>
    %broadcast_in_dim3A_148 = vector.shape_cast %reduce_min3A_147 : vector<512xi32> to vector<512x1xi32>
    %eq3A_149 = vector.broadcast %broadcast_in_dim3A_148 : vector<512x1xi32> to vector<512x2048xi32>
    %eq3A_150 = arith.cmpi eq, %select_n3A_145, %eq3A_149 : vector<512x2048xi32>
    %jit3A_151 = arith.constant 2139095040 : i32
    %broadcast_in_dim3A_152 = vector.broadcast %jit3A_151 : i32 to vector<512x2048xi32>
    %select_n3A_153 = arith.select %eq3A_150, %broadcast_in_dim3A_152, %select_n3A_145 : vector<512x2048xi1>, vector<512x2048xi32>
    %reduce_min3A_154 = arith.constant dense<2147483647> : vector<512xi32>
    %reduce_min3A_155 = vector.multi_reduction <minsi>, %select_n3A_153, %reduce_min3A_154 [1] : vector<512x2048xi32> to vector<512xi32>
    %broadcast_in_dim3A_156 = vector.shape_cast %reduce_min3A_155 : vector<512xi32> to vector<512x1xi32>
    %eq3A_157 = vector.broadcast %broadcast_in_dim3A_156 : vector<512x1xi32> to vector<512x2048xi32>
    %eq3A_158 = arith.cmpi eq, %select_n3A_153, %eq3A_157 : vector<512x2048xi32>
    %jit3A_159 = arith.constant 2139095040 : i32
    %broadcast_in_dim3A_160 = vector.broadcast %jit3A_159 : i32 to vector<512x2048xi32>
    %select_n3A_161 = arith.select %eq3A_158, %broadcast_in_dim3A_160, %select_n3A_153 : vector<512x2048xi1>, vector<512x2048xi32>
    %reduce_min3A_162 = arith.constant dense<2147483647> : vector<512xi32>
    %reduce_min3A_163 = vector.multi_reduction <minsi>, %select_n3A_161, %reduce_min3A_162 [1] : vector<512x2048xi32> to vector<512xi32>
    %broadcast_in_dim3A_164 = vector.shape_cast %reduce_min3A_163 : vector<512xi32> to vector<512x1xi32>
    %concatenate3A = tpu.concatenate %broadcast_in_dim3A, %broadcast_in_dim3A_52, %broadcast_in_dim3A_60, %broadcast_in_dim3A_68, %broadcast_in_dim3A_76, %broadcast_in_dim3A_84, %broadcast_in_dim3A_92, %broadcast_in_dim3A_100, %broadcast_in_dim3A_108, %broadcast_in_dim3A_116, %broadcast_in_dim3A_124, %broadcast_in_dim3A_132, %broadcast_in_dim3A_140, %broadcast_in_dim3A_148, %broadcast_in_dim3A_156, %broadcast_in_dim3A_164 in 1 : vector<512x1xi32>, vector<512x1xi32>, vector<512x1xi32>, vector<512x1xi32>, vector<512x1xi32>, vector<512x1xi32>, vector<512x1xi32>, vector<512x1xi32>, vector<512x1xi32>, vector<512x1xi32>, vector<512x1xi32>, vector<512x1xi32>, vector<512x1xi32>, vector<512x1xi32>, vector<512x1xi32>, vector<512x1xi32> -> vector<512x16xi32>
    %broadcast_in_dim3A_165 = vector.shape_cast %broadcast_in_dim3A : vector<512x1xi32> to vector<512x1xi32>
    %broadcast_in_dim3A_166 = vector.broadcast %broadcast_in_dim3A_165 : vector<512x1xi32> to vector<512x16xi32>
    %and3A_167 = arith.constant -2048 : i32
    %and3A_168 = vector.broadcast %and3A_167 : i32 to vector<512x16xi32>
    %and3A_169 = arith.andi %concatenate3A, %and3A_168 : vector<512x16xi32>
    %bitcast_convert_type3A_170 = tpu.bitcast %and3A_169 : vector<512x16xi32> -> vector<512x16xf32>
    %gt3A = arith.constant 1.000000e+02 : f32
    %gt3A_171 = vector.broadcast %gt3A : f32 to vector<512x16xf32>
    %gt3A_172 = arith.cmpf ogt, %bitcast_convert_type3A_170, %gt3A_171 : vector<512x16xf32>
    %select_n3A_173 = arith.select %gt3A_172, %broadcast_in_dim3A_166, %concatenate3A : vector<512x16xi1>, vector<512x16xi32>
    %and3A_174 = arith.constant 2047 : i32
    %and3A_175 = vector.broadcast %and3A_174 : i32 to vector<512x16xi32>
    %and3A_176 = arith.andi %select_n3A_173, %and3A_175 : vector<512x16xi32>
    %mul3A_177 = arith.constant 2048 : i32
    %mul3A_178 = arith.muli %arg0, %mul3A_177 : i32
    %add3A_179 = vector.broadcast %mul3A_178 : i32 to vector<512x16xi32>
    %add3A_180 = arith.addi %and3A_176, %add3A_179 : vector<512x16xi32>
    %swap3A = arith.constant 0 : index
    %swap3A_181 = arith.constant 0 : index
    %swap3A_182 = arith.constant 0 : index
    %swap3A_183 = vector.load %arg4[%swap3A, %swap3A_181, %swap3A_182] : memref<1x512x16xi32, #tpu.memory_space<vmem>>, vector<1x512x16xi32>
    %swap3A_184 = vector.shape_cast %swap3A_183 : vector<1x512x16xi32> to vector<512x16xi32>
    %swap3A_185 = vector.shape_cast %add3A_180 : vector<512x16xi32> to vector<1x512x16xi32>
    tpu.vector_store %arg4[%swap3A, %swap3A_181, %swap3A_182], %swap3A_185 {strides = array<i32>} : memref<1x512x16xi32, #tpu.memory_space<vmem>>, vector<1x512x16xi32>,
    return
  }
  func.func @transform_0(%arg0: i32, %arg1: i32) -> (i32, i32, i32) {
    %c0_i32 = arith.constant 0 : i32
    %c0_i32_0 = arith.constant 0 : i32
    return %arg0, %arg1, %c0_i32 : i32, i32, i32
  }
  func.func @transform_1(%arg0: i32, %arg1: i32) -> (i32, i32, i32) {
    %c0_i32 = arith.constant 0 : i32
    %c0_i32_0 = arith.constant 0 : i32
    %c0_i32_1 = arith.constant 0 : i32
    return %arg0, %c0_i32, %c0_i32_0 : i32, i32, i32
  }
  func.func @transform_2(%arg0: i32, %arg1: i32) -> (i32, i32, i32) {
    %c0_i32 = arith.constant 0 : i32
    %c0_i32_0 = arith.constant 0 : i32
    return %arg0, %arg1, %c0_i32 : i32, i32, i32
  }
}

module attributes {stable_mosaic.version = 14 : i64} {
  func.func @_layer1_body(%arg0: i32, %arg1: i32, %arg2: memref<4096x64xf32, #tpu.memory_space<vmem>>, %arg3: memref<256x64xf32, #tpu.memory_space<vmem>>, %arg4: memref<8x64xf32, #tpu.memory_space<vmem>>, %arg5: memref<64x64xf32, #tpu.memory_space<vmem>>, %arg6: memref<4096x64xf32, #tpu.memory_space<vmem>>, %arg7: memref<8x64xf32, #tpu.memory_space<vmem>>, %arg8: memref<8x64xf32, #tpu.memory_space<vmem>>) attributes {dimension_semantics = [#tpu.dimension_semantics<arbitrary>, #tpu.dimension_semantics<arbitrary>], iteration_bounds = array<i64: 2, 64>, scalar_prefetch = 0 : i64, scratch_operands = 1 : i64, tpu.core_type = #tpu.core_type<tc>, window_params = [{transform_indices = @transform_0, window_bounds = array<i64: 4096, 64>}, {transform_indices = @transform_1, window_bounds = array<i64: 256, 64>}, {pipeline_mode = #tpu.pipeline_mode<synchronous>, transform_indices = @transform_2, window_bounds = array<i64: 8, 64>}, {pipeline_mode = #tpu.pipeline_mode<synchronous>, transform_indices = @transform_3, window_bounds = array<i64: 64, 64>}, {transform_indices = @transform_4, window_bounds = array<i64: 4096, 64>}, {pipeline_mode = #tpu.pipeline_mode<synchronous>, transform_indices = @transform_5, window_bounds = array<i64: 8, 64>}]} {
    %get3A = arith.constant 0 : index
    %get3A_0 = arith.constant 0 : index
    %get3A_1 = vector.load %arg2[%get3A, %get3A_0] : memref<4096x64xf32, #tpu.memory_space<vmem>>, vector<4096x64xf32>
    %reshape3A = vector.shape_cast %get3A_1 : vector<4096x64xf32> to vector<256x16x64xf32>
    %get3A_2 = arith.constant 0 : index
    %get3A_3 = arith.constant 0 : index
    %get3A_4 = vector.load %arg3[%get3A_2, %get3A_3] : memref<256x64xf32, #tpu.memory_space<vmem>>, vector<256x64xf32>
    %broadcast_in_dim3A = vector.shape_cast %get3A_4 : vector<256x64xf32> to vector<256x1x64xf32>
    %add3A = vector.broadcast %broadcast_in_dim3A : vector<256x1x64xf32> to vector<256x16x64xf32>
    %add3A_5 = arith.addf %reshape3A, %add3A : vector<256x16x64xf32>
    %reshape3A_6 = vector.shape_cast %add3A_5 : vector<256x16x64xf32> to vector<4096x64xf32>
    %eq3A = arith.constant 0 : i32
    %eq3A_7 = arith.cmpi eq, %arg0, %eq3A : i32
    %convert_element_type3A = arith.extui %eq3A_7 : i1 to i32
    %cond3A = arith.constant 0 : i32
    %cond3A_8 = arith.cmpi ne, %convert_element_type3A, %cond3A : i32
    scf.if %cond3A_8 {
      %eq3A_14 = arith.constant 0 : i32
      %eq3A_15 = arith.cmpi eq, %arg1, %eq3A_14 : i32
      %convert_element_type3A_16 = arith.extui %eq3A_15 : i1 to i32
      %cond3A_17 = arith.constant 0 : i32
      %cond3A_18 = arith.cmpi ne, %convert_element_type3A_16, %cond3A_17 : i32
      scf.if %cond3A_18 {
        %broadcast_in_dim3A_32 = arith.constant 0.000000e+00 : f32
        %broadcast_in_dim3A_33 = vector.broadcast %broadcast_in_dim3A_32 : f32 to vector<8x64xf32>
        %swap3A_34 = arith.constant 0 : index
        %swap3A_35 = arith.constant 0 : index
        %swap3A_36 = vector.load %arg8[%swap3A_34, %swap3A_35] : memref<8x64xf32, #tpu.memory_space<vmem>>, vector<8x64xf32>
        tpu.vector_store %arg8[%swap3A_34, %swap3A_35], %broadcast_in_dim3A_33 {strides = array<i32>} : memref<8x64xf32, #tpu.memory_space<vmem>>, vector<8x64xf32>,
      } else {
      }
      %get3A_19 = arith.constant 0 : index
      %get3A_20 = arith.constant 0 : index
      %get3A_21 = vector.load %arg8[%get3A_19, %get3A_20] : memref<8x64xf32, #tpu.memory_space<vmem>>, vector<8x64xf32>
      %reduce_sum3A = arith.constant dense<0.000000e+00> : vector<64xf32>
      %reduce_sum3A_22 = vector.multi_reduction <add>, %reshape3A_6, %reduce_sum3A [0] : vector<4096x64xf32> to vector<64xf32>
      %reshape3A_23 = vector.shape_cast %reduce_sum3A_22 : vector<64xf32> to vector<1x64xf32>
      %mul3A = arith.mulf %reshape3A_6, %reshape3A_6 : vector<4096x64xf32>
      %reduce_sum3A_24 = arith.constant dense<0.000000e+00> : vector<64xf32>
      %reduce_sum3A_25 = vector.multi_reduction <add>, %mul3A, %reduce_sum3A_24 [0] : vector<4096x64xf32> to vector<64xf32>
      %reshape3A_26 = vector.shape_cast %reduce_sum3A_25 : vector<64xf32> to vector<1x64xf32>
      %broadcast_in_dim3A_27 = arith.constant 0.000000e+00 : f32
      %broadcast_in_dim3A_28 = vector.broadcast %broadcast_in_dim3A_27 : f32 to vector<6x64xf32>
      %concatenate3A = tpu.concatenate %reshape3A_23, %reshape3A_26, %broadcast_in_dim3A_28 in 0 : vector<1x64xf32>, vector<1x64xf32>, vector<6x64xf32> -> vector<8x64xf32>
      %add3A_29 = arith.addf %get3A_21, %concatenate3A : vector<8x64xf32>
      %swap3A = arith.constant 0 : index
      %swap3A_30 = arith.constant 0 : index
      %swap3A_31 = vector.load %arg8[%swap3A, %swap3A_30] : memref<8x64xf32, #tpu.memory_space<vmem>>, vector<8x64xf32>
      tpu.vector_store %arg8[%swap3A, %swap3A_30], %add3A_29 {strides = array<i32>} : memref<8x64xf32, #tpu.memory_space<vmem>>, vector<8x64xf32>,
    } else {
    }
    %eq3A_9 = arith.constant 1 : i32
    %eq3A_10 = arith.cmpi eq, %arg0, %eq3A_9 : i32
    %convert_element_type3A_11 = arith.extui %eq3A_10 : i1 to i32
    %cond3A_12 = arith.constant 0 : i32
    %cond3A_13 = arith.cmpi ne, %convert_element_type3A_11, %cond3A_12 : i32
    scf.if %cond3A_13 {
      %get3A_14 = arith.constant 0 : index
      %get3A_15 = arith.constant 0 : index
      %get3A_16 = vector.load %arg8[%get3A_14, %get3A_15] : memref<8x64xf32, #tpu.memory_space<vmem>>, vector<8x64xf32>
      %get3A_17 = arith.constant 0 : index
      %get3A_18 = arith.constant 0 : index
      %get3A_19 = vector.load %arg4[%get3A_17, %get3A_18] : memref<8x64xf32, #tpu.memory_space<vmem>>, vector<8x64xf32>
      %slice3A = vector.extract_strided_slice %get3A_16 {offsets = [0, 0], sizes = [1, 64], strides = [1, 1]} : vector<8x64xf32> to vector<1x64xf32>
      %mul3A = arith.constant 3.81469727E-6 : f32
      %mul3A_20 = vector.broadcast %mul3A : f32 to vector<1x64xf32>
      %mul3A_21 = arith.mulf %slice3A, %mul3A_20 : vector<1x64xf32>
      %slice3A_22 = vector.extract_strided_slice %get3A_16 {offsets = [1, 0], sizes = [1, 64], strides = [1, 1]} : vector<8x64xf32> to vector<1x64xf32>
      %mul3A_23 = arith.constant 3.81469727E-6 : f32
      %mul3A_24 = vector.broadcast %mul3A_23 : f32 to vector<1x64xf32>
      %mul3A_25 = arith.mulf %slice3A_22, %mul3A_24 : vector<1x64xf32>
      %mul3A_26 = arith.mulf %mul3A_21, %mul3A_21 : vector<1x64xf32>
      %sub3A = arith.subf %mul3A_25, %mul3A_26 : vector<1x64xf32>
      %add3A_27 = arith.constant 9.99999974E-6 : f32
      %add3A_28 = vector.broadcast %add3A_27 : f32 to vector<1x64xf32>
      %add3A_29 = arith.addf %sub3A, %add3A_28 : vector<1x64xf32>
      %rsqrt3A = math.rsqrt %add3A_29 : vector<1x64xf32>
      %slice3A_30 = vector.extract_strided_slice %get3A_19 {offsets = [0, 0], sizes = [1, 64], strides = [1, 1]} : vector<8x64xf32> to vector<1x64xf32>
      %mul3A_31 = arith.mulf %rsqrt3A, %slice3A_30 : vector<1x64xf32>
      %slice3A_32 = vector.extract_strided_slice %get3A_19 {offsets = [1, 0], sizes = [1, 64], strides = [1, 1]} : vector<8x64xf32> to vector<1x64xf32>
      %mul3A_33 = arith.mulf %mul3A_21, %mul3A_31 : vector<1x64xf32>
      %sub3A_34 = arith.subf %slice3A_32, %mul3A_33 : vector<1x64xf32>
      %mul3A_35 = vector.broadcast %mul3A_31 : vector<1x64xf32> to vector<4096x64xf32>
      %mul3A_36 = arith.mulf %reshape3A_6, %mul3A_35 : vector<4096x64xf32>
      %add3A_37 = vector.broadcast %sub3A_34 : vector<1x64xf32> to vector<4096x64xf32>
      %add3A_38 = arith.addf %mul3A_36, %add3A_37 : vector<4096x64xf32>
      %max3A = arith.constant 0.000000e+00 : f32
      %max3A_39 = vector.broadcast %max3A : f32 to vector<4096x64xf32>
      %max3A_40 = arith.maximumf %add3A_38, %max3A_39 : vector<4096x64xf32>
      %get3A_41 = arith.constant 0 : index
      %get3A_42 = arith.constant 0 : index
      %get3A_43 = vector.load %arg5[%get3A_41, %get3A_42] : memref<64x64xf32, #tpu.memory_space<vmem>>, vector<64x64xf32>
      %dot_general3A = arith.constant dense<0.000000e+00> : vector<4096x64xf32>
      %dot_general3A_44 = tpu.matmul %max3A_40, %get3A_43, %dot_general3A {dimension_numbers = #tpu.dot_dimension_numbers<[1], [0], [0], [1], [0, 0, 1, 1], [], []>, transpose_lhs_hint = false} : vector<4096x64xf32>, vector<64x64xf32>, vector<4096x64xf32> -> vector<4096x64xf32>
      %swap3A = arith.constant 0 : index
      %swap3A_45 = arith.constant 0 : index
      %swap3A_46 = vector.load %arg6[%swap3A, %swap3A_45] : memref<4096x64xf32, #tpu.memory_space<vmem>>, vector<4096x64xf32>
      tpu.vector_store %arg6[%swap3A, %swap3A_45], %dot_general3A_44 {strides = array<i32>} : memref<4096x64xf32, #tpu.memory_space<vmem>>, vector<4096x64xf32>,
      %eq3A_47 = arith.constant 0 : i32
      %eq3A_48 = arith.cmpi eq, %arg1, %eq3A_47 : i32
      %convert_element_type3A_49 = arith.extui %eq3A_48 : i1 to i32
      %cond3A_50 = arith.constant 0 : i32
      %cond3A_51 = arith.cmpi ne, %convert_element_type3A_49, %cond3A_50 : i32
      scf.if %cond3A_51 {
        %broadcast_in_dim3A_67 = arith.constant 0.000000e+00 : f32
        %broadcast_in_dim3A_68 = vector.broadcast %broadcast_in_dim3A_67 : f32 to vector<8x64xf32>
        %swap3A_69 = arith.constant 0 : index
        %swap3A_70 = arith.constant 0 : index
        %swap3A_71 = vector.load %arg7[%swap3A_69, %swap3A_70] : memref<8x64xf32, #tpu.memory_space<vmem>>, vector<8x64xf32>
        tpu.vector_store %arg7[%swap3A_69, %swap3A_70], %broadcast_in_dim3A_68 {strides = array<i32>} : memref<8x64xf32, #tpu.memory_space<vmem>>, vector<8x64xf32>,
      } else {
      }
      %get3A_52 = arith.constant 0 : index
      %get3A_53 = arith.constant 0 : index
      %get3A_54 = vector.load %arg7[%get3A_52, %get3A_53] : memref<8x64xf32, #tpu.memory_space<vmem>>, vector<8x64xf32>
      %reduce_sum3A = arith.constant dense<0.000000e+00> : vector<64xf32>
      %reduce_sum3A_55 = vector.multi_reduction <add>, %dot_general3A_44, %reduce_sum3A [0] : vector<4096x64xf32> to vector<64xf32>
      %reshape3A_56 = vector.shape_cast %reduce_sum3A_55 : vector<64xf32> to vector<1x64xf32>
      %mul3A_57 = arith.mulf %dot_general3A_44, %dot_general3A_44 : vector<4096x64xf32>
      %reduce_sum3A_58 = arith.constant dense<0.000000e+00> : vector<64xf32>
      %reduce_sum3A_59 = vector.multi_reduction <add>, %mul3A_57, %reduce_sum3A_58 [0] : vector<4096x64xf32> to vector<64xf32>
      %reshape3A_60 = vector.shape_cast %reduce_sum3A_59 : vector<64xf32> to vector<1x64xf32>
      %broadcast_in_dim3A_61 = arith.constant 0.000000e+00 : f32
      %broadcast_in_dim3A_62 = vector.broadcast %broadcast_in_dim3A_61 : f32 to vector<6x64xf32>
      %concatenate3A = tpu.concatenate %reshape3A_56, %reshape3A_60, %broadcast_in_dim3A_62 in 0 : vector<1x64xf32>, vector<1x64xf32>, vector<6x64xf32> -> vector<8x64xf32>
      %add3A_63 = arith.addf %get3A_54, %concatenate3A : vector<8x64xf32>
      %swap3A_64 = arith.constant 0 : index
      %swap3A_65 = arith.constant 0 : index
      %swap3A_66 = vector.load %arg7[%swap3A_64, %swap3A_65] : memref<8x64xf32, #tpu.memory_space<vmem>>, vector<8x64xf32>
      tpu.vector_store %arg7[%swap3A_64, %swap3A_65], %add3A_63 {strides = array<i32>} : memref<8x64xf32, #tpu.memory_space<vmem>>, vector<8x64xf32>,
    } else {
    }
    return
  }
  func.func @transform_0(%arg0: i32, %arg1: i32) -> (i32, i32) {
    %c0_i32 = arith.constant 0 : i32
    %c0_i32_0 = arith.constant 0 : i32
    return %arg1, %c0_i32 : i32, i32
  }
  func.func @transform_1(%arg0: i32, %arg1: i32) -> (i32, i32) {
    %c0_i32 = arith.constant 0 : i32
    %c0_i32_0 = arith.constant 0 : i32
    return %arg1, %c0_i32 : i32, i32
  }
  func.func @transform_2(%arg0: i32, %arg1: i32) -> (i32, i32) {
    %c0_i32 = arith.constant 0 : i32
    %c0_i32_0 = arith.constant 0 : i32
    %c0_i32_1 = arith.constant 0 : i32
    return %c0_i32, %c0_i32_0 : i32, i32
  }
  func.func @transform_3(%arg0: i32, %arg1: i32) -> (i32, i32) {
    %c0_i32 = arith.constant 0 : i32
    %c0_i32_0 = arith.constant 0 : i32
    %c0_i32_1 = arith.constant 0 : i32
    return %c0_i32, %c0_i32_0 : i32, i32
  }
  func.func @transform_4(%arg0: i32, %arg1: i32) -> (i32, i32) {
    %eq3A = arith.constant 1 : i32
    %eq3A_0 = arith.cmpi eq, %arg0, %eq3A : i32
    %jit3A = arith.constant 0 : i32
    %select_n3A = arith.select %eq3A_0, %arg1, %jit3A : i32
    %c0_i32 = arith.constant 0 : i32
    %c0_i32_1 = arith.constant 0 : i32
    return %select_n3A, %c0_i32 : i32, i32
  }
  func.func @transform_5(%arg0: i32, %arg1: i32) -> (i32, i32) {
    %c0_i32 = arith.constant 0 : i32
    %c0_i32_0 = arith.constant 0 : i32
    %c0_i32_1 = arith.constant 0 : i32
    return %c0_i32, %c0_i32_0 : i32, i32
  }
}

module attributes {stable_mosaic.version = 14 : i64} {
  func.func @_layer2_body(%arg0: i32, %arg1: i32, %arg2: memref<4096x64xf32, #tpu.memory_space<vmem>>, %arg3: memref<8x64xf32, #tpu.memory_space<vmem>>, %arg4: memref<8x64xf32, #tpu.memory_space<vmem>>, %arg5: memref<64x128xf32, #tpu.memory_space<vmem>>, %arg6: memref<8x128xf32, #tpu.memory_space<vmem>>, %arg7: memref<1x128x256xf32, #tpu.memory_space<vmem>>, %arg8: memref<16384x128xf32, #tpu.memory_space<vmem>>, %arg9: memref<8x128xf32, #tpu.memory_space<vmem>>) attributes {dimension_semantics = [#tpu.dimension_semantics<arbitrary>, #tpu.dimension_semantics<arbitrary>], iteration_bounds = array<i64: 2, 64>, scalar_prefetch = 0 : i64, scratch_operands = 2 : i64, tpu.core_type = #tpu.core_type<tc>, window_params = [{transform_indices = @transform_0, window_bounds = array<i64: 4096, 64>}, {pipeline_mode = #tpu.pipeline_mode<synchronous>, transform_indices = @transform_1, window_bounds = array<i64: 8, 64>}, {pipeline_mode = #tpu.pipeline_mode<synchronous>, transform_indices = @transform_2, window_bounds = array<i64: 8, 64>}, {pipeline_mode = #tpu.pipeline_mode<synchronous>, transform_indices = @transform_3, window_bounds = array<i64: 64, 128>}, {pipeline_mode = #tpu.pipeline_mode<synchronous>, transform_indices = @transform_4, window_bounds = array<i64: 8, 128>}, {transform_indices = @transform_5, window_bounds = array<i64: 1, 128, 256>}]} {
    %eq3A = arith.constant 0 : i32
    %eq3A_0 = arith.cmpi eq, %arg0, %eq3A : i32
    %convert_element_type3A = arith.extui %eq3A_0 : i1 to i32
    %cond3A = arith.constant 0 : i32
    %cond3A_1 = arith.cmpi ne, %convert_element_type3A, %cond3A : i32
    scf.if %cond3A_1 {
      %get3A = arith.constant 0 : index
      %get3A_7 = arith.constant 0 : index
      %get3A_8 = vector.load %arg3[%get3A, %get3A_7] : memref<8x64xf32, #tpu.memory_space<vmem>>, vector<8x64xf32>
      %get3A_9 = arith.constant 0 : index
      %get3A_10 = arith.constant 0 : index
      %get3A_11 = vector.load %arg4[%get3A_9, %get3A_10] : memref<8x64xf32, #tpu.memory_space<vmem>>, vector<8x64xf32>
      %slice3A = vector.extract_strided_slice %get3A_8 {offsets = [0, 0], sizes = [1, 64], strides = [1, 1]} : vector<8x64xf32> to vector<1x64xf32>
      %mul3A = arith.constant 3.81469727E-6 : f32
      %mul3A_12 = vector.broadcast %mul3A : f32 to vector<1x64xf32>
      %mul3A_13 = arith.mulf %slice3A, %mul3A_12 : vector<1x64xf32>
      %slice3A_14 = vector.extract_strided_slice %get3A_8 {offsets = [1, 0], sizes = [1, 64], strides = [1, 1]} : vector<8x64xf32> to vector<1x64xf32>
      %mul3A_15 = arith.constant 3.81469727E-6 : f32
      %mul3A_16 = vector.broadcast %mul3A_15 : f32 to vector<1x64xf32>
      %mul3A_17 = arith.mulf %slice3A_14, %mul3A_16 : vector<1x64xf32>
      %mul3A_18 = arith.mulf %mul3A_13, %mul3A_13 : vector<1x64xf32>
      %sub3A = arith.subf %mul3A_17, %mul3A_18 : vector<1x64xf32>
      %add3A = arith.constant 9.99999974E-6 : f32
      %add3A_19 = vector.broadcast %add3A : f32 to vector<1x64xf32>
      %add3A_20 = arith.addf %sub3A, %add3A_19 : vector<1x64xf32>
      %rsqrt3A = math.rsqrt %add3A_20 : vector<1x64xf32>
      %slice3A_21 = vector.extract_strided_slice %get3A_11 {offsets = [0, 0], sizes = [1, 64], strides = [1, 1]} : vector<8x64xf32> to vector<1x64xf32>
      %mul3A_22 = arith.mulf %rsqrt3A, %slice3A_21 : vector<1x64xf32>
      %slice3A_23 = vector.extract_strided_slice %get3A_11 {offsets = [1, 0], sizes = [1, 64], strides = [1, 1]} : vector<8x64xf32> to vector<1x64xf32>
      %mul3A_24 = arith.mulf %mul3A_13, %mul3A_22 : vector<1x64xf32>
      %sub3A_25 = arith.subf %slice3A_23, %mul3A_24 : vector<1x64xf32>
      %get3A_26 = arith.constant 0 : index
      %get3A_27 = arith.constant 0 : index
      %get3A_28 = vector.load %arg2[%get3A_26, %get3A_27] : memref<4096x64xf32, #tpu.memory_space<vmem>>, vector<4096x64xf32>
      %mul3A_29 = vector.broadcast %mul3A_22 : vector<1x64xf32> to vector<4096x64xf32>
      %mul3A_30 = arith.mulf %get3A_28, %mul3A_29 : vector<4096x64xf32>
      %add3A_31 = vector.broadcast %sub3A_25 : vector<1x64xf32> to vector<4096x64xf32>
      %add3A_32 = arith.addf %mul3A_30, %add3A_31 : vector<4096x64xf32>
      %max3A = arith.constant 0.000000e+00 : f32
      %max3A_33 = vector.broadcast %max3A : f32 to vector<4096x64xf32>
      %max3A_34 = arith.maximumf %add3A_32, %max3A_33 : vector<4096x64xf32>
      %get3A_35 = arith.constant 0 : index
      %get3A_36 = arith.constant 0 : index
      %get3A_37 = vector.load %arg5[%get3A_35, %get3A_36] : memref<64x128xf32, #tpu.memory_space<vmem>>, vector<64x128xf32>
      %dot_general3A = arith.constant dense<0.000000e+00> : vector<4096x128xf32>
      %dot_general3A_38 = tpu.matmul %max3A_34, %get3A_37, %dot_general3A {dimension_numbers = #tpu.dot_dimension_numbers<[1], [0], [0], [1], [0, 0, 1, 1], [], []>, transpose_lhs_hint = false} : vector<4096x64xf32>, vector<64x128xf32>, vector<4096x128xf32> -> vector<4096x128xf32>
      %eq3A_39 = arith.constant 0 : i32
      %eq3A_40 = arith.cmpi eq, %arg1, %eq3A_39 : i32
      %convert_element_type3A_41 = arith.extui %eq3A_40 : i1 to i32
      %cond3A_42 = arith.constant 0 : i32
      %cond3A_43 = arith.cmpi ne, %convert_element_type3A_41, %cond3A_42 : i32
      scf.if %cond3A_43 {
        %broadcast_in_dim3A_63 = arith.constant 0.000000e+00 : f32
        %broadcast_in_dim3A_64 = vector.broadcast %broadcast_in_dim3A_63 : f32 to vector<8x128xf32>
        %swap3A_65 = arith.constant 0 : index
        %swap3A_66 = arith.constant 0 : index
        %swap3A_67 = vector.load %arg9[%swap3A_65, %swap3A_66] : memref<8x128xf32, #tpu.memory_space<vmem>>, vector<8x128xf32>
        tpu.vector_store %arg9[%swap3A_65, %swap3A_66], %broadcast_in_dim3A_64 {strides = array<i32>} : memref<8x128xf32, #tpu.memory_space<vmem>>, vector<8x128xf32>,
      } else {
      }
      %get3A_44 = arith.constant 0 : index
      %get3A_45 = arith.constant 0 : index
      %get3A_46 = vector.load %arg9[%get3A_44, %get3A_45] : memref<8x128xf32, #tpu.memory_space<vmem>>, vector<8x128xf32>
      %reduce_sum3A = arith.constant dense<0.000000e+00> : vector<128xf32>
      %reduce_sum3A_47 = vector.multi_reduction <add>, %dot_general3A_38, %reduce_sum3A [0] : vector<4096x128xf32> to vector<128xf32>
      %reshape3A = vector.shape_cast %reduce_sum3A_47 : vector<128xf32> to vector<1x128xf32>
      %mul3A_48 = arith.mulf %dot_general3A_38, %dot_general3A_38 : vector<4096x128xf32>
      %reduce_sum3A_49 = arith.constant dense<0.000000e+00> : vector<128xf32>
      %reduce_sum3A_50 = vector.multi_reduction <add>, %mul3A_48, %reduce_sum3A_49 [0] : vector<4096x128xf32> to vector<128xf32>
      %reshape3A_51 = vector.shape_cast %reduce_sum3A_50 : vector<128xf32> to vector<1x128xf32>
      %broadcast_in_dim3A = arith.constant 0.000000e+00 : f32
      %broadcast_in_dim3A_52 = vector.broadcast %broadcast_in_dim3A : f32 to vector<6x128xf32>
      %concatenate3A = tpu.concatenate %reshape3A, %reshape3A_51, %broadcast_in_dim3A_52 in 0 : vector<1x128xf32>, vector<1x128xf32>, vector<6x128xf32> -> vector<8x128xf32>
      %add3A_53 = arith.addf %get3A_46, %concatenate3A : vector<8x128xf32>
      %swap3A = arith.constant 0 : index
      %swap3A_54 = arith.constant 0 : index
      %swap3A_55 = vector.load %arg9[%swap3A, %swap3A_54] : memref<8x128xf32, #tpu.memory_space<vmem>>, vector<8x128xf32>
      tpu.vector_store %arg9[%swap3A, %swap3A_54], %add3A_53 {strides = array<i32>} : memref<8x128xf32, #tpu.memory_space<vmem>>, vector<8x128xf32>,
      %reshape3A_56 = vector.shape_cast %dot_general3A_38 : vector<4096x128xf32> to vector<256x16x128xf32>
      %reduce_max3A = arith.constant dense<0xFF800000> : vector<256x128xf32>
      %reduce_max3A_57 = vector.multi_reduction <maximumf>, %reshape3A_56, %reduce_max3A [1] : vector<256x16x128xf32> to vector<256x128xf32>
      %mul3A_58 = arith.constant 256 : i32
      %mul3A_59 = arith.muli %arg1, %mul3A_58 : i32
      %swap3A_60 = arith.index_cast %mul3A_59 : i32 to index
      %swap3A_61 = arith.constant 0 : index
      %swap3A_62 = vector.load %arg8[%swap3A_60, %swap3A_61] : memref<16384x128xf32, #tpu.memory_space<vmem>>, vector<256x128xf32>
      tpu.vector_store %arg8[%swap3A_60, %swap3A_61], %reduce_max3A_57 {strides = array<i32>} : memref<16384x128xf32, #tpu.memory_space<vmem>>, vector<256x128xf32>,
    } else {
    }
    %eq3A_2 = arith.constant 1 : i32
    %eq3A_3 = arith.cmpi eq, %arg0, %eq3A_2 : i32
    %convert_element_type3A_4 = arith.extui %eq3A_3 : i1 to i32
    %cond3A_5 = arith.constant 0 : i32
    %cond3A_6 = arith.cmpi ne, %convert_element_type3A_4, %cond3A_5 : i32
    scf.if %cond3A_6 {
      %get3A = arith.constant 0 : index
      %get3A_7 = arith.constant 0 : index
      %get3A_8 = vector.load %arg9[%get3A, %get3A_7] : memref<8x128xf32, #tpu.memory_space<vmem>>, vector<8x128xf32>
      %get3A_9 = arith.constant 0 : index
      %get3A_10 = arith.constant 0 : index
      %get3A_11 = vector.load %arg6[%get3A_9, %get3A_10] : memref<8x128xf32, #tpu.memory_space<vmem>>, vector<8x128xf32>
      %slice3A = vector.extract_strided_slice %get3A_8 {offsets = [0, 0], sizes = [1, 128], strides = [1, 1]} : vector<8x128xf32> to vector<1x128xf32>
      %mul3A = arith.constant 3.81469727E-6 : f32
      %mul3A_12 = vector.broadcast %mul3A : f32 to vector<1x128xf32>
      %mul3A_13 = arith.mulf %slice3A, %mul3A_12 : vector<1x128xf32>
      %slice3A_14 = vector.extract_strided_slice %get3A_8 {offsets = [1, 0], sizes = [1, 128], strides = [1, 1]} : vector<8x128xf32> to vector<1x128xf32>
      %mul3A_15 = arith.constant 3.81469727E-6 : f32
      %mul3A_16 = vector.broadcast %mul3A_15 : f32 to vector<1x128xf32>
      %mul3A_17 = arith.mulf %slice3A_14, %mul3A_16 : vector<1x128xf32>
      %mul3A_18 = arith.mulf %mul3A_13, %mul3A_13 : vector<1x128xf32>
      %sub3A = arith.subf %mul3A_17, %mul3A_18 : vector<1x128xf32>
      %add3A = arith.constant 9.99999974E-6 : f32
      %add3A_19 = vector.broadcast %add3A : f32 to vector<1x128xf32>
      %add3A_20 = arith.addf %sub3A, %add3A_19 : vector<1x128xf32>
      %rsqrt3A = math.rsqrt %add3A_20 : vector<1x128xf32>
      %slice3A_21 = vector.extract_strided_slice %get3A_11 {offsets = [0, 0], sizes = [1, 128], strides = [1, 1]} : vector<8x128xf32> to vector<1x128xf32>
      %mul3A_22 = arith.mulf %rsqrt3A, %slice3A_21 : vector<1x128xf32>
      %slice3A_23 = vector.extract_strided_slice %get3A_11 {offsets = [1, 0], sizes = [1, 128], strides = [1, 1]} : vector<8x128xf32> to vector<1x128xf32>
      %mul3A_24 = arith.mulf %mul3A_13, %mul3A_22 : vector<1x128xf32>
      %sub3A_25 = arith.subf %slice3A_23, %mul3A_24 : vector<1x128xf32>
      %mul3A_26 = arith.constant 256 : i32
      %mul3A_27 = arith.muli %arg1, %mul3A_26 : i32
      %get3A_28 = arith.index_cast %mul3A_27 : i32 to index
      %get3A_29 = arith.constant 0 : index
      %get3A_30 = vector.load %arg8[%get3A_28, %get3A_29] : memref<16384x128xf32, #tpu.memory_space<vmem>>, vector<256x128xf32>
      %mul3A_31 = vector.broadcast %mul3A_22 : vector<1x128xf32> to vector<256x128xf32>
      %mul3A_32 = arith.mulf %get3A_30, %mul3A_31 : vector<256x128xf32>
      %add3A_33 = vector.broadcast %sub3A_25 : vector<1x128xf32> to vector<256x128xf32>
      %add3A_34 = arith.addf %mul3A_32, %add3A_33 : vector<256x128xf32>
      %max3A = arith.constant 0.000000e+00 : f32
      %max3A_35 = vector.broadcast %max3A : f32 to vector<256x128xf32>
      %max3A_36 = arith.maximumf %add3A_34, %max3A_35 : vector<256x128xf32>
      %transpose3A = tpu.transpose %max3A_36, [1, 0] : vector<256x128xf32> -> vector<128x256xf32>
      %swap3A = arith.constant 0 : index
      %swap3A_37 = arith.constant 0 : index
      %swap3A_38 = arith.constant 0 : index
      %swap3A_39 = vector.load %arg7[%swap3A, %swap3A_37, %swap3A_38] : memref<1x128x256xf32, #tpu.memory_space<vmem>>, vector<1x128x256xf32>
      %swap3A_40 = vector.shape_cast %swap3A_39 : vector<1x128x256xf32> to vector<128x256xf32>
      %swap3A_41 = vector.shape_cast %transpose3A : vector<128x256xf32> to vector<1x128x256xf32>
      tpu.vector_store %arg7[%swap3A, %swap3A_37, %swap3A_38], %swap3A_41 {strides = array<i32>} : memref<1x128x256xf32, #tpu.memory_space<vmem>>, vector<1x128x256xf32>,
    } else {
    }
    return
  }
  func.func @transform_0(%arg0: i32, %arg1: i32) -> (i32, i32) {
    %eq3A = arith.constant 0 : i32
    %eq3A_0 = arith.cmpi eq, %arg0, %eq3A : i32
    %jit3A = arith.constant 0 : i32
    %select_n3A = arith.select %eq3A_0, %arg1, %jit3A : i32
    %c0_i32 = arith.constant 0 : i32
    %c0_i32_1 = arith.constant 0 : i32
    return %select_n3A, %c0_i32 : i32, i32
  }
  func.func @transform_1(%arg0: i32, %arg1: i32) -> (i32, i32) {
    %c0_i32 = arith.constant 0 : i32
    %c0_i32_0 = arith.constant 0 : i32
    %c0_i32_1 = arith.constant 0 : i32
    return %c0_i32, %c0_i32_0 : i32, i32
  }
  func.func @transform_2(%arg0: i32, %arg1: i32) -> (i32, i32) {
    %c0_i32 = arith.constant 0 : i32
    %c0_i32_0 = arith.constant 0 : i32
    %c0_i32_1 = arith.constant 0 : i32
    return %c0_i32, %c0_i32_0 : i32, i32
  }
  func.func @transform_3(%arg0: i32, %arg1: i32) -> (i32, i32) {
    %c0_i32 = arith.constant 0 : i32
    %c0_i32_0 = arith.constant 0 : i32
    %c0_i32_1 = arith.constant 0 : i32
    return %c0_i32, %c0_i32_0 : i32, i32
  }
  func.func @transform_4(%arg0: i32, %arg1: i32) -> (i32, i32) {
    %c0_i32 = arith.constant 0 : i32
    %c0_i32_0 = arith.constant 0 : i32
    %c0_i32_1 = arith.constant 0 : i32
    return %c0_i32, %c0_i32_0 : i32, i32
  }
  func.func @transform_5(%arg0: i32, %arg1: i32) -> (i32, i32, i32) {
    %eq3A = arith.constant 1 : i32
    %eq3A_0 = arith.cmpi eq, %arg0, %eq3A : i32
    %jit3A = arith.constant 8 : i32
    %div3A = arith.divsi %arg1, %jit3A : i32
    %sign3A = arith.constant 0 : i32
    %sign3A_1 = arith.cmpi sgt, %arg1, %sign3A : i32
    %sign3A_2 = arith.extui %sign3A_1 : i1 to i32
    %sign3A_3 = arith.constant 0 : i32
    %sign3A_4 = arith.cmpi slt, %arg1, %sign3A_3 : i32
    %sign3A_5 = arith.extui %sign3A_4 : i1 to i32
    %sign3A_6 = arith.subi %sign3A_2, %sign3A_5 : i32
    %sign3A_7 = arith.constant 0 : i32
    %sign3A_8 = arith.cmpi sgt, %jit3A, %sign3A_7 : i32
    %sign3A_9 = arith.extui %sign3A_8 : i1 to i32
    %sign3A_10 = arith.constant 0 : i32
    %sign3A_11 = arith.cmpi slt, %jit3A, %sign3A_10 : i32
    %sign3A_12 = arith.extui %sign3A_11 : i1 to i32
    %sign3A_13 = arith.subi %sign3A_9, %sign3A_12 : i32
    %ne3A = arith.cmpi ne, %sign3A_6, %sign3A_13 : i32
    %rem3A = arith.remsi %arg1, %jit3A : i32
    %ne3A_14 = arith.constant 0 : i32
    %ne3A_15 = arith.cmpi ne, %rem3A, %ne3A_14 : i32
    %and3A = arith.andi %ne3A, %ne3A_15 : i1
    %sub3A = arith.constant 1 : i32
    %sub3A_16 = arith.subi %div3A, %sub3A : i32
    %select_n3A = arith.select %and3A, %sub3A_16, %div3A : i32
    %jit3A_17 = arith.constant 0 : i32
    %select_n3A_18 = arith.select %eq3A_0, %select_n3A, %jit3A_17 : i32
    %jit3A_19 = arith.constant 8 : i32
    %eq3A_20 = arith.constant 0 : i32
    %eq3A_21 = arith.cmpi eq, %jit3A_19, %eq3A_20 : i32
    %jit3A_22 = arith.constant 1 : i32
    %select_n3A_23 = arith.select %eq3A_21, %jit3A_22, %jit3A_19 : i32
    %rem3A_24 = arith.remsi %arg1, %select_n3A_23 : i32
    %ne3A_25 = arith.constant 0 : i32
    %ne3A_26 = arith.cmpi ne, %rem3A_24, %ne3A_25 : i32
    %lt3A = arith.constant 0 : i32
    %lt3A_27 = arith.cmpi slt, %rem3A_24, %lt3A : i32
    %lt3A_28 = arith.constant 0 : i32
    %lt3A_29 = arith.cmpi slt, %select_n3A_23, %lt3A_28 : i32
    %ne3A_30 = arith.xori %lt3A_27, %lt3A_29 : i1
    %and3A_31 = arith.andi %ne3A_30, %ne3A_26 : i1
    %add3A = arith.addi %rem3A_24, %select_n3A_23 : i32
    %select_n3A_32 = arith.select %and3A_31, %add3A, %rem3A_24 : i32
    %jit3A_33 = arith.constant 0 : i32
    %select_n3A_34 = arith.select %eq3A_0, %select_n3A_32, %jit3A_33 : i32
    %c0_i32 = arith.constant 0 : i32
    %c0_i32_35 = arith.constant 0 : i32
    return %select_n3A_18, %c0_i32, %select_n3A_34 : i32, i32, i32
  }
}

</mosaic_0001>

<sc_bundles>
// kernel: kernel.7.cloned.1.call-start
scs
__scs_entry_jumppad:
0x0: {  	(pc) =	sbr.rel $0x88, $3  }
0x1: {  	(tag) =	ssettag $0x0;
	lr =	simm.s32 $0x1  }
0x2: {  	[smem:$0x3F94] =	sst lr;
	_ =	strace $0xD0000000  }
0x3: {  	_ = 	snop  }
0x4: {  	_ = 	snop  }
0x5: {  	_ = 	snop  }
0x6: {  	_ = 	snop  }
0x7: {  	_ = 	snop  }
__scs_overlays_trampoline_lowered:
0x8: {  	[smem:$0x3FA3] =	sst s0  }
0x9: {  	[smem:$0x3FA4] =	sst s1  }
0xa: {  	[smem:$0x3FA5] =	sst s2  }
0xb: {  	[smem:$0x3FA6] =	sst s3  }
0xc: {  	[smem:$0x3FA7] =	sst s4  }
0xd: {  	[smem:$0x3FA8] =	sst s5  }
0xe: {  	[smem:$0x3FA9] =	sst s6  }
0xf: {  	[smem:$0x3FAA] =	sst s7  }
0x10: {  	[smem:$0x3FAB] =	sst s8  }
0x11: {  	[smem:$0x3FAC] =	sst s9;
	s0 =	simm.s32 @!p0 $0x0  }
0x12: {  	s1 =	sld [smem:$0x3F92];
	s0 =	simm.s32 @p0 $0x1  }
0x13: {  	[smem:$0x3FAD] =	sst s0;
	s0 =	simm.s32 @!p1 $0x0  }
0x14: {  	s2 =	sld [smem:$0x3F91];
	s0 =	simm.s32 @p1 $0x1  }
0x15: {  	[smem:$0x3FAE] =	sst s0;
	s0 =	simm.s32 @!p2 $0x0  }
0x16: {  	s3 =	sld [smem:$0x3FDB];
	s0 =	simm.s32 @p2 $0x1  }
0x17: {  	s4 =	simm.s32 $0x1BF5;
	[smem:$0x3FB0] =	sst s0  }
0x18: {  	s0 =	sld [smem:$0x3F93];
	_ =	swait.ge [sflag:s4], $0x0  }
0x19: {  	s7 =	sld [smem:$0x3F94]  }
0x1a: {  	s8 =	sadd.s32 $0xFFFFE003, lr  }
0x1b: {  	s9 =	sadd.s32 $0xFFFFFEF7, lr;
	s5 =	simm.s32 $0xFFFFFFFF;
	p2 =	slt.u32 s8, $0xFFFFF086  }
0x1c: {  	p1 =	slt.u32 s9, $0xF7A;
	s5 =	simm.s32 @!p2 $0x0  }
0x1d: {  	s5 =	simm.s32 @p1 $0x1;
	p0 =	seq.s32 s7, s2  }
0x1e: {  	s7 =	smul.u32 @!p0 $0xF7A, s2;
	p2 =	seq.s32 @!p0 s5, $0x0  }
0x1f: {  	s9 =	smul.u32 $0xF7A, s1;
	s8 =	simm.s32 @!p0 $0x1BF5;
	p2 =	por !p2, p0  }
0x20: {  	[sflag:s8] =	ssyncset.s32 @!p0 $0xFFFFF086;
	s6 =	sadd.s32 @!p0 s3, s7;
	s7 =	simm.s32 @!p0 $0x108  }
0x21: {  	s3 =	sadd.s32 s3, s9;
	s6 =	sadd.s32 @!p0 $0x88, s6;
	s7 =	simm.s32 @p2 $0x1082  }
0x22: {  	[simem:s7], [sflag:s8] =	dma.local @!p0 [hbm:s6], $0xF7A  }
0x23: {  	s9 =	sor.u32 $0xD0000000, s2;
	s6 =	simm.s32 $0x108;
	_ =	swait.ge @!p0 [sflag:s8], $0x0  }
0x24: {  	s3 =	sadd.s32 $0x88, s3;
	s6 =	simm.s32 @!p1 $0x1082;
	[sflag:s4] =	ssyncset.s32 $0xFFFFF086  }
0x25: {  	[simem:s6], [sflag:s4] =	dma.local [hbm:s3], $0xF7A  }
0x26: {  	[smem:$0x3F94] =	sst s1;
	(tag) =	ssettag s2;
	_ =	strace s9  }
0x27: {  	s1 =	sld [smem:$0x3FA4]  }
0x28: {  	s2 =	sld [smem:$0x3FA5]  }
0x29: {  	s4 =	sld [smem:$0x3FA7]  }
0x2a: {  	p0 =	seq.s32 s5, $0x0;
	s5 =	sld [smem:$0x3FA8]  }
0x2b: {  	s6 =	sld [smem:$0x3FA9]  }
0x2c: {  	s7 =	sld [smem:$0x3FAA]  }
0x2d: {  	s3 =	simm.s32 $0x108;
	s8 =	sld [smem:$0x3FAB]  }
0x2e: {  	s3 =	simm.s32 @!p0 $0x1082;
	s9 =	sld [smem:$0x3FAC]  }
0x2f: {  	lr =	sadd.s32 s0, s3;
	s0 =	sld [smem:$0x3FA3]  }
0x30: {  	s3 =	sld [smem:$0x3FA6]  }
0x31: {  	[smem:$0x3FAF] =	sst s10  }
0x32: {  	s10 =	sld [smem:$0x3FAD];
	_ =	sdelay $0x3  }
0x33: {  	p0 =	seq.s32 s10, $0x1;
	s10 =	sld [smem:$0x3FAF];
	_ =	sdelay $0x3  }
0x34: {  	[smem:$0x3FAF] =	sst s10  }
0x35: {  	s10 =	sld [smem:$0x3FAE];
	_ =	sdelay $0x3  }
0x36: {  	p1 =	seq.s32 s10, $0x1;
	s10 =	sld [smem:$0x3FAF];
	_ =	sdelay $0x3  }
0x37: {  	[smem:$0x3FAF] =	sst s10  }
0x38: {  	s10 =	sld [smem:$0x3FB0]  }
0x39: {  	_ = 	snop;
	(pc) =	sbr.ind lr, $3  }
0x3a: {  	_ = 	snop  }
0x3b: {  	_ = 	snop  }
0x3c: {  	p2 =	seq.s32 s10, $0x1;
	s10 =	sld [smem:$0x3FAF]  }
0x3d: {  	_ =	shalt  }
0x3e: {  	_ =	shalt  }
0x3f: {  	_ =	shalt  }
0x40: {  	_ =	shalt  }
0x41: {  	_ =	shalt  }
0x42: {  	_ =	shalt  }
0x43: {  	_ =	shalt  }
0x44: {  	_ =	shalt  }
0x45: {  	_ =	shalt  }
0x46: {  	_ =	shalt  }
0x47: {  	_ =	shalt  }
0x48: {  	_ =	shalt  }
0x49: {  	_ =	shalt  }
0x4a: {  	_ =	shalt  }
0x4b: {  	_ =	shalt  }
0x4c: {  	_ =	shalt  }
0x4d: {  	_ =	shalt  }
0x4e: {  	_ =	shalt  }
0x4f: {  	_ =	shalt  }
0x50: {  	_ =	shalt  }
0x51: {  	_ =	shalt  }
0x52: {  	_ =	shalt  }
0x53: {  	_ =	shalt  }
0x54: {  	_ =	shalt  }
0x55: {  	_ =	shalt  }
0x56: {  	_ =	shalt  }
0x57: {  	_ =	shalt  }
0x58: {  	_ =	shalt  }
0x59: {  	_ =	shalt  }
0x5a: {  	_ =	shalt  }
0x5b: {  	_ =	shalt  }
0x5c: {  	_ =	shalt  }
0x5d: {  	_ =	shalt  }
0x5e: {  	_ =	shalt  }
0x5f: {  	_ =	shalt  }
0x60: {  	_ =	shalt  }
0x61: {  	_ =	shalt  }
0x62: {  	_ =	shalt  }
0x63: {  	_ =	shalt  }
0x64: {  	_ =	shalt  }
0x65: {  	_ =	shalt  }
0x66: {  	_ =	shalt  }
0x67: {  	_ =	shalt  }
0x68: {  	_ =	shalt  }
0x69: {  	_ =	shalt  }
0x6a: {  	_ =	shalt  }
0x6b: {  	_ =	shalt  }
0x6c: {  	_ =	shalt  }
0x6d: {  	_ =	shalt  }
0x6e: {  	_ =	shalt  }
0x6f: {  	_ =	shalt  }
0x70: {  	_ =	shalt  }
0x71: {  	_ =	shalt  }
0x72: {  	_ =	shalt  }
0x73: {  	_ =	shalt  }
0x74: {  	_ =	shalt  }
0x75: {  	_ =	shalt  }
0x76: {  	_ =	shalt  }
0x77: {  	_ =	shalt  }
0x78: {  	_ =	shalt  }
0x79: {  	_ =	shalt  }
0x7a: {  	_ =	shalt  }
0x7b: {  	_ =	shalt  }
0x7c: {  	_ =	shalt  }
0x7d: {  	_ =	shalt  }
0x7e: {  	_ =	shalt  }
0x7f: {  	_ =	shalt  }
0x80: {  	_ =	shalt  }
0x81: {  	_ =	shalt  }
0x82: {  	_ =	shalt  }
0x83: {  	_ =	shalt  }
0x84: {  	_ =	shalt  }
0x85: {  	_ =	shalt  }
0x86: {  	_ =	shalt  }
0x87: {  	_ =	shalt  }
.Lfunc_end0:
.L_simem_size_0:
called_computation_lowered:
.L_overlay_start_0:
0x88: {  	s2 =	sld [smem:$0x3FD9]  }
0x89: {  	s3 =	sld [smem:$0x3FFE];
	_ =	sdelay $0x1  }
0x8a: {  	s1 =	srdreg.scid  }
0x8b: {  	s0 =	sand.u32 $0x1, s1  }
0x8c: {  	s14 =	sshll.u32 s0, $0xA;
	s2 =	sadd.s32 s3, s2  }
0x8d: {  	s2 =	sadd.s32 s2, s14  }
0x8e: {  	[smem:$0x3FBB] =	sst s2  }
0x8f: {  	_ = 	snop  }
0x90: {  	s2 =	sld [smem:$0x3FD0];
	_ =	sdelay $0x2  }
0x91: {  	s15 =	simm.s32 $0xA;
	s4 =	simm.s32 $0x10  }
0x92: {  	[smem:s4], [sflag:s15] =	dma.local [hbm:s2], $0x1  }
0x93: {  	_ =	swait.eq [sflag:s15], $0x1  }
0x94: {  	[sflag:s15] =	ssyncset.done $0x0  }
0x95: {  	[sflag:s15] =	ssyncadd.s32 $0xFFFFFFFF  }
0x96: {  	s16 =	sld [smem:$0x11];
	(tm) =	ssettm $0x1  }
0x97: {  	s17 =	sld [smem:$0x3FFB];
	_ =	sdelay $0x3  }
0x98: {  	_ =	strace s17  }
0x99: {  	s3 =	sld [smem:$0x3FFC];
	_ =	sdelay $0x3  }
0x9a: {  	_ =	strace s3  }
0x9b: {  	s3 =	sld [smem:$0x3FFD];
	_ =	sdelay $0x3  }
0x9c: {  	_ =	strace s3  }
0x9d: {  	_ =	strace $0x8FFFFFFF  }
0x9e: {  	s18 =	sld [smem:$0x3FDB];
	_ =	sdelay $0x1  }
0x9f: {  	s19 =	simm.s32 $_scs_section_size  }
0xa0: {  	s5 =	simm.s32 $_size__tile_overlayer_lowered;
	s6 =	simm.s32 $_tile_overlayer_lowered  }
0xa1: {  	s22 =	simm.s32 $0x1BFF;
	s21 =	sshll.u32 s6, $0x1;
	s3 =	sadd.s32 s19, s18  }
0xa2: {  	s7 =	simm.s32 $0x0;
	s20 =	sshll.u32 s5, $0x1;
	s5 =	sadd.s32 s21, s3  }
0xa3: {  	[timem:s7], [sflag:s22] =	dma.local [hbm:s5], s20  }
0xa4: {  	_ =	swait.ge [sflag:s22], s20  }
0xa5: {  	s4 =	ssub.s32 $0x0, s20;
	[sflag:s22] =	ssyncset.done $0x0  }
0xa6: {  	[sflag:s22] =	ssyncadd.s32 s4;
	_ =	sdelay $0x1  }
0xa7: {  	s23 =	simm.s32 $0x1B8B  }
0xa8: {  	_ =	swait.ge [sflag:s23], $0x1  }
0xa9: {  	[sflag:s23] =	ssyncset.done $0x0  }
0xaa: {  	s25 =	simm.s32 $0x1B8E;
	s24 =	sld [smem:$0x3FFE];
	[sflag:s23] =	ssyncadd.s32 $0xFFFFFFFF  }
0xab: {  	s26 =	simm.s32 $execute0_lowered;
	[smem:$0x3FD2] =	sst s25  }
0xac: {  	s5 =	sshll.u32 s26, $0x1;
	_ =	strace $0x80000046;
	[dreg:$0x1] =	wrdreg $0xFFFFFFFF  }
0xad: {  	s28 =	simm.s32 $_size_execute0_lowered;
	s3 =	sadd.s32 s3, s5;
	[dreg:$0x0] =	wrdreg $0x0  }
0xae: {  	s5 =	sshll.u32 s28, $0x1;
	[dreg:$0x2] =	wrdreg s3  }
0xaf: {  	[dreg:$0x3] =	wrdreg s5  }
0xb0: {  	[dreg:$0x4] =	wrdreg $0xC0  }
0xb1: {  	_ =	task [dreg:s7], $0x5FFFF  }
0xb2: {  	[dreg:$0x1] =	wrdreg $0xFFFFFFFF  }
0xb3: {  	[dreg:$0x0] =	wrdreg $0x60  }
0xb4: {  	[dreg:$0x2] =	wrdreg s24  }
0xb5: {  	[dreg:$0x3] =	wrdreg s16  }
0xb6: {  	[dreg:$0x4] =	wrdreg $0x9  }
0xb7: {  	_ =	task.clear_ibuf [dreg:s7], $0x5FFFF;
	_ =	strace $0x90000046  }
0xb8: {  	s29 =	simm.s32 $0x9;
	_ =	strace $0x80000048  }
0xb9: {  	_ =	swait.ge [sflag:s29], $0x1  }
0xba: {  	[sflag:s29] =	ssyncadd.s32 $0xFFFFFFFF  }
0xbb: {  	_ =	strace $0x90000048  }
0xbc: {  	_ =	sfence  }
0xbd: {  	s30 =	sld [smem:$0x0];
	_ =	sdelay $0x2  }
0xbe: {  	s31 =	sshll.u32 s1, $0xD;
	s1 =	sshrl.u32 s1, $0x2  }
0xbf: {  	s3 =	sand.u32 $0x4000, s31;
	s1 =	sadd.s32 s1, s30  }
0xc0: {  	s0 =	sor.u32 s3, s0;
	s1 =	sshll.u32 s1, $0x11  }
0xc1: {  	s0 =	sor.u32 s1, s0  }
0xc2: {  	s0 =	sadd.s32 $0x8F2B, s0  }
0xc3: {  	[sflag:s0] =	ssyncadd.remote.s32 $0x1  }
0xc4: {  	_ =	sfence.sel $0xFFFF  }
0xc5: {  	[dreg:$0x0] =	wrdreg $0xFFFFFFFF;
	(pc) =	sbr.abs _section_cstart, $3  }
0xc6: {  	[dreg:$0x1] =	wrdreg $0xFFFFFFFF  }
0xc7: {  	_ =	task.clear_ibuf [dreg:s7], $0x2FFFF;
	_ =	strace $0x9FFFFFFF  }
0xc8: {  	(tm) =	ssettm $0x7FFFFFFF  }
0xc9: {  	_ =	shalt  }
tec
execute0_lowered:
.L_overlay_start_1:
0x0: {  	(tag) =	ssettag $0x1  }
0x1: {  	s1 =	rddreg [dreg:$0x0]  }
0x2: {  	s4 =	rddreg [dreg:$0x1];
	s2 =	simm.s32 $0x0  }
0x3: {  	s24 =	simm.s32 $0x100;
	[smem:$0x7FF] =	sst s2  }
0x4: {  	s25 =	simm.s32 $0x180;
	_ =	strace $0x80000047;
	[dreg:$0xc] =	wrdreg s24  }
0x5: {  	s26 =	simm.s32 $0x200;
	[dreg:$0xd] =	wrdreg s25  }
0x6: {  	s6 =	simm.s32 $0x380;
	[dreg:$0xe] =	wrdreg s26  }
0x7: {  	s7 =	simm.s32 $0x400;
	[dreg:$0x11] =	wrdreg s6  }
0x8: {  	s8 =	simm.s32 $0x480;
	[dreg:$0x12] =	wrdreg s7  }
0x9: {  	s9 =	simm.s32 $0x500;
	[dreg:$0x13] =	wrdreg s8  }
0xa: {  	s0 =	srdreg.scid;
	s10 =	simm.s32 $0x580;
	[dreg:$0x14] =	wrdreg s9  }
0xb: {  	s15 =	stileid.u32;
	s11 =	simm.s32 $0x600;
	[dreg:$0x15] =	wrdreg s10  }
0xc: {  	s12 =	simm.s32 $0x680;
	s13 =	simm.s32 $0x700;
	[dreg:$0x16] =	wrdreg s11  }
0xd: {  	s3 =	sand.u32 $0x1, s0;
	s14 =	sshll.u32 s15, $0x1;
	[dreg:$0x17] =	wrdreg s12  }
0xe: {  	s0 =	sor.u32 s3, s14;
	[dreg:$0x18] =	wrdreg s13;
	s14 =	simm.s32 $0x780  }
0xf: {  	s24 =	simm.s32 $0xC00;
	[dreg:$0x19] =	wrdreg s14  }
0x10: {  	s25 =	simm.s32 $0xC80;
	[smem:$0x7E6] =	sst s24  }
0x11: {  	s26 =	simm.s32 $0xD00;
	[smem:$0x7E7] =	sst s25  }
0x12: {  	s6 =	simm.s32 $0xE80;
	[smem:$0x7E8] =	sst s26  }
0x13: {  	s7 =	simm.s32 $0xF00;
	[smem:$0x7EB] =	sst s6  }
0x14: {  	s8 =	simm.s32 $0xF80;
	[smem:$0x7EC] =	sst s7  }
0x15: {  	s9 =	simm.s32 $0x1000;
	[smem:$0x7ED] =	sst s8  }
0x16: {  	s11 =	simm.s32 $0x1080;
	[smem:$0x7EE] =	sst s9  }
0x17: {  	s12 =	simm.s32 $0x1100;
	[smem:$0x7EF] =	sst s11  }
0x18: {  	s13 =	simm.s32 $0x1180;
	[smem:$0x7F0] =	sst s12  }
0x19: {  	[smem:$0x7F1] =	sst s13;
	s14 =	simm.s32 $0x1200  }
0x1a: {  	s24 =	simm.s32 $0x1680;
	[smem:$0x7F2] =	sst s14  }
0x1b: {  	s5 =	sshll.u32 s0, $0x10;
	s25 =	simm.s32 $0x1700;
	[smem:$0x7FB] =	sst s24  }
0x1c: {  	s0 =	sshll.u32 s0, $0xA;
	s26 =	simm.s32 $0x1780;
	[smem:$0x7FC] =	sst s25  }
0x1d: {  	s0 =	sadd.s32 s4, s0;
	[smem:$0x7FD] =	sst s26  }
0x1e: {  	s5 =	sadd.s32 s5, s1;
	s4 =	simm.s32 $0x280;
	[dreg:$0x3] =	wrdreg s0  }
0x1f: {  	s16 =	sadd.s32 $0x23000, s5;
	[dreg:$0xf] =	wrdreg s4  }
0x20: {  	s17 =	sadd.s32 $0x25000, s5;
	[dreg:$0x4] =	wrdreg s16  }
0x21: {  	s18 =	sadd.s32 $0x27000, s5;
	[dreg:$0x5] =	wrdreg s17  }
0x22: {  	s19 =	sadd.s32 $0x29000, s5;
	[dreg:$0x6] =	wrdreg s18  }
0x23: {  	s20 =	sadd.s32 $0x2B000, s5;
	[dreg:$0x7] =	wrdreg s19  }
0x24: {  	s28 =	simm.s32 $0x1980;
	s21 =	sadd.s32 $0x2D000, s5;
	[dreg:$0x8] =	wrdreg s20  }
0x25: {  	s29 =	simm.s32 $0x1A00;
	s22 =	sadd.s32 $0x2F000, s5;
	[dreg:$0x9] =	wrdreg s21  }
0x26: {  	s30 =	simm.s32 $0x1A80;
	s23 =	sadd.s32 $0x31000, s5;
	[dreg:$0xa] =	wrdreg s22  }
0x27: {  	s31 =	simm.s32 $0x1B00;
	s5 =	simm.s32 $0x300;
	[dreg:$0xb] =	wrdreg s23  }
0x28: {  	s10 =	ssub.s32 $0x2, s3;
	s4 =	simm.s32 $0xD80;
	[dreg:$0x10] =	wrdreg s5  }
0x29: {  	p0 =	por $0x0, $0x0;
	s3 =	sshrl.u32 s10, $0x1;
	[smem:$0x7E9] =	sst s4  }
0x2a: {  	s6 =	simm.s32 $0x80;
	s16 =	simm.s32 $0x800;
	s0 =	rddreg [dreg:$0x3]  }
0x2b: {  	s8 =	simm.s32 $0x4000;
	s17 =	simm.s32 $0x880;
	[dreg:$0x1a] =	wrdreg s16  }
0x2c: {  	s9 =	simm.s32 $0x6000;
	s18 =	simm.s32 $0x900;
	[dreg:$0x1b] =	wrdreg s17  }
0x2d: {  	s11 =	simm.s32 $0xA000;
	s19 =	simm.s32 $0x980;
	[dreg:$0x1c] =	wrdreg s18  }
0x2e: {  	s12 =	simm.s32 $0xC000;
	s20 =	simm.s32 $0xA00;
	[dreg:$0x1d] =	wrdreg s19  }
0x2f: {  	s13 =	simm.s32 $0xE000;
	s21 =	simm.s32 $0xA80;
	[dreg:$0x1e] =	wrdreg s20  }
0x30: {  	s7 =	simm.s32 $0x1;
	s22 =	simm.s32 $0xB00;
	[dreg:$0x1f] =	wrdreg s21  }
0x31: {  	s14 =	simm.s32 $0x10000;
	s23 =	simm.s32 $0xB80;
	[smem:$0x7E4] =	sst s22  }
0x32: {  	s25 =	simm.s32 $0x1880;
	s5 =	simm.s32 $0xE00;
	[smem:$0x7E5] =	sst s23  }
0x33: {  	s26 =	simm.s32 $0x1900;
	[smem:$0x7EA] =	sst s5;
	s16 =	simm.s32 $0x1280  }
0x34: {  	s24 =	simm.s32 $0x1B80;
	s17 =	simm.s32 $0x1300;
	[smem:$0x7F3] =	sst s16  }
0x35: {  	s4 =	simm.s32 $0x2000;
	s18 =	simm.s32 $0x1380;
	[smem:$0x7F4] =	sst s17  }
0x36: {  	s5 =	sadd.s32 $0x3000, s1;
	s19 =	simm.s32 $0x1400;
	[smem:$0x7F5] =	sst s18  }
0x37: {  	s1 =	ssub.s32 s10, s3;
	s20 =	simm.s32 $0x1480;
	[smem:$0x7F6] =	sst s19  }
0x38: {  	s21 =	simm.s32 $0x1500;
	s1 =	smax.u32 s1, $0x1;
	[smem:$0x7F7] =	sst s20  }
0x39: {  	s22 =	simm.s32 $0x1580;
	[smem:$0x7F8] =	sst s21;
	p1 =	sne.s32 s1, $0x1  }
.Ltmp0:
0x3a: {  	s23 =	simm.s32 $0x1600;
	[smem:$0x7F9] =	sst s22;
	(pc) =	sbr.rel @!p1 .LBB2_1-.Ltmp0, $4  }
0x3b: {  	s3 =	simm.s32 $0x2;
	s10 =	simm.s32 $0x8000;
	[smem:$0x7FA] =	sst s23  }
0x3c: {  	s16 =	simm.s32 $0x1C00;
	s17 =	simm.s32 $0x1C80;
	s18 =	simm.s32 $0x1D00  }
0x3d: {  	s19 =	simm.s32 $0x1D80;
	s20 =	simm.s32 $0x1E00;
	s21 =	simm.s32 $0x1E80  }
0x3e: {  	s22 =	simm.s32 $0x1F00;
	s23 =	simm.s32 $0x1F80;
	s1 =	sadd.s32 $0xFFFFFFFF, s1  }
0x3f: {  	[tilespmem:s2], [sflag:$0x2] =	stream.linear.gather [hbm4b:s0+s2], $0x2000, $0x38;
	[tilespmem:$0x12000] =	vst v63  }
0x40: {  	_ =	swait.ge [sflag:s3], $0x2000  }
0x41: {  	[sflag:s3] =	ssyncset.done $0x0  }
0x42: {  	[sflag:s3] =	ssyncadd.s32 $0xFFFFE000  }
0x43: {  	[tilespmem:s4], [sflag:$0x1] =	stream.indirect.gather [hbm4b:s5+s6], $0x40, s2, s6, $0xb8;
	[tilespmem:$0x12000] =	vst v63  }
0x44: {  	_ = 	snop  }
0x45: {  	[tilespmem:s8], [sflag:$0x1] =	stream.indirect.gather [hbm4b:s5+s6], $0x40, s6, s6, $0xb8;
	[tilespmem:$0x12000] =	vst v63  }
0x46: {  	s0 =	rddreg [dreg:$0xc]  }
0x47: {  	[tilespmem:s9], [sflag:$0x1] =	stream.indirect.gather [hbm4b:s5+s6], $0x40, s0, s6, $0xb8;
	[tilespmem:$0x12000] =	vst v63  }
0x48: {  	s15 =	smov.u32 s1;
	s1 =	rddreg [dreg:$0xd]  }
0x49: {  	[tilespmem:s10], [sflag:$0x1] =	stream.indirect.gather [hbm4b:s5+s6], $0x40, s1, s6, $0xb8;
	[tilespmem:$0x12000] =	vst v63  }
0x4a: {  	s0 =	rddreg [dreg:$0xe]  }
0x4b: {  	[tilespmem:s11], [sflag:$0x1] =	stream.indirect.gather [hbm4b:s5+s6], $0x40, s0, s6, $0xb8;
	[tilespmem:$0x12000] =	vst v63  }
0x4c: {  	s1 =	rddreg [dreg:$0xf]  }
0x4d: {  	[tilespmem:s12], [sflag:$0x1] =	stream.indirect.gather [hbm4b:s5+s6], $0x40, s1, s6, $0xb8;
	[tilespmem:$0x12000] =	vst v63  }
0x4e: {  	s0 =	rddreg [dreg:$0x10]  }
0x4f: {  	[tilespmem:s13], [sflag:$0x1] =	stream.indirect.gather [hbm4b:s5+s6], $0x40, s0, s6, $0xb8;
	[tilespmem:$0x12000] =	vst v63  }
0x50: {  	s1 =	rddreg [dreg:$0x11]  }
0x51: {  	[tilespmem:s14], [sflag:$0x1] =	stream.indirect.gather [hbm4b:s5+s6], $0x40, s1, s6, $0xb8;
	[tilespmem:$0x12000] =	vst v63  }
0x52: {  	_ =	swait.ge [sflag:s7], $0x2000  }
0x53: {  	[sflag:s7] =	ssyncset.done $0x0  }
0x54: {  	[sflag:s7] =	ssyncadd.s32 $0xFFFFE000  }
0x55: {  	_ =	swait.ge [sflag:s7], $0x2000  }
0x56: {  	[sflag:s7] =	ssyncset.done $0x0  }
0x57: {  	[sflag:s7] =	ssyncadd.s32 $0xFFFFE000  }
0x58: {  	_ =	swait.ge [sflag:s7], $0x2000  }
0x59: {  	[sflag:s7] =	ssyncset.done $0x0  }
0x5a: {  	[sflag:s7] =	ssyncadd.s32 $0xFFFFE000  }
0x5b: {  	_ =	swait.ge [sflag:s7], $0x2000  }
0x5c: {  	[sflag:s7] =	ssyncset.done $0x0  }
0x5d: {  	[sflag:s7] =	ssyncadd.s32 $0xFFFFE000  }
0x5e: {  	_ =	swait.ge [sflag:s7], $0x2000  }
0x5f: {  	[sflag:s7] =	ssyncset.done $0x0  }
0x60: {  	[sflag:s7] =	ssyncadd.s32 $0xFFFFE000  }
0x61: {  	_ =	swait.ge [sflag:s7], $0x2000  }
0x62: {  	[sflag:s7] =	ssyncset.done $0x0  }
0x63: {  	[sflag:s7] =	ssyncadd.s32 $0xFFFFE000  }
0x64: {  	_ =	swait.ge [sflag:s7], $0x2000  }
0x65: {  	[sflag:s7] =	ssyncset.done $0x0  }
0x66: {  	[sflag:s7] =	ssyncadd.s32 $0xFFFFE000  }
0x67: {  	_ =	swait.ge [sflag:s7], $0x2000  }
0x68: {  	[sflag:s7] =	ssyncset.done $0x0  }
0x69: {  	s1 =	rddreg [dreg:$0x4];
	[sflag:s7] =	ssyncadd.s32 $0xFFFFE000  }
0x6a: {  	[hbm4b:s1+s2] =	stream.linear.scatter [tilespmem:s4], [sflag:$0x2], $0x10000, $0x38;
	[tilespmem:$0x12000] =	vst v63  }
0x6b: {  	_ =	swait.ge [sflag:s3], $0x10000  }
0x6c: {  	[sflag:s3] =	ssyncset.done $0x0  }
0x6d: {  	s0 =	rddreg [dreg:$0x12];
	[sflag:s3] =	ssyncadd.s32 $0xFFFF0000  }
0x6e: {  	[tilespmem:s4], [sflag:$0x1] =	stream.indirect.gather [hbm4b:s5+s6], $0x40, s0, s6, $0xb8;
	[tilespmem:$0x12000] =	vst v63  }
0x6f: {  	s1 =	rddreg [dreg:$0x13]  }
0x70: {  	[tilespmem:s8], [sflag:$0x1] =	stream.indirect.gather [hbm4b:s5+s6], $0x40, s1, s6, $0xb8;
	[tilespmem:$0x12000] =	vst v63  }
0x71: {  	s0 =	rddreg [dreg:$0x14]  }
0x72: {  	[tilespmem:s9], [sflag:$0x1] =	stream.indirect.gather [hbm4b:s5+s6], $0x40, s0, s6, $0xb8;
	[tilespmem:$0x12000] =	vst v63  }
0x73: {  	s1 =	rddreg [dreg:$0x15]  }
0x74: {  	[tilespmem:s10], [sflag:$0x1] =	stream.indirect.gather [hbm4b:s5+s6], $0x40, s1, s6, $0xb8;
	[tilespmem:$0x12000] =	vst v63  }
0x75: {  	s0 =	rddreg [dreg:$0x16]  }
0x76: {  	[tilespmem:s11], [sflag:$0x1] =	stream.indirect.gather [hbm4b:s5+s6], $0x40, s0, s6, $0xb8;
	[tilespmem:$0x12000] =	vst v63  }
0x77: {  	s1 =	rddreg [dreg:$0x17]  }
0x78: {  	[tilespmem:s12], [sflag:$0x1] =	stream.indirect.gather [hbm4b:s5+s6], $0x40, s1, s6, $0xb8;
	[tilespmem:$0x12000] =	vst v63  }
0x79: {  	s0 =	rddreg [dreg:$0x18]  }
0x7a: {  	[tilespmem:s13], [sflag:$0x1] =	stream.indirect.gather [hbm4b:s5+s6], $0x40, s0, s6, $0xb8;
	[tilespmem:$0x12000] =	vst v63  }
0x7b: {  	s1 =	rddreg [dreg:$0x19]  }
0x7c: {  	[tilespmem:s14], [sflag:$0x1] =	stream.indirect.gather [hbm4b:s5+s6], $0x40, s1, s6, $0xb8;
	[tilespmem:$0x12000] =	vst v63  }
0x7d: {  	_ =	swait.ge [sflag:s7], $0x2000  }
0x7e: {  	[sflag:s7] =	ssyncset.done $0x0  }
0x7f: {  	[sflag:s7] =	ssyncadd.s32 $0xFFFFE000  }
0x80: {  	_ =	swait.ge [sflag:s7], $0x2000  }
0x81: {  	[sflag:s7] =	ssyncset.done $0x0  }
0x82: {  	[sflag:s7] =	ssyncadd.s32 $0xFFFFE000  }
0x83: {  	_ =	swait.ge [sflag:s7], $0x2000  }
0x84: {  	[sflag:s7] =	ssyncset.done $0x0  }
0x85: {  	[sflag:s7] =	ssyncadd.s32 $0xFFFFE000  }
0x86: {  	_ =	swait.ge [sflag:s7], $0x2000  }
0x87: {  	[sflag:s7] =	ssyncset.done $0x0  }
0x88: {  	[sflag:s7] =	ssyncadd.s32 $0xFFFFE000  }
0x89: {  	_ =	swait.ge [sflag:s7], $0x2000  }
0x8a: {  	[sflag:s7] =	ssyncset.done $0x0  }
0x8b: {  	[sflag:s7] =	ssyncadd.s32 $0xFFFFE000  }
0x8c: {  	_ =	swait.ge [sflag:s7], $0x2000  }
0x8d: {  	[sflag:s7] =	ssyncset.done $0x0  }
0x8e: {  	[sflag:s7] =	ssyncadd.s32 $0xFFFFE000  }
0x8f: {  	_ =	swait.ge [sflag:s7], $0x2000  }
0x90: {  	[sflag:s7] =	ssyncset.done $0x0  }
0x91: {  	[sflag:s7] =	ssyncadd.s32 $0xFFFFE000  }
0x92: {  	_ =	swait.ge [sflag:s7], $0x2000  }
0x93: {  	[sflag:s7] =	ssyncset.done $0x0  }
0x94: {  	s1 =	rddreg [dreg:$0x5];
	[sflag:s7] =	ssyncadd.s32 $0xFFFFE000  }
0x95: {  	[hbm4b:s1+s2] =	stream.linear.scatter [tilespmem:s4], [sflag:$0x2], $0x10000, $0x38;
	[tilespmem:$0x12000] =	vst v63  }
0x96: {  	_ =	swait.ge [sflag:s3], $0x10000  }
0x97: {  	s0 =	rddreg [dreg:$0x1a];
	[sflag:s3] =	ssyncset.done $0x0  }
0x98: {  	s1 =	rddreg [dreg:$0x1b];
	[sflag:s3] =	ssyncadd.s32 $0xFFFF0000  }
0x99: {  	[tilespmem:s4], [sflag:$0x1] =	stream.indirect.gather [hbm4b:s5+s6], $0x40, s0, s6, $0xb8;
	[tilespmem:$0x12000] =	vst v63  }
0x9a: {  	s0 =	rddreg [dreg:$0x1c]  }
0x9b: {  	[tilespmem:s8], [sflag:$0x1] =	stream.indirect.gather [hbm4b:s5+s6], $0x40, s1, s6, $0xb8;
	[tilespmem:$0x12000] =	vst v63  }
0x9c: {  	s1 =	rddreg [dreg:$0x1d]  }
0x9d: {  	[tilespmem:s9], [sflag:$0x1] =	stream.indirect.gather [hbm4b:s5+s6], $0x40, s0, s6, $0xb8;
	[tilespmem:$0x12000] =	vst v63  }
0x9e: {  	s0 =	rddreg [dreg:$0x1e]  }
0x9f: {  	[tilespmem:s10], [sflag:$0x1] =	stream.indirect.gather [hbm4b:s5+s6], $0x40, s1, s6, $0xb8;
	[tilespmem:$0x12000] =	vst v63  }
0xa0: {  	s1 =	rddreg [dreg:$0x1f]  }
0xa1: {  	[tilespmem:s11], [sflag:$0x1] =	stream.indirect.gather [hbm4b:s5+s6], $0x40, s0, s6, $0xb8;
	[tilespmem:$0x12000] =	vst v63  }
0xa2: {  	s0 =	sld [smem:$0x7E4]  }
0xa3: {  	[tilespmem:s12], [sflag:$0x1] =	stream.indirect.gather [hbm4b:s5+s6], $0x40, s1, s6, $0xb8;
	[tilespmem:$0x12000] =	vst v63  }
0xa4: {  	s1 =	sld [smem:$0x7E5]  }
0xa5: {  	[tilespmem:s13], [sflag:$0x1] =	stream.indirect.gather [hbm4b:s5+s6], $0x40, s0, s6, $0xb8;
	[tilespmem:$0x12000] =	vst v63  }
0xa6: {  	_ = 	snop  }
0xa7: {  	[tilespmem:s14], [sflag:$0x1] =	stream.indirect.gather [hbm4b:s5+s6], $0x40, s1, s6, $0xb8;
	[tilespmem:$0x12000] =	vst v63  }
0xa8: {  	_ =	swait.ge [sflag:s7], $0x2000  }
0xa9: {  	[sflag:s7] =	ssyncset.done $0x0  }
0xaa: {  	[sflag:s7] =	ssyncadd.s32 $0xFFFFE000  }
0xab: {  	_ =	swait.ge [sflag:s7], $0x2000  }
0xac: {  	[sflag:s7] =	ssyncset.done $0x0  }
0xad: {  	[sflag:s7] =	ssyncadd.s32 $0xFFFFE000  }
0xae: {  	_ =	swait.ge [sflag:s7], $0x2000  }
0xaf: {  	[sflag:s7] =	ssyncset.done $0x0  }
0xb0: {  	[sflag:s7] =	ssyncadd.s32 $0xFFFFE000  }
0xb1: {  	_ =	swait.ge [sflag:s7], $0x2000  }
0xb2: {  	[sflag:s7] =	ssyncset.done $0x0  }
0xb3: {  	[sflag:s7] =	ssyncadd.s32 $0xFFFFE000  }
0xb4: {  	_ =	swait.ge [sflag:s7], $0x2000  }
0xb5: {  	[sflag:s7] =	ssyncset.done $0x0  }
0xb6: {  	[sflag:s7] =	ssyncadd.s32 $0xFFFFE000  }
0xb7: {  	_ =	swait.ge [sflag:s7], $0x2000  }
0xb8: {  	[sflag:s7] =	ssyncset.done $0x0  }
0xb9: {  	[sflag:s7] =	ssyncadd.s32 $0xFFFFE000  }
0xba: {  	_ =	swait.ge [sflag:s7], $0x2000  }
0xbb: {  	[sflag:s7] =	ssyncset.done $0x0  }
0xbc: {  	[sflag:s7] =	ssyncadd.s32 $0xFFFFE000  }
0xbd: {  	_ =	swait.ge [sflag:s7], $0x2000  }
0xbe: {  	[sflag:s7] =	ssyncset.done $0x0  }
0xbf: {  	s1 =	rddreg [dreg:$0x6];
	[sflag:s7] =	ssyncadd.s32 $0xFFFFE000  }
0xc0: {  	[hbm4b:s1+s2] =	stream.linear.scatter [tilespmem:s4], [sflag:$0x2], $0x10000, $0x38;
	[tilespmem:$0x12000] =	vst v63  }
0xc1: {  	_ =	swait.ge [sflag:s3], $0x10000  }
0xc2: {  	s0 =	sld [smem:$0x7E6]  }
0xc3: {  	[sflag:s3] =	ssyncset.done $0x0  }
0xc4: {  	s1 =	sld [smem:$0x7E7];
	[sflag:s3] =	ssyncadd.s32 $0xFFFF0000  }
0xc5: {  	[tilespmem:s4], [sflag:$0x1] =	stream.indirect.gather [hbm4b:s5+s6], $0x40, s0, s6, $0xb8;
	[tilespmem:$0x12000] =	vst v63  }
0xc6: {  	s0 =	sld [smem:$0x7E8]  }
0xc7: {  	[tilespmem:s8], [sflag:$0x1] =	stream.indirect.gather [hbm4b:s5+s6], $0x40, s1, s6, $0xb8;
	[tilespmem:$0x12000] =	vst v63  }
0xc8: {  	s1 =	sld [smem:$0x7E9]  }
0xc9: {  	[tilespmem:s9], [sflag:$0x1] =	stream.indirect.gather [hbm4b:s5+s6], $0x40, s0, s6, $0xb8;
	[tilespmem:$0x12000] =	vst v63  }
0xca: {  	s0 =	sld [smem:$0x7EA]  }
0xcb: {  	[tilespmem:s10], [sflag:$0x1] =	stream.indirect.gather [hbm4b:s5+s6], $0x40, s1, s6, $0xb8;
	[tilespmem:$0x12000] =	vst v63  }
0xcc: {  	s1 =	sld [smem:$0x7EB]  }
0xcd: {  	[tilespmem:s11], [sflag:$0x1] =	stream.indirect.gather [hbm4b:s5+s6], $0x40, s0, s6, $0xb8;
	[tilespmem:$0x12000] =	vst v63  }
0xce: {  	s0 =	sld [smem:$0x7EC]  }
0xcf: {  	[tilespmem:s12], [sflag:$0x1] =	stream.indirect.gather [hbm4b:s5+s6], $0x40, s1, s6, $0xb8;
	[tilespmem:$0x12000] =	vst v63  }
0xd0: {  	s1 =	sld [smem:$0x7ED]  }
0xd1: {  	[tilespmem:s13], [sflag:$0x1] =	stream.indirect.gather [hbm4b:s5+s6], $0x40, s0, s6, $0xb8;
	[tilespmem:$0x12000] =	vst v63  }
0xd2: {  	_ = 	snop  }
0xd3: {  	[tilespmem:s14], [sflag:$0x1] =	stream.indirect.gather [hbm4b:s5+s6], $0x40, s1, s6, $0xb8;
	[tilespmem:$0x12000] =	vst v63  }
0xd4: {  	_ =	swait.ge [sflag:s7], $0x2000  }
0xd5: {  	[sflag:s7] =	ssyncset.done $0x0  }
0xd6: {  	[sflag:s7] =	ssyncadd.s32 $0xFFFFE000  }
0xd7: {  	_ =	swait.ge [sflag:s7], $0x2000  }
0xd8: {  	[sflag:s7] =	ssyncset.done $0x0  }
0xd9: {  	[sflag:s7] =	ssyncadd.s32 $0xFFFFE000  }
0xda: {  	_ =	swait.ge [sflag:s7], $0x2000  }
0xdb: {  	[sflag:s7] =	ssyncset.done $0x0  }
0xdc: {  	[sflag:s7] =	ssyncadd.s32 $0xFFFFE000  }
0xdd: {  	_ =	swait.ge [sflag:s7], $0x2000  }
0xde: {  	[sflag:s7] =	ssyncset.done $0x0  }
0xdf: {  	[sflag:s7] =	ssyncadd.s32 $0xFFFFE000  }
0xe0: {  	_ =	swait.ge [sflag:s7], $0x2000  }
0xe1: {  	[sflag:s7] =	ssyncset.done $0x0  }
0xe2: {  	[sflag:s7] =	ssyncadd.s32 $0xFFFFE000  }
0xe3: {  	_ =	swait.ge [sflag:s7], $0x2000  }
0xe4: {  	[sflag:s7] =	ssyncset.done $0x0  }
0xe5: {  	[sflag:s7] =	ssyncadd.s32 $0xFFFFE000  }
0xe6: {  	_ =	swait.ge [sflag:s7], $0x2000  }
0xe7: {  	[sflag:s7] =	ssyncset.done $0x0  }
0xe8: {  	[sflag:s7] =	ssyncadd.s32 $0xFFFFE000  }
0xe9: {  	_ =	swait.ge [sflag:s7], $0x2000  }
0xea: {  	[sflag:s7] =	ssyncset.done $0x0  }
0xeb: {  	s1 =	rddreg [dreg:$0x7];
	[sflag:s7] =	ssyncadd.s32 $0xFFFFE000  }
0xec: {  	[hbm4b:s1+s2] =	stream.linear.scatter [tilespmem:s4], [sflag:$0x2], $0x10000, $0x38;
	[tilespmem:$0x12000] =	vst v63  }
0xed: {  	_ =	swait.ge [sflag:s3], $0x10000  }
0xee: {  	s0 =	sld [smem:$0x7EE]  }
0xef: {  	[sflag:s3] =	ssyncset.done $0x0  }
0xf0: {  	s1 =	sld [smem:$0x7EF];
	[sflag:s3] =	ssyncadd.s32 $0xFFFF0000  }
0xf1: {  	[tilespmem:s4], [sflag:$0x1] =	stream.indirect.gather [hbm4b:s5+s6], $0x40, s0, s6, $0xb8;
	[tilespmem:$0x12000] =	vst v63  }
0xf2: {  	s0 =	sld [smem:$0x7F0]  }
0xf3: {  	[tilespmem:s8], [sflag:$0x1] =	stream.indirect.gather [hbm4b:s5+s6], $0x40, s1, s6, $0xb8;
	[tilespmem:$0x12000] =	vst v63  }
0xf4: {  	s1 =	sld [smem:$0x7F1]  }
0xf5: {  	[tilespmem:s9], [sflag:$0x1] =	stream.indirect.gather [hbm4b:s5+s6], $0x40, s0, s6, $0xb8;
	[tilespmem:$0x12000] =	vst v63  }
0xf6: {  	s0 =	sld [smem:$0x7F2]  }
0xf7: {  	[tilespmem:s10], [sflag:$0x1] =	stream.indirect.gather [hbm4b:s5+s6], $0x40, s1, s6, $0xb8;
	[tilespmem:$0x12000] =	vst v63  }
0xf8: {  	s1 =	sld [smem:$0x7F3]  }
0xf9: {  	[tilespmem:s11], [sflag:$0x1] =	stream.indirect.gather [hbm4b:s5+s6], $0x40, s0, s6, $0xb8;
	[tilespmem:$0x12000] =	vst v63  }
0xfa: {  	s0 =	sld [smem:$0x7F4]  }
0xfb: {  	[tilespmem:s12], [sflag:$0x1] =	stream.indirect.gather [hbm4b:s5+s6], $0x40, s1, s6, $0xb8;
	[tilespmem:$0x12000] =	vst v63  }
0xfc: {  	s1 =	sld [smem:$0x7F5]  }
0xfd: {  	[tilespmem:s13], [sflag:$0x1] =	stream.indirect.gather [hbm4b:s5+s6], $0x40, s0, s6, $0xb8;
	[tilespmem:$0x12000] =	vst v63  }
0xfe: {  	_ = 	snop  }
0xff: {  	[tilespmem:s14], [sflag:$0x1] =	stream.indirect.gather [hbm4b:s5+s6], $0x40, s1, s6, $0xb8;
	[tilespmem:$0x12000] =	vst v63  }
0x100: {  	_ =	swait.ge [sflag:s7], $0x2000  }
0x101: {  	[sflag:s7] =	ssyncset.done $0x0  }
0x102: {  	[sflag:s7] =	ssyncadd.s32 $0xFFFFE000  }
0x103: {  	_ =	swait.ge [sflag:s7], $0x2000  }
0x104: {  	[sflag:s7] =	ssyncset.done $0x0  }
0x105: {  	[sflag:s7] =	ssyncadd.s32 $0xFFFFE000  }
0x106: {  	_ =	swait.ge [sflag:s7], $0x2000  }
0x107: {  	[sflag:s7] =	ssyncset.done $0x0  }
0x108: {  	[sflag:s7] =	ssyncadd.s32 $0xFFFFE000  }
0x109: {  	_ =	swait.ge [sflag:s7], $0x2000  }
0x10a: {  	[sflag:s7] =	ssyncset.done $0x0  }
0x10b: {  	[sflag:s7] =	ssyncadd.s32 $0xFFFFE000  }
0x10c: {  	_ =	swait.ge [sflag:s7], $0x2000  }
0x10d: {  	[sflag:s7] =	ssyncset.done $0x0  }
0x10e: {  	[sflag:s7] =	ssyncadd.s32 $0xFFFFE000  }
0x10f: {  	_ =	swait.ge [sflag:s7], $0x2000  }
0x110: {  	[sflag:s7] =	ssyncset.done $0x0  }
0x111: {  	[sflag:s7] =	ssyncadd.s32 $0xFFFFE000  }
0x112: {  	_ =	swait.ge [sflag:s7], $0x2000  }
0x113: {  	[sflag:s7] =	ssyncset.done $0x0  }
0x114: {  	[sflag:s7] =	ssyncadd.s32 $0xFFFFE000  }
0x115: {  	_ =	swait.ge [sflag:s7], $0x2000  }
0x116: {  	[sflag:s7] =	ssyncset.done $0x0  }
0x117: {  	s1 =	rddreg [dreg:$0x8];
	[sflag:s7] =	ssyncadd.s32 $0xFFFFE000  }
0x118: {  	[hbm4b:s1+s2] =	stream.linear.scatter [tilespmem:s4], [sflag:$0x2], $0x10000, $0x38;
	[tilespmem:$0x12000] =	vst v63  }
0x119: {  	_ =	swait.ge [sflag:s3], $0x10000  }
0x11a: {  	s0 =	sld [smem:$0x7F6]  }
0x11b: {  	[sflag:s3] =	ssyncset.done $0x0  }
0x11c: {  	s1 =	sld [smem:$0x7F7];
	[sflag:s3] =	ssyncadd.s32 $0xFFFF0000  }
0x11d: {  	[tilespmem:s4], [sflag:$0x1] =	stream.indirect.gather [hbm4b:s5+s6], $0x40, s0, s6, $0xb8;
	[tilespmem:$0x12000] =	vst v63  }
0x11e: {  	s0 =	sld [smem:$0x7F8]  }
0x11f: {  	[tilespmem:s8], [sflag:$0x1] =	stream.indirect.gather [hbm4b:s5+s6], $0x40, s1, s6, $0xb8;
	[tilespmem:$0x12000] =	vst v63  }
0x120: {  	s1 =	sld [smem:$0x7F9]  }
0x121: {  	[tilespmem:s9], [sflag:$0x1] =	stream.indirect.gather [hbm4b:s5+s6], $0x40, s0, s6, $0xb8;
	[tilespmem:$0x12000] =	vst v63  }
0x122: {  	s0 =	sld [smem:$0x7FA]  }
0x123: {  	[tilespmem:s10], [sflag:$0x1] =	stream.indirect.gather [hbm4b:s5+s6], $0x40, s1, s6, $0xb8;
	[tilespmem:$0x12000] =	vst v63  }
0x124: {  	s1 =	sld [smem:$0x7FB]  }
0x125: {  	[tilespmem:s11], [sflag:$0x1] =	stream.indirect.gather [hbm4b:s5+s6], $0x40, s0, s6, $0xb8;
	[tilespmem:$0x12000] =	vst v63  }
0x126: {  	s0 =	sld [smem:$0x7FC]  }
0x127: {  	[tilespmem:s12], [sflag:$0x1] =	stream.indirect.gather [hbm4b:s5+s6], $0x40, s1, s6, $0xb8;
	[tilespmem:$0x12000] =	vst v63  }
0x128: {  	s1 =	sld [smem:$0x7FD]  }
0x129: {  	[tilespmem:s13], [sflag:$0x1] =	stream.indirect.gather [hbm4b:s5+s6], $0x40, s0, s6, $0xb8;
	[tilespmem:$0x12000] =	vst v63  }
0x12a: {  	_ = 	snop  }
0x12b: {  	[tilespmem:s14], [sflag:$0x1] =	stream.indirect.gather [hbm4b:s5+s6], $0x40, s1, s6, $0xb8;
	[tilespmem:$0x12000] =	vst v63  }
0x12c: {  	_ =	swait.ge [sflag:s7], $0x2000  }
0x12d: {  	[sflag:s7] =	ssyncset.done $0x0  }
0x12e: {  	[sflag:s7] =	ssyncadd.s32 $0xFFFFE000  }
0x12f: {  	_ =	swait.ge [sflag:s7], $0x2000  }
0x130: {  	[sflag:s7] =	ssyncset.done $0x0  }
0x131: {  	[sflag:s7] =	ssyncadd.s32 $0xFFFFE000  }
0x132: {  	_ =	swait.ge [sflag:s7], $0x2000  }
0x133: {  	[sflag:s7] =	ssyncset.done $0x0  }
0x134: {  	[sflag:s7] =	ssyncadd.s32 $0xFFFFE000  }
0x135: {  	_ =	swait.ge [sflag:s7], $0x2000  }
0x136: {  	[sflag:s7] =	ssyncset.done $0x0  }
0x137: {  	[sflag:s7] =	ssyncadd.s32 $0xFFFFE000  }
0x138: {  	_ =	swait.ge [sflag:s7], $0x2000  }
0x139: {  	[sflag:s7] =	ssyncset.done $0x0  }
0x13a: {  	[sflag:s7] =	ssyncadd.s32 $0xFFFFE000  }
0x13b: {  	_ =	swait.ge [sflag:s7], $0x2000  }
0x13c: {  	[sflag:s7] =	ssyncset.done $0x0  }
0x13d: {  	[sflag:s7] =	ssyncadd.s32 $0xFFFFE000  }
0x13e: {  	_ =	swait.ge [sflag:s7], $0x2000  }
0x13f: {  	[sflag:s7] =	ssyncset.done $0x0  }
0x140: {  	[sflag:s7] =	ssyncadd.s32 $0xFFFFE000  }
0x141: {  	_ =	swait.ge [sflag:s7], $0x2000  }
0x142: {  	[sflag:s7] =	ssyncset.done $0x0  }
0x143: {  	s1 =	rddreg [dreg:$0x9];
	[sflag:s7] =	ssyncadd.s32 $0xFFFFE000  }
0x144: {  	[hbm4b:s1+s2] =	stream.linear.scatter [tilespmem:s4], [sflag:$0x2], $0x10000, $0x38;
	[tilespmem:$0x12000] =	vst v63  }
0x145: {  	_ =	swait.ge [sflag:s3], $0x10000  }
0x146: {  	[sflag:s3] =	ssyncset.done $0x0  }
0x147: {  	s1 =	simm.s32 $0x1800;
	[sflag:s3] =	ssyncadd.s32 $0xFFFF0000  }
0x148: {  	[tilespmem:s4], [sflag:$0x1] =	stream.indirect.gather [hbm4b:s5+s6], $0x40, s1, s6, $0xb8;
	[tilespmem:$0x12000] =	vst v63  }
0x149: {  	_ = 	snop  }
0x14a: {  	[tilespmem:s8], [sflag:$0x1] =	stream.indirect.gather [hbm4b:s5+s6], $0x40, s25, s6, $0xb8;
	[tilespmem:$0x12000] =	vst v63  }
0x14b: {  	_ = 	snop  }
0x14c: {  	[tilespmem:s9], [sflag:$0x1] =	stream.indirect.gather [hbm4b:s5+s6], $0x40, s26, s6, $0xb8;
	[tilespmem:$0x12000] =	vst v63  }
0x14d: {  	_ = 	snop  }
0x14e: {  	[tilespmem:s10], [sflag:$0x1] =	stream.indirect.gather [hbm4b:s5+s6], $0x40, s28, s6, $0xb8;
	[tilespmem:$0x12000] =	vst v63  }
0x14f: {  	_ = 	snop  }
0x150: {  	[tilespmem:s11], [sflag:$0x1] =	stream.indirect.gather [hbm4b:s5+s6], $0x40, s29, s6, $0xb8;
	[tilespmem:$0x12000] =	vst v63  }
0x151: {  	_ = 	snop  }
0x152: {  	[tilespmem:s12], [sflag:$0x1] =	stream.indirect.gather [hbm4b:s5+s6], $0x40, s30, s6, $0xb8;
	[tilespmem:$0x12000] =	vst v63  }
0x153: {  	_ = 	snop  }
0x154: {  	[tilespmem:s13], [sflag:$0x1] =	stream.indirect.gather [hbm4b:s5+s6], $0x40, s31, s6, $0xb8;
	[tilespmem:$0x12000] =	vst v63  }
0x155: {  	_ = 	snop  }
0x156: {  	[tilespmem:s14], [sflag:$0x1] =	stream.indirect.gather [hbm4b:s5+s6], $0x40, s24, s6, $0xb8;
	[tilespmem:$0x12000] =	vst v63  }
0x157: {  	_ =	swait.ge [sflag:s7], $0x2000  }
0x158: {  	[sflag:s7] =	ssyncset.done $0x0  }
0x159: {  	[sflag:s7] =	ssyncadd.s32 $0xFFFFE000  }
0x15a: {  	_ =	swait.ge [sflag:s7], $0x2000  }
0x15b: {  	[sflag:s7] =	ssyncset.done $0x0  }
0x15c: {  	[sflag:s7] =	ssyncadd.s32 $0xFFFFE000  }
0x15d: {  	_ =	swait.ge [sflag:s7], $0x2000  }
0x15e: {  	[sflag:s7] =	ssyncset.done $0x0  }
0x15f: {  	[sflag:s7] =	ssyncadd.s32 $0xFFFFE000  }
0x160: {  	_ =	swait.ge [sflag:s7], $0x2000  }
0x161: {  	[sflag:s7] =	ssyncset.done $0x0  }
0x162: {  	[sflag:s7] =	ssyncadd.s32 $0xFFFFE000  }
0x163: {  	_ =	swait.ge [sflag:s7], $0x2000  }
0x164: {  	[sflag:s7] =	ssyncset.done $0x0  }
0x165: {  	[sflag:s7] =	ssyncadd.s32 $0xFFFFE000  }
0x166: {  	_ =	swait.ge [sflag:s7], $0x2000  }
0x167: {  	[sflag:s7] =	ssyncset.done $0x0  }
0x168: {  	[sflag:s7] =	ssyncadd.s32 $0xFFFFE000  }
0x169: {  	_ =	swait.ge [sflag:s7], $0x2000  }
0x16a: {  	[sflag:s7] =	ssyncset.done $0x0  }
0x16b: {  	[sflag:s7] =	ssyncadd.s32 $0xFFFFE000  }
0x16c: {  	_ =	swait.ge [sflag:s7], $0x2000  }
0x16d: {  	[sflag:s7] =	ssyncset.done $0x0  }
0x16e: {  	s1 =	rddreg [dreg:$0xa];
	[sflag:s7] =	ssyncadd.s32 $0xFFFFE000  }
0x16f: {  	[hbm4b:s1+s2] =	stream.linear.scatter [tilespmem:s4], [sflag:$0x2], $0x10000, $0x38;
	[tilespmem:$0x12000] =	vst v63  }
0x170: {  	_ =	swait.ge [sflag:s3], $0x10000  }
0x171: {  	[sflag:s3] =	ssyncset.done $0x0  }
0x172: {  	[sflag:s3] =	ssyncadd.s32 $0xFFFF0000  }
0x173: {  	[tilespmem:s4], [sflag:$0x1] =	stream.indirect.gather [hbm4b:s5+s6], $0x40, s16, s6, $0xb8;
	[tilespmem:$0x12000] =	vst v63  }
0x174: {  	_ = 	snop  }
0x175: {  	[tilespmem:s8], [sflag:$0x1] =	stream.indirect.gather [hbm4b:s5+s6], $0x40, s17, s6, $0xb8;
	[tilespmem:$0x12000] =	vst v63  }
0x176: {  	_ = 	snop  }
0x177: {  	[tilespmem:s9], [sflag:$0x1] =	stream.indirect.gather [hbm4b:s5+s6], $0x40, s18, s6, $0xb8;
	[tilespmem:$0x12000] =	vst v63  }
0x178: {  	_ = 	snop  }
0x179: {  	[tilespmem:s10], [sflag:$0x1] =	stream.indirect.gather [hbm4b:s5+s6], $0x40, s19, s6, $0xb8;
	[tilespmem:$0x12000] =	vst v63  }
0x17a: {  	_ = 	snop  }
0x17b: {  	[tilespmem:s11], [sflag:$0x1] =	stream.indirect.gather [hbm4b:s5+s6], $0x40, s20, s6, $0xb8;
	[tilespmem:$0x12000] =	vst v63  }
0x17c: {  	_ = 	snop  }
0x17d: {  	[tilespmem:s12], [sflag:$0x1] =	stream.indirect.gather [hbm4b:s5+s6], $0x40, s21, s6, $0xb8;
	[tilespmem:$0x12000] =	vst v63  }
0x17e: {  	_ = 	snop  }
0x17f: {  	[tilespmem:s13], [sflag:$0x1] =	stream.indirect.gather [hbm4b:s5+s6], $0x40, s22, s6, $0xb8;
	[tilespmem:$0x12000] =	vst v63  }
0x180: {  	_ = 	snop  }
0x181: {  	[tilespmem:s14], [sflag:$0x1] =	stream.indirect.gather [hbm4b:s5+s6], $0x40, s23, s6, $0xb8;
	[tilespmem:$0x12000] =	vst v63  }
0x182: {  	_ =	swait.ge [sflag:s7], $0x2000  }
0x183: {  	[sflag:s7] =	ssyncset.done $0x0  }
0x184: {  	[sflag:s7] =	ssyncadd.s32 $0xFFFFE000  }
0x185: {  	_ =	swait.ge [sflag:s7], $0x2000  }
0x186: {  	[sflag:s7] =	ssyncset.done $0x0  }
0x187: {  	[sflag:s7] =	ssyncadd.s32 $0xFFFFE000  }
0x188: {  	_ =	swait.ge [sflag:s7], $0x2000  }
0x189: {  	[sflag:s7] =	ssyncset.done $0x0  }
0x18a: {  	[sflag:s7] =	ssyncadd.s32 $0xFFFFE000  }
0x18b: {  	_ =	swait.ge [sflag:s7], $0x2000  }
0x18c: {  	[sflag:s7] =	ssyncset.done $0x0  }
0x18d: {  	[sflag:s7] =	ssyncadd.s32 $0xFFFFE000  }
0x18e: {  	_ =	swait.ge [sflag:s7], $0x2000  }
0x18f: {  	[sflag:s7] =	ssyncset.done $0x0  }
0x190: {  	[sflag:s7] =	ssyncadd.s32 $0xFFFFE000  }
0x191: {  	_ =	swait.ge [sflag:s7], $0x2000  }
0x192: {  	[sflag:s7] =	ssyncset.done $0x0  }
0x193: {  	[sflag:s7] =	ssyncadd.s32 $0xFFFFE000  }
0x194: {  	_ =	swait.ge [sflag:s7], $0x2000  }
0x195: {  	[sflag:s7] =	ssyncset.done $0x0  }
0x196: {  	[sflag:s7] =	ssyncadd.s32 $0xFFFFE000  }
0x197: {  	p1 =	sne.s32 s15, $0x1;
	_ =	swait.ge [sflag:s7], $0x2000  }
.Ltmp1:
0x198: {  	[sflag:s7] =	ssyncset.done $0x0;
	(pc) =	sbr.rel @!p1 .LBB2_3-.Ltmp1, $4  }
0x199: {  	s1 =	rddreg [dreg:$0xb];
	[sflag:s7] =	ssyncadd.s32 $0xFFFFE000  }
0x19a: {  	[hbm4b:s1+s2] =	stream.linear.scatter [tilespmem:s4], [sflag:$0x2], $0x10000, $0x38;
	[tilespmem:$0x12000] =	vst v63  }
0x19b: {  	p0 =	por $0x1, $0x1;
	_ =	swait.ge [sflag:s3], $0x10000  }
0x19c: {  	s1 =	sadd.s32 $0xFFFFFFFF, s15;
	s0 =	rddreg [dreg:$0x3];
	[sflag:s3] =	ssyncset.done $0x0  }
.LBB2_4:
0x19d: {  	[sflag:s3] =	ssyncadd.s32 $0xFFFF0000  }
0x19e: {  	[tilespmem:s2], [sflag:$0x2] =	stream.linear.gather [hbm4b:s0+s2], $0x2000, $0x38;
	[tilespmem:$0x12000] =	vst v63  }
0x19f: {  	_ =	swait.ge [sflag:s3], $0x2000  }
0x1a0: {  	[sflag:s3] =	ssyncset.done $0x0  }
0x1a1: {  	[sflag:s3] =	ssyncadd.s32 $0xFFFFE000  }
0x1a2: {  	[tilespmem:s4], [sflag:$0x1] =	stream.indirect.gather [hbm4b:s5+s6], $0x40, s2, s6, $0xb8;
	[tilespmem:$0x12000] =	vst v63  }
0x1a3: {  	_ = 	snop  }
0x1a4: {  	[tilespmem:s8], [sflag:$0x1] =	stream.indirect.gather [hbm4b:s5+s6], $0x40, s6, s6, $0xb8;
	[tilespmem:$0x12000] =	vst v63  }
0x1a5: {  	s0 =	rddreg [dreg:$0xc]  }
0x1a6: {  	[tilespmem:s9], [sflag:$0x1] =	stream.indirect.gather [hbm4b:s5+s6], $0x40, s0, s6, $0xb8;
	[tilespmem:$0x12000] =	vst v63  }
0x1a7: {  	s15 =	rddreg [dreg:$0xd]  }
0x1a8: {  	[tilespmem:s10], [sflag:$0x1] =	stream.indirect.gather [hbm4b:s5+s6], $0x40, s15, s6, $0xb8;
	[tilespmem:$0x12000] =	vst v63  }
0x1a9: {  	s0 =	rddreg [dreg:$0xe]  }
0x1aa: {  	[tilespmem:s11], [sflag:$0x1] =	stream.indirect.gather [hbm4b:s5+s6], $0x40, s0, s6, $0xb8;
	[tilespmem:$0x12000] =	vst v63  }
0x1ab: {  	s15 =	rddreg [dreg:$0xf]  }
0x1ac: {  	[tilespmem:s12], [sflag:$0x1] =	stream.indirect.gather [hbm4b:s5+s6], $0x40, s15, s6, $0xb8;
	[tilespmem:$0x12000] =	vst v63  }
0x1ad: {  	s0 =	rddreg [dreg:$0x10]  }
0x1ae: {  	[tilespmem:s13], [sflag:$0x1] =	stream.indirect.gather [hbm4b:s5+s6], $0x40, s0, s6, $0xb8;
	[tilespmem:$0x12000] =	vst v63  }
0x1af: {  	s15 =	rddreg [dreg:$0x11]  }
0x1b0: {  	[tilespmem:s14], [sflag:$0x1] =	stream.indirect.gather [hbm4b:s5+s6], $0x40, s15, s6, $0xb8;
	[tilespmem:$0x12000] =	vst v63  }
0x1b1: {  	_ =	swait.ge [sflag:s7], $0x2000  }
0x1b2: {  	[sflag:s7] =	ssyncset.done $0x0  }
0x1b3: {  	[sflag:s7] =	ssyncadd.s32 $0xFFFFE000  }
0x1b4: {  	_ =	swait.ge [sflag:s7], $0x2000  }
0x1b5: {  	[sflag:s7] =	ssyncset.done $0x0  }
0x1b6: {  	[sflag:s7] =	ssyncadd.s32 $0xFFFFE000  }
0x1b7: {  	_ =	swait.ge [sflag:s7], $0x2000  }
0x1b8: {  	[sflag:s7] =	ssyncset.done $0x0  }
0x1b9: {  	[sflag:s7] =	ssyncadd.s32 $0xFFFFE000  }
0x1ba: {  	_ =	swait.ge [sflag:s7], $0x2000  }
0x1bb: {  	[sflag:s7] =	ssyncset.done $0x0  }
0x1bc: {  	[sflag:s7] =	ssyncadd.s32 $0xFFFFE000  }
0x1bd: {  	_ =	swait.ge [sflag:s7], $0x2000  }
0x1be: {  	[sflag:s7] =	ssyncset.done $0x0  }
0x1bf: {  	[sflag:s7] =	ssyncadd.s32 $0xFFFFE000  }
0x1c0: {  	_ =	swait.ge [sflag:s7], $0x2000  }
0x1c1: {  	[sflag:s7] =	ssyncset.done $0x0  }
0x1c2: {  	[sflag:s7] =	ssyncadd.s32 $0xFFFFE000  }
0x1c3: {  	_ =	swait.ge [sflag:s7], $0x2000  }
0x1c4: {  	[sflag:s7] =	ssyncset.done $0x0  }
0x1c5: {  	[sflag:s7] =	ssyncadd.s32 $0xFFFFE000  }
0x1c6: {  	_ =	swait.ge [sflag:s7], $0x2000  }
0x1c7: {  	[sflag:s7] =	ssyncset.done $0x0  }
0x1c8: {  	s15 =	rddreg [dreg:$0x4];
	[sflag:s7] =	ssyncadd.s32 $0xFFFFE000  }
0x1c9: {  	[hbm4b:s15+s2] =	stream.linear.scatter [tilespmem:s4], [sflag:$0x2], $0x10000, $0x38;
	[tilespmem:$0x12000] =	vst v63  }
0x1ca: {  	_ =	swait.ge [sflag:s3], $0x10000  }
0x1cb: {  	[sflag:s3] =	ssyncset.done $0x0  }
0x1cc: {  	s0 =	rddreg [dreg:$0x12];
	[sflag:s3] =	ssyncadd.s32 $0xFFFF0000  }
0x1cd: {  	[tilespmem:s4], [sflag:$0x1] =	stream.indirect.gather [hbm4b:s5+s6], $0x40, s0, s6, $0xb8;
	[tilespmem:$0x12000] =	vst v63  }
0x1ce: {  	s15 =	rddreg [dreg:$0x13]  }
0x1cf: {  	[tilespmem:s8], [sflag:$0x1] =	stream.indirect.gather [hbm4b:s5+s6], $0x40, s15, s6, $0xb8;
	[tilespmem:$0x12000] =	vst v63  }
0x1d0: {  	s0 =	rddreg [dreg:$0x14]  }
0x1d1: {  	[tilespmem:s9], [sflag:$0x1] =	stream.indirect.gather [hbm4b:s5+s6], $0x40, s0, s6, $0xb8;
	[tilespmem:$0x12000] =	vst v63  }
0x1d2: {  	s15 =	rddreg [dreg:$0x15]  }
0x1d3: {  	[tilespmem:s10], [sflag:$0x1] =	stream.indirect.gather [hbm4b:s5+s6], $0x40, s15, s6, $0xb8;
	[tilespmem:$0x12000] =	vst v63  }
0x1d4: {  	s0 =	rddreg [dreg:$0x16]  }
0x1d5: {  	[tilespmem:s11], [sflag:$0x1] =	stream.indirect.gather [hbm4b:s5+s6], $0x40, s0, s6, $0xb8;
	[tilespmem:$0x12000] =	vst v63  }
0x1d6: {  	s15 =	rddreg [dreg:$0x17]  }
0x1d7: {  	[tilespmem:s12], [sflag:$0x1] =	stream.indirect.gather [hbm4b:s5+s6], $0x40, s15, s6, $0xb8;
	[tilespmem:$0x12000] =	vst v63  }
0x1d8: {  	s0 =	rddreg [dreg:$0x18]  }
0x1d9: {  	[tilespmem:s13], [sflag:$0x1] =	stream.indirect.gather [hbm4b:s5+s6], $0x40, s0, s6, $0xb8;
	[tilespmem:$0x12000] =	vst v63  }
0x1da: {  	s15 =	rddreg [dreg:$0x19]  }
0x1db: {  	[tilespmem:s14], [sflag:$0x1] =	stream.indirect.gather [hbm4b:s5+s6], $0x40, s15, s6, $0xb8;
	[tilespmem:$0x12000] =	vst v63  }
0x1dc: {  	_ =	swait.ge [sflag:s7], $0x2000  }
0x1dd: {  	[sflag:s7] =	ssyncset.done $0x0  }
0x1de: {  	[sflag:s7] =	ssyncadd.s32 $0xFFFFE000  }
0x1df: {  	_ =	swait.ge [sflag:s7], $0x2000  }
0x1e0: {  	[sflag:s7] =	ssyncset.done $0x0  }
0x1e1: {  	[sflag:s7] =	ssyncadd.s32 $0xFFFFE000  }
0x1e2: {  	_ =	swait.ge [sflag:s7], $0x2000  }
0x1e3: {  	[sflag:s7] =	ssyncset.done $0x0  }
0x1e4: {  	[sflag:s7] =	ssyncadd.s32 $0xFFFFE000  }
0x1e5: {  	_ =	swait.ge [sflag:s7], $0x2000  }
0x1e6: {  	[sflag:s7] =	ssyncset.done $0x0  }
0x1e7: {  	[sflag:s7] =	ssyncadd.s32 $0xFFFFE000  }
0x1e8: {  	_ =	swait.ge [sflag:s7], $0x2000  }
0x1e9: {  	[sflag:s7] =	ssyncset.done $0x0  }
0x1ea: {  	[sflag:s7] =	ssyncadd.s32 $0xFFFFE000  }
0x1eb: {  	_ =	swait.ge [sflag:s7], $0x2000  }
0x1ec: {  	[sflag:s7] =	ssyncset.done $0x0  }
0x1ed: {  	[sflag:s7] =	ssyncadd.s32 $0xFFFFE000  }
0x1ee: {  	_ =	swait.ge [sflag:s7], $0x2000  }
0x1ef: {  	[sflag:s7] =	ssyncset.done $0x0  }
0x1f0: {  	[sflag:s7] =	ssyncadd.s32 $0xFFFFE000  }
0x1f1: {  	_ =	swait.ge [sflag:s7], $0x2000  }
0x1f2: {  	[sflag:s7] =	ssyncset.done $0x0  }
0x1f3: {  	s15 =	rddreg [dreg:$0x5];
	[sflag:s7] =	ssyncadd.s32 $0xFFFFE000  }
0x1f4: {  	[hbm4b:s15+s2] =	stream.linear.scatter [tilespmem:s4], [sflag:$0x2], $0x10000, $0x38;
	[tilespmem:$0x12000] =	vst v63  }
0x1f5: {  	_ =	swait.ge [sflag:s3], $0x10000  }
0x1f6: {  	s0 =	rddreg [dreg:$0x1a];
	[sflag:s3] =	ssyncset.done $0x0  }
0x1f7: {  	s15 =	rddreg [dreg:$0x1b];
	[sflag:s3] =	ssyncadd.s32 $0xFFFF0000  }
0x1f8: {  	[tilespmem:s4], [sflag:$0x1] =	stream.indirect.gather [hbm4b:s5+s6], $0x40, s0, s6, $0xb8;
	[tilespmem:$0x12000] =	vst v63  }
0x1f9: {  	s0 =	rddreg [dreg:$0x1c]  }
0x1fa: {  	[tilespmem:s8], [sflag:$0x1] =	stream.indirect.gather [hbm4b:s5+s6], $0x40, s15, s6, $0xb8;
	[tilespmem:$0x12000] =	vst v63  }
0x1fb: {  	s15 =	rddreg [dreg:$0x1d]  }
0x1fc: {  	[tilespmem:s9], [sflag:$0x1] =	stream.indirect.gather [hbm4b:s5+s6], $0x40, s0, s6, $0xb8;
	[tilespmem:$0x12000] =	vst v63  }
0x1fd: {  	s0 =	rddreg [dreg:$0x1e]  }
0x1fe: {  	[tilespmem:s10], [sflag:$0x1] =	stream.indirect.gather [hbm4b:s5+s6], $0x40, s15, s6, $0xb8;
	[tilespmem:$0x12000] =	vst v63  }
0x1ff: {  	s15 =	rddreg [dreg:$0x1f]  }
0x200: {  	[tilespmem:s11], [sflag:$0x1] =	stream.indirect.gather [hbm4b:s5+s6], $0x40, s0, s6, $0xb8;
	[tilespmem:$0x12000] =	vst v63  }
0x201: {  	s0 =	sld [smem:$0x7E4]  }
0x202: {  	[tilespmem:s12], [sflag:$0x1] =	stream.indirect.gather [hbm4b:s5+s6], $0x40, s15, s6, $0xb8;
	[tilespmem:$0x12000] =	vst v63  }
0x203: {  	s15 =	sld [smem:$0x7E5]  }
0x204: {  	[tilespmem:s13], [sflag:$0x1] =	stream.indirect.gather [hbm4b:s5+s6], $0x40, s0, s6, $0xb8;
	[tilespmem:$0x12000] =	vst v63  }
0x205: {  	_ = 	snop  }
0x206: {  	[tilespmem:s14], [sflag:$0x1] =	stream.indirect.gather [hbm4b:s5+s6], $0x40, s15, s6, $0xb8;
	[tilespmem:$0x12000] =	vst v63  }
0x207: {  	_ =	swait.ge [sflag:s7], $0x2000  }
0x208: {  	[sflag:s7] =	ssyncset.done $0x0  }
0x209: {  	[sflag:s7] =	ssyncadd.s32 $0xFFFFE000  }
0x20a: {  	_ =	swait.ge [sflag:s7], $0x2000  }
0x20b: {  	[sflag:s7] =	ssyncset.done $0x0  }
0x20c: {  	[sflag:s7] =	ssyncadd.s32 $0xFFFFE000  }
0x20d: {  	_ =	swait.ge [sflag:s7], $0x2000  }
0x20e: {  	[sflag:s7] =	ssyncset.done $0x0  }
0x20f: {  	[sflag:s7] =	ssyncadd.s32 $0xFFFFE000  }
0x210: {  	_ =	swait.ge [sflag:s7], $0x2000  }
0x211: {  	[sflag:s7] =	ssyncset.done $0x0  }
0x212: {  	[sflag:s7] =	ssyncadd.s32 $0xFFFFE000  }
0x213: {  	_ =	swait.ge [sflag:s7], $0x2000  }
0x214: {  	[sflag:s7] =	ssyncset.done $0x0  }
0x215: {  	[sflag:s7] =	ssyncadd.s32 $0xFFFFE000  }
0x216: {  	_ =	swait.ge [sflag:s7], $0x2000  }
0x217: {  	[sflag:s7] =	ssyncset.done $0x0  }
0x218: {  	[sflag:s7] =	ssyncadd.s32 $0xFFFFE000  }
0x219: {  	_ =	swait.ge [sflag:s7], $0x2000  }
0x21a: {  	[sflag:s7] =	ssyncset.done $0x0  }
0x21b: {  	[sflag:s7] =	ssyncadd.s32 $0xFFFFE000  }
0x21c: {  	_ =	swait.ge [sflag:s7], $0x2000  }
0x21d: {  	[sflag:s7] =	ssyncset.done $0x0  }
0x21e: {  	s15 =	rddreg [dreg:$0x6];
	[sflag:s7] =	ssyncadd.s32 $0xFFFFE000  }
0x21f: {  	[hbm4b:s15+s2] =	stream.linear.scatter [tilespmem:s4], [sflag:$0x2], $0x10000, $0x38;
	[tilespmem:$0x12000] =	vst v63  }
0x220: {  	_ =	swait.ge [sflag:s3], $0x10000  }
0x221: {  	s0 =	sld [smem:$0x7E6]  }
0x222: {  	[sflag:s3] =	ssyncset.done $0x0  }
0x223: {  	s15 =	sld [smem:$0x7E7];
	[sflag:s3] =	ssyncadd.s32 $0xFFFF0000  }
0x224: {  	[tilespmem:s4], [sflag:$0x1] =	stream.indirect.gather [hbm4b:s5+s6], $0x40, s0, s6, $0xb8;
	[tilespmem:$0x12000] =	vst v63  }
0x225: {  	s0 =	sld [smem:$0x7E8]  }
0x226: {  	[tilespmem:s8], [sflag:$0x1] =	stream.indirect.gather [hbm4b:s5+s6], $0x40, s15, s6, $0xb8;
	[tilespmem:$0x12000] =	vst v63  }
0x227: {  	s15 =	sld [smem:$0x7E9]  }
0x228: {  	[tilespmem:s9], [sflag:$0x1] =	stream.indirect.gather [hbm4b:s5+s6], $0x40, s0, s6, $0xb8;
	[tilespmem:$0x12000] =	vst v63  }
0x229: {  	s0 =	sld [smem:$0x7EA]  }
0x22a: {  	[tilespmem:s10], [sflag:$0x1] =	stream.indirect.gather [hbm4b:s5+s6], $0x40, s15, s6, $0xb8;
	[tilespmem:$0x12000] =	vst v63  }
0x22b: {  	s15 =	sld [smem:$0x7EB]  }
0x22c: {  	[tilespmem:s11], [sflag:$0x1] =	stream.indirect.gather [hbm4b:s5+s6], $0x40, s0, s6, $0xb8;
	[tilespmem:$0x12000] =	vst v63  }
0x22d: {  	s0 =	sld [smem:$0x7EC]  }
0x22e: {  	[tilespmem:s12], [sflag:$0x1] =	stream.indirect.gather [hbm4b:s5+s6], $0x40, s15, s6, $0xb8;
	[tilespmem:$0x12000] =	vst v63  }
0x22f: {  	s15 =	sld [smem:$0x7ED]  }
0x230: {  	[tilespmem:s13], [sflag:$0x1] =	stream.indirect.gather [hbm4b:s5+s6], $0x40, s0, s6, $0xb8;
	[tilespmem:$0x12000] =	vst v63  }
0x231: {  	_ = 	snop  }
0x232: {  	[tilespmem:s14], [sflag:$0x1] =	stream.indirect.gather [hbm4b:s5+s6], $0x40, s15, s6, $0xb8;
	[tilespmem:$0x12000] =	vst v63  }
0x233: {  	_ =	swait.ge [sflag:s7], $0x2000  }
0x234: {  	[sflag:s7] =	ssyncset.done $0x0  }
0x235: {  	[sflag:s7] =	ssyncadd.s32 $0xFFFFE000  }
0x236: {  	_ =	swait.ge [sflag:s7], $0x2000  }
0x237: {  	[sflag:s7] =	ssyncset.done $0x0  }
0x238: {  	[sflag:s7] =	ssyncadd.s32 $0xFFFFE000  }
0x239: {  	_ =	swait.ge [sflag:s7], $0x2000  }
0x23a: {  	[sflag:s7] =	ssyncset.done $0x0  }
0x23b: {  	[sflag:s7] =	ssyncadd.s32 $0xFFFFE000  }
0x23c: {  	_ =	swait.ge [sflag:s7], $0x2000  }
0x23d: {  	[sflag:s7] =	ssyncset.done $0x0  }
0x23e: {  	[sflag:s7] =	ssyncadd.s32 $0xFFFFE000  }
0x23f: {  	_ =	swait.ge [sflag:s7], $0x2000  }
0x240: {  	[sflag:s7] =	ssyncset.done $0x0  }
0x241: {  	[sflag:s7] =	ssyncadd.s32 $0xFFFFE000  }
0x242: {  	_ =	swait.ge [sflag:s7], $0x2000  }
0x243: {  	[sflag:s7] =	ssyncset.done $0x0  }
0x244: {  	[sflag:s7] =	ssyncadd.s32 $0xFFFFE000  }
0x245: {  	_ =	swait.ge [sflag:s7], $0x2000  }
0x246: {  	[sflag:s7] =	ssyncset.done $0x0  }
0x247: {  	[sflag:s7] =	ssyncadd.s32 $0xFFFFE000  }
0x248: {  	_ =	swait.ge [sflag:s7], $0x2000  }
0x249: {  	[sflag:s7] =	ssyncset.done $0x0  }
0x24a: {  	s15 =	rddreg [dreg:$0x7];
	[sflag:s7] =	ssyncadd.s32 $0xFFFFE000  }
0x24b: {  	[hbm4b:s15+s2] =	stream.linear.scatter [tilespmem:s4], [sflag:$0x2], $0x10000, $0x38;
	[tilespmem:$0x12000] =	vst v63  }
0x24c: {  	_ =	swait.ge [sflag:s3], $0x10000  }
0x24d: {  	s0 =	sld [smem:$0x7EE]  }
0x24e: {  	[sflag:s3] =	ssyncset.done $0x0  }
0x24f: {  	s15 =	sld [smem:$0x7EF];
	[sflag:s3] =	ssyncadd.s32 $0xFFFF0000  }
0x250: {  	[tilespmem:s4], [sflag:$0x1] =	stream.indirect.gather [hbm4b:s5+s6], $0x40, s0, s6, $0xb8;
	[tilespmem:$0x12000] =	vst v63  }
0x251: {  	s0 =	sld [smem:$0x7F0]  }
0x252: {  	[tilespmem:s8], [sflag:$0x1] =	stream.indirect.gather [hbm4b:s5+s6], $0x40, s15, s6, $0xb8;
	[tilespmem:$0x12000] =	vst v63  }
0x253: {  	s15 =	sld [smem:$0x7F1]  }
0x254: {  	[tilespmem:s9], [sflag:$0x1] =	stream.indirect.gather [hbm4b:s5+s6], $0x40, s0, s6, $0xb8;
	[tilespmem:$0x12000] =	vst v63  }
0x255: {  	s0 =	sld [smem:$0x7F2]  }
0x256: {  	[tilespmem:s10], [sflag:$0x1] =	stream.indirect.gather [hbm4b:s5+s6], $0x40, s15, s6, $0xb8;
	[tilespmem:$0x12000] =	vst v63  }
0x257: {  	s15 =	sld [smem:$0x7F3]  }
0x258: {  	[tilespmem:s11], [sflag:$0x1] =	stream.indirect.gather [hbm4b:s5+s6], $0x40, s0, s6, $0xb8;
	[tilespmem:$0x12000] =	vst v63  }
0x259: {  	s0 =	sld [smem:$0x7F4]  }
0x25a: {  	[tilespmem:s12], [sflag:$0x1] =	stream.indirect.gather [hbm4b:s5+s6], $0x40, s15, s6, $0xb8;
	[tilespmem:$0x12000] =	vst v63  }
0x25b: {  	s15 =	sld [smem:$0x7F5]  }
0x25c: {  	[tilespmem:s13], [sflag:$0x1] =	stream.indirect.gather [hbm4b:s5+s6], $0x40, s0, s6, $0xb8;
	[tilespmem:$0x12000] =	vst v63  }
0x25d: {  	_ = 	snop  }
0x25e: {  	[tilespmem:s14], [sflag:$0x1] =	stream.indirect.gather [hbm4b:s5+s6], $0x40, s15, s6, $0xb8;
	[tilespmem:$0x12000] =	vst v63  }
0x25f: {  	_ =	swait.ge [sflag:s7], $0x2000  }
0x260: {  	[sflag:s7] =	ssyncset.done $0x0  }
0x261: {  	[sflag:s7] =	ssyncadd.s32 $0xFFFFE000  }
0x262: {  	_ =	swait.ge [sflag:s7], $0x2000  }
0x263: {  	[sflag:s7] =	ssyncset.done $0x0  }
0x264: {  	[sflag:s7] =	ssyncadd.s32 $0xFFFFE000  }
0x265: {  	_ =	swait.ge [sflag:s7], $0x2000  }
0x266: {  	[sflag:s7] =	ssyncset.done $0x0  }
0x267: {  	[sflag:s7] =	ssyncadd.s32 $0xFFFFE000  }
0x268: {  	_ =	swait.ge [sflag:s7], $0x2000  }
0x269: {  	[sflag:s7] =	ssyncset.done $0x0  }
0x26a: {  	[sflag:s7] =	ssyncadd.s32 $0xFFFFE000  }
0x26b: {  	_ =	swait.ge [sflag:s7], $0x2000  }
0x26c: {  	[sflag:s7] =	ssyncset.done $0x0  }
0x26d: {  	[sflag:s7] =	ssyncadd.s32 $0xFFFFE000  }
0x26e: {  	_ =	swait.ge [sflag:s7], $0x2000  }
0x26f: {  	[sflag:s7] =	ssyncset.done $0x0  }
0x270: {  	[sflag:s7] =	ssyncadd.s32 $0xFFFFE000  }
0x271: {  	_ =	swait.ge [sflag:s7], $0x2000  }
0x272: {  	[sflag:s7] =	ssyncset.done $0x0  }
0x273: {  	[sflag:s7] =	ssyncadd.s32 $0xFFFFE000  }
0x274: {  	_ =	swait.ge [sflag:s7], $0x2000  }
0x275: {  	[sflag:s7] =	ssyncset.done $0x0  }
0x276: {  	s15 =	rddreg [dreg:$0x8];
	[sflag:s7] =	ssyncadd.s32 $0xFFFFE000  }
0x277: {  	[hbm4b:s15+s2] =	stream.linear.scatter [tilespmem:s4], [sflag:$0x2], $0x10000, $0x38;
	[tilespmem:$0x12000] =	vst v63  }
0x278: {  	_ =	swait.ge [sflag:s3], $0x10000  }
0x279: {  	s0 =	sld [smem:$0x7F6]  }
0x27a: {  	[sflag:s3] =	ssyncset.done $0x0  }
0x27b: {  	s15 =	sld [smem:$0x7F7];
	[sflag:s3] =	ssyncadd.s32 $0xFFFF0000  }
0x27c: {  	[tilespmem:s4], [sflag:$0x1] =	stream.indirect.gather [hbm4b:s5+s6], $0x40, s0, s6, $0xb8;
	[tilespmem:$0x12000] =	vst v63  }
0x27d: {  	s0 =	sld [smem:$0x7F8]  }
0x27e: {  	[tilespmem:s8], [sflag:$0x1] =	stream.indirect.gather [hbm4b:s5+s6], $0x40, s15, s6, $0xb8;
	[tilespmem:$0x12000] =	vst v63  }
0x27f: {  	s15 =	sld [smem:$0x7F9]  }
0x280: {  	[tilespmem:s9], [sflag:$0x1] =	stream.indirect.gather [hbm4b:s5+s6], $0x40, s0, s6, $0xb8;
	[tilespmem:$0x12000] =	vst v63  }
0x281: {  	s0 =	sld [smem:$0x7FA]  }
0x282: {  	[tilespmem:s10], [sflag:$0x1] =	stream.indirect.gather [hbm4b:s5+s6], $0x40, s15, s6, $0xb8;
	[tilespmem:$0x12000] =	vst v63  }
0x283: {  	s15 =	sld [smem:$0x7FB]  }
0x284: {  	[tilespmem:s11], [sflag:$0x1] =	stream.indirect.gather [hbm4b:s5+s6], $0x40, s0, s6, $0xb8;
	[tilespmem:$0x12000] =	vst v63  }
0x285: {  	s0 =	sld [smem:$0x7FC]  }
0x286: {  	[tilespmem:s12], [sflag:$0x1] =	stream.indirect.gather [hbm4b:s5+s6], $0x40, s15, s6, $0xb8;
	[tilespmem:$0x12000] =	vst v63  }
0x287: {  	s15 =	sld [smem:$0x7FD]  }
0x288: {  	[tilespmem:s13], [sflag:$0x1] =	stream.indirect.gather [hbm4b:s5+s6], $0x40, s0, s6, $0xb8;
	[tilespmem:$0x12000] =	vst v63  }
0x289: {  	_ = 	snop  }
0x28a: {  	[tilespmem:s14], [sflag:$0x1] =	stream.indirect.gather [hbm4b:s5+s6], $0x40, s15, s6, $0xb8;
	[tilespmem:$0x12000] =	vst v63  }
0x28b: {  	_ =	swait.ge [sflag:s7], $0x2000  }
0x28c: {  	[sflag:s7] =	ssyncset.done $0x0  }
0x28d: {  	[sflag:s7] =	ssyncadd.s32 $0xFFFFE000  }
0x28e: {  	_ =	swait.ge [sflag:s7], $0x2000  }
0x28f: {  	[sflag:s7] =	ssyncset.done $0x0  }
0x290: {  	[sflag:s7] =	ssyncadd.s32 $0xFFFFE000  }
0x291: {  	_ =	swait.ge [sflag:s7], $0x2000  }
0x292: {  	[sflag:s7] =	ssyncset.done $0x0  }
0x293: {  	[sflag:s7] =	ssyncadd.s32 $0xFFFFE000  }
0x294: {  	_ =	swait.ge [sflag:s7], $0x2000  }
0x295: {  	[sflag:s7] =	ssyncset.done $0x0  }
0x296: {  	[sflag:s7] =	ssyncadd.s32 $0xFFFFE000  }
0x297: {  	_ =	swait.ge [sflag:s7], $0x2000  }
0x298: {  	[sflag:s7] =	ssyncset.done $0x0  }
0x299: {  	[sflag:s7] =	ssyncadd.s32 $0xFFFFE000  }
0x29a: {  	_ =	swait.ge [sflag:s7], $0x2000  }
0x29b: {  	[sflag:s7] =	ssyncset.done $0x0  }
0x29c: {  	[sflag:s7] =	ssyncadd.s32 $0xFFFFE000  }
0x29d: {  	_ =	swait.ge [sflag:s7], $0x2000  }
0x29e: {  	[sflag:s7] =	ssyncset.done $0x0  }
0x29f: {  	[sflag:s7] =	ssyncadd.s32 $0xFFFFE000  }
0x2a0: {  	_ =	swait.ge [sflag:s7], $0x2000  }
0x2a1: {  	[sflag:s7] =	ssyncset.done $0x0  }
0x2a2: {  	s15 =	rddreg [dreg:$0x9];
	[sflag:s7] =	ssyncadd.s32 $0xFFFFE000  }
0x2a3: {  	[hbm4b:s15+s2] =	stream.linear.scatter [tilespmem:s4], [sflag:$0x2], $0x10000, $0x38;
	[tilespmem:$0x12000] =	vst v63  }
0x2a4: {  	_ =	swait.ge [sflag:s3], $0x10000  }
0x2a5: {  	[sflag:s3] =	ssyncset.done $0x0  }
0x2a6: {  	s15 =	simm.s32 $0x1800;
	[sflag:s3] =	ssyncadd.s32 $0xFFFF0000  }
0x2a7: {  	[tilespmem:s4], [sflag:$0x1] =	stream.indirect.gather [hbm4b:s5+s6], $0x40, s15, s6, $0xb8;
	[tilespmem:$0x12000] =	vst v63  }
0x2a8: {  	_ = 	snop  }
0x2a9: {  	[tilespmem:s8], [sflag:$0x1] =	stream.indirect.gather [hbm4b:s5+s6], $0x40, s25, s6, $0xb8;
	[tilespmem:$0x12000] =	vst v63  }
0x2aa: {  	_ = 	snop  }
0x2ab: {  	[tilespmem:s9], [sflag:$0x1] =	stream.indirect.gather [hbm4b:s5+s6], $0x40, s26, s6, $0xb8;
	[tilespmem:$0x12000] =	vst v63  }
0x2ac: {  	_ = 	snop  }
0x2ad: {  	[tilespmem:s10], [sflag:$0x1] =	stream.indirect.gather [hbm4b:s5+s6], $0x40, s28, s6, $0xb8;
	[tilespmem:$0x12000] =	vst v63  }
0x2ae: {  	_ = 	snop  }
0x2af: {  	[tilespmem:s11], [sflag:$0x1] =	stream.indirect.gather [hbm4b:s5+s6], $0x40, s29, s6, $0xb8;
	[tilespmem:$0x12000] =	vst v63  }
0x2b0: {  	_ = 	snop  }
0x2b1: {  	[tilespmem:s12], [sflag:$0x1] =	stream.indirect.gather [hbm4b:s5+s6], $0x40, s30, s6, $0xb8;
	[tilespmem:$0x12000] =	vst v63  }
0x2b2: {  	_ = 	snop  }
0x2b3: {  	[tilespmem:s13], [sflag:$0x1] =	stream.indirect.gather [hbm4b:s5+s6], $0x40, s31, s6, $0xb8;
	[tilespmem:$0x12000] =	vst v63  }
0x2b4: {  	_ = 	snop  }
0x2b5: {  	[tilespmem:s14], [sflag:$0x1] =	stream.indirect.gather [hbm4b:s5+s6], $0x40, s24, s6, $0xb8;
	[tilespmem:$0x12000] =	vst v63  }
0x2b6: {  	_ =	swait.ge [sflag:s7], $0x2000  }
0x2b7: {  	[sflag:s7] =	ssyncset.done $0x0  }
0x2b8: {  	[sflag:s7] =	ssyncadd.s32 $0xFFFFE000  }
0x2b9: {  	_ =	swait.ge [sflag:s7], $0x2000  }
0x2ba: {  	[sflag:s7] =	ssyncset.done $0x0  }
0x2bb: {  	[sflag:s7] =	ssyncadd.s32 $0xFFFFE000  }
0x2bc: {  	_ =	swait.ge [sflag:s7], $0x2000  }
0x2bd: {  	[sflag:s7] =	ssyncset.done $0x0  }
0x2be: {  	[sflag:s7] =	ssyncadd.s32 $0xFFFFE000  }
0x2bf: {  	_ =	swait.ge [sflag:s7], $0x2000  }
0x2c0: {  	[sflag:s7] =	ssyncset.done $0x0  }
0x2c1: {  	[sflag:s7] =	ssyncadd.s32 $0xFFFFE000  }
0x2c2: {  	_ =	swait.ge [sflag:s7], $0x2000  }
0x2c3: {  	[sflag:s7] =	ssyncset.done $0x0  }
0x2c4: {  	[sflag:s7] =	ssyncadd.s32 $0xFFFFE000  }
0x2c5: {  	_ =	swait.ge [sflag:s7], $0x2000  }
0x2c6: {  	[sflag:s7] =	ssyncset.done $0x0  }
0x2c7: {  	[sflag:s7] =	ssyncadd.s32 $0xFFFFE000  }
0x2c8: {  	_ =	swait.ge [sflag:s7], $0x2000  }
0x2c9: {  	[sflag:s7] =	ssyncset.done $0x0  }
0x2ca: {  	[sflag:s7] =	ssyncadd.s32 $0xFFFFE000  }
0x2cb: {  	_ =	swait.ge [sflag:s7], $0x2000  }
0x2cc: {  	[sflag:s7] =	ssyncset.done $0x0  }
0x2cd: {  	s15 =	rddreg [dreg:$0xa];
	[sflag:s7] =	ssyncadd.s32 $0xFFFFE000  }
0x2ce: {  	[hbm4b:s15+s2] =	stream.linear.scatter [tilespmem:s4], [sflag:$0x2], $0x10000, $0x38;
	[tilespmem:$0x12000] =	vst v63  }
0x2cf: {  	_ =	swait.ge [sflag:s3], $0x10000  }
0x2d0: {  	[sflag:s3] =	ssyncset.done $0x0  }
0x2d1: {  	[sflag:s3] =	ssyncadd.s32 $0xFFFF0000  }
0x2d2: {  	[tilespmem:s4], [sflag:$0x1] =	stream.indirect.gather [hbm4b:s5+s6], $0x40, s16, s6, $0xb8;
	[tilespmem:$0x12000] =	vst v63  }
0x2d3: {  	_ = 	snop  }
0x2d4: {  	[tilespmem:s8], [sflag:$0x1] =	stream.indirect.gather [hbm4b:s5+s6], $0x40, s17, s6, $0xb8;
	[tilespmem:$0x12000] =	vst v63  }
0x2d5: {  	_ = 	snop  }
0x2d6: {  	[tilespmem:s9], [sflag:$0x1] =	stream.indirect.gather [hbm4b:s5+s6], $0x40, s18, s6, $0xb8;
	[tilespmem:$0x12000] =	vst v63  }
0x2d7: {  	_ = 	snop  }
0x2d8: {  	[tilespmem:s10], [sflag:$0x1] =	stream.indirect.gather [hbm4b:s5+s6], $0x40, s19, s6, $0xb8;
	[tilespmem:$0x12000] =	vst v63  }
0x2d9: {  	_ = 	snop  }
0x2da: {  	[tilespmem:s11], [sflag:$0x1] =	stream.indirect.gather [hbm4b:s5+s6], $0x40, s20, s6, $0xb8;
	[tilespmem:$0x12000] =	vst v63  }
0x2db: {  	_ = 	snop  }
0x2dc: {  	[tilespmem:s12], [sflag:$0x1] =	stream.indirect.gather [hbm4b:s5+s6], $0x40, s21, s6, $0xb8;
	[tilespmem:$0x12000] =	vst v63  }
0x2dd: {  	_ = 	snop  }
0x2de: {  	[tilespmem:s13], [sflag:$0x1] =	stream.indirect.gather [hbm4b:s5+s6], $0x40, s22, s6, $0xb8;
	[tilespmem:$0x12000] =	vst v63  }
0x2df: {  	_ = 	snop  }
0x2e0: {  	[tilespmem:s14], [sflag:$0x1] =	stream.indirect.gather [hbm4b:s5+s6], $0x40, s23, s6, $0xb8;
	[tilespmem:$0x12000] =	vst v63  }
0x2e1: {  	_ =	swait.ge [sflag:s7], $0x2000  }
0x2e2: {  	[sflag:s7] =	ssyncset.done $0x0  }
0x2e3: {  	[sflag:s7] =	ssyncadd.s32 $0xFFFFE000  }
0x2e4: {  	_ =	swait.ge [sflag:s7], $0x2000  }
0x2e5: {  	[sflag:s7] =	ssyncset.done $0x0  }
0x2e6: {  	[sflag:s7] =	ssyncadd.s32 $0xFFFFE000  }
0x2e7: {  	_ =	swait.ge [sflag:s7], $0x2000  }
0x2e8: {  	[sflag:s7] =	ssyncset.done $0x0  }
0x2e9: {  	[sflag:s7] =	ssyncadd.s32 $0xFFFFE000  }
0x2ea: {  	_ =	swait.ge [sflag:s7], $0x2000  }
0x2eb: {  	[sflag:s7] =	ssyncset.done $0x0  }
0x2ec: {  	[sflag:s7] =	ssyncadd.s32 $0xFFFFE000  }
0x2ed: {  	_ =	swait.ge [sflag:s7], $0x2000  }
0x2ee: {  	[sflag:s7] =	ssyncset.done $0x0  }
0x2ef: {  	[sflag:s7] =	ssyncadd.s32 $0xFFFFE000  }
0x2f0: {  	_ =	swait.ge [sflag:s7], $0x2000  }
0x2f1: {  	[sflag:s7] =	ssyncset.done $0x0  }
0x2f2: {  	[sflag:s7] =	ssyncadd.s32 $0xFFFFE000  }
0x2f3: {  	_ =	swait.ge [sflag:s7], $0x2000  }
0x2f4: {  	[sflag:s7] =	ssyncset.done $0x0  }
0x2f5: {  	[sflag:s7] =	ssyncadd.s32 $0xFFFFE000  }
0x2f6: {  	p1 =	sne.s32 s1, $0x1;
	_ =	swait.ge [sflag:s7], $0x2000  }
.Ltmp2:
0x2f7: {  	[sflag:s7] =	ssyncset.done $0x0;
	(pc) =	sbr.rel @p1 .LBB2_4-.Ltmp2, $4  }
0x2f8: {  	s15 =	rddreg [dreg:$0xb];
	[sflag:s7] =	ssyncadd.s32 $0xFFFFE000  }
0x2f9: {  	[hbm4b:s15+s2] =	stream.linear.scatter [tilespmem:s4], [sflag:$0x2], $0x10000, $0x38;
	[tilespmem:$0x12000] =	vst v63  }
0x2fa: {  	_ =	swait.ge [sflag:s3], $0x10000  }
0x2fb: {  	s1 =	sadd.s32 $0xFFFFFFFF, s1;
	s0 =	rddreg [dreg:$0x3];
	[sflag:s3] =	ssyncset.done $0x0  }
0x2fc: {  	s23 =	simm.s32 $0x1B80  }
0x2fd: {  	s31 =	simm.s32 $0x1B00;
	s30 =	simm.s32 $0x1A80;
	s29 =	simm.s32 $0x1A00  }
0x2fe: {  	s28 =	simm.s32 $0x1980;
	s26 =	simm.s32 $0x1900;
	s25 =	simm.s32 $0x1880  }
0x2ff: {  	s24 =	simm.s32 $0x1800;
	s22 =	simm.s32 $0x1F00;
	s21 =	simm.s32 $0x1E80  }
0x300: {  	s20 =	simm.s32 $0x1E00;
	s19 =	simm.s32 $0x1D80;
	s18 =	simm.s32 $0x1D00  }
0x301: {  	s17 =	simm.s32 $0x1C80;
	s16 =	simm.s32 $0x1C00;
	s15 =	stileid.u32  }
.LBB2_6:
0x302: {  	[sflag:s3] =	ssyncadd.s32 @p0 $0xFFFF0000  }
0x303: {  	[tilespmem:s2], [sflag:$0x2] =	stream.linear.gather [hbm4b:s0+s2], $0x2000, $0x38;
	[tilespmem:$0x12000] =	vst v63  }
0x304: {  	_ =	swait.ge [sflag:s3], $0x2000  }
0x305: {  	[sflag:s3] =	ssyncset.done $0x0  }
0x306: {  	[sflag:s3] =	ssyncadd.s32 $0xFFFFE000  }
0x307: {  	[tilespmem:s4], [sflag:$0x1] =	stream.indirect.gather [hbm4b:s5+s6], $0x40, s2, s6, $0xb8;
	[tilespmem:$0x12000] =	vst v63  }
0x308: {  	_ = 	snop  }
0x309: {  	[tilespmem:s8], [sflag:$0x1] =	stream.indirect.gather [hbm4b:s5+s6], $0x40, s6, s6, $0xb8;
	[tilespmem:$0x12000] =	vst v63  }
0x30a: {  	s0 =	rddreg [dreg:$0xc]  }
0x30b: {  	[tilespmem:s9], [sflag:$0x1] =	stream.indirect.gather [hbm4b:s5+s6], $0x40, s0, s6, $0xb8;
	[tilespmem:$0x12000] =	vst v63  }
0x30c: {  	s1 =	rddreg [dreg:$0xd]  }
0x30d: {  	[tilespmem:s10], [sflag:$0x1] =	stream.indirect.gather [hbm4b:s5+s6], $0x40, s1, s6, $0xb8;
	[tilespmem:$0x12000] =	vst v63  }
0x30e: {  	s0 =	rddreg [dreg:$0xe]  }
0x30f: {  	[tilespmem:s11], [sflag:$0x1] =	stream.indirect.gather [hbm4b:s5+s6], $0x40, s0, s6, $0xb8;
	[tilespmem:$0x12000] =	vst v63  }
0x310: {  	s1 =	rddreg [dreg:$0xf]  }
0x311: {  	[tilespmem:s12], [sflag:$0x1] =	stream.indirect.gather [hbm4b:s5+s6], $0x40, s1, s6, $0xb8;
	[tilespmem:$0x12000] =	vst v63  }
0x312: {  	s0 =	rddreg [dreg:$0x10]  }
0x313: {  	[tilespmem:s13], [sflag:$0x1] =	stream.indirect.gather [hbm4b:s5+s6], $0x40, s0, s6, $0xb8;
	[tilespmem:$0x12000] =	vst v63  }
0x314: {  	s1 =	rddreg [dreg:$0x11]  }
0x315: {  	[tilespmem:s14], [sflag:$0x1] =	stream.indirect.gather [hbm4b:s5+s6], $0x40, s1, s6, $0xb8;
	[tilespmem:$0x12000] =	vst v63  }
0x316: {  	_ =	swait.ge [sflag:s7], $0x2000  }
0x317: {  	[sflag:s7] =	ssyncset.done $0x0  }
0x318: {  	[sflag:s7] =	ssyncadd.s32 $0xFFFFE000  }
0x319: {  	_ =	swait.ge [sflag:s7], $0x2000  }
0x31a: {  	[sflag:s7] =	ssyncset.done $0x0  }
0x31b: {  	[sflag:s7] =	ssyncadd.s32 $0xFFFFE000  }
0x31c: {  	_ =	swait.ge [sflag:s7], $0x2000  }
0x31d: {  	[sflag:s7] =	ssyncset.done $0x0  }
0x31e: {  	[sflag:s7] =	ssyncadd.s32 $0xFFFFE000  }
0x31f: {  	_ =	swait.ge [sflag:s7], $0x2000  }
0x320: {  	[sflag:s7] =	ssyncset.done $0x0  }
0x321: {  	[sflag:s7] =	ssyncadd.s32 $0xFFFFE000  }
0x322: {  	_ =	swait.ge [sflag:s7], $0x2000  }
0x323: {  	[sflag:s7] =	ssyncset.done $0x0  }
0x324: {  	[sflag:s7] =	ssyncadd.s32 $0xFFFFE000  }
0x325: {  	_ =	swait.ge [sflag:s7], $0x2000  }
0x326: {  	[sflag:s7] =	ssyncset.done $0x0  }
0x327: {  	[sflag:s7] =	ssyncadd.s32 $0xFFFFE000  }
0x328: {  	_ =	swait.ge [sflag:s7], $0x2000  }
0x329: {  	[sflag:s7] =	ssyncset.done $0x0  }
0x32a: {  	[sflag:s7] =	ssyncadd.s32 $0xFFFFE000  }
0x32b: {  	_ =	swait.ge [sflag:s7], $0x2000  }
0x32c: {  	[sflag:s7] =	ssyncset.done $0x0  }
0x32d: {  	s1 =	rddreg [dreg:$0x4];
	[sflag:s7] =	ssyncadd.s32 $0xFFFFE000  }
0x32e: {  	[hbm4b:s1+s2] =	stream.linear.scatter [tilespmem:s4], [sflag:$0x2], $0x10000, $0x38;
	[tilespmem:$0x12000] =	vst v63  }
0x32f: {  	_ =	swait.ge [sflag:s3], $0x10000  }
0x330: {  	[sflag:s3] =	ssyncset.done $0x0  }
0x331: {  	s0 =	rddreg [dreg:$0x12];
	[sflag:s3] =	ssyncadd.s32 $0xFFFF0000  }
0x332: {  	[tilespmem:s4], [sflag:$0x1] =	stream.indirect.gather [hbm4b:s5+s6], $0x40, s0, s6, $0xb8;
	[tilespmem:$0x12000] =	vst v63  }
0x333: {  	s1 =	rddreg [dreg:$0x13]  }
0x334: {  	[tilespmem:s8], [sflag:$0x1] =	stream.indirect.gather [hbm4b:s5+s6], $0x40, s1, s6, $0xb8;
	[tilespmem:$0x12000] =	vst v63  }
0x335: {  	s0 =	rddreg [dreg:$0x14]  }
0x336: {  	[tilespmem:s9], [sflag:$0x1] =	stream.indirect.gather [hbm4b:s5+s6], $0x40, s0, s6, $0xb8;
	[tilespmem:$0x12000] =	vst v63  }
0x337: {  	s1 =	rddreg [dreg:$0x15]  }
0x338: {  	[tilespmem:s10], [sflag:$0x1] =	stream.indirect.gather [hbm4b:s5+s6], $0x40, s1, s6, $0xb8;
	[tilespmem:$0x12000] =	vst v63  }
0x339: {  	s0 =	rddreg [dreg:$0x16]  }
0x33a: {  	[tilespmem:s11], [sflag:$0x1] =	stream.indirect.gather [hbm4b:s5+s6], $0x40, s0, s6, $0xb8;
	[tilespmem:$0x12000] =	vst v63  }
0x33b: {  	s1 =	rddreg [dreg:$0x17]  }
0x33c: {  	[tilespmem:s12], [sflag:$0x1] =	stream.indirect.gather [hbm4b:s5+s6], $0x40, s1, s6, $0xb8;
	[tilespmem:$0x12000] =	vst v63  }
0x33d: {  	s0 =	rddreg [dreg:$0x18]  }
0x33e: {  	[tilespmem:s13], [sflag:$0x1] =	stream.indirect.gather [hbm4b:s5+s6], $0x40, s0, s6, $0xb8;
	[tilespmem:$0x12000] =	vst v63  }
0x33f: {  	s1 =	rddreg [dreg:$0x19]  }
0x340: {  	[tilespmem:s14], [sflag:$0x1] =	stream.indirect.gather [hbm4b:s5+s6], $0x40, s1, s6, $0xb8;
	[tilespmem:$0x12000] =	vst v63  }
0x341: {  	_ =	swait.ge [sflag:s7], $0x2000  }
0x342: {  	[sflag:s7] =	ssyncset.done $0x0  }
0x343: {  	[sflag:s7] =	ssyncadd.s32 $0xFFFFE000  }
0x344: {  	_ =	swait.ge [sflag:s7], $0x2000  }
0x345: {  	[sflag:s7] =	ssyncset.done $0x0  }
0x346: {  	[sflag:s7] =	ssyncadd.s32 $0xFFFFE000  }
0x347: {  	_ =	swait.ge [sflag:s7], $0x2000  }
0x348: {  	[sflag:s7] =	ssyncset.done $0x0  }
0x349: {  	[sflag:s7] =	ssyncadd.s32 $0xFFFFE000  }
0x34a: {  	_ =	swait.ge [sflag:s7], $0x2000  }
0x34b: {  	[sflag:s7] =	ssyncset.done $0x0  }
0x34c: {  	[sflag:s7] =	ssyncadd.s32 $0xFFFFE000  }
0x34d: {  	_ =	swait.ge [sflag:s7], $0x2000  }
0x34e: {  	[sflag:s7] =	ssyncset.done $0x0  }
0x34f: {  	[sflag:s7] =	ssyncadd.s32 $0xFFFFE000  }
0x350: {  	_ =	swait.ge [sflag:s7], $0x2000  }
0x351: {  	[sflag:s7] =	ssyncset.done $0x0  }
0x352: {  	[sflag:s7] =	ssyncadd.s32 $0xFFFFE000  }
0x353: {  	_ =	swait.ge [sflag:s7], $0x2000  }
0x354: {  	[sflag:s7] =	ssyncset.done $0x0  }
0x355: {  	[sflag:s7] =	ssyncadd.s32 $0xFFFFE000  }
0x356: {  	_ =	swait.ge [sflag:s7], $0x2000  }
0x357: {  	[sflag:s7] =	ssyncset.done $0x0  }
0x358: {  	s1 =	rddreg [dreg:$0x5];
	[sflag:s7] =	ssyncadd.s32 $0xFFFFE000  }
0x359: {  	[hbm4b:s1+s2] =	stream.linear.scatter [tilespmem:s4], [sflag:$0x2], $0x10000, $0x38;
	[tilespmem:$0x12000] =	vst v63  }
0x35a: {  	_ =	swait.ge [sflag:s3], $0x10000  }
0x35b: {  	s0 =	rddreg [dreg:$0x1a];
	[sflag:s3] =	ssyncset.done $0x0  }
0x35c: {  	s1 =	rddreg [dreg:$0x1b];
	[sflag:s3] =	ssyncadd.s32 $0xFFFF0000  }
0x35d: {  	[tilespmem:s4], [sflag:$0x1] =	stream.indirect.gather [hbm4b:s5+s6], $0x40, s0, s6, $0xb8;
	[tilespmem:$0x12000] =	vst v63  }
0x35e: {  	s0 =	rddreg [dreg:$0x1c]  }
0x35f: {  	[tilespmem:s8], [sflag:$0x1] =	stream.indirect.gather [hbm4b:s5+s6], $0x40, s1, s6, $0xb8;
	[tilespmem:$0x12000] =	vst v63  }
0x360: {  	s1 =	rddreg [dreg:$0x1d]  }
0x361: {  	[tilespmem:s9], [sflag:$0x1] =	stream.indirect.gather [hbm4b:s5+s6], $0x40, s0, s6, $0xb8;
	[tilespmem:$0x12000] =	vst v63  }
0x362: {  	s0 =	rddreg [dreg:$0x1e]  }
0x363: {  	[tilespmem:s10], [sflag:$0x1] =	stream.indirect.gather [hbm4b:s5+s6], $0x40, s1, s6, $0xb8;
	[tilespmem:$0x12000] =	vst v63  }
0x364: {  	s1 =	rddreg [dreg:$0x1f]  }
0x365: {  	[tilespmem:s11], [sflag:$0x1] =	stream.indirect.gather [hbm4b:s5+s6], $0x40, s0, s6, $0xb8;
	[tilespmem:$0x12000] =	vst v63  }
0x366: {  	s0 =	sld [smem:$0x7E4]  }
0x367: {  	[tilespmem:s12], [sflag:$0x1] =	stream.indirect.gather [hbm4b:s5+s6], $0x40, s1, s6, $0xb8;
	[tilespmem:$0x12000] =	vst v63  }
0x368: {  	s1 =	sld [smem:$0x7E5]  }
0x369: {  	[tilespmem:s13], [sflag:$0x1] =	stream.indirect.gather [hbm4b:s5+s6], $0x40, s0, s6, $0xb8;
	[tilespmem:$0x12000] =	vst v63  }
0x36a: {  	_ = 	snop  }
0x36b: {  	[tilespmem:s14], [sflag:$0x1] =	stream.indirect.gather [hbm4b:s5+s6], $0x40, s1, s6, $0xb8;
	[tilespmem:$0x12000] =	vst v63  }
0x36c: {  	_ =	swait.ge [sflag:s7], $0x2000  }
0x36d: {  	[sflag:s7] =	ssyncset.done $0x0  }
0x36e: {  	[sflag:s7] =	ssyncadd.s32 $0xFFFFE000  }
0x36f: {  	_ =	swait.ge [sflag:s7], $0x2000  }
0x370: {  	[sflag:s7] =	ssyncset.done $0x0  }
0x371: {  	[sflag:s7] =	ssyncadd.s32 $0xFFFFE000  }
0x372: {  	_ =	swait.ge [sflag:s7], $0x2000  }
0x373: {  	[sflag:s7] =	ssyncset.done $0x0  }
0x374: {  	[sflag:s7] =	ssyncadd.s32 $0xFFFFE000  }
0x375: {  	_ =	swait.ge [sflag:s7], $0x2000  }
0x376: {  	[sflag:s7] =	ssyncset.done $0x0  }
0x377: {  	[sflag:s7] =	ssyncadd.s32 $0xFFFFE000  }
0x378: {  	_ =	swait.ge [sflag:s7], $0x2000  }
0x379: {  	[sflag:s7] =	ssyncset.done $0x0  }
0x37a: {  	[sflag:s7] =	ssyncadd.s32 $0xFFFFE000  }
0x37b: {  	_ =	swait.ge [sflag:s7], $0x2000  }
0x37c: {  	[sflag:s7] =	ssyncset.done $0x0  }
0x37d: {  	[sflag:s7] =	ssyncadd.s32 $0xFFFFE000  }
0x37e: {  	_ =	swait.ge [sflag:s7], $0x2000  }
0x37f: {  	[sflag:s7] =	ssyncset.done $0x0  }
0x380: {  	[sflag:s7] =	ssyncadd.s32 $0xFFFFE000  }
0x381: {  	_ =	swait.ge [sflag:s7], $0x2000  }
0x382: {  	[sflag:s7] =	ssyncset.done $0x0  }
0x383: {  	s1 =	rddreg [dreg:$0x6];
	[sflag:s7] =	ssyncadd.s32 $0xFFFFE000  }
0x384: {  	[hbm4b:s1+s2] =	stream.linear.scatter [tilespmem:s4], [sflag:$0x2], $0x10000, $0x38;
	[tilespmem:$0x12000] =	vst v63  }
0x385: {  	_ =	swait.ge [sflag:s3], $0x10000  }
0x386: {  	s0 =	sld [smem:$0x7E6]  }
0x387: {  	[sflag:s3] =	ssyncset.done $0x0  }
0x388: {  	s1 =	sld [smem:$0x7E7];
	[sflag:s3] =	ssyncadd.s32 $0xFFFF0000  }
0x389: {  	[tilespmem:s4], [sflag:$0x1] =	stream.indirect.gather [hbm4b:s5+s6], $0x40, s0, s6, $0xb8;
	[tilespmem:$0x12000] =	vst v63  }
0x38a: {  	s0 =	sld [smem:$0x7E8]  }
0x38b: {  	[tilespmem:s8], [sflag:$0x1] =	stream.indirect.gather [hbm4b:s5+s6], $0x40, s1, s6, $0xb8;
	[tilespmem:$0x12000] =	vst v63  }
0x38c: {  	s1 =	sld [smem:$0x7E9]  }
0x38d: {  	[tilespmem:s9], [sflag:$0x1] =	stream.indirect.gather [hbm4b:s5+s6], $0x40, s0, s6, $0xb8;
	[tilespmem:$0x12000] =	vst v63  }
0x38e: {  	s0 =	sld [smem:$0x7EA]  }
0x38f: {  	[tilespmem:s10], [sflag:$0x1] =	stream.indirect.gather [hbm4b:s5+s6], $0x40, s1, s6, $0xb8;
	[tilespmem:$0x12000] =	vst v63  }
0x390: {  	s1 =	sld [smem:$0x7EB]  }
0x391: {  	[tilespmem:s11], [sflag:$0x1] =	stream.indirect.gather [hbm4b:s5+s6], $0x40, s0, s6, $0xb8;
	[tilespmem:$0x12000] =	vst v63  }
0x392: {  	s0 =	sld [smem:$0x7EC]  }
0x393: {  	[tilespmem:s12], [sflag:$0x1] =	stream.indirect.gather [hbm4b:s5+s6], $0x40, s1, s6, $0xb8;
	[tilespmem:$0x12000] =	vst v63  }
0x394: {  	s1 =	sld [smem:$0x7ED]  }
0x395: {  	[tilespmem:s13], [sflag:$0x1] =	stream.indirect.gather [hbm4b:s5+s6], $0x40, s0, s6, $0xb8;
	[tilespmem:$0x12000] =	vst v63  }
0x396: {  	_ = 	snop  }
0x397: {  	[tilespmem:s14], [sflag:$0x1] =	stream.indirect.gather [hbm4b:s5+s6], $0x40, s1, s6, $0xb8;
	[tilespmem:$0x12000] =	vst v63  }
0x398: {  	_ =	swait.ge [sflag:s7], $0x2000  }
0x399: {  	[sflag:s7] =	ssyncset.done $0x0  }
0x39a: {  	[sflag:s7] =	ssyncadd.s32 $0xFFFFE000  }
0x39b: {  	_ =	swait.ge [sflag:s7], $0x2000  }
0x39c: {  	[sflag:s7] =	ssyncset.done $0x0  }
0x39d: {  	[sflag:s7] =	ssyncadd.s32 $0xFFFFE000  }
0x39e: {  	_ =	swait.ge [sflag:s7], $0x2000  }
0x39f: {  	[sflag:s7] =	ssyncset.done $0x0  }
0x3a0: {  	[sflag:s7] =	ssyncadd.s32 $0xFFFFE000  }
0x3a1: {  	_ =	swait.ge [sflag:s7], $0x2000  }
0x3a2: {  	[sflag:s7] =	ssyncset.done $0x0  }
0x3a3: {  	[sflag:s7] =	ssyncadd.s32 $0xFFFFE000  }
0x3a4: {  	_ =	swait.ge [sflag:s7], $0x2000  }
0x3a5: {  	[sflag:s7] =	ssyncset.done $0x0  }
0x3a6: {  	[sflag:s7] =	ssyncadd.s32 $0xFFFFE000  }
0x3a7: {  	_ =	swait.ge [sflag:s7], $0x2000  }
0x3a8: {  	[sflag:s7] =	ssyncset.done $0x0  }
0x3a9: {  	[sflag:s7] =	ssyncadd.s32 $0xFFFFE000  }
0x3aa: {  	_ =	swait.ge [sflag:s7], $0x2000  }
0x3ab: {  	[sflag:s7] =	ssyncset.done $0x0  }
0x3ac: {  	[sflag:s7] =	ssyncadd.s32 $0xFFFFE000  }
0x3ad: {  	_ =	swait.ge [sflag:s7], $0x2000  }
0x3ae: {  	[sflag:s7] =	ssyncset.done $0x0  }
0x3af: {  	s1 =	rddreg [dreg:$0x7];
	[sflag:s7] =	ssyncadd.s32 $0xFFFFE000  }
0x3b0: {  	[hbm4b:s1+s2] =	stream.linear.scatter [tilespmem:s4], [sflag:$0x2], $0x10000, $0x38;
	[tilespmem:$0x12000] =	vst v63  }
0x3b1: {  	_ =	swait.ge [sflag:s3], $0x10000  }
0x3b2: {  	s0 =	sld [smem:$0x7EE]  }
0x3b3: {  	[sflag:s3] =	ssyncset.done $0x0  }
0x3b4: {  	s1 =	sld [smem:$0x7EF];
	[sflag:s3] =	ssyncadd.s32 $0xFFFF0000  }
0x3b5: {  	[tilespmem:s4], [sflag:$0x1] =	stream.indirect.gather [hbm4b:s5+s6], $0x40, s0, s6, $0xb8;
	[tilespmem:$0x12000] =	vst v63  }
0x3b6: {  	s0 =	sld [smem:$0x7F0]  }
0x3b7: {  	[tilespmem:s8], [sflag:$0x1] =	stream.indirect.gather [hbm4b:s5+s6], $0x40, s1, s6, $0xb8;
	[tilespmem:$0x12000] =	vst v63  }
0x3b8: {  	s1 =	sld [smem:$0x7F1]  }
0x3b9: {  	[tilespmem:s9], [sflag:$0x1] =	stream.indirect.gather [hbm4b:s5+s6], $0x40, s0, s6, $0xb8;
	[tilespmem:$0x12000] =	vst v63  }
0x3ba: {  	s0 =	sld [smem:$0x7F2]  }
0x3bb: {  	[tilespmem:s10], [sflag:$0x1] =	stream.indirect.gather [hbm4b:s5+s6], $0x40, s1, s6, $0xb8;
	[tilespmem:$0x12000] =	vst v63  }
0x3bc: {  	s1 =	sld [smem:$0x7F3]  }
0x3bd: {  	[tilespmem:s11], [sflag:$0x1] =	stream.indirect.gather [hbm4b:s5+s6], $0x40, s0, s6, $0xb8;
	[tilespmem:$0x12000] =	vst v63  }
0x3be: {  	s0 =	sld [smem:$0x7F4]  }
0x3bf: {  	[tilespmem:s12], [sflag:$0x1] =	stream.indirect.gather [hbm4b:s5+s6], $0x40, s1, s6, $0xb8;
	[tilespmem:$0x12000] =	vst v63  }
0x3c0: {  	s1 =	sld [smem:$0x7F5]  }
0x3c1: {  	[tilespmem:s13], [sflag:$0x1] =	stream.indirect.gather [hbm4b:s5+s6], $0x40, s0, s6, $0xb8;
	[tilespmem:$0x12000] =	vst v63  }
0x3c2: {  	_ = 	snop  }
0x3c3: {  	[tilespmem:s14], [sflag:$0x1] =	stream.indirect.gather [hbm4b:s5+s6], $0x40, s1, s6, $0xb8;
	[tilespmem:$0x12000] =	vst v63  }
0x3c4: {  	_ =	swait.ge [sflag:s7], $0x2000  }
0x3c5: {  	[sflag:s7] =	ssyncset.done $0x0  }
0x3c6: {  	[sflag:s7] =	ssyncadd.s32 $0xFFFFE000  }
0x3c7: {  	_ =	swait.ge [sflag:s7], $0x2000  }
0x3c8: {  	[sflag:s7] =	ssyncset.done $0x0  }
0x3c9: {  	[sflag:s7] =	ssyncadd.s32 $0xFFFFE000  }
0x3ca: {  	_ =	swait.ge [sflag:s7], $0x2000  }
0x3cb: {  	[sflag:s7] =	ssyncset.done $0x0  }
0x3cc: {  	[sflag:s7] =	ssyncadd.s32 $0xFFFFE000  }
0x3cd: {  	_ =	swait.ge [sflag:s7], $0x2000  }
0x3ce: {  	[sflag:s7] =	ssyncset.done $0x0  }
0x3cf: {  	[sflag:s7] =	ssyncadd.s32 $0xFFFFE000  }
0x3d0: {  	_ =	swait.ge [sflag:s7], $0x2000  }
0x3d1: {  	[sflag:s7] =	ssyncset.done $0x0  }
0x3d2: {  	[sflag:s7] =	ssyncadd.s32 $0xFFFFE000  }
0x3d3: {  	_ =	swait.ge [sflag:s7], $0x2000  }
0x3d4: {  	[sflag:s7] =	ssyncset.done $0x0  }
0x3d5: {  	[sflag:s7] =	ssyncadd.s32 $0xFFFFE000  }
0x3d6: {  	_ =	swait.ge [sflag:s7], $0x2000  }
0x3d7: {  	[sflag:s7] =	ssyncset.done $0x0  }
0x3d8: {  	[sflag:s7] =	ssyncadd.s32 $0xFFFFE000  }
0x3d9: {  	_ =	swait.ge [sflag:s7], $0x2000  }
0x3da: {  	[sflag:s7] =	ssyncset.done $0x0  }
0x3db: {  	s1 =	rddreg [dreg:$0x8];
	[sflag:s7] =	ssyncadd.s32 $0xFFFFE000  }
0x3dc: {  	[hbm4b:s1+s2] =	stream.linear.scatter [tilespmem:s4], [sflag:$0x2], $0x10000, $0x38;
	[tilespmem:$0x12000] =	vst v63  }
0x3dd: {  	_ =	swait.ge [sflag:s3], $0x10000  }
0x3de: {  	s0 =	sld [smem:$0x7F6]  }
0x3df: {  	[sflag:s3] =	ssyncset.done $0x0  }
0x3e0: {  	s1 =	sld [smem:$0x7F7];
	[sflag:s3] =	ssyncadd.s32 $0xFFFF0000  }
0x3e1: {  	[tilespmem:s4], [sflag:$0x1] =	stream.indirect.gather [hbm4b:s5+s6], $0x40, s0, s6, $0xb8;
	[tilespmem:$0x12000] =	vst v63  }
0x3e2: {  	s0 =	sld [smem:$0x7F8]  }
0x3e3: {  	[tilespmem:s8], [sflag:$0x1] =	stream.indirect.gather [hbm4b:s5+s6], $0x40, s1, s6, $0xb8;
	[tilespmem:$0x12000] =	vst v63  }
0x3e4: {  	s1 =	sld [smem:$0x7F9]  }
0x3e5: {  	[tilespmem:s9], [sflag:$0x1] =	stream.indirect.gather [hbm4b:s5+s6], $0x40, s0, s6, $0xb8;
	[tilespmem:$0x12000] =	vst v63  }
0x3e6: {  	s0 =	sld [smem:$0x7FA]  }
0x3e7: {  	[tilespmem:s10], [sflag:$0x1] =	stream.indirect.gather [hbm4b:s5+s6], $0x40, s1, s6, $0xb8;
	[tilespmem:$0x12000] =	vst v63  }
0x3e8: {  	s1 =	sld [smem:$0x7FB]  }
0x3e9: {  	[tilespmem:s11], [sflag:$0x1] =	stream.indirect.gather [hbm4b:s5+s6], $0x40, s0, s6, $0xb8;
	[tilespmem:$0x12000] =	vst v63  }
0x3ea: {  	s0 =	sld [smem:$0x7FC]  }
0x3eb: {  	[tilespmem:s12], [sflag:$0x1] =	stream.indirect.gather [hbm4b:s5+s6], $0x40, s1, s6, $0xb8;
	[tilespmem:$0x12000] =	vst v63  }
0x3ec: {  	s1 =	sld [smem:$0x7FD]  }
0x3ed: {  	[tilespmem:s13], [sflag:$0x1] =	stream.indirect.gather [hbm4b:s5+s6], $0x40, s0, s6, $0xb8;
	[tilespmem:$0x12000] =	vst v63  }
0x3ee: {  	_ = 	snop  }
0x3ef: {  	[tilespmem:s14], [sflag:$0x1] =	stream.indirect.gather [hbm4b:s5+s6], $0x40, s1, s6, $0xb8;
	[tilespmem:$0x12000] =	vst v63  }
0x3f0: {  	_ =	swait.ge [sflag:s7], $0x2000  }
0x3f1: {  	[sflag:s7] =	ssyncset.done $0x0  }
0x3f2: {  	[sflag:s7] =	ssyncadd.s32 $0xFFFFE000  }
0x3f3: {  	_ =	swait.ge [sflag:s7], $0x2000  }
0x3f4: {  	[sflag:s7] =	ssyncset.done $0x0  }
0x3f5: {  	[sflag:s7] =	ssyncadd.s32 $0xFFFFE000  }
0x3f6: {  	_ =	swait.ge [sflag:s7], $0x2000  }
0x3f7: {  	[sflag:s7] =	ssyncset.done $0x0  }
0x3f8: {  	[sflag:s7] =	ssyncadd.s32 $0xFFFFE000  }
0x3f9: {  	_ =	swait.ge [sflag:s7], $0x2000  }
0x3fa: {  	[sflag:s7] =	ssyncset.done $0x0  }
0x3fb: {  	[sflag:s7] =	ssyncadd.s32 $0xFFFFE000  }
0x3fc: {  	_ =	swait.ge [sflag:s7], $0x2000  }
0x3fd: {  	[sflag:s7] =	ssyncset.done $0x0  }
0x3fe: {  	[sflag:s7] =	ssyncadd.s32 $0xFFFFE000  }
0x3ff: {  	_ =	swait.ge [sflag:s7], $0x2000  }
0x400: {  	[sflag:s7] =	ssyncset.done $0x0  }
0x401: {  	[sflag:s7] =	ssyncadd.s32 $0xFFFFE000  }
0x402: {  	_ =	swait.ge [sflag:s7], $0x2000  }
0x403: {  	[sflag:s7] =	ssyncset.done $0x0  }
0x404: {  	[sflag:s7] =	ssyncadd.s32 $0xFFFFE000  }
0x405: {  	_ =	swait.ge [sflag:s7], $0x2000  }
0x406: {  	[sflag:s7] =	ssyncset.done $0x0  }
0x407: {  	s1 =	rddreg [dreg:$0x9];
	[sflag:s7] =	ssyncadd.s32 $0xFFFFE000  }
0x408: {  	[hbm4b:s1+s2] =	stream.linear.scatter [tilespmem:s4], [sflag:$0x2], $0x10000, $0x38;
	[tilespmem:$0x12000] =	vst v63  }
0x409: {  	_ =	swait.ge [sflag:s3], $0x10000  }
0x40a: {  	[sflag:s3] =	ssyncset.done $0x0  }
0x40b: {  	[sflag:s3] =	ssyncadd.s32 $0xFFFF0000  }
0x40c: {  	[tilespmem:s4], [sflag:$0x1] =	stream.indirect.gather [hbm4b:s5+s6], $0x40, s24, s6, $0xb8;
	[tilespmem:$0x12000] =	vst v63  }
0x40d: {  	_ = 	snop  }
0x40e: {  	[tilespmem:s8], [sflag:$0x1] =	stream.indirect.gather [hbm4b:s5+s6], $0x40, s25, s6, $0xb8;
	[tilespmem:$0x12000] =	vst v63  }
0x40f: {  	_ = 	snop  }
0x410: {  	[tilespmem:s9], [sflag:$0x1] =	stream.indirect.gather [hbm4b:s5+s6], $0x40, s26, s6, $0xb8;
	[tilespmem:$0x12000] =	vst v63  }
0x411: {  	_ = 	snop  }
0x412: {  	[tilespmem:s10], [sflag:$0x1] =	stream.indirect.gather [hbm4b:s5+s6], $0x40, s28, s6, $0xb8;
	[tilespmem:$0x12000] =	vst v63  }
0x413: {  	_ = 	snop  }
0x414: {  	[tilespmem:s11], [sflag:$0x1] =	stream.indirect.gather [hbm4b:s5+s6], $0x40, s29, s6, $0xb8;
	[tilespmem:$0x12000] =	vst v63  }
0x415: {  	_ = 	snop  }
0x416: {  	[tilespmem:s12], [sflag:$0x1] =	stream.indirect.gather [hbm4b:s5+s6], $0x40, s30, s6, $0xb8;
	[tilespmem:$0x12000] =	vst v63  }
0x417: {  	_ = 	snop  }
0x418: {  	[tilespmem:s13], [sflag:$0x1] =	stream.indirect.gather [hbm4b:s5+s6], $0x40, s31, s6, $0xb8;
	[tilespmem:$0x12000] =	vst v63  }
0x419: {  	_ = 	snop  }
0x41a: {  	[tilespmem:s14], [sflag:$0x1] =	stream.indirect.gather [hbm4b:s5+s6], $0x40, s23, s6, $0xb8;
	[tilespmem:$0x12000] =	vst v63  }
0x41b: {  	_ =	swait.ge [sflag:s7], $0x2000  }
0x41c: {  	[sflag:s7] =	ssyncset.done $0x0  }
0x41d: {  	[sflag:s7] =	ssyncadd.s32 $0xFFFFE000  }
0x41e: {  	_ =	swait.ge [sflag:s7], $0x2000  }
0x41f: {  	[sflag:s7] =	ssyncset.done $0x0  }
0x420: {  	[sflag:s7] =	ssyncadd.s32 $0xFFFFE000  }
0x421: {  	_ =	swait.ge [sflag:s7], $0x2000  }
0x422: {  	[sflag:s7] =	ssyncset.done $0x0  }
0x423: {  	[sflag:s7] =	ssyncadd.s32 $0xFFFFE000  }
0x424: {  	_ =	swait.ge [sflag:s7], $0x2000  }
0x425: {  	[sflag:s7] =	ssyncset.done $0x0  }
0x426: {  	[sflag:s7] =	ssyncadd.s32 $0xFFFFE000  }
0x427: {  	_ =	swait.ge [sflag:s7], $0x2000  }
0x428: {  	[sflag:s7] =	ssyncset.done $0x0  }
0x429: {  	[sflag:s7] =	ssyncadd.s32 $0xFFFFE000  }
0x42a: {  	_ =	swait.ge [sflag:s7], $0x2000  }
0x42b: {  	[sflag:s7] =	ssyncset.done $0x0  }
0x42c: {  	[sflag:s7] =	ssyncadd.s32 $0xFFFFE000  }
0x42d: {  	_ =	swait.ge [sflag:s7], $0x2000  }
0x42e: {  	[sflag:s7] =	ssyncset.done $0x0  }
0x42f: {  	[sflag:s7] =	ssyncadd.s32 $0xFFFFE000  }
0x430: {  	_ =	swait.ge [sflag:s7], $0x2000  }
0x431: {  	[sflag:s7] =	ssyncset.done $0x0  }
0x432: {  	s29 =	rddreg [dreg:$0xa];
	[sflag:s7] =	ssyncadd.s32 $0xFFFFE000  }
0x433: {  	[hbm4b:s29+s2] =	stream.linear.scatter [tilespmem:s4], [sflag:$0x2], $0x10000, $0x38;
	[tilespmem:$0x12000] =	vst v63  }
0x434: {  	_ =	swait.ge [sflag:s3], $0x10000  }
0x435: {  	[sflag:s3] =	ssyncset.done $0x0  }
0x436: {  	[sflag:s3] =	ssyncadd.s32 $0xFFFF0000  }
0x437: {  	[tilespmem:s4], [sflag:$0x1] =	stream.indirect.gather [hbm4b:s5+s6], $0x40, s16, s6, $0xb8;
	[tilespmem:$0x12000] =	vst v63  }
0x438: {  	_ = 	snop  }
0x439: {  	[tilespmem:s8], [sflag:$0x1] =	stream.indirect.gather [hbm4b:s5+s6], $0x40, s17, s6, $0xb8;
	[tilespmem:$0x12000] =	vst v63  }
0x43a: {  	_ = 	snop  }
0x43b: {  	[tilespmem:s9], [sflag:$0x1] =	stream.indirect.gather [hbm4b:s5+s6], $0x40, s18, s6, $0xb8;
	[tilespmem:$0x12000] =	vst v63  }
0x43c: {  	_ = 	snop  }
0x43d: {  	[tilespmem:s10], [sflag:$0x1] =	stream.indirect.gather [hbm4b:s5+s6], $0x40, s19, s6, $0xb8;
	[tilespmem:$0x12000] =	vst v63  }
0x43e: {  	_ = 	snop  }
0x43f: {  	[tilespmem:s11], [sflag:$0x1] =	stream.indirect.gather [hbm4b:s5+s6], $0x40, s20, s6, $0xb8;
	[tilespmem:$0x12000] =	vst v63  }
0x440: {  	_ = 	snop  }
0x441: {  	[tilespmem:s12], [sflag:$0x1] =	stream.indirect.gather [hbm4b:s5+s6], $0x40, s21, s6, $0xb8;
	[tilespmem:$0x12000] =	vst v63  }
0x442: {  	_ = 	snop  }
0x443: {  	[tilespmem:s13], [sflag:$0x1] =	stream.indirect.gather [hbm4b:s5+s6], $0x40, s22, s6, $0xb8;
	[tilespmem:$0x12000] =	vst v63  }
0x444: {  	s30 =	simm.s32 $0x1F80  }
0x445: {  	[tilespmem:s14], [sflag:$0x1] =	stream.indirect.gather [hbm4b:s5+s6], $0x40, s30, s6, $0xb8;
	[tilespmem:$0x12000] =	vst v63  }
0x446: {  	_ =	swait.ge [sflag:s7], $0x2000  }
0x447: {  	[sflag:s7] =	ssyncset.done $0x0  }
0x448: {  	[sflag:s7] =	ssyncadd.s32 $0xFFFFE000  }
0x449: {  	_ =	swait.ge [sflag:s7], $0x2000  }
0x44a: {  	[sflag:s7] =	ssyncset.done $0x0  }
0x44b: {  	[sflag:s7] =	ssyncadd.s32 $0xFFFFE000  }
0x44c: {  	_ =	swait.ge [sflag:s7], $0x2000  }
0x44d: {  	[sflag:s7] =	ssyncset.done $0x0  }
0x44e: {  	[sflag:s7] =	ssyncadd.s32 $0xFFFFE000  }
0x44f: {  	_ =	swait.ge [sflag:s7], $0x2000  }
0x450: {  	[sflag:s7] =	ssyncset.done $0x0  }
0x451: {  	[sflag:s7] =	ssyncadd.s32 $0xFFFFE000  }
0x452: {  	_ =	swait.ge [sflag:s7], $0x2000  }
0x453: {  	[sflag:s7] =	ssyncset.done $0x0  }
0x454: {  	[sflag:s7] =	ssyncadd.s32 $0xFFFFE000  }
0x455: {  	_ =	swait.ge [sflag:s7], $0x2000  }
0x456: {  	[sflag:s7] =	ssyncset.done $0x0  }
0x457: {  	[sflag:s7] =	ssyncadd.s32 $0xFFFFE000  }
0x458: {  	_ =	swait.ge [sflag:s7], $0x2000  }
0x459: {  	[sflag:s7] =	ssyncset.done $0x0  }
0x45a: {  	[sflag:s7] =	ssyncadd.s32 $0xFFFFE000  }
0x45b: {  	_ =	swait.ge [sflag:s7], $0x2000  }
0x45c: {  	[sflag:s7] =	ssyncset.done $0x0  }
0x45d: {  	s31 =	rddreg [dreg:$0xb];
	[sflag:s7] =	ssyncadd.s32 $0xFFFFE000  }
0x45e: {  	[hbm4b:s31+s2] =	stream.linear.scatter [tilespmem:s4], [sflag:$0x2], $0x10000, $0x38;
	[tilespmem:$0x12000] =	vst v63  }
0x45f: {  	_ =	swait.ge [sflag:s3], $0x10000  }
0x460: {  	[sflag:s3] =	ssyncset.done $0x0  }
0x461: {  	[sflag:s3] =	ssyncadd.s32 $0xFFFF0000  }
0x462: {  	_ =	sfence.sel $0x180000  }
0x463: {  	[bflag:$0x0] =	sbarrier.arrive $0xFFFF  }
0x464: {  	_ =	strace $0x90000047  }
0x465: {  	[bflag:$0x2] =	sbarrier.arrive $0xFFFF  }
0x466: {  	p0 =	sne.s32 s15, $0x0;
	s0 =	rddreg [dreg:$0x2]  }
0x467: {  	s0 =	sadd.s32 @!p0 $0x100000, s0  }
0x468: {  	[sflag:s0] =	ssyncadd.tile.s32 @!p0 $0x1;
	_ =	shalt  }
.LBB2_1:
0x469: {  	s23 =	simm.s32 $0x1B80  }
.Ltmp3:
0x46a: {  	s31 =	simm.s32 $0x1B00;
	s30 =	simm.s32 $0x1A80;
	(pc) =	sbr.rel .LBB2_6-.Ltmp3, $4  }
0x46b: {  	s29 =	simm.s32 $0x1A00;
	s28 =	simm.s32 $0x1980;
	s26 =	simm.s32 $0x1900  }
0x46c: {  	s25 =	simm.s32 $0x1880;
	s24 =	simm.s32 $0x1800;
	s22 =	simm.s32 $0x1F00  }
0x46d: {  	s21 =	simm.s32 $0x1E80;
	s20 =	simm.s32 $0x1E00;
	s19 =	simm.s32 $0x1D80  }
0x46e: {  	s18 =	simm.s32 $0x1D00;
	s17 =	simm.s32 $0x1C80;
	s16 =	simm.s32 $0x1C00  }
.LBB2_3:
0x46f: {  	s23 =	simm.s32 $0x1B80;
	s31 =	simm.s32 $0x1B00  }
.Ltmp4:
0x470: {  	s30 =	simm.s32 $0x1A80;
	s29 =	simm.s32 $0x1A00;
	(pc) =	sbr.rel .LBB2_6-.Ltmp4, $4  }
0x471: {  	s28 =	simm.s32 $0x1980;
	s26 =	simm.s32 $0x1900;
	s25 =	simm.s32 $0x1880  }
0x472: {  	s24 =	simm.s32 $0x1800;
	s22 =	simm.s32 $0x1F00;
	s21 =	simm.s32 $0x1E80  }
0x473: {  	s20 =	simm.s32 $0x1E00;
	s19 =	simm.s32 $0x1D80;
	s18 =	simm.s32 $0x1D00  }
0x474: {  	s17 =	simm.s32 $0x1C80;
	s16 =	simm.s32 $0x1C00;
	s15 =	stileid.u32  }
.Lfunc_end2:
_tile_overlayer_lowered:
.L_overlay_start_2:
0x475: {  	(tag) =	ssettag $0x2  }
0x476: {  	s0 =	rddreg [dreg:$0x0];
	s2 =	stileid.u32  }
0x477: {  	s1 =	rddreg [dreg:$0x1];
	p0 =	sne.s32 s2, $0x0  }
0x478: {  	s3 =	rddreg [dreg:$0x2];
	[bflag:$0x3] =	sbarrier.arrive $0xFFFF;
	s2 =	simm.s32 @!p0 $0x1C02  }
0x479: {  	[timem:s3], [sflag:s2] =	dma.local @!p0 [hbm:s0], s1  }
0x47a: {  	s0 =	simm.s32 @!p0 $0x2  }
0x47b: {  	_ =	swait.ge @!p0 [sflag:s0], s1  }
0x47c: {  	s1 =	ssub.s32 @!p0 $0x0, s1;
	[sflag:s0] =	ssyncset.done @!p0 $0x0  }
0x47d: {  	[sflag:s0] =	ssyncadd.s32 @!p0 s1  }
0x47e: {  	[bflag:$0x3] =	sbarrier.arrive $0xFFFF  }
0x47f: {  	_ =	shalt  }

</sc_bundles>
